<compile_context>
chip_gen: v7x
topology: tpu7x:2x2x1
jax: 0.10.2.dev20260603
libtpu: 0.0.44.dev20260713+nightly
codegen_flags: <defaults>
</compile_context>

<pallas_src>
import jax
import jax.numpy as jnp
import numpy as np
from jax import lax
from jax.experimental import pallas as pl
from jax.experimental.pallas import tpu as pltpu
from jax.experimental.pallas import tpu_sc as plsc

_K = 2
_K_CORRECTION = 128

_C = 16
_L = 1048576
_SL = _L // _K - _K_CORRECTION
_CH = 896
_NCHUNK = _SL // _CH
_NW = 32
_ROUNDS = -(-_NCHUNK // _NW)
_GRPS = _CH // 16
_UMAX = (_ROUNDS + 2 + 1) // 2


def _sc_body(wav_hbm, lidx_hbm, out1_hbm, out2_hbm,
             in_b, idx_b, o1_b, o2_b,
             in_sem0, in_sem1, out_sem0, out_sem1):
    wid = lax.axis_index("s") * 2 + lax.axis_index("c")
    in_sems = (in_sem0, in_sem1)
    out_sems = (out_sem0, out_sem1)

    def in_copies(t, b):
        ci = wid + _NW * t
        col0 = pl.multiple_of(ci * (2 * _CH), 2 * _CH)
        idx0 = pl.multiple_of(ci * _CH, _CH)
        return (
            pltpu.make_async_copy(wav_hbm.at[:, pl.ds(col0, 2 * _CH)],
                                  in_b.at[b], in_sems[b]),
            pltpu.make_async_copy(lidx_hbm.at[pl.ds(idx0, _CH)],
                                  idx_b.at[b], in_sems[b]),
        )

    def out_copies(t, b):
        ci = wid + _NW * t
        idx0 = pl.multiple_of(ci * _CH, _CH)
        return (
            pltpu.make_async_copy(o1_b.at[b], out1_hbm.at[:, pl.ds(idx0, _CH)],
                                  out_sems[b]),
            pltpu.make_async_copy(o2_b.at[b], out2_hbm.at[:, pl.ds(idx0, _CH)],
                                  out_sems[b]),
        )

    def compute(b):
        @plsc.parallel_loop(0, _GRPS * 16, step=16, unroll=4)
        def g_body(g0):
            iv = idx_b[b, pl.ds(g0, 16)]
            iv2 = iv ^ 1
            for c in range(_C):
                cc = jnp.full((16,), c, jnp.int32)
                w1 = plsc.load_gather(in_b.at[b], [cc, iv])
                w2 = plsc.load_gather(in_b.at[b], [cc, iv2])
                o1_b[b, c, pl.ds(g0, 16)] = w1
                o2_b[b, c, pl.ds(g0, 16)] = w2

    @pl.when(wid < _NCHUNK)
    def _():
        for cp in in_copies(0, 0):
            cp.start()

    def u_body(u, carry):
        for b in (0, 1):
            t = 2 * u + b
            ci = wid + _NW * t

            @pl.when(ci < _NCHUNK)
            def _(t=t, b=b):
                for cp in in_copies(t, b):
                    cp.wait()

            @pl.when(wid + _NW * (t + 1) < _NCHUNK)
            def _(t=t, b=b):
                for cp in in_copies(t + 1, 1 - b):
                    cp.start()

            @pl.when((t >= 2) & (wid + _NW * (t - 2) < _NCHUNK))
            def _(t=t, b=b):
                for cp in out_copies(t - 2, b):
                    cp.wait()

            @pl.when(ci < _NCHUNK)
            def _(t=t, b=b):
                compute(b)
                for cp in out_copies(t, b):
                    cp.start()

        return carry

    lax.fori_loop(0, _UMAX, u_body, 0)


_sc_call = pl.kernel(
    _sc_body,
    out_type=(
        jax.ShapeDtypeStruct((_C, _SL), jnp.float32),
        jax.ShapeDtypeStruct((_C, _SL), jnp.float32),
    ),
    mesh=plsc.VectorSubcoreMesh(core_axis_name="c", subcore_axis_name="s"),
    scratch_types=[
        pltpu.VMEM((2, _C, 2 * _CH), jnp.float32),
        pltpu.VMEM((2, _CH), jnp.int32),
        pltpu.VMEM((2, _C, _CH), jnp.float32),
        pltpu.VMEM((2, _C, _CH), jnp.float32),
        pltpu.SemaphoreType.DMA,
        pltpu.SemaphoreType.DMA,
        pltpu.SemaphoreType.DMA,
        pltpu.SemaphoreType.DMA,
    ],
    compiler_params=pltpu.CompilerParams(needs_layout_passes=False,
                                         disable_bounds_checks=True),
)


_U32 = np.uint32


def _threefry2x32(kpair, x0, x1):
    k0, k1 = _U32(kpair[0]), _U32(kpair[1])
    ks = [k0, k1, _U32(k0 ^ k1 ^ _U32(0x1BD11BDA))]
    rotations = [(13, 15, 26, 6), (17, 29, 16, 24)]
    x0 = (x0 + ks[0]).astype(_U32)
    x1 = (x1 + ks[1]).astype(_U32)
    for i in range(5):
        for r in rotations[i % 2]:
            x0 = (x0 + x1).astype(_U32)
            x1 = ((x1 << _U32(r)) | (x1 >> _U32(32 - r))).astype(_U32)
            x1 = (x1 ^ x0).astype(_U32)
        x0 = (x0 + ks[(i + 1) % 3]).astype(_U32)
        x1 = (x1 + ks[(i + 2) % 3] + _U32(i + 1)).astype(_U32)
    return x0, x1


def _make_lidx() -> np.ndarray:
    f0, f1 = _threefry2x32((_U32(0), _U32(0)), np.zeros(1, _U32),
                           np.ones(1, _U32))
    fkey = (f0[0], f1[0])
    s0, s1 = _threefry2x32(fkey, np.zeros(2, _U32), np.arange(2, dtype=_U32))
    k2 = (s0[1], s1[1])
    b0, b1 = _threefry2x32(k2, np.zeros(_SL, _U32), np.arange(_SL, dtype=_U32))
    r = ((b0 ^ b1) % _U32(2)).astype(np.int64)
    return ((np.arange(_SL) % _CH) * 2 + r).astype(np.int32)


_LIDX = _make_lidx()


def kernel(wav):
    return _sc_call(wav, jnp.asarray(_LIDX))

# --- scband reference (transcript-rebuilt; emitter-appended) ---
"""Pipeline reference for scband-sub-sample-58463094833328 (READ-ONLY COPY).

The authoritative reference and input builder live on the scoring server;
editing this copy changes nothing except your own understanding.
"""

import jax, jax.numpy as jnp
import numpy as np

K = 2
K_CORRECTION = 128

def setup_inputs(seed: int = 0) -> dict:
    key = jax.random.key(seed)
    wav = jax.random.normal(key, (16, 1048576), dtype=jnp.float32)
    return {"wav": wav}

def reference(wav):
    channels, length = wav.shape
    sampled_length = length // K - K_CORRECTION
    sampled_indices = jnp.arange(sampled_length) * K
    rkey = jax.random.fold_in(jax.random.key(0), 1)
    wav1_rand_nums = jax.random.randint(rkey, (sampled_length,), 0, K)
    wav1_idx = sampled_indices + wav1_rand_nums
    wav2_rand_nums = (wav1_rand_nums + 1) % K
    wav2_idx = sampled_indices + wav2_rand_nums
    wav1 = jnp.take(wav, wav1_idx, axis=1)
    wav2 = jnp.take(wav, wav2_idx, axis=1)
    return (wav1, wav2)

if __name__ == "__main__":
    import jax
    _d = setup_inputs()
    print(jax.jit(kernel)(*tuple(_d.values())))

</pallas_src>

<mosaic_0001>
#map = affine_map<(d0, d1) -> (0, 0)>
#map1 = affine_map<(d0, d1) -> (0)>
module attributes {stable_mosaic.version = 14 : i64} {
  func.func @_sc_body(%arg0: i32, %arg1: i32, %arg2: memref<16x1048576xf32, #tpu.memory_space<hbm>>, %arg3: memref<524160xi32, #tpu.memory_space<hbm>>, %arg4: memref<16x524160xf32, #tpu.memory_space<hbm>>, %arg5: memref<16x524160xf32, #tpu.memory_space<hbm>>, %arg6: memref<2x16x1792xf32, #tpu.memory_space<vmem>>, %arg7: memref<2x896xi32, #tpu.memory_space<vmem>>, %arg8: memref<2x16x896xf32, #tpu.memory_space<vmem>>, %arg9: memref<2x16x896xf32, #tpu.memory_space<vmem>>, %arg10: memref<!tpu.dma_semaphore, #tpu.memory_space<semaphore_mem>>, %arg11: memref<!tpu.dma_semaphore, #tpu.memory_space<semaphore_mem>>, %arg12: memref<!tpu.dma_semaphore, #tpu.memory_space<semaphore_mem>>, %arg13: memref<!tpu.dma_semaphore, #tpu.memory_space<semaphore_mem>>) attributes {dimension_semantics = [#tpu.dimension_semantics<core_parallel>, #tpu.dimension_semantics<subcore_parallel>], iteration_bounds = array<i64: 2, 16>, scalar_prefetch = 0 : i64, scratch_operands = 8 : i64, tpu.core_type = #tpu.core_type<sc_vector_subcore>, window_params = [{transform_indices = #map}, {transform_indices = #map1}, {transform_indices = #map}, {transform_indices = #map}]} {
    %mul3A = arith.constant 2 : i32
    %mul3A_0 = arith.muli %arg1, %mul3A : i32
    %add3A = arith.addi %mul3A_0, %arg0 : i32
    %lt3A = arith.constant 585 : i32
    %lt3A_1 = arith.cmpi slt, %add3A, %lt3A : i32
    %convert_element_type3A = arith.extui %lt3A_1 : i1 to i32
    %cond3A = arith.constant 0 : i32
    %cond3A_2 = arith.cmpi ne, %convert_element_type3A, %cond3A : i32
    scf.if %cond3A_2 {
      %add3A_8 = arith.constant 0 : i32
      %add3A_9 = arith.addi %add3A, %add3A_8 : i32
      %mul3A_10 = arith.constant 1792 : i32
      %mul3A_11 = arith.muli %add3A_9, %mul3A_10 : i32
      %multiple_of3A = tpu.assume_multiple %mul3A_11, 1792 : i32
      %mul3A_12 = arith.constant 896 : i32
      %mul3A_13 = arith.muli %add3A_9, %mul3A_12 : i32
      %multiple_of3A_14 = tpu.assume_multiple %mul3A_13, 896 : i32
      %dma_start3A = arith.constant 0 : i32
      %dma_start3A_15 = arith.constant 0 : i32
      %dma_start3A_16 = arith.constant 0 : i32
      %dma_start3A_17 = tpu.memref_slice %arg6[%dma_start3A, %dma_start3A_15, %dma_start3A_16] : memref<2x16x1792xf32, #tpu.memory_space<vmem>> -> memref<1x16x1792xf32, #tpu.memory_space<vmem>>
      %dma_start3A_18 = tpu.memref_squeeze %dma_start3A_17 : memref<1x16x1792xf32, #tpu.memory_space<vmem>> -> memref<16x1792xf32, #tpu.memory_space<vmem>>
      %dma_start3A_19 = arith.constant 0 : i32
      %dma_start3A_20 = tpu.memref_slice %arg2[%dma_start3A_19, %multiple_of3A] : memref<16x1048576xf32, #tpu.memory_space<hbm>> -> memref<16x1792xf32, #tpu.memory_space<hbm>>
      %dma_start3A_21 = arith.constant 0 : i32
      %dma_start3A_22 = arith.constant 0 : i32
      %dma_start3A_23 = tpu.memref_slice %arg6[%dma_start3A, %dma_start3A_21, %dma_start3A_22] : memref<2x16x1792xf32, #tpu.memory_space<vmem>> -> memref<1x16x1792xf32, #tpu.memory_space<vmem>>
      %dma_start3A_24 = tpu.memref_squeeze %dma_start3A_23 : memref<1x16x1792xf32, #tpu.memory_space<vmem>> -> memref<16x1792xf32, #tpu.memory_space<vmem>>
      %dma_start3A_25 = arith.constant 0 : i32
      %dma_start3A_26 = tpu.memref_slice %arg2[%dma_start3A_25, %multiple_of3A] : memref<16x1048576xf32, #tpu.memory_space<hbm>> -> memref<16x1792xf32, #tpu.memory_space<hbm>>
      tpu.enqueue_dma source(%dma_start3A_26 : memref<16x1792xf32, #tpu.memory_space<hbm>>) target(%dma_start3A_24 : memref<16x1792xf32, #tpu.memory_space<vmem>>) target_semaphore(%arg10 : memref<!tpu.dma_semaphore, #tpu.memory_space<semaphore_mem>>)
      %dma_start3A_27 = arith.constant 0 : i32
      %dma_start3A_28 = arith.constant 0 : i32
      %dma_start3A_29 = tpu.memref_slice %arg7[%dma_start3A_27, %dma_start3A_28] : memref<2x896xi32, #tpu.memory_space<vmem>> -> memref<1x896xi32, #tpu.memory_space<vmem>>
      %dma_start3A_30 = tpu.memref_squeeze %dma_start3A_29 : memref<1x896xi32, #tpu.memory_space<vmem>> -> memref<896xi32, #tpu.memory_space<vmem>>
      %dma_start3A_31 = tpu.memref_slice %arg3[%multiple_of3A_14] : memref<524160xi32, #tpu.memory_space<hbm>> -> memref<896xi32, #tpu.memory_space<hbm>>
      %dma_start3A_32 = arith.constant 0 : i32
      %dma_start3A_33 = tpu.memref_slice %arg7[%dma_start3A_27, %dma_start3A_32] : memref<2x896xi32, #tpu.memory_space<vmem>> -> memref<1x896xi32, #tpu.memory_space<vmem>>
      %dma_start3A_34 = tpu.memref_squeeze %dma_start3A_33 : memref<1x896xi32, #tpu.memory_space<vmem>> -> memref<896xi32, #tpu.memory_space<vmem>>
      %dma_start3A_35 = tpu.memref_slice %arg3[%multiple_of3A_14] : memref<524160xi32, #tpu.memory_space<hbm>> -> memref<896xi32, #tpu.memory_space<hbm>>
      tpu.enqueue_dma source(%dma_start3A_35 : memref<896xi32, #tpu.memory_space<hbm>>) target(%dma_start3A_34 : memref<896xi32, #tpu.memory_space<vmem>>) target_semaphore(%arg10 : memref<!tpu.dma_semaphore, #tpu.memory_space<semaphore_mem>>)
    } else {
    }
    %scan3A = arith.constant 0 : i32
    %scan3A_3 = arith.constant 0 : i32
    %scan3A_4 = arith.constant 11 : i32
    %scan3A_5 = arith.addi %scan3A_3, %scan3A_4 : i32
    %scan3A_6 = arith.constant 1 : i32
    scf.for %scan3A_8 = %scan3A_3 to %scan3A_5 step %scan3A_6  : i32 {
      %mul3A_9 = arith.constant 2 : i32
      %mul3A_10 = arith.muli %mul3A_9, %scan3A_8 : i32
      %add3A_11 = arith.constant 0 : i32
      %add3A_12 = arith.addi %mul3A_10, %add3A_11 : i32
      %mul3A_13 = arith.constant 32 : i32
      %mul3A_14 = arith.muli %mul3A_13, %add3A_12 : i32
      %add3A_15 = arith.addi %add3A, %mul3A_14 : i32
      %lt3A_16 = arith.constant 585 : i32
      %lt3A_17 = arith.cmpi slt, %add3A_15, %lt3A_16 : i32
      %convert_element_type3A_18 = arith.extui %lt3A_17 : i1 to i32
      %cond3A_19 = arith.constant 0 : i32
      %cond3A_20 = arith.cmpi ne, %convert_element_type3A_18, %cond3A_19 : i32
      scf.if %cond3A_20 {
        %mul3A_86 = arith.constant 32 : i32
        %mul3A_87 = arith.muli %mul3A_86, %add3A_12 : i32
        %add3A_88 = arith.addi %add3A, %mul3A_87 : i32
        %mul3A_89 = arith.constant 1792 : i32
        %mul3A_90 = arith.muli %add3A_88, %mul3A_89 : i32
        %multiple_of3A = tpu.assume_multiple %mul3A_90, 1792 : i32
        %mul3A_91 = arith.constant 896 : i32
        %mul3A_92 = arith.muli %add3A_88, %mul3A_91 : i32
        %multiple_of3A_93 = tpu.assume_multiple %mul3A_92, 896 : i32
        %dma_wait3A = arith.constant 0 : i32
        %dma_wait3A_94 = arith.constant 0 : i32
        %dma_wait3A_95 = arith.constant 0 : i32
        %dma_wait3A_96 = tpu.memref_slice %arg6[%dma_wait3A, %dma_wait3A_94, %dma_wait3A_95] : memref<2x16x1792xf32, #tpu.memory_space<vmem>> -> memref<1x16x1792xf32, #tpu.memory_space<vmem>>
        %dma_wait3A_97 = tpu.memref_squeeze %dma_wait3A_96 : memref<1x16x1792xf32, #tpu.memory_space<vmem>> -> memref<16x1792xf32, #tpu.memory_space<vmem>>
        %dma_wait3A_98 = arith.constant 0 : i32
        %dma_wait3A_99 = tpu.memref_slice %arg2[%dma_wait3A_98, %multiple_of3A] : memref<16x1048576xf32, #tpu.memory_space<hbm>> -> memref<16x1792xf32, #tpu.memory_space<hbm>>
        %dma_wait3A_100 = arith.constant 0 : i32
        %dma_wait3A_101 = arith.constant 0 : i32
        %dma_wait3A_102 = tpu.memref_slice %arg6[%dma_wait3A, %dma_wait3A_100, %dma_wait3A_101] : memref<2x16x1792xf32, #tpu.memory_space<vmem>> -> memref<1x16x1792xf32, #tpu.memory_space<vmem>>
        %dma_wait3A_103 = tpu.memref_squeeze %dma_wait3A_102 : memref<1x16x1792xf32, #tpu.memory_space<vmem>> -> memref<16x1792xf32, #tpu.memory_space<vmem>>
        %dma_wait3A_104 = arith.constant 0 : i32
        %dma_wait3A_105 = tpu.memref_slice %arg2[%dma_wait3A_104, %multiple_of3A] : memref<16x1048576xf32, #tpu.memory_space<hbm>> -> memref<16x1792xf32, #tpu.memory_space<hbm>>
        tpu.wait_dma2 semaphore(%arg10 : memref<!tpu.dma_semaphore, #tpu.memory_space<semaphore_mem>>) src(%dma_wait3A_105 : memref<16x1792xf32, #tpu.memory_space<hbm>>) dst(%dma_wait3A_103 : memref<16x1792xf32, #tpu.memory_space<vmem>>)
        %dma_wait3A_106 = arith.constant 0 : i32
        %dma_wait3A_107 = arith.constant 0 : i32
        %dma_wait3A_108 = tpu.memref_slice %arg7[%dma_wait3A_106, %dma_wait3A_107] : memref<2x896xi32, #tpu.memory_space<vmem>> -> memref<1x896xi32, #tpu.memory_space<vmem>>
        %dma_wait3A_109 = tpu.memref_squeeze %dma_wait3A_108 : memref<1x896xi32, #tpu.memory_space<vmem>> -> memref<896xi32, #tpu.memory_space<vmem>>
        %dma_wait3A_110 = tpu.memref_slice %arg3[%multiple_of3A_93] : memref<524160xi32, #tpu.memory_space<hbm>> -> memref<896xi32, #tpu.memory_space<hbm>>
        %dma_wait3A_111 = arith.constant 0 : i32
        %dma_wait3A_112 = tpu.memref_slice %arg7[%dma_wait3A_106, %dma_wait3A_111] : memref<2x896xi32, #tpu.memory_space<vmem>> -> memref<1x896xi32, #tpu.memory_space<vmem>>
        %dma_wait3A_113 = tpu.memref_squeeze %dma_wait3A_112 : memref<1x896xi32, #tpu.memory_space<vmem>> -> memref<896xi32, #tpu.memory_space<vmem>>
        %dma_wait3A_114 = tpu.memref_slice %arg3[%multiple_of3A_93] : memref<524160xi32, #tpu.memory_space<hbm>> -> memref<896xi32, #tpu.memory_space<hbm>>
        tpu.wait_dma2 semaphore(%arg10 : memref<!tpu.dma_semaphore, #tpu.memory_space<semaphore_mem>>) src(%dma_wait3A_114 : memref<896xi32, #tpu.memory_space<hbm>>) dst(%dma_wait3A_113 : memref<896xi32, #tpu.memory_space<vmem>>)
      } else {
      }
      %add3A_21 = arith.constant 1 : i32
      %add3A_22 = arith.addi %add3A_12, %add3A_21 : i32
      %mul3A_23 = arith.constant 32 : i32
      %mul3A_24 = arith.muli %mul3A_23, %add3A_22 : i32
      %add3A_25 = arith.addi %add3A, %mul3A_24 : i32
      %lt3A_26 = arith.constant 585 : i32
      %lt3A_27 = arith.cmpi slt, %add3A_25, %lt3A_26 : i32
      %convert_element_type3A_28 = arith.extui %lt3A_27 : i1 to i32
      %cond3A_29 = arith.constant 0 : i32
      %cond3A_30 = arith.cmpi ne, %convert_element_type3A_28, %cond3A_29 : i32
      scf.if %cond3A_30 {
        %add3A_86 = arith.constant 1 : i32
        %add3A_87 = arith.addi %add3A_12, %add3A_86 : i32
        %mul3A_88 = arith.constant 32 : i32
        %mul3A_89 = arith.muli %mul3A_88, %add3A_87 : i32
        %add3A_90 = arith.addi %add3A, %mul3A_89 : i32
        %mul3A_91 = arith.constant 1792 : i32
        %mul3A_92 = arith.muli %add3A_90, %mul3A_91 : i32
        %multiple_of3A = tpu.assume_multiple %mul3A_92, 1792 : i32
        %mul3A_93 = arith.constant 896 : i32
        %mul3A_94 = arith.muli %add3A_90, %mul3A_93 : i32
        %multiple_of3A_95 = tpu.assume_multiple %mul3A_94, 896 : i32
        %dma_start3A = arith.constant 1 : i32
        %dma_start3A_96 = arith.constant 0 : i32
        %dma_start3A_97 = arith.constant 0 : i32
        %dma_start3A_98 = tpu.memref_slice %arg6[%dma_start3A, %dma_start3A_96, %dma_start3A_97] : memref<2x16x1792xf32, #tpu.memory_space<vmem>> -> memref<1x16x1792xf32, #tpu.memory_space<vmem>>
        %dma_start3A_99 = tpu.memref_squeeze %dma_start3A_98 : memref<1x16x1792xf32, #tpu.memory_space<vmem>> -> memref<16x1792xf32, #tpu.memory_space<vmem>>
        %dma_start3A_100 = arith.constant 0 : i32
        %dma_start3A_101 = tpu.memref_slice %arg2[%dma_start3A_100, %multiple_of3A] : memref<16x1048576xf32, #tpu.memory_space<hbm>> -> memref<16x1792xf32, #tpu.memory_space<hbm>>
        %dma_start3A_102 = arith.constant 0 : i32
        %dma_start3A_103 = arith.constant 0 : i32
        %dma_start3A_104 = tpu.memref_slice %arg6[%dma_start3A, %dma_start3A_102, %dma_start3A_103] : memref<2x16x1792xf32, #tpu.memory_space<vmem>> -> memref<1x16x1792xf32, #tpu.memory_space<vmem>>
        %dma_start3A_105 = tpu.memref_squeeze %dma_start3A_104 : memref<1x16x1792xf32, #tpu.memory_space<vmem>> -> memref<16x1792xf32, #tpu.memory_space<vmem>>
        %dma_start3A_106 = arith.constant 0 : i32
        %dma_start3A_107 = tpu.memref_slice %arg2[%dma_start3A_106, %multiple_of3A] : memref<16x1048576xf32, #tpu.memory_space<hbm>> -> memref<16x1792xf32, #tpu.memory_space<hbm>>
        tpu.enqueue_dma source(%dma_start3A_107 : memref<16x1792xf32, #tpu.memory_space<hbm>>) target(%dma_start3A_105 : memref<16x1792xf32, #tpu.memory_space<vmem>>) target_semaphore(%arg11 : memref<!tpu.dma_semaphore, #tpu.memory_space<semaphore_mem>>)
        %dma_start3A_108 = arith.constant 1 : i32
        %dma_start3A_109 = arith.constant 0 : i32
        %dma_start3A_110 = tpu.memref_slice %arg7[%dma_start3A_108, %dma_start3A_109] : memref<2x896xi32, #tpu.memory_space<vmem>> -> memref<1x896xi32, #tpu.memory_space<vmem>>
        %dma_start3A_111 = tpu.memref_squeeze %dma_start3A_110 : memref<1x896xi32, #tpu.memory_space<vmem>> -> memref<896xi32, #tpu.memory_space<vmem>>
        %dma_start3A_112 = tpu.memref_slice %arg3[%multiple_of3A_95] : memref<524160xi32, #tpu.memory_space<hbm>> -> memref<896xi32, #tpu.memory_space<hbm>>
        %dma_start3A_113 = arith.constant 0 : i32
        %dma_start3A_114 = tpu.memref_slice %arg7[%dma_start3A_108, %dma_start3A_113] : memref<2x896xi32, #tpu.memory_space<vmem>> -> memref<1x896xi32, #tpu.memory_space<vmem>>
        %dma_start3A_115 = tpu.memref_squeeze %dma_start3A_114 : memref<1x896xi32, #tpu.memory_space<vmem>> -> memref<896xi32, #tpu.memory_space<vmem>>
        %dma_start3A_116 = tpu.memref_slice %arg3[%multiple_of3A_95] : memref<524160xi32, #tpu.memory_space<hbm>> -> memref<896xi32, #tpu.memory_space<hbm>>
        tpu.enqueue_dma source(%dma_start3A_116 : memref<896xi32, #tpu.memory_space<hbm>>) target(%dma_start3A_115 : memref<896xi32, #tpu.memory_space<vmem>>) target_semaphore(%arg11 : memref<!tpu.dma_semaphore, #tpu.memory_space<semaphore_mem>>)
      } else {
      }
      %ge3A = arith.constant 2 : i32
      %ge3A_31 = arith.cmpi sge, %add3A_12, %ge3A : i32
      %sub3A = arith.constant 2 : i32
      %sub3A_32 = arith.subi %add3A_12, %sub3A : i32
      %mul3A_33 = arith.constant 32 : i32
      %mul3A_34 = arith.muli %mul3A_33, %sub3A_32 : i32
      %add3A_35 = arith.addi %add3A, %mul3A_34 : i32
      %lt3A_36 = arith.constant 585 : i32
      %lt3A_37 = arith.cmpi slt, %add3A_35, %lt3A_36 : i32
      %and3A = arith.andi %ge3A_31, %lt3A_37 : i1
      %convert_element_type3A_38 = arith.extui %and3A : i1 to i32
      %cond3A_39 = arith.constant 0 : i32
      %cond3A_40 = arith.cmpi ne, %convert_element_type3A_38, %cond3A_39 : i32
      scf.if %cond3A_40 {
        %sub3A_86 = arith.constant 2 : i32
        %sub3A_87 = arith.subi %add3A_12, %sub3A_86 : i32
        %mul3A_88 = arith.constant 32 : i32
        %mul3A_89 = arith.muli %mul3A_88, %sub3A_87 : i32
        %add3A_90 = arith.addi %add3A, %mul3A_89 : i32
        %mul3A_91 = arith.constant 896 : i32
        %mul3A_92 = arith.muli %add3A_90, %mul3A_91 : i32
        %multiple_of3A = tpu.assume_multiple %mul3A_92, 896 : i32
        %dma_wait3A = arith.constant 0 : i32
        %dma_wait3A_93 = arith.constant 0 : i32
        %dma_wait3A_94 = arith.constant 0 : i32
        %dma_wait3A_95 = tpu.memref_slice %arg8[%dma_wait3A, %dma_wait3A_93, %dma_wait3A_94] : memref<2x16x896xf32, #tpu.memory_space<vmem>> -> memref<1x16x896xf32, #tpu.memory_space<vmem>>
        %dma_wait3A_96 = tpu.memref_squeeze %dma_wait3A_95 : memref<1x16x896xf32, #tpu.memory_space<vmem>> -> memref<16x896xf32, #tpu.memory_space<vmem>>
        %dma_wait3A_97 = arith.constant 0 : i32
        %dma_wait3A_98 = tpu.memref_slice %arg4[%dma_wait3A_97, %multiple_of3A] : memref<16x524160xf32, #tpu.memory_space<hbm>> -> memref<16x896xf32, #tpu.memory_space<hbm>>
        %dma_wait3A_99 = arith.constant 0 : i32
        %dma_wait3A_100 = tpu.memref_slice %arg4[%dma_wait3A_99, %multiple_of3A] : memref<16x524160xf32, #tpu.memory_space<hbm>> -> memref<16x896xf32, #tpu.memory_space<hbm>>
        %dma_wait3A_101 = arith.constant 0 : i32
        %dma_wait3A_102 = arith.constant 0 : i32
        %dma_wait3A_103 = tpu.memref_slice %arg8[%dma_wait3A, %dma_wait3A_101, %dma_wait3A_102] : memref<2x16x896xf32, #tpu.memory_space<vmem>> -> memref<1x16x896xf32, #tpu.memory_space<vmem>>
        %dma_wait3A_104 = tpu.memref_squeeze %dma_wait3A_103 : memref<1x16x896xf32, #tpu.memory_space<vmem>> -> memref<16x896xf32, #tpu.memory_space<vmem>>
        tpu.wait_dma2 semaphore(%arg12 : memref<!tpu.dma_semaphore, #tpu.memory_space<semaphore_mem>>) src(%dma_wait3A_104 : memref<16x896xf32, #tpu.memory_space<vmem>>) dst(%dma_wait3A_100 : memref<16x896xf32, #tpu.memory_space<hbm>>)
        %dma_wait3A_105 = arith.constant 0 : i32
        %dma_wait3A_106 = arith.constant 0 : i32
        %dma_wait3A_107 = arith.constant 0 : i32
        %dma_wait3A_108 = tpu.memref_slice %arg9[%dma_wait3A_105, %dma_wait3A_106, %dma_wait3A_107] : memref<2x16x896xf32, #tpu.memory_space<vmem>> -> memref<1x16x896xf32, #tpu.memory_space<vmem>>
        %dma_wait3A_109 = tpu.memref_squeeze %dma_wait3A_108 : memref<1x16x896xf32, #tpu.memory_space<vmem>> -> memref<16x896xf32, #tpu.memory_space<vmem>>
        %dma_wait3A_110 = arith.constant 0 : i32
        %dma_wait3A_111 = tpu.memref_slice %arg5[%dma_wait3A_110, %multiple_of3A] : memref<16x524160xf32, #tpu.memory_space<hbm>> -> memref<16x896xf32, #tpu.memory_space<hbm>>
        %dma_wait3A_112 = arith.constant 0 : i32
        %dma_wait3A_113 = tpu.memref_slice %arg5[%dma_wait3A_112, %multiple_of3A] : memref<16x524160xf32, #tpu.memory_space<hbm>> -> memref<16x896xf32, #tpu.memory_space<hbm>>
        %dma_wait3A_114 = arith.constant 0 : i32
        %dma_wait3A_115 = arith.constant 0 : i32
        %dma_wait3A_116 = tpu.memref_slice %arg9[%dma_wait3A_105, %dma_wait3A_114, %dma_wait3A_115] : memref<2x16x896xf32, #tpu.memory_space<vmem>> -> memref<1x16x896xf32, #tpu.memory_space<vmem>>
        %dma_wait3A_117 = tpu.memref_squeeze %dma_wait3A_116 : memref<1x16x896xf32, #tpu.memory_space<vmem>> -> memref<16x896xf32, #tpu.memory_space<vmem>>
        tpu.wait_dma2 semaphore(%arg12 : memref<!tpu.dma_semaphore, #tpu.memory_space<semaphore_mem>>) src(%dma_wait3A_117 : memref<16x896xf32, #tpu.memory_space<vmem>>) dst(%dma_wait3A_113 : memref<16x896xf32, #tpu.memory_space<hbm>>)
      } else {
      }
      %lt3A_41 = arith.constant 585 : i32
      %lt3A_42 = arith.cmpi slt, %add3A_15, %lt3A_41 : i32
      %convert_element_type3A_43 = arith.extui %lt3A_42 : i1 to i32
      %cond3A_44 = arith.constant 0 : i32
      %cond3A_45 = arith.cmpi ne, %convert_element_type3A_43, %cond3A_44 : i32
      scf.if %cond3A_45 {
        %parallel_loop3A = arith.constant 0 : i32
        %parallel_loop3A_86 = arith.constant 896 : i32
        %parallel_loop3A_87 = arith.constant 16 : i32
        scf.for %parallel_loop3A_118 = %parallel_loop3A to %parallel_loop3A_86 step %parallel_loop3A_87  : i32 {
          %parallel_loop3A_119 = arith.constant 0 : i32
          %parallel_loop3A_120 = arith.index_cast %parallel_loop3A_119 : i32 to index
          %parallel_loop3A_121 = arith.index_cast %parallel_loop3A_118 : i32 to index
          %parallel_loop3A_122 = tpu.vector_load %arg7[%parallel_loop3A_120, %parallel_loop3A_121] {strides = array<i32>} : memref<2x896xi32, #tpu.memory_space<vmem>>, vector<16xi32>,
          %parallel_loop3A_123 = arith.constant 1 : i32
          %parallel_loop3A_124 = vector.broadcast %parallel_loop3A_123 : i32 to vector<16xi32>
          %parallel_loop3A_125 = arith.xori %parallel_loop3A_122, %parallel_loop3A_124 : vector<16xi32>
          %parallel_loop3A_126 = arith.constant 0 : i32
          %parallel_loop3A_127 = vector.broadcast %parallel_loop3A_126 : i32 to vector<16xi32>
          %parallel_loop3A_128 = arith.constant 0 : i32
          %parallel_loop3A_129 = arith.constant 0 : i32
          %parallel_loop3A_130 = arith.constant 0 : i32
          %parallel_loop3A_131 = tpu.memref_slice %arg6[%parallel_loop3A_128, %parallel_loop3A_129, %parallel_loop3A_130] : memref<2x16x1792xf32, #tpu.memory_space<vmem>> -> memref<1x16x1792xf32, #tpu.memory_space<vmem>>
          %parallel_loop3A_132 = tpu.memref_squeeze %parallel_loop3A_131 : memref<1x16x1792xf32, #tpu.memory_space<vmem>> -> memref<16x1792xf32, #tpu.memory_space<vmem>>
          %parallel_loop3A_133 = tpu.vector_load_idx %parallel_loop3A_132[%parallel_loop3A_127, %parallel_loop3A_122] : memref<16x1792xf32, #tpu.memory_space<vmem>>[vector<16xi32>, vector<16xi32>], vector<16xf32>,
          %parallel_loop3A_134 = arith.constant 0 : i32
          %parallel_loop3A_135 = arith.constant 0 : i32
          %parallel_loop3A_136 = arith.constant 0 : i32
          %parallel_loop3A_137 = tpu.memref_slice %arg6[%parallel_loop3A_134, %parallel_loop3A_135, %parallel_loop3A_136] : memref<2x16x1792xf32, #tpu.memory_space<vmem>> -> memref<1x16x1792xf32, #tpu.memory_space<vmem>>
          %parallel_loop3A_138 = tpu.memref_squeeze %parallel_loop3A_137 : memref<1x16x1792xf32, #tpu.memory_space<vmem>> -> memref<16x1792xf32, #tpu.memory_space<vmem>>
          %parallel_loop3A_139 = tpu.vector_load_idx %parallel_loop3A_138[%parallel_loop3A_127, %parallel_loop3A_125] : memref<16x1792xf32, #tpu.memory_space<vmem>>[vector<16xi32>, vector<16xi32>], vector<16xf32>,
          %parallel_loop3A_140 = arith.constant 0 : i32
          %parallel_loop3A_141 = arith.constant 0 : i32
          %parallel_loop3A_142 = arith.index_cast %parallel_loop3A_140 : i32 to index
          %parallel_loop3A_143 = arith.index_cast %parallel_loop3A_141 : i32 to index
          %parallel_loop3A_144 = arith.index_cast %parallel_loop3A_118 : i32 to index
          %parallel_loop3A_145 = tpu.vector_load %arg8[%parallel_loop3A_142, %parallel_loop3A_143, %parallel_loop3A_144] {strides = array<i32>} : memref<2x16x896xf32, #tpu.memory_space<vmem>>, vector<16xf32>,
          tpu.vector_store %arg8[%parallel_loop3A_142, %parallel_loop3A_143, %parallel_loop3A_144], %parallel_loop3A_133 {strides = array<i32>} : memref<2x16x896xf32, #tpu.memory_space<vmem>>, vector<16xf32>,
          %parallel_loop3A_146 = arith.constant 0 : i32
          %parallel_loop3A_147 = arith.constant 0 : i32
          %parallel_loop3A_148 = arith.index_cast %parallel_loop3A_146 : i32 to index
          %parallel_loop3A_149 = arith.index_cast %parallel_loop3A_147 : i32 to index
          %parallel_loop3A_150 = arith.index_cast %parallel_loop3A_118 : i32 to index
          %parallel_loop3A_151 = tpu.vector_load %arg9[%parallel_loop3A_148, %parallel_loop3A_149, %parallel_loop3A_150] {strides = array<i32>} : memref<2x16x896xf32, #tpu.memory_space<vmem>>, vector<16xf32>,
          tpu.vector_store %arg9[%parallel_loop3A_148, %parallel_loop3A_149, %parallel_loop3A_150], %parallel_loop3A_139 {strides = array<i32>} : memref<2x16x896xf32, #tpu.memory_space<vmem>>, vector<16xf32>,
          %parallel_loop3A_152 = arith.constant 1 : i32
          %parallel_loop3A_153 = vector.broadcast %parallel_loop3A_152 : i32 to vector<16xi32>
          %parallel_loop3A_154 = arith.constant 0 : i32
          %parallel_loop3A_155 = arith.constant 0 : i32
          %parallel_loop3A_156 = arith.constant 0 : i32
          %parallel_loop3A_157 = tpu.memref_slice %arg6[%parallel_loop3A_154, %parallel_loop3A_155, %parallel_loop3A_156] : memref<2x16x1792xf32, #tpu.memory_space<vmem>> -> memref<1x16x1792xf32, #tpu.memory_space<vmem>>
          %parallel_loop3A_158 = tpu.memref_squeeze %parallel_loop3A_157 : memref<1x16x1792xf32, #tpu.memory_space<vmem>> -> memref<16x1792xf32, #tpu.memory_space<vmem>>
          %parallel_loop3A_159 = tpu.vector_load_idx %parallel_loop3A_158[%parallel_loop3A_153, %parallel_loop3A_122] : memref<16x1792xf32, #tpu.memory_space<vmem>>[vector<16xi32>, vector<16xi32>], vector<16xf32>,
          %parallel_loop3A_160 = arith.constant 0 : i32
          %parallel_loop3A_161 = arith.constant 0 : i32
          %parallel_loop3A_162 = arith.constant 0 : i32
          %parallel_loop3A_163 = tpu.memref_slice %arg6[%parallel_loop3A_160, %parallel_loop3A_161, %parallel_loop3A_162] : memref<2x16x1792xf32, #tpu.memory_space<vmem>> -> memref<1x16x1792xf32, #tpu.memory_space<vmem>>
          %parallel_loop3A_164 = tpu.memref_squeeze %parallel_loop3A_163 : memref<1x16x1792xf32, #tpu.memory_space<vmem>> -> memref<16x1792xf32, #tpu.memory_space<vmem>>
          %parallel_loop3A_165 = tpu.vector_load_idx %parallel_loop3A_164[%parallel_loop3A_153, %parallel_loop3A_125] : memref<16x1792xf32, #tpu.memory_space<vmem>>[vector<16xi32>, vector<16xi32>], vector<16xf32>,
          %parallel_loop3A_166 = arith.constant 0 : i32
          %parallel_loop3A_167 = arith.constant 1 : i32
          %parallel_loop3A_168 = arith.index_cast %parallel_loop3A_166 : i32 to index
          %parallel_loop3A_169 = arith.index_cast %parallel_loop3A_167 : i32 to index
          %parallel_loop3A_170 = arith.index_cast %parallel_loop3A_118 : i32 to index
          %parallel_loop3A_171 = tpu.vector_load %arg8[%parallel_loop3A_168, %parallel_loop3A_169, %parallel_loop3A_170] {strides = array<i32>} : memref<2x16x896xf32, #tpu.memory_space<vmem>>, vector<16xf32>,
          tpu.vector_store %arg8[%parallel_loop3A_168, %parallel_loop3A_169, %parallel_loop3A_170], %parallel_loop3A_159 {strides = array<i32>} : memref<2x16x896xf32, #tpu.memory_space<vmem>>, vector<16xf32>,
          %parallel_loop3A_172 = arith.constant 0 : i32
          %parallel_loop3A_173 = arith.constant 1 : i32
          %parallel_loop3A_174 = arith.index_cast %parallel_loop3A_172 : i32 to index
          %parallel_loop3A_175 = arith.index_cast %parallel_loop3A_173 : i32 to index
          %parallel_loop3A_176 = arith.index_cast %parallel_loop3A_118 : i32 to index
          %parallel_loop3A_177 = tpu.vector_load %arg9[%parallel_loop3A_174, %parallel_loop3A_175, %parallel_loop3A_176] {strides = array<i32>} : memref<2x16x896xf32, #tpu.memory_space<vmem>>, vector<16xf32>,
          tpu.vector_store %arg9[%parallel_loop3A_174, %parallel_loop3A_175, %parallel_loop3A_176], %parallel_loop3A_165 {strides = array<i32>} : memref<2x16x896xf32, #tpu.memory_space<vmem>>, vector<16xf32>,
          %parallel_loop3A_178 = arith.constant 2 : i32
          %parallel_loop3A_179 = vector.broadcast %parallel_loop3A_178 : i32 to vector<16xi32>
          %parallel_loop3A_180 = arith.constant 0 : i32
          %parallel_loop3A_181 = arith.constant 0 : i32
          %parallel_loop3A_182 = arith.constant 0 : i32
          %parallel_loop3A_183 = tpu.memref_slice %arg6[%parallel_loop3A_180, %parallel_loop3A_181, %parallel_loop3A_182] : memref<2x16x1792xf32, #tpu.memory_space<vmem>> -> memref<1x16x1792xf32, #tpu.memory_space<vmem>>
          %parallel_loop3A_184 = tpu.memref_squeeze %parallel_loop3A_183 : memref<1x16x1792xf32, #tpu.memory_space<vmem>> -> memref<16x1792xf32, #tpu.memory_space<vmem>>
          %parallel_loop3A_185 = tpu.vector_load_idx %parallel_loop3A_184[%parallel_loop3A_179, %parallel_loop3A_122] : memref<16x1792xf32, #tpu.memory_space<vmem>>[vector<16xi32>, vector<16xi32>], vector<16xf32>,
          %parallel_loop3A_186 = arith.constant 0 : i32
          %parallel_loop3A_187 = arith.constant 0 : i32
          %parallel_loop3A_188 = arith.constant 0 : i32
          %parallel_loop3A_189 = tpu.memref_slice %arg6[%parallel_loop3A_186, %parallel_loop3A_187, %parallel_loop3A_188] : memref<2x16x1792xf32, #tpu.memory_space<vmem>> -> memref<1x16x1792xf32, #tpu.memory_space<vmem>>
          %parallel_loop3A_190 = tpu.memref_squeeze %parallel_loop3A_189 : memref<1x16x1792xf32, #tpu.memory_space<vmem>> -> memref<16x1792xf32, #tpu.memory_space<vmem>>
          %parallel_loop3A_191 = tpu.vector_load_idx %parallel_loop3A_190[%parallel_loop3A_179, %parallel_loop3A_125] : memref<16x1792xf32, #tpu.memory_space<vmem>>[vector<16xi32>, vector<16xi32>], vector<16xf32>,
          %parallel_loop3A_192 = arith.constant 0 : i32
          %parallel_loop3A_193 = arith.constant 2 : i32
          %parallel_loop3A_194 = arith.index_cast %parallel_loop3A_192 : i32 to index
          %parallel_loop3A_195 = arith.index_cast %parallel_loop3A_193 : i32 to index
          %parallel_loop3A_196 = arith.index_cast %parallel_loop3A_118 : i32 to index
          %parallel_loop3A_197 = tpu.vector_load %arg8[%parallel_loop3A_194, %parallel_loop3A_195, %parallel_loop3A_196] {strides = array<i32>} : memref<2x16x896xf32, #tpu.memory_space<vmem>>, vector<16xf32>,
          tpu.vector_store %arg8[%parallel_loop3A_194, %parallel_loop3A_195, %parallel_loop3A_196], %parallel_loop3A_185 {strides = array<i32>} : memref<2x16x896xf32, #tpu.memory_space<vmem>>, vector<16xf32>,
          %parallel_loop3A_198 = arith.constant 0 : i32
          %parallel_loop3A_199 = arith.constant 2 : i32
          %parallel_loop3A_200 = arith.index_cast %parallel_loop3A_198 : i32 to index
          %parallel_loop3A_201 = arith.index_cast %parallel_loop3A_199 : i32 to index
          %parallel_loop3A_202 = arith.index_cast %parallel_loop3A_118 : i32 to index
          %parallel_loop3A_203 = tpu.vector_load %arg9[%parallel_loop3A_200, %parallel_loop3A_201, %parallel_loop3A_202] {strides = array<i32>} : memref<2x16x896xf32, #tpu.memory_space<vmem>>, vector<16xf32>,
          tpu.vector_store %arg9[%parallel_loop3A_200, %parallel_loop3A_201, %parallel_loop3A_202], %parallel_loop3A_191 {strides = array<i32>} : memref<2x16x896xf32, #tpu.memory_space<vmem>>, vector<16xf32>,
          %parallel_loop3A_204 = arith.constant 3 : i32
          %parallel_loop3A_205 = vector.broadcast %parallel_loop3A_204 : i32 to vector<16xi32>
          %parallel_loop3A_206 = arith.constant 0 : i32
          %parallel_loop3A_207 = arith.constant 0 : i32
          %parallel_loop3A_208 = arith.constant 0 : i32
          %parallel_loop3A_209 = tpu.memref_slice %arg6[%parallel_loop3A_206, %parallel_loop3A_207, %parallel_loop3A_208] : memref<2x16x1792xf32, #tpu.memory_space<vmem>> -> memref<1x16x1792xf32, #tpu.memory_space<vmem>>
          %parallel_loop3A_210 = tpu.memref_squeeze %parallel_loop3A_209 : memref<1x16x1792xf32, #tpu.memory_space<vmem>> -> memref<16x1792xf32, #tpu.memory_space<vmem>>
          %parallel_loop3A_211 = tpu.vector_load_idx %parallel_loop3A_210[%parallel_loop3A_205, %parallel_loop3A_122] : memref<16x1792xf32, #tpu.memory_space<vmem>>[vector<16xi32>, vector<16xi32>], vector<16xf32>,
          %parallel_loop3A_212 = arith.constant 0 : i32
          %parallel_loop3A_213 = arith.constant 0 : i32
          %parallel_loop3A_214 = arith.constant 0 : i32
          %parallel_loop3A_215 = tpu.memref_slice %arg6[%parallel_loop3A_212, %parallel_loop3A_213, %parallel_loop3A_214] : memref<2x16x1792xf32, #tpu.memory_space<vmem>> -> memref<1x16x1792xf32, #tpu.memory_space<vmem>>
          %parallel_loop3A_216 = tpu.memref_squeeze %parallel_loop3A_215 : memref<1x16x1792xf32, #tpu.memory_space<vmem>> -> memref<16x1792xf32, #tpu.memory_space<vmem>>
          %parallel_loop3A_217 = tpu.vector_load_idx %parallel_loop3A_216[%parallel_loop3A_205, %parallel_loop3A_125] : memref<16x1792xf32, #tpu.memory_space<vmem>>[vector<16xi32>, vector<16xi32>], vector<16xf32>,
          %parallel_loop3A_218 = arith.constant 0 : i32
          %parallel_loop3A_219 = arith.constant 3 : i32
          %parallel_loop3A_220 = arith.index_cast %parallel_loop3A_218 : i32 to index
          %parallel_loop3A_221 = arith.index_cast %parallel_loop3A_219 : i32 to index
          %parallel_loop3A_222 = arith.index_cast %parallel_loop3A_118 : i32 to index
          %parallel_loop3A_223 = tpu.vector_load %arg8[%parallel_loop3A_220, %parallel_loop3A_221, %parallel_loop3A_222] {strides = array<i32>} : memref<2x16x896xf32, #tpu.memory_space<vmem>>, vector<16xf32>,
          tpu.vector_store %arg8[%parallel_loop3A_220, %parallel_loop3A_221, %parallel_loop3A_222], %parallel_loop3A_211 {strides = array<i32>} : memref<2x16x896xf32, #tpu.memory_space<vmem>>, vector<16xf32>,
          %parallel_loop3A_224 = arith.constant 0 : i32
          %parallel_loop3A_225 = arith.constant 3 : i32
          %parallel_loop3A_226 = arith.index_cast %parallel_loop3A_224 : i32 to index
          %parallel_loop3A_227 = arith.index_cast %parallel_loop3A_225 : i32 to index
          %parallel_loop3A_228 = arith.index_cast %parallel_loop3A_118 : i32 to index
          %parallel_loop3A_229 = tpu.vector_load %arg9[%parallel_loop3A_226, %parallel_loop3A_227, %parallel_loop3A_228] {strides = array<i32>} : memref<2x16x896xf32, #tpu.memory_space<vmem>>, vector<16xf32>,
          tpu.vector_store %arg9[%parallel_loop3A_226, %parallel_loop3A_227, %parallel_loop3A_228], %parallel_loop3A_217 {strides = array<i32>} : memref<2x16x896xf32, #tpu.memory_space<vmem>>, vector<16xf32>,
          %parallel_loop3A_230 = arith.constant 4 : i32
          %parallel_loop3A_231 = vector.broadcast %parallel_loop3A_230 : i32 to vector<16xi32>
          %parallel_loop3A_232 = arith.constant 0 : i32
          %parallel_loop3A_233 = arith.constant 0 : i32
          %parallel_loop3A_234 = arith.constant 0 : i32
          %parallel_loop3A_235 = tpu.memref_slice %arg6[%parallel_loop3A_232, %parallel_loop3A_233, %parallel_loop3A_234] : memref<2x16x1792xf32, #tpu.memory_space<vmem>> -> memref<1x16x1792xf32, #tpu.memory_space<vmem>>
          %parallel_loop3A_236 = tpu.memref_squeeze %parallel_loop3A_235 : memref<1x16x1792xf32, #tpu.memory_space<vmem>> -> memref<16x1792xf32, #tpu.memory_space<vmem>>
          %parallel_loop3A_237 = tpu.vector_load_idx %parallel_loop3A_236[%parallel_loop3A_231, %parallel_loop3A_122] : memref<16x1792xf32, #tpu.memory_space<vmem>>[vector<16xi32>, vector<16xi32>], vector<16xf32>,
          %parallel_loop3A_238 = arith.constant 0 : i32
          %parallel_loop3A_239 = arith.constant 0 : i32
          %parallel_loop3A_240 = arith.constant 0 : i32
          %parallel_loop3A_241 = tpu.memref_slice %arg6[%parallel_loop3A_238, %parallel_loop3A_239, %parallel_loop3A_240] : memref<2x16x1792xf32, #tpu.memory_space<vmem>> -> memref<1x16x1792xf32, #tpu.memory_space<vmem>>
          %parallel_loop3A_242 = tpu.memref_squeeze %parallel_loop3A_241 : memref<1x16x1792xf32, #tpu.memory_space<vmem>> -> memref<16x1792xf32, #tpu.memory_space<vmem>>
          %parallel_loop3A_243 = tpu.vector_load_idx %parallel_loop3A_242[%parallel_loop3A_231, %parallel_loop3A_125] : memref<16x1792xf32, #tpu.memory_space<vmem>>[vector<16xi32>, vector<16xi32>], vector<16xf32>,
          %parallel_loop3A_244 = arith.constant 0 : i32
          %parallel_loop3A_245 = arith.constant 4 : i32
          %parallel_loop3A_246 = arith.index_cast %parallel_loop3A_244 : i32 to index
          %parallel_loop3A_247 = arith.index_cast %parallel_loop3A_245 : i32 to index
          %parallel_loop3A_248 = arith.index_cast %parallel_loop3A_118 : i32 to index
          %parallel_loop3A_249 = tpu.vector_load %arg8[%parallel_loop3A_246, %parallel_loop3A_247, %parallel_loop3A_248] {strides = array<i32>} : memref<2x16x896xf32, #tpu.memory_space<vmem>>, vector<16xf32>,
          tpu.vector_store %arg8[%parallel_loop3A_246, %parallel_loop3A_247, %parallel_loop3A_248], %parallel_loop3A_237 {strides = array<i32>} : memref<2x16x896xf32, #tpu.memory_space<vmem>>, vector<16xf32>,
          %parallel_loop3A_250 = arith.constant 0 : i32
          %parallel_loop3A_251 = arith.constant 4 : i32
          %parallel_loop3A_252 = arith.index_cast %parallel_loop3A_250 : i32 to index
          %parallel_loop3A_253 = arith.index_cast %parallel_loop3A_251 : i32 to index
          %parallel_loop3A_254 = arith.index_cast %parallel_loop3A_118 : i32 to index
          %parallel_loop3A_255 = tpu.vector_load %arg9[%parallel_loop3A_252, %parallel_loop3A_253, %parallel_loop3A_254] {strides = array<i32>} : memref<2x16x896xf32, #tpu.memory_space<vmem>>, vector<16xf32>,
          tpu.vector_store %arg9[%parallel_loop3A_252, %parallel_loop3A_253, %parallel_loop3A_254], %parallel_loop3A_243 {strides = array<i32>} : memref<2x16x896xf32, #tpu.memory_space<vmem>>, vector<16xf32>,
          %parallel_loop3A_256 = arith.constant 5 : i32
          %parallel_loop3A_257 = vector.broadcast %parallel_loop3A_256 : i32 to vector<16xi32>
          %parallel_loop3A_258 = arith.constant 0 : i32
          %parallel_loop3A_259 = arith.constant 0 : i32
          %parallel_loop3A_260 = arith.constant 0 : i32
          %parallel_loop3A_261 = tpu.memref_slice %arg6[%parallel_loop3A_258, %parallel_loop3A_259, %parallel_loop3A_260] : memref<2x16x1792xf32, #tpu.memory_space<vmem>> -> memref<1x16x1792xf32, #tpu.memory_space<vmem>>
          %parallel_loop3A_262 = tpu.memref_squeeze %parallel_loop3A_261 : memref<1x16x1792xf32, #tpu.memory_space<vmem>> -> memref<16x1792xf32, #tpu.memory_space<vmem>>
          %parallel_loop3A_263 = tpu.vector_load_idx %parallel_loop3A_262[%parallel_loop3A_257, %parallel_loop3A_122] : memref<16x1792xf32, #tpu.memory_space<vmem>>[vector<16xi32>, vector<16xi32>], vector<16xf32>,
          %parallel_loop3A_264 = arith.constant 0 : i32
          %parallel_loop3A_265 = arith.constant 0 : i32
          %parallel_loop3A_266 = arith.constant 0 : i32
          %parallel_loop3A_267 = tpu.memref_slice %arg6[%parallel_loop3A_264, %parallel_loop3A_265, %parallel_loop3A_266] : memref<2x16x1792xf32, #tpu.memory_space<vmem>> -> memref<1x16x1792xf32, #tpu.memory_space<vmem>>
          %parallel_loop3A_268 = tpu.memref_squeeze %parallel_loop3A_267 : memref<1x16x1792xf32, #tpu.memory_space<vmem>> -> memref<16x1792xf32, #tpu.memory_space<vmem>>
          %parallel_loop3A_269 = tpu.vector_load_idx %parallel_loop3A_268[%parallel_loop3A_257, %parallel_loop3A_125] : memref<16x1792xf32, #tpu.memory_space<vmem>>[vector<16xi32>, vector<16xi32>], vector<16xf32>,
          %parallel_loop3A_270 = arith.constant 0 : i32
          %parallel_loop3A_271 = arith.constant 5 : i32
          %parallel_loop3A_272 = arith.index_cast %parallel_loop3A_270 : i32 to index
          %parallel_loop3A_273 = arith.index_cast %parallel_loop3A_271 : i32 to index
          %parallel_loop3A_274 = arith.index_cast %parallel_loop3A_118 : i32 to index
          %parallel_loop3A_275 = tpu.vector_load %arg8[%parallel_loop3A_272, %parallel_loop3A_273, %parallel_loop3A_274] {strides = array<i32>} : memref<2x16x896xf32, #tpu.memory_space<vmem>>, vector<16xf32>,
          tpu.vector_store %arg8[%parallel_loop3A_272, %parallel_loop3A_273, %parallel_loop3A_274], %parallel_loop3A_263 {strides = array<i32>} : memref<2x16x896xf32, #tpu.memory_space<vmem>>, vector<16xf32>,
          %parallel_loop3A_276 = arith.constant 0 : i32
          %parallel_loop3A_277 = arith.constant 5 : i32
          %parallel_loop3A_278 = arith.index_cast %parallel_loop3A_276 : i32 to index
          %parallel_loop3A_279 = arith.index_cast %parallel_loop3A_277 : i32 to index
          %parallel_loop3A_280 = arith.index_cast %parallel_loop3A_118 : i32 to index
          %parallel_loop3A_281 = tpu.vector_load %arg9[%parallel_loop3A_278, %parallel_loop3A_279, %parallel_loop3A_280] {strides = array<i32>} : memref<2x16x896xf32, #tpu.memory_space<vmem>>, vector<16xf32>,
          tpu.vector_store %arg9[%parallel_loop3A_278, %parallel_loop3A_279, %parallel_loop3A_280], %parallel_loop3A_269 {strides = array<i32>} : memref<2x16x896xf32, #tpu.memory_space<vmem>>, vector<16xf32>,
          %parallel_loop3A_282 = arith.constant 6 : i32
          %parallel_loop3A_283 = vector.broadcast %parallel_loop3A_282 : i32 to vector<16xi32>
          %parallel_loop3A_284 = arith.constant 0 : i32
          %parallel_loop3A_285 = arith.constant 0 : i32
          %parallel_loop3A_286 = arith.constant 0 : i32
          %parallel_loop3A_287 = tpu.memref_slice %arg6[%parallel_loop3A_284, %parallel_loop3A_285, %parallel_loop3A_286] : memref<2x16x1792xf32, #tpu.memory_space<vmem>> -> memref<1x16x1792xf32, #tpu.memory_space<vmem>>
          %parallel_loop3A_288 = tpu.memref_squeeze %parallel_loop3A_287 : memref<1x16x1792xf32, #tpu.memory_space<vmem>> -> memref<16x1792xf32, #tpu.memory_space<vmem>>
          %parallel_loop3A_289 = tpu.vector_load_idx %parallel_loop3A_288[%parallel_loop3A_283, %parallel_loop3A_122] : memref<16x1792xf32, #tpu.memory_space<vmem>>[vector<16xi32>, vector<16xi32>], vector<16xf32>,
          %parallel_loop3A_290 = arith.constant 0 : i32
          %parallel_loop3A_291 = arith.constant 0 : i32
          %parallel_loop3A_292 = arith.constant 0 : i32
          %parallel_loop3A_293 = tpu.memref_slice %arg6[%parallel_loop3A_290, %parallel_loop3A_291, %parallel_loop3A_292] : memref<2x16x1792xf32, #tpu.memory_space<vmem>> -> memref<1x16x1792xf32, #tpu.memory_space<vmem>>
          %parallel_loop3A_294 = tpu.memref_squeeze %parallel_loop3A_293 : memref<1x16x1792xf32, #tpu.memory_space<vmem>> -> memref<16x1792xf32, #tpu.memory_space<vmem>>
          %parallel_loop3A_295 = tpu.vector_load_idx %parallel_loop3A_294[%parallel_loop3A_283, %parallel_loop3A_125] : memref<16x1792xf32, #tpu.memory_space<vmem>>[vector<16xi32>, vector<16xi32>], vector<16xf32>,
          %parallel_loop3A_296 = arith.constant 0 : i32
          %parallel_loop3A_297 = arith.constant 6 : i32
          %parallel_loop3A_298 = arith.index_cast %parallel_loop3A_296 : i32 to index
          %parallel_loop3A_299 = arith.index_cast %parallel_loop3A_297 : i32 to index
          %parallel_loop3A_300 = arith.index_cast %parallel_loop3A_118 : i32 to index
          %parallel_loop3A_301 = tpu.vector_load %arg8[%parallel_loop3A_298, %parallel_loop3A_299, %parallel_loop3A_300] {strides = array<i32>} : memref<2x16x896xf32, #tpu.memory_space<vmem>>, vector<16xf32>,
          tpu.vector_store %arg8[%parallel_loop3A_298, %parallel_loop3A_299, %parallel_loop3A_300], %parallel_loop3A_289 {strides = array<i32>} : memref<2x16x896xf32, #tpu.memory_space<vmem>>, vector<16xf32>,
          %parallel_loop3A_302 = arith.constant 0 : i32
          %parallel_loop3A_303 = arith.constant 6 : i32
          %parallel_loop3A_304 = arith.index_cast %parallel_loop3A_302 : i32 to index
          %parallel_loop3A_305 = arith.index_cast %parallel_loop3A_303 : i32 to index
          %parallel_loop3A_306 = arith.index_cast %parallel_loop3A_118 : i32 to index
          %parallel_loop3A_307 = tpu.vector_load %arg9[%parallel_loop3A_304, %parallel_loop3A_305, %parallel_loop3A_306] {strides = array<i32>} : memref<2x16x896xf32, #tpu.memory_space<vmem>>, vector<16xf32>,
          tpu.vector_store %arg9[%parallel_loop3A_304, %parallel_loop3A_305, %parallel_loop3A_306], %parallel_loop3A_295 {strides = array<i32>} : memref<2x16x896xf32, #tpu.memory_space<vmem>>, vector<16xf32>,
          %parallel_loop3A_308 = arith.constant 7 : i32
          %parallel_loop3A_309 = vector.broadcast %parallel_loop3A_308 : i32 to vector<16xi32>
          %parallel_loop3A_310 = arith.constant 0 : i32
          %parallel_loop3A_311 = arith.constant 0 : i32
          %parallel_loop3A_312 = arith.constant 0 : i32
          %parallel_loop3A_313 = tpu.memref_slice %arg6[%parallel_loop3A_310, %parallel_loop3A_311, %parallel_loop3A_312] : memref<2x16x1792xf32, #tpu.memory_space<vmem>> -> memref<1x16x1792xf32, #tpu.memory_space<vmem>>
          %parallel_loop3A_314 = tpu.memref_squeeze %parallel_loop3A_313 : memref<1x16x1792xf32, #tpu.memory_space<vmem>> -> memref<16x1792xf32, #tpu.memory_space<vmem>>
          %parallel_loop3A_315 = tpu.vector_load_idx %parallel_loop3A_314[%parallel_loop3A_309, %parallel_loop3A_122] : memref<16x1792xf32, #tpu.memory_space<vmem>>[vector<16xi32>, vector<16xi32>], vector<16xf32>,
          %parallel_loop3A_316 = arith.constant 0 : i32
          %parallel_loop3A_317 = arith.constant 0 : i32
          %parallel_loop3A_318 = arith.constant 0 : i32
          %parallel_loop3A_319 = tpu.memref_slice %arg6[%parallel_loop3A_316, %parallel_loop3A_317, %parallel_loop3A_318] : memref<2x16x1792xf32, #tpu.memory_space<vmem>> -> memref<1x16x1792xf32, #tpu.memory_space<vmem>>
          %parallel_loop3A_320 = tpu.memref_squeeze %parallel_loop3A_319 : memref<1x16x1792xf32, #tpu.memory_space<vmem>> -> memref<16x1792xf32, #tpu.memory_space<vmem>>
          %parallel_loop3A_321 = tpu.vector_load_idx %parallel_loop3A_320[%parallel_loop3A_309, %parallel_loop3A_125] : memref<16x1792xf32, #tpu.memory_space<vmem>>[vector<16xi32>, vector<16xi32>], vector<16xf32>,
          %parallel_loop3A_322 = arith.constant 0 : i32
          %parallel_loop3A_323 = arith.constant 7 : i32
          %parallel_loop3A_324 = arith.index_cast %parallel_loop3A_322 : i32 to index
          %parallel_loop3A_325 = arith.index_cast %parallel_loop3A_323 : i32 to index
          %parallel_loop3A_326 = arith.index_cast %parallel_loop3A_118 : i32 to index
          %parallel_loop3A_327 = tpu.vector_load %arg8[%parallel_loop3A_324, %parallel_loop3A_325, %parallel_loop3A_326] {strides = array<i32>} : memref<2x16x896xf32, #tpu.memory_space<vmem>>, vector<16xf32>,
          tpu.vector_store %arg8[%parallel_loop3A_324, %parallel_loop3A_325, %parallel_loop3A_326], %parallel_loop3A_315 {strides = array<i32>} : memref<2x16x896xf32, #tpu.memory_space<vmem>>, vector<16xf32>,
          %parallel_loop3A_328 = arith.constant 0 : i32
          %parallel_loop3A_329 = arith.constant 7 : i32
          %parallel_loop3A_330 = arith.index_cast %parallel_loop3A_328 : i32 to index
          %parallel_loop3A_331 = arith.index_cast %parallel_loop3A_329 : i32 to index
          %parallel_loop3A_332 = arith.index_cast %parallel_loop3A_118 : i32 to index
          %parallel_loop3A_333 = tpu.vector_load %arg9[%parallel_loop3A_330, %parallel_loop3A_331, %parallel_loop3A_332] {strides = array<i32>} : memref<2x16x896xf32, #tpu.memory_space<vmem>>, vector<16xf32>,
          tpu.vector_store %arg9[%parallel_loop3A_330, %parallel_loop3A_331, %parallel_loop3A_332], %parallel_loop3A_321 {strides = array<i32>} : memref<2x16x896xf32, #tpu.memory_space<vmem>>, vector<16xf32>,
          %parallel_loop3A_334 = arith.constant 8 : i32
          %parallel_loop3A_335 = vector.broadcast %parallel_loop3A_334 : i32 to vector<16xi32>
          %parallel_loop3A_336 = arith.constant 0 : i32
          %parallel_loop3A_337 = arith.constant 0 : i32
          %parallel_loop3A_338 = arith.constant 0 : i32
          %parallel_loop3A_339 = tpu.memref_slice %arg6[%parallel_loop3A_336, %parallel_loop3A_337, %parallel_loop3A_338] : memref<2x16x1792xf32, #tpu.memory_space<vmem>> -> memref<1x16x1792xf32, #tpu.memory_space<vmem>>
          %parallel_loop3A_340 = tpu.memref_squeeze %parallel_loop3A_339 : memref<1x16x1792xf32, #tpu.memory_space<vmem>> -> memref<16x1792xf32, #tpu.memory_space<vmem>>
          %parallel_loop3A_341 = tpu.vector_load_idx %parallel_loop3A_340[%parallel_loop3A_335, %parallel_loop3A_122] : memref<16x1792xf32, #tpu.memory_space<vmem>>[vector<16xi32>, vector<16xi32>], vector<16xf32>,
          %parallel_loop3A_342 = arith.constant 0 : i32
          %parallel_loop3A_343 = arith.constant 0 : i32
          %parallel_loop3A_344 = arith.constant 0 : i32
          %parallel_loop3A_345 = tpu.memref_slice %arg6[%parallel_loop3A_342, %parallel_loop3A_343, %parallel_loop3A_344] : memref<2x16x1792xf32, #tpu.memory_space<vmem>> -> memref<1x16x1792xf32, #tpu.memory_space<vmem>>
          %parallel_loop3A_346 = tpu.memref_squeeze %parallel_loop3A_345 : memref<1x16x1792xf32, #tpu.memory_space<vmem>> -> memref<16x1792xf32, #tpu.memory_space<vmem>>
          %parallel_loop3A_347 = tpu.vector_load_idx %parallel_loop3A_346[%parallel_loop3A_335, %parallel_loop3A_125] : memref<16x1792xf32, #tpu.memory_space<vmem>>[vector<16xi32>, vector<16xi32>], vector<16xf32>,
          %parallel_loop3A_348 = arith.constant 0 : i32
          %parallel_loop3A_349 = arith.constant 8 : i32
          %parallel_loop3A_350 = arith.index_cast %parallel_loop3A_348 : i32 to index
          %parallel_loop3A_351 = arith.index_cast %parallel_loop3A_349 : i32 to index
          %parallel_loop3A_352 = arith.index_cast %parallel_loop3A_118 : i32 to index
          %parallel_loop3A_353 = tpu.vector_load %arg8[%parallel_loop3A_350, %parallel_loop3A_351, %parallel_loop3A_352] {strides = array<i32>} : memref<2x16x896xf32, #tpu.memory_space<vmem>>, vector<16xf32>,
          tpu.vector_store %arg8[%parallel_loop3A_350, %parallel_loop3A_351, %parallel_loop3A_352], %parallel_loop3A_341 {strides = array<i32>} : memref<2x16x896xf32, #tpu.memory_space<vmem>>, vector<16xf32>,
          %parallel_loop3A_354 = arith.constant 0 : i32
          %parallel_loop3A_355 = arith.constant 8 : i32
          %parallel_loop3A_356 = arith.index_cast %parallel_loop3A_354 : i32 to index
          %parallel_loop3A_357 = arith.index_cast %parallel_loop3A_355 : i32 to index
          %parallel_loop3A_358 = arith.index_cast %parallel_loop3A_118 : i32 to index
          %parallel_loop3A_359 = tpu.vector_load %arg9[%parallel_loop3A_356, %parallel_loop3A_357, %parallel_loop3A_358] {strides = array<i32>} : memref<2x16x896xf32, #tpu.memory_space<vmem>>, vector<16xf32>,
          tpu.vector_store %arg9[%parallel_loop3A_356, %parallel_loop3A_357, %parallel_loop3A_358], %parallel_loop3A_347 {strides = array<i32>} : memref<2x16x896xf32, #tpu.memory_space<vmem>>, vector<16xf32>,
          %parallel_loop3A_360 = arith.constant 9 : i32
          %parallel_loop3A_361 = vector.broadcast %parallel_loop3A_360 : i32 to vector<16xi32>
          %parallel_loop3A_362 = arith.constant 0 : i32
          %parallel_loop3A_363 = arith.constant 0 : i32
          %parallel_loop3A_364 = arith.constant 0 : i32
          %parallel_loop3A_365 = tpu.memref_slice %arg6[%parallel_loop3A_362, %parallel_loop3A_363, %parallel_loop3A_364] : memref<2x16x1792xf32, #tpu.memory_space<vmem>> -> memref<1x16x1792xf32, #tpu.memory_space<vmem>>
          %parallel_loop3A_366 = tpu.memref_squeeze %parallel_loop3A_365 : memref<1x16x1792xf32, #tpu.memory_space<vmem>> -> memref<16x1792xf32, #tpu.memory_space<vmem>>
          %parallel_loop3A_367 = tpu.vector_load_idx %parallel_loop3A_366[%parallel_loop3A_361, %parallel_loop3A_122] : memref<16x1792xf32, #tpu.memory_space<vmem>>[vector<16xi32>, vector<16xi32>], vector<16xf32>,
          %parallel_loop3A_368 = arith.constant 0 : i32
          %parallel_loop3A_369 = arith.constant 0 : i32
          %parallel_loop3A_370 = arith.constant 0 : i32
          %parallel_loop3A_371 = tpu.memref_slice %arg6[%parallel_loop3A_368, %parallel_loop3A_369, %parallel_loop3A_370] : memref<2x16x1792xf32, #tpu.memory_space<vmem>> -> memref<1x16x1792xf32, #tpu.memory_space<vmem>>
          %parallel_loop3A_372 = tpu.memref_squeeze %parallel_loop3A_371 : memref<1x16x1792xf32, #tpu.memory_space<vmem>> -> memref<16x1792xf32, #tpu.memory_space<vmem>>
          %parallel_loop3A_373 = tpu.vector_load_idx %parallel_loop3A_372[%parallel_loop3A_361, %parallel_loop3A_125] : memref<16x1792xf32, #tpu.memory_space<vmem>>[vector<16xi32>, vector<16xi32>], vector<16xf32>,
          %parallel_loop3A_374 = arith.constant 0 : i32
          %parallel_loop3A_375 = arith.constant 9 : i32
          %parallel_loop3A_376 = arith.index_cast %parallel_loop3A_374 : i32 to index
          %parallel_loop3A_377 = arith.index_cast %parallel_loop3A_375 : i32 to index
          %parallel_loop3A_378 = arith.index_cast %parallel_loop3A_118 : i32 to index
          %parallel_loop3A_379 = tpu.vector_load %arg8[%parallel_loop3A_376, %parallel_loop3A_377, %parallel_loop3A_378] {strides = array<i32>} : memref<2x16x896xf32, #tpu.memory_space<vmem>>, vector<16xf32>,
          tpu.vector_store %arg8[%parallel_loop3A_376, %parallel_loop3A_377, %parallel_loop3A_378], %parallel_loop3A_367 {strides = array<i32>} : memref<2x16x896xf32, #tpu.memory_space<vmem>>, vector<16xf32>,
          %parallel_loop3A_380 = arith.constant 0 : i32
          %parallel_loop3A_381 = arith.constant 9 : i32
          %parallel_loop3A_382 = arith.index_cast %parallel_loop3A_380 : i32 to index
          %parallel_loop3A_383 = arith.index_cast %parallel_loop3A_381 : i32 to index
          %parallel_loop3A_384 = arith.index_cast %parallel_loop3A_118 : i32 to index
          %parallel_loop3A_385 = tpu.vector_load %arg9[%parallel_loop3A_382, %parallel_loop3A_383, %parallel_loop3A_384] {strides = array<i32>} : memref<2x16x896xf32, #tpu.memory_space<vmem>>, vector<16xf32>,
          tpu.vector_store %arg9[%parallel_loop3A_382, %parallel_loop3A_383, %parallel_loop3A_384], %parallel_loop3A_373 {strides = array<i32>} : memref<2x16x896xf32, #tpu.memory_space<vmem>>, vector<16xf32>,
          %parallel_loop3A_386 = arith.constant 10 : i32
          %parallel_loop3A_387 = vector.broadcast %parallel_loop3A_386 : i32 to vector<16xi32>
          %parallel_loop3A_388 = arith.constant 0 : i32
          %parallel_loop3A_389 = arith.constant 0 : i32
          %parallel_loop3A_390 = arith.constant 0 : i32
          %parallel_loop3A_391 = tpu.memref_slice %arg6[%parallel_loop3A_388, %parallel_loop3A_389, %parallel_loop3A_390] : memref<2x16x1792xf32, #tpu.memory_space<vmem>> -> memref<1x16x1792xf32, #tpu.memory_space<vmem>>
          %parallel_loop3A_392 = tpu.memref_squeeze %parallel_loop3A_391 : memref<1x16x1792xf32, #tpu.memory_space<vmem>> -> memref<16x1792xf32, #tpu.memory_space<vmem>>
          %parallel_loop3A_393 = tpu.vector_load_idx %parallel_loop3A_392[%parallel_loop3A_387, %parallel_loop3A_122] : memref<16x1792xf32, #tpu.memory_space<vmem>>[vector<16xi32>, vector<16xi32>], vector<16xf32>,
          %parallel_loop3A_394 = arith.constant 0 : i32
          %parallel_loop3A_395 = arith.constant 0 : i32
          %parallel_loop3A_396 = arith.constant 0 : i32
          %parallel_loop3A_397 = tpu.memref_slice %arg6[%parallel_loop3A_394, %parallel_loop3A_395, %parallel_loop3A_396] : memref<2x16x1792xf32, #tpu.memory_space<vmem>> -> memref<1x16x1792xf32, #tpu.memory_space<vmem>>
          %parallel_loop3A_398 = tpu.memref_squeeze %parallel_loop3A_397 : memref<1x16x1792xf32, #tpu.memory_space<vmem>> -> memref<16x1792xf32, #tpu.memory_space<vmem>>
          %parallel_loop3A_399 = tpu.vector_load_idx %parallel_loop3A_398[%parallel_loop3A_387, %parallel_loop3A_125] : memref<16x1792xf32, #tpu.memory_space<vmem>>[vector<16xi32>, vector<16xi32>], vector<16xf32>,
          %parallel_loop3A_400 = arith.constant 0 : i32
          %parallel_loop3A_401 = arith.constant 10 : i32
          %parallel_loop3A_402 = arith.index_cast %parallel_loop3A_400 : i32 to index
          %parallel_loop3A_403 = arith.index_cast %parallel_loop3A_401 : i32 to index
          %parallel_loop3A_404 = arith.index_cast %parallel_loop3A_118 : i32 to index
          %parallel_loop3A_405 = tpu.vector_load %arg8[%parallel_loop3A_402, %parallel_loop3A_403, %parallel_loop3A_404] {strides = array<i32>} : memref<2x16x896xf32, #tpu.memory_space<vmem>>, vector<16xf32>,
          tpu.vector_store %arg8[%parallel_loop3A_402, %parallel_loop3A_403, %parallel_loop3A_404], %parallel_loop3A_393 {strides = array<i32>} : memref<2x16x896xf32, #tpu.memory_space<vmem>>, vector<16xf32>,
          %parallel_loop3A_406 = arith.constant 0 : i32
          %parallel_loop3A_407 = arith.constant 10 : i32
          %parallel_loop3A_408 = arith.index_cast %parallel_loop3A_406 : i32 to index
          %parallel_loop3A_409 = arith.index_cast %parallel_loop3A_407 : i32 to index
          %parallel_loop3A_410 = arith.index_cast %parallel_loop3A_118 : i32 to index
          %parallel_loop3A_411 = tpu.vector_load %arg9[%parallel_loop3A_408, %parallel_loop3A_409, %parallel_loop3A_410] {strides = array<i32>} : memref<2x16x896xf32, #tpu.memory_space<vmem>>, vector<16xf32>,
          tpu.vector_store %arg9[%parallel_loop3A_408, %parallel_loop3A_409, %parallel_loop3A_410], %parallel_loop3A_399 {strides = array<i32>} : memref<2x16x896xf32, #tpu.memory_space<vmem>>, vector<16xf32>,
          %parallel_loop3A_412 = arith.constant 11 : i32
          %parallel_loop3A_413 = vector.broadcast %parallel_loop3A_412 : i32 to vector<16xi32>
          %parallel_loop3A_414 = arith.constant 0 : i32
          %parallel_loop3A_415 = arith.constant 0 : i32
          %parallel_loop3A_416 = arith.constant 0 : i32
          %parallel_loop3A_417 = tpu.memref_slice %arg6[%parallel_loop3A_414, %parallel_loop3A_415, %parallel_loop3A_416] : memref<2x16x1792xf32, #tpu.memory_space<vmem>> -> memref<1x16x1792xf32, #tpu.memory_space<vmem>>
          %parallel_loop3A_418 = tpu.memref_squeeze %parallel_loop3A_417 : memref<1x16x1792xf32, #tpu.memory_space<vmem>> -> memref<16x1792xf32, #tpu.memory_space<vmem>>
          %parallel_loop3A_419 = tpu.vector_load_idx %parallel_loop3A_418[%parallel_loop3A_413, %parallel_loop3A_122] : memref<16x1792xf32, #tpu.memory_space<vmem>>[vector<16xi32>, vector<16xi32>], vector<16xf32>,
          %parallel_loop3A_420 = arith.constant 0 : i32
          %parallel_loop3A_421 = arith.constant 0 : i32
          %parallel_loop3A_422 = arith.constant 0 : i32
          %parallel_loop3A_423 = tpu.memref_slice %arg6[%parallel_loop3A_420, %parallel_loop3A_421, %parallel_loop3A_422] : memref<2x16x1792xf32, #tpu.memory_space<vmem>> -> memref<1x16x1792xf32, #tpu.memory_space<vmem>>
          %parallel_loop3A_424 = tpu.memref_squeeze %parallel_loop3A_423 : memref<1x16x1792xf32, #tpu.memory_space<vmem>> -> memref<16x1792xf32, #tpu.memory_space<vmem>>
          %parallel_loop3A_425 = tpu.vector_load_idx %parallel_loop3A_424[%parallel_loop3A_413, %parallel_loop3A_125] : memref<16x1792xf32, #tpu.memory_space<vmem>>[vector<16xi32>, vector<16xi32>], vector<16xf32>,
          %parallel_loop3A_426 = arith.constant 0 : i32
          %parallel_loop3A_427 = arith.constant 11 : i32
          %parallel_loop3A_428 = arith.index_cast %parallel_loop3A_426 : i32 to index
          %parallel_loop3A_429 = arith.index_cast %parallel_loop3A_427 : i32 to index
          %parallel_loop3A_430 = arith.index_cast %parallel_loop3A_118 : i32 to index
          %parallel_loop3A_431 = tpu.vector_load %arg8[%parallel_loop3A_428, %parallel_loop3A_429, %parallel_loop3A_430] {strides = array<i32>} : memref<2x16x896xf32, #tpu.memory_space<vmem>>, vector<16xf32>,
          tpu.vector_store %arg8[%parallel_loop3A_428, %parallel_loop3A_429, %parallel_loop3A_430], %parallel_loop3A_419 {strides = array<i32>} : memref<2x16x896xf32, #tpu.memory_space<vmem>>, vector<16xf32>,
          %parallel_loop3A_432 = arith.constant 0 : i32
          %parallel_loop3A_433 = arith.constant 11 : i32
          %parallel_loop3A_434 = arith.index_cast %parallel_loop3A_432 : i32 to index
          %parallel_loop3A_435 = arith.index_cast %parallel_loop3A_433 : i32 to index
          %parallel_loop3A_436 = arith.index_cast %parallel_loop3A_118 : i32 to index
          %parallel_loop3A_437 = tpu.vector_load %arg9[%parallel_loop3A_434, %parallel_loop3A_435, %parallel_loop3A_436] {strides = array<i32>} : memref<2x16x896xf32, #tpu.memory_space<vmem>>, vector<16xf32>,
          tpu.vector_store %arg9[%parallel_loop3A_434, %parallel_loop3A_435, %parallel_loop3A_436], %parallel_loop3A_425 {strides = array<i32>} : memref<2x16x896xf32, #tpu.memory_space<vmem>>, vector<16xf32>,
          %parallel_loop3A_438 = arith.constant 12 : i32
          %parallel_loop3A_439 = vector.broadcast %parallel_loop3A_438 : i32 to vector<16xi32>
          %parallel_loop3A_440 = arith.constant 0 : i32
          %parallel_loop3A_441 = arith.constant 0 : i32
          %parallel_loop3A_442 = arith.constant 0 : i32
          %parallel_loop3A_443 = tpu.memref_slice %arg6[%parallel_loop3A_440, %parallel_loop3A_441, %parallel_loop3A_442] : memref<2x16x1792xf32, #tpu.memory_space<vmem>> -> memref<1x16x1792xf32, #tpu.memory_space<vmem>>
          %parallel_loop3A_444 = tpu.memref_squeeze %parallel_loop3A_443 : memref<1x16x1792xf32, #tpu.memory_space<vmem>> -> memref<16x1792xf32, #tpu.memory_space<vmem>>
          %parallel_loop3A_445 = tpu.vector_load_idx %parallel_loop3A_444[%parallel_loop3A_439, %parallel_loop3A_122] : memref<16x1792xf32, #tpu.memory_space<vmem>>[vector<16xi32>, vector<16xi32>], vector<16xf32>,
          %parallel_loop3A_446 = arith.constant 0 : i32
          %parallel_loop3A_447 = arith.constant 0 : i32
          %parallel_loop3A_448 = arith.constant 0 : i32
          %parallel_loop3A_449 = tpu.memref_slice %arg6[%parallel_loop3A_446, %parallel_loop3A_447, %parallel_loop3A_448] : memref<2x16x1792xf32, #tpu.memory_space<vmem>> -> memref<1x16x1792xf32, #tpu.memory_space<vmem>>
          %parallel_loop3A_450 = tpu.memref_squeeze %parallel_loop3A_449 : memref<1x16x1792xf32, #tpu.memory_space<vmem>> -> memref<16x1792xf32, #tpu.memory_space<vmem>>
          %parallel_loop3A_451 = tpu.vector_load_idx %parallel_loop3A_450[%parallel_loop3A_439, %parallel_loop3A_125] : memref<16x1792xf32, #tpu.memory_space<vmem>>[vector<16xi32>, vector<16xi32>], vector<16xf32>,
          %parallel_loop3A_452 = arith.constant 0 : i32
          %parallel_loop3A_453 = arith.constant 12 : i32
          %parallel_loop3A_454 = arith.index_cast %parallel_loop3A_452 : i32 to index
          %parallel_loop3A_455 = arith.index_cast %parallel_loop3A_453 : i32 to index
          %parallel_loop3A_456 = arith.index_cast %parallel_loop3A_118 : i32 to index
          %parallel_loop3A_457 = tpu.vector_load %arg8[%parallel_loop3A_454, %parallel_loop3A_455, %parallel_loop3A_456] {strides = array<i32>} : memref<2x16x896xf32, #tpu.memory_space<vmem>>, vector<16xf32>,
          tpu.vector_store %arg8[%parallel_loop3A_454, %parallel_loop3A_455, %parallel_loop3A_456], %parallel_loop3A_445 {strides = array<i32>} : memref<2x16x896xf32, #tpu.memory_space<vmem>>, vector<16xf32>,
          %parallel_loop3A_458 = arith.constant 0 : i32
          %parallel_loop3A_459 = arith.constant 12 : i32
          %parallel_loop3A_460 = arith.index_cast %parallel_loop3A_458 : i32 to index
          %parallel_loop3A_461 = arith.index_cast %parallel_loop3A_459 : i32 to index
          %parallel_loop3A_462 = arith.index_cast %parallel_loop3A_118 : i32 to index
          %parallel_loop3A_463 = tpu.vector_load %arg9[%parallel_loop3A_460, %parallel_loop3A_461, %parallel_loop3A_462] {strides = array<i32>} : memref<2x16x896xf32, #tpu.memory_space<vmem>>, vector<16xf32>,
          tpu.vector_store %arg9[%parallel_loop3A_460, %parallel_loop3A_461, %parallel_loop3A_462], %parallel_loop3A_451 {strides = array<i32>} : memref<2x16x896xf32, #tpu.memory_space<vmem>>, vector<16xf32>,
          %parallel_loop3A_464 = arith.constant 13 : i32
          %parallel_loop3A_465 = vector.broadcast %parallel_loop3A_464 : i32 to vector<16xi32>
          %parallel_loop3A_466 = arith.constant 0 : i32
          %parallel_loop3A_467 = arith.constant 0 : i32
          %parallel_loop3A_468 = arith.constant 0 : i32
          %parallel_loop3A_469 = tpu.memref_slice %arg6[%parallel_loop3A_466, %parallel_loop3A_467, %parallel_loop3A_468] : memref<2x16x1792xf32, #tpu.memory_space<vmem>> -> memref<1x16x1792xf32, #tpu.memory_space<vmem>>
          %parallel_loop3A_470 = tpu.memref_squeeze %parallel_loop3A_469 : memref<1x16x1792xf32, #tpu.memory_space<vmem>> -> memref<16x1792xf32, #tpu.memory_space<vmem>>
          %parallel_loop3A_471 = tpu.vector_load_idx %parallel_loop3A_470[%parallel_loop3A_465, %parallel_loop3A_122] : memref<16x1792xf32, #tpu.memory_space<vmem>>[vector<16xi32>, vector<16xi32>], vector<16xf32>,
          %parallel_loop3A_472 = arith.constant 0 : i32
          %parallel_loop3A_473 = arith.constant 0 : i32
          %parallel_loop3A_474 = arith.constant 0 : i32
          %parallel_loop3A_475 = tpu.memref_slice %arg6[%parallel_loop3A_472, %parallel_loop3A_473, %parallel_loop3A_474] : memref<2x16x1792xf32, #tpu.memory_space<vmem>> -> memref<1x16x1792xf32, #tpu.memory_space<vmem>>
          %parallel_loop3A_476 = tpu.memref_squeeze %parallel_loop3A_475 : memref<1x16x1792xf32, #tpu.memory_space<vmem>> -> memref<16x1792xf32, #tpu.memory_space<vmem>>
          %parallel_loop3A_477 = tpu.vector_load_idx %parallel_loop3A_476[%parallel_loop3A_465, %parallel_loop3A_125] : memref<16x1792xf32, #tpu.memory_space<vmem>>[vector<16xi32>, vector<16xi32>], vector<16xf32>,
          %parallel_loop3A_478 = arith.constant 0 : i32
          %parallel_loop3A_479 = arith.constant 13 : i32
          %parallel_loop3A_480 = arith.index_cast %parallel_loop3A_478 : i32 to index
          %parallel_loop3A_481 = arith.index_cast %parallel_loop3A_479 : i32 to index
          %parallel_loop3A_482 = arith.index_cast %parallel_loop3A_118 : i32 to index
          %parallel_loop3A_483 = tpu.vector_load %arg8[%parallel_loop3A_480, %parallel_loop3A_481, %parallel_loop3A_482] {strides = array<i32>} : memref<2x16x896xf32, #tpu.memory_space<vmem>>, vector<16xf32>,
          tpu.vector_store %arg8[%parallel_loop3A_480, %parallel_loop3A_481, %parallel_loop3A_482], %parallel_loop3A_471 {strides = array<i32>} : memref<2x16x896xf32, #tpu.memory_space<vmem>>, vector<16xf32>,
          %parallel_loop3A_484 = arith.constant 0 : i32
          %parallel_loop3A_485 = arith.constant 13 : i32
          %parallel_loop3A_486 = arith.index_cast %parallel_loop3A_484 : i32 to index
          %parallel_loop3A_487 = arith.index_cast %parallel_loop3A_485 : i32 to index
          %parallel_loop3A_488 = arith.index_cast %parallel_loop3A_118 : i32 to index
          %parallel_loop3A_489 = tpu.vector_load %arg9[%parallel_loop3A_486, %parallel_loop3A_487, %parallel_loop3A_488] {strides = array<i32>} : memref<2x16x896xf32, #tpu.memory_space<vmem>>, vector<16xf32>,
          tpu.vector_store %arg9[%parallel_loop3A_486, %parallel_loop3A_487, %parallel_loop3A_488], %parallel_loop3A_477 {strides = array<i32>} : memref<2x16x896xf32, #tpu.memory_space<vmem>>, vector<16xf32>,
          %parallel_loop3A_490 = arith.constant 14 : i32
          %parallel_loop3A_491 = vector.broadcast %parallel_loop3A_490 : i32 to vector<16xi32>
          %parallel_loop3A_492 = arith.constant 0 : i32
          %parallel_loop3A_493 = arith.constant 0 : i32
          %parallel_loop3A_494 = arith.constant 0 : i32
          %parallel_loop3A_495 = tpu.memref_slice %arg6[%parallel_loop3A_492, %parallel_loop3A_493, %parallel_loop3A_494] : memref<2x16x1792xf32, #tpu.memory_space<vmem>> -> memref<1x16x1792xf32, #tpu.memory_space<vmem>>
          %parallel_loop3A_496 = tpu.memref_squeeze %parallel_loop3A_495 : memref<1x16x1792xf32, #tpu.memory_space<vmem>> -> memref<16x1792xf32, #tpu.memory_space<vmem>>
          %parallel_loop3A_497 = tpu.vector_load_idx %parallel_loop3A_496[%parallel_loop3A_491, %parallel_loop3A_122] : memref<16x1792xf32, #tpu.memory_space<vmem>>[vector<16xi32>, vector<16xi32>], vector<16xf32>,
          %parallel_loop3A_498 = arith.constant 0 : i32
          %parallel_loop3A_499 = arith.constant 0 : i32
          %parallel_loop3A_500 = arith.constant 0 : i32
          %parallel_loop3A_501 = tpu.memref_slice %arg6[%parallel_loop3A_498, %parallel_loop3A_499, %parallel_loop3A_500] : memref<2x16x1792xf32, #tpu.memory_space<vmem>> -> memref<1x16x1792xf32, #tpu.memory_space<vmem>>
          %parallel_loop3A_502 = tpu.memref_squeeze %parallel_loop3A_501 : memref<1x16x1792xf32, #tpu.memory_space<vmem>> -> memref<16x1792xf32, #tpu.memory_space<vmem>>
          %parallel_loop3A_503 = tpu.vector_load_idx %parallel_loop3A_502[%parallel_loop3A_491, %parallel_loop3A_125] : memref<16x1792xf32, #tpu.memory_space<vmem>>[vector<16xi32>, vector<16xi32>], vector<16xf32>,
          %parallel_loop3A_504 = arith.constant 0 : i32
          %parallel_loop3A_505 = arith.constant 14 : i32
          %parallel_loop3A_506 = arith.index_cast %parallel_loop3A_504 : i32 to index
          %parallel_loop3A_507 = arith.index_cast %parallel_loop3A_505 : i32 to index
          %parallel_loop3A_508 = arith.index_cast %parallel_loop3A_118 : i32 to index
          %parallel_loop3A_509 = tpu.vector_load %arg8[%parallel_loop3A_506, %parallel_loop3A_507, %parallel_loop3A_508] {strides = array<i32>} : memref<2x16x896xf32, #tpu.memory_space<vmem>>, vector<16xf32>,
          tpu.vector_store %arg8[%parallel_loop3A_506, %parallel_loop3A_507, %parallel_loop3A_508], %parallel_loop3A_497 {strides = array<i32>} : memref<2x16x896xf32, #tpu.memory_space<vmem>>, vector<16xf32>,
          %parallel_loop3A_510 = arith.constant 0 : i32
          %parallel_loop3A_511 = arith.constant 14 : i32
          %parallel_loop3A_512 = arith.index_cast %parallel_loop3A_510 : i32 to index
          %parallel_loop3A_513 = arith.index_cast %parallel_loop3A_511 : i32 to index
          %parallel_loop3A_514 = arith.index_cast %parallel_loop3A_118 : i32 to index
          %parallel_loop3A_515 = tpu.vector_load %arg9[%parallel_loop3A_512, %parallel_loop3A_513, %parallel_loop3A_514] {strides = array<i32>} : memref<2x16x896xf32, #tpu.memory_space<vmem>>, vector<16xf32>,
          tpu.vector_store %arg9[%parallel_loop3A_512, %parallel_loop3A_513, %parallel_loop3A_514], %parallel_loop3A_503 {strides = array<i32>} : memref<2x16x896xf32, #tpu.memory_space<vmem>>, vector<16xf32>,
          %parallel_loop3A_516 = arith.constant 15 : i32
          %parallel_loop3A_517 = vector.broadcast %parallel_loop3A_516 : i32 to vector<16xi32>
          %parallel_loop3A_518 = arith.constant 0 : i32
          %parallel_loop3A_519 = arith.constant 0 : i32
          %parallel_loop3A_520 = arith.constant 0 : i32
          %parallel_loop3A_521 = tpu.memref_slice %arg6[%parallel_loop3A_518, %parallel_loop3A_519, %parallel_loop3A_520] : memref<2x16x1792xf32, #tpu.memory_space<vmem>> -> memref<1x16x1792xf32, #tpu.memory_space<vmem>>
          %parallel_loop3A_522 = tpu.memref_squeeze %parallel_loop3A_521 : memref<1x16x1792xf32, #tpu.memory_space<vmem>> -> memref<16x1792xf32, #tpu.memory_space<vmem>>
          %parallel_loop3A_523 = tpu.vector_load_idx %parallel_loop3A_522[%parallel_loop3A_517, %parallel_loop3A_122] : memref<16x1792xf32, #tpu.memory_space<vmem>>[vector<16xi32>, vector<16xi32>], vector<16xf32>,
          %parallel_loop3A_524 = arith.constant 0 : i32
          %parallel_loop3A_525 = arith.constant 0 : i32
          %parallel_loop3A_526 = arith.constant 0 : i32
          %parallel_loop3A_527 = tpu.memref_slice %arg6[%parallel_loop3A_524, %parallel_loop3A_525, %parallel_loop3A_526] : memref<2x16x1792xf32, #tpu.memory_space<vmem>> -> memref<1x16x1792xf32, #tpu.memory_space<vmem>>
          %parallel_loop3A_528 = tpu.memref_squeeze %parallel_loop3A_527 : memref<1x16x1792xf32, #tpu.memory_space<vmem>> -> memref<16x1792xf32, #tpu.memory_space<vmem>>
          %parallel_loop3A_529 = tpu.vector_load_idx %parallel_loop3A_528[%parallel_loop3A_517, %parallel_loop3A_125] : memref<16x1792xf32, #tpu.memory_space<vmem>>[vector<16xi32>, vector<16xi32>], vector<16xf32>,
          %parallel_loop3A_530 = arith.constant 0 : i32
          %parallel_loop3A_531 = arith.constant 15 : i32
          %parallel_loop3A_532 = arith.index_cast %parallel_loop3A_530 : i32 to index
          %parallel_loop3A_533 = arith.index_cast %parallel_loop3A_531 : i32 to index
          %parallel_loop3A_534 = arith.index_cast %parallel_loop3A_118 : i32 to index
          %parallel_loop3A_535 = tpu.vector_load %arg8[%parallel_loop3A_532, %parallel_loop3A_533, %parallel_loop3A_534] {strides = array<i32>} : memref<2x16x896xf32, #tpu.memory_space<vmem>>, vector<16xf32>,
          tpu.vector_store %arg8[%parallel_loop3A_532, %parallel_loop3A_533, %parallel_loop3A_534], %parallel_loop3A_523 {strides = array<i32>} : memref<2x16x896xf32, #tpu.memory_space<vmem>>, vector<16xf32>,
          %parallel_loop3A_536 = arith.constant 0 : i32
          %parallel_loop3A_537 = arith.constant 15 : i32
          %parallel_loop3A_538 = arith.index_cast %parallel_loop3A_536 : i32 to index
          %parallel_loop3A_539 = arith.index_cast %parallel_loop3A_537 : i32 to index
          %parallel_loop3A_540 = arith.index_cast %parallel_loop3A_118 : i32 to index
          %parallel_loop3A_541 = tpu.vector_load %arg9[%parallel_loop3A_538, %parallel_loop3A_539, %parallel_loop3A_540] {strides = array<i32>} : memref<2x16x896xf32, #tpu.memory_space<vmem>>, vector<16xf32>,
          tpu.vector_store %arg9[%parallel_loop3A_538, %parallel_loop3A_539, %parallel_loop3A_540], %parallel_loop3A_529 {strides = array<i32>} : memref<2x16x896xf32, #tpu.memory_space<vmem>>, vector<16xf32>,
        } {sc.loop_unroll_factor = 4 : i64, sc.parallel_access}
        %mul3A_88 = arith.constant 32 : i32
        %mul3A_89 = arith.muli %mul3A_88, %add3A_12 : i32
        %add3A_90 = arith.addi %add3A, %mul3A_89 : i32
        %mul3A_91 = arith.constant 896 : i32
        %mul3A_92 = arith.muli %add3A_90, %mul3A_91 : i32
        %multiple_of3A = tpu.assume_multiple %mul3A_92, 896 : i32
        %dma_start3A = arith.constant 0 : i32
        %dma_start3A_93 = arith.constant 0 : i32
        %dma_start3A_94 = arith.constant 0 : i32
        %dma_start3A_95 = tpu.memref_slice %arg8[%dma_start3A, %dma_start3A_93, %dma_start3A_94] : memref<2x16x896xf32, #tpu.memory_space<vmem>> -> memref<1x16x896xf32, #tpu.memory_space<vmem>>
        %dma_start3A_96 = tpu.memref_squeeze %dma_start3A_95 : memref<1x16x896xf32, #tpu.memory_space<vmem>> -> memref<16x896xf32, #tpu.memory_space<vmem>>
        %dma_start3A_97 = arith.constant 0 : i32
        %dma_start3A_98 = tpu.memref_slice %arg4[%dma_start3A_97, %multiple_of3A] : memref<16x524160xf32, #tpu.memory_space<hbm>> -> memref<16x896xf32, #tpu.memory_space<hbm>>
        %dma_start3A_99 = arith.constant 0 : i32
        %dma_start3A_100 = tpu.memref_slice %arg4[%dma_start3A_99, %multiple_of3A] : memref<16x524160xf32, #tpu.memory_space<hbm>> -> memref<16x896xf32, #tpu.memory_space<hbm>>
        %dma_start3A_101 = arith.constant 0 : i32
        %dma_start3A_102 = arith.constant 0 : i32
        %dma_start3A_103 = tpu.memref_slice %arg8[%dma_start3A, %dma_start3A_101, %dma_start3A_102] : memref<2x16x896xf32, #tpu.memory_space<vmem>> -> memref<1x16x896xf32, #tpu.memory_space<vmem>>
        %dma_start3A_104 = tpu.memref_squeeze %dma_start3A_103 : memref<1x16x896xf32, #tpu.memory_space<vmem>> -> memref<16x896xf32, #tpu.memory_space<vmem>>
        tpu.enqueue_dma source(%dma_start3A_104 : memref<16x896xf32, #tpu.memory_space<vmem>>) target(%dma_start3A_100 : memref<16x896xf32, #tpu.memory_space<hbm>>) target_semaphore(%arg12 : memref<!tpu.dma_semaphore, #tpu.memory_space<semaphore_mem>>)
        %dma_start3A_105 = arith.constant 0 : i32
        %dma_start3A_106 = arith.constant 0 : i32
        %dma_start3A_107 = arith.constant 0 : i32
        %dma_start3A_108 = tpu.memref_slice %arg9[%dma_start3A_105, %dma_start3A_106, %dma_start3A_107] : memref<2x16x896xf32, #tpu.memory_space<vmem>> -> memref<1x16x896xf32, #tpu.memory_space<vmem>>
        %dma_start3A_109 = tpu.memref_squeeze %dma_start3A_108 : memref<1x16x896xf32, #tpu.memory_space<vmem>> -> memref<16x896xf32, #tpu.memory_space<vmem>>
        %dma_start3A_110 = arith.constant 0 : i32
        %dma_start3A_111 = tpu.memref_slice %arg5[%dma_start3A_110, %multiple_of3A] : memref<16x524160xf32, #tpu.memory_space<hbm>> -> memref<16x896xf32, #tpu.memory_space<hbm>>
        %dma_start3A_112 = arith.constant 0 : i32
        %dma_start3A_113 = tpu.memref_slice %arg5[%dma_start3A_112, %multiple_of3A] : memref<16x524160xf32, #tpu.memory_space<hbm>> -> memref<16x896xf32, #tpu.memory_space<hbm>>
        %dma_start3A_114 = arith.constant 0 : i32
        %dma_start3A_115 = arith.constant 0 : i32
        %dma_start3A_116 = tpu.memref_slice %arg9[%dma_start3A_105, %dma_start3A_114, %dma_start3A_115] : memref<2x16x896xf32, #tpu.memory_space<vmem>> -> memref<1x16x896xf32, #tpu.memory_space<vmem>>
        %dma_start3A_117 = tpu.memref_squeeze %dma_start3A_116 : memref<1x16x896xf32, #tpu.memory_space<vmem>> -> memref<16x896xf32, #tpu.memory_space<vmem>>
        tpu.enqueue_dma source(%dma_start3A_117 : memref<16x896xf32, #tpu.memory_space<vmem>>) target(%dma_start3A_113 : memref<16x896xf32, #tpu.memory_space<hbm>>) target_semaphore(%arg12 : memref<!tpu.dma_semaphore, #tpu.memory_space<semaphore_mem>>)
      } else {
      }
      %mul3A_46 = arith.constant 2 : i32
      %mul3A_47 = arith.muli %mul3A_46, %scan3A_8 : i32
      %add3A_48 = arith.constant 1 : i32
      %add3A_49 = arith.addi %mul3A_47, %add3A_48 : i32
      %mul3A_50 = arith.constant 32 : i32
      %mul3A_51 = arith.muli %mul3A_50, %add3A_49 : i32
      %add3A_52 = arith.addi %add3A, %mul3A_51 : i32
      %lt3A_53 = arith.constant 585 : i32
      %lt3A_54 = arith.cmpi slt, %add3A_52, %lt3A_53 : i32
      %convert_element_type3A_55 = arith.extui %lt3A_54 : i1 to i32
      %cond3A_56 = arith.constant 0 : i32
      %cond3A_57 = arith.cmpi ne, %convert_element_type3A_55, %cond3A_56 : i32
      scf.if %cond3A_57 {
        %mul3A_86 = arith.constant 32 : i32
        %mul3A_87 = arith.muli %mul3A_86, %add3A_49 : i32
        %add3A_88 = arith.addi %add3A, %mul3A_87 : i32
        %mul3A_89 = arith.constant 1792 : i32
        %mul3A_90 = arith.muli %add3A_88, %mul3A_89 : i32
        %multiple_of3A = tpu.assume_multiple %mul3A_90, 1792 : i32
        %mul3A_91 = arith.constant 896 : i32
        %mul3A_92 = arith.muli %add3A_88, %mul3A_91 : i32
        %multiple_of3A_93 = tpu.assume_multiple %mul3A_92, 896 : i32
        %dma_wait3A = arith.constant 1 : i32
        %dma_wait3A_94 = arith.constant 0 : i32
        %dma_wait3A_95 = arith.constant 0 : i32
        %dma_wait3A_96 = tpu.memref_slice %arg6[%dma_wait3A, %dma_wait3A_94, %dma_wait3A_95] : memref<2x16x1792xf32, #tpu.memory_space<vmem>> -> memref<1x16x1792xf32, #tpu.memory_space<vmem>>
        %dma_wait3A_97 = tpu.memref_squeeze %dma_wait3A_96 : memref<1x16x1792xf32, #tpu.memory_space<vmem>> -> memref<16x1792xf32, #tpu.memory_space<vmem>>
        %dma_wait3A_98 = arith.constant 0 : i32
        %dma_wait3A_99 = tpu.memref_slice %arg2[%dma_wait3A_98, %multiple_of3A] : memref<16x1048576xf32, #tpu.memory_space<hbm>> -> memref<16x1792xf32, #tpu.memory_space<hbm>>
        %dma_wait3A_100 = arith.constant 0 : i32
        %dma_wait3A_101 = arith.constant 0 : i32
        %dma_wait3A_102 = tpu.memref_slice %arg6[%dma_wait3A, %dma_wait3A_100, %dma_wait3A_101] : memref<2x16x1792xf32, #tpu.memory_space<vmem>> -> memref<1x16x1792xf32, #tpu.memory_space<vmem>>
        %dma_wait3A_103 = tpu.memref_squeeze %dma_wait3A_102 : memref<1x16x1792xf32, #tpu.memory_space<vmem>> -> memref<16x1792xf32, #tpu.memory_space<vmem>>
        %dma_wait3A_104 = arith.constant 0 : i32
        %dma_wait3A_105 = tpu.memref_slice %arg2[%dma_wait3A_104, %multiple_of3A] : memref<16x1048576xf32, #tpu.memory_space<hbm>> -> memref<16x1792xf32, #tpu.memory_space<hbm>>
        tpu.wait_dma2 semaphore(%arg11 : memref<!tpu.dma_semaphore, #tpu.memory_space<semaphore_mem>>) src(%dma_wait3A_105 : memref<16x1792xf32, #tpu.memory_space<hbm>>) dst(%dma_wait3A_103 : memref<16x1792xf32, #tpu.memory_space<vmem>>)
        %dma_wait3A_106 = arith.constant 1 : i32
        %dma_wait3A_107 = arith.constant 0 : i32
        %dma_wait3A_108 = tpu.memref_slice %arg7[%dma_wait3A_106, %dma_wait3A_107] : memref<2x896xi32, #tpu.memory_space<vmem>> -> memref<1x896xi32, #tpu.memory_space<vmem>>
        %dma_wait3A_109 = tpu.memref_squeeze %dma_wait3A_108 : memref<1x896xi32, #tpu.memory_space<vmem>> -> memref<896xi32, #tpu.memory_space<vmem>>
        %dma_wait3A_110 = tpu.memref_slice %arg3[%multiple_of3A_93] : memref<524160xi32, #tpu.memory_space<hbm>> -> memref<896xi32, #tpu.memory_space<hbm>>
        %dma_wait3A_111 = arith.constant 0 : i32
        %dma_wait3A_112 = tpu.memref_slice %arg7[%dma_wait3A_106, %dma_wait3A_111] : memref<2x896xi32, #tpu.memory_space<vmem>> -> memref<1x896xi32, #tpu.memory_space<vmem>>
        %dma_wait3A_113 = tpu.memref_squeeze %dma_wait3A_112 : memref<1x896xi32, #tpu.memory_space<vmem>> -> memref<896xi32, #tpu.memory_space<vmem>>
        %dma_wait3A_114 = tpu.memref_slice %arg3[%multiple_of3A_93] : memref<524160xi32, #tpu.memory_space<hbm>> -> memref<896xi32, #tpu.memory_space<hbm>>
        tpu.wait_dma2 semaphore(%arg11 : memref<!tpu.dma_semaphore, #tpu.memory_space<semaphore_mem>>) src(%dma_wait3A_114 : memref<896xi32, #tpu.memory_space<hbm>>) dst(%dma_wait3A_113 : memref<896xi32, #tpu.memory_space<vmem>>)
      } else {
      }
      %add3A_58 = arith.constant 1 : i32
      %add3A_59 = arith.addi %add3A_49, %add3A_58 : i32
      %mul3A_60 = arith.constant 32 : i32
      %mul3A_61 = arith.muli %mul3A_60, %add3A_59 : i32
      %add3A_62 = arith.addi %add3A, %mul3A_61 : i32
      %lt3A_63 = arith.constant 585 : i32
      %lt3A_64 = arith.cmpi slt, %add3A_62, %lt3A_63 : i32
      %convert_element_type3A_65 = arith.extui %lt3A_64 : i1 to i32
      %cond3A_66 = arith.constant 0 : i32
      %cond3A_67 = arith.cmpi ne, %convert_element_type3A_65, %cond3A_66 : i32
      scf.if %cond3A_67 {
        %add3A_86 = arith.constant 1 : i32
        %add3A_87 = arith.addi %add3A_49, %add3A_86 : i32
        %mul3A_88 = arith.constant 32 : i32
        %mul3A_89 = arith.muli %mul3A_88, %add3A_87 : i32
        %add3A_90 = arith.addi %add3A, %mul3A_89 : i32
        %mul3A_91 = arith.constant 1792 : i32
        %mul3A_92 = arith.muli %add3A_90, %mul3A_91 : i32
        %multiple_of3A = tpu.assume_multiple %mul3A_92, 1792 : i32
        %mul3A_93 = arith.constant 896 : i32
        %mul3A_94 = arith.muli %add3A_90, %mul3A_93 : i32
        %multiple_of3A_95 = tpu.assume_multiple %mul3A_94, 896 : i32
        %dma_start3A = arith.constant 0 : i32
        %dma_start3A_96 = arith.constant 0 : i32
        %dma_start3A_97 = arith.constant 0 : i32
        %dma_start3A_98 = tpu.memref_slice %arg6[%dma_start3A, %dma_start3A_96, %dma_start3A_97] : memref<2x16x1792xf32, #tpu.memory_space<vmem>> -> memref<1x16x1792xf32, #tpu.memory_space<vmem>>
        %dma_start3A_99 = tpu.memref_squeeze %dma_start3A_98 : memref<1x16x1792xf32, #tpu.memory_space<vmem>> -> memref<16x1792xf32, #tpu.memory_space<vmem>>
        %dma_start3A_100 = arith.constant 0 : i32
        %dma_start3A_101 = tpu.memref_slice %arg2[%dma_start3A_100, %multiple_of3A] : memref<16x1048576xf32, #tpu.memory_space<hbm>> -> memref<16x1792xf32, #tpu.memory_space<hbm>>
        %dma_start3A_102 = arith.constant 0 : i32
        %dma_start3A_103 = arith.constant 0 : i32
        %dma_start3A_104 = tpu.memref_slice %arg6[%dma_start3A, %dma_start3A_102, %dma_start3A_103] : memref<2x16x1792xf32, #tpu.memory_space<vmem>> -> memref<1x16x1792xf32, #tpu.memory_space<vmem>>
        %dma_start3A_105 = tpu.memref_squeeze %dma_start3A_104 : memref<1x16x1792xf32, #tpu.memory_space<vmem>> -> memref<16x1792xf32, #tpu.memory_space<vmem>>
        %dma_start3A_106 = arith.constant 0 : i32
        %dma_start3A_107 = tpu.memref_slice %arg2[%dma_start3A_106, %multiple_of3A] : memref<16x1048576xf32, #tpu.memory_space<hbm>> -> memref<16x1792xf32, #tpu.memory_space<hbm>>
        tpu.enqueue_dma source(%dma_start3A_107 : memref<16x1792xf32, #tpu.memory_space<hbm>>) target(%dma_start3A_105 : memref<16x1792xf32, #tpu.memory_space<vmem>>) target_semaphore(%arg10 : memref<!tpu.dma_semaphore, #tpu.memory_space<semaphore_mem>>)
        %dma_start3A_108 = arith.constant 0 : i32
        %dma_start3A_109 = arith.constant 0 : i32
        %dma_start3A_110 = tpu.memref_slice %arg7[%dma_start3A_108, %dma_start3A_109] : memref<2x896xi32, #tpu.memory_space<vmem>> -> memref<1x896xi32, #tpu.memory_space<vmem>>
        %dma_start3A_111 = tpu.memref_squeeze %dma_start3A_110 : memref<1x896xi32, #tpu.memory_space<vmem>> -> memref<896xi32, #tpu.memory_space<vmem>>
        %dma_start3A_112 = tpu.memref_slice %arg3[%multiple_of3A_95] : memref<524160xi32, #tpu.memory_space<hbm>> -> memref<896xi32, #tpu.memory_space<hbm>>
        %dma_start3A_113 = arith.constant 0 : i32
        %dma_start3A_114 = tpu.memref_slice %arg7[%dma_start3A_108, %dma_start3A_113] : memref<2x896xi32, #tpu.memory_space<vmem>> -> memref<1x896xi32, #tpu.memory_space<vmem>>
        %dma_start3A_115 = tpu.memref_squeeze %dma_start3A_114 : memref<1x896xi32, #tpu.memory_space<vmem>> -> memref<896xi32, #tpu.memory_space<vmem>>
        %dma_start3A_116 = tpu.memref_slice %arg3[%multiple_of3A_95] : memref<524160xi32, #tpu.memory_space<hbm>> -> memref<896xi32, #tpu.memory_space<hbm>>
        tpu.enqueue_dma source(%dma_start3A_116 : memref<896xi32, #tpu.memory_space<hbm>>) target(%dma_start3A_115 : memref<896xi32, #tpu.memory_space<vmem>>) target_semaphore(%arg10 : memref<!tpu.dma_semaphore, #tpu.memory_space<semaphore_mem>>)
      } else {
      }
      %ge3A_68 = arith.constant 2 : i32
      %ge3A_69 = arith.cmpi sge, %add3A_49, %ge3A_68 : i32
      %sub3A_70 = arith.constant 2 : i32
      %sub3A_71 = arith.subi %add3A_49, %sub3A_70 : i32
      %mul3A_72 = arith.constant 32 : i32
      %mul3A_73 = arith.muli %mul3A_72, %sub3A_71 : i32
      %add3A_74 = arith.addi %add3A, %mul3A_73 : i32
      %lt3A_75 = arith.constant 585 : i32
      %lt3A_76 = arith.cmpi slt, %add3A_74, %lt3A_75 : i32
      %and3A_77 = arith.andi %ge3A_69, %lt3A_76 : i1
      %convert_element_type3A_78 = arith.extui %and3A_77 : i1 to i32
      %cond3A_79 = arith.constant 0 : i32
      %cond3A_80 = arith.cmpi ne, %convert_element_type3A_78, %cond3A_79 : i32
      scf.if %cond3A_80 {
        %sub3A_86 = arith.constant 2 : i32
        %sub3A_87 = arith.subi %add3A_49, %sub3A_86 : i32
        %mul3A_88 = arith.constant 32 : i32
        %mul3A_89 = arith.muli %mul3A_88, %sub3A_87 : i32
        %add3A_90 = arith.addi %add3A, %mul3A_89 : i32
        %mul3A_91 = arith.constant 896 : i32
        %mul3A_92 = arith.muli %add3A_90, %mul3A_91 : i32
        %multiple_of3A = tpu.assume_multiple %mul3A_92, 896 : i32
        %dma_wait3A = arith.constant 1 : i32
        %dma_wait3A_93 = arith.constant 0 : i32
        %dma_wait3A_94 = arith.constant 0 : i32
        %dma_wait3A_95 = tpu.memref_slice %arg8[%dma_wait3A, %dma_wait3A_93, %dma_wait3A_94] : memref<2x16x896xf32, #tpu.memory_space<vmem>> -> memref<1x16x896xf32, #tpu.memory_space<vmem>>
        %dma_wait3A_96 = tpu.memref_squeeze %dma_wait3A_95 : memref<1x16x896xf32, #tpu.memory_space<vmem>> -> memref<16x896xf32, #tpu.memory_space<vmem>>
        %dma_wait3A_97 = arith.constant 0 : i32
        %dma_wait3A_98 = tpu.memref_slice %arg4[%dma_wait3A_97, %multiple_of3A] : memref<16x524160xf32, #tpu.memory_space<hbm>> -> memref<16x896xf32, #tpu.memory_space<hbm>>
        %dma_wait3A_99 = arith.constant 0 : i32
        %dma_wait3A_100 = tpu.memref_slice %arg4[%dma_wait3A_99, %multiple_of3A] : memref<16x524160xf32, #tpu.memory_space<hbm>> -> memref<16x896xf32, #tpu.memory_space<hbm>>
        %dma_wait3A_101 = arith.constant 0 : i32
        %dma_wait3A_102 = arith.constant 0 : i32
        %dma_wait3A_103 = tpu.memref_slice %arg8[%dma_wait3A, %dma_wait3A_101, %dma_wait3A_102] : memref<2x16x896xf32, #tpu.memory_space<vmem>> -> memref<1x16x896xf32, #tpu.memory_space<vmem>>
        %dma_wait3A_104 = tpu.memref_squeeze %dma_wait3A_103 : memref<1x16x896xf32, #tpu.memory_space<vmem>> -> memref<16x896xf32, #tpu.memory_space<vmem>>
        tpu.wait_dma2 semaphore(%arg13 : memref<!tpu.dma_semaphore, #tpu.memory_space<semaphore_mem>>) src(%dma_wait3A_104 : memref<16x896xf32, #tpu.memory_space<vmem>>) dst(%dma_wait3A_100 : memref<16x896xf32, #tpu.memory_space<hbm>>)
        %dma_wait3A_105 = arith.constant 1 : i32
        %dma_wait3A_106 = arith.constant 0 : i32
        %dma_wait3A_107 = arith.constant 0 : i32
        %dma_wait3A_108 = tpu.memref_slice %arg9[%dma_wait3A_105, %dma_wait3A_106, %dma_wait3A_107] : memref<2x16x896xf32, #tpu.memory_space<vmem>> -> memref<1x16x896xf32, #tpu.memory_space<vmem>>
        %dma_wait3A_109 = tpu.memref_squeeze %dma_wait3A_108 : memref<1x16x896xf32, #tpu.memory_space<vmem>> -> memref<16x896xf32, #tpu.memory_space<vmem>>
        %dma_wait3A_110 = arith.constant 0 : i32
        %dma_wait3A_111 = tpu.memref_slice %arg5[%dma_wait3A_110, %multiple_of3A] : memref<16x524160xf32, #tpu.memory_space<hbm>> -> memref<16x896xf32, #tpu.memory_space<hbm>>
        %dma_wait3A_112 = arith.constant 0 : i32
        %dma_wait3A_113 = tpu.memref_slice %arg5[%dma_wait3A_112, %multiple_of3A] : memref<16x524160xf32, #tpu.memory_space<hbm>> -> memref<16x896xf32, #tpu.memory_space<hbm>>
        %dma_wait3A_114 = arith.constant 0 : i32
        %dma_wait3A_115 = arith.constant 0 : i32
        %dma_wait3A_116 = tpu.memref_slice %arg9[%dma_wait3A_105, %dma_wait3A_114, %dma_wait3A_115] : memref<2x16x896xf32, #tpu.memory_space<vmem>> -> memref<1x16x896xf32, #tpu.memory_space<vmem>>
        %dma_wait3A_117 = tpu.memref_squeeze %dma_wait3A_116 : memref<1x16x896xf32, #tpu.memory_space<vmem>> -> memref<16x896xf32, #tpu.memory_space<vmem>>
        tpu.wait_dma2 semaphore(%arg13 : memref<!tpu.dma_semaphore, #tpu.memory_space<semaphore_mem>>) src(%dma_wait3A_117 : memref<16x896xf32, #tpu.memory_space<vmem>>) dst(%dma_wait3A_113 : memref<16x896xf32, #tpu.memory_space<hbm>>)
      } else {
      }
      %lt3A_81 = arith.constant 585 : i32
      %lt3A_82 = arith.cmpi slt, %add3A_52, %lt3A_81 : i32
      %convert_element_type3A_83 = arith.extui %lt3A_82 : i1 to i32
      %cond3A_84 = arith.constant 0 : i32
      %cond3A_85 = arith.cmpi ne, %convert_element_type3A_83, %cond3A_84 : i32
      scf.if %cond3A_85 {
        %parallel_loop3A = arith.constant 0 : i32
        %parallel_loop3A_86 = arith.constant 896 : i32
        %parallel_loop3A_87 = arith.constant 16 : i32
        scf.for %parallel_loop3A_118 = %parallel_loop3A to %parallel_loop3A_86 step %parallel_loop3A_87  : i32 {
          %parallel_loop3A_119 = arith.constant 1 : i32
          %parallel_loop3A_120 = arith.index_cast %parallel_loop3A_119 : i32 to index
          %parallel_loop3A_121 = arith.index_cast %parallel_loop3A_118 : i32 to index
          %parallel_loop3A_122 = tpu.vector_load %arg7[%parallel_loop3A_120, %parallel_loop3A_121] {strides = array<i32>} : memref<2x896xi32, #tpu.memory_space<vmem>>, vector<16xi32>,
          %parallel_loop3A_123 = arith.constant 1 : i32
          %parallel_loop3A_124 = vector.broadcast %parallel_loop3A_123 : i32 to vector<16xi32>
          %parallel_loop3A_125 = arith.xori %parallel_loop3A_122, %parallel_loop3A_124 : vector<16xi32>
          %parallel_loop3A_126 = arith.constant 0 : i32
          %parallel_loop3A_127 = vector.broadcast %parallel_loop3A_126 : i32 to vector<16xi32>
          %parallel_loop3A_128 = arith.constant 1 : i32
          %parallel_loop3A_129 = arith.constant 0 : i32
          %parallel_loop3A_130 = arith.constant 0 : i32
          %parallel_loop3A_131 = tpu.memref_slice %arg6[%parallel_loop3A_128, %parallel_loop3A_129, %parallel_loop3A_130] : memref<2x16x1792xf32, #tpu.memory_space<vmem>> -> memref<1x16x1792xf32, #tpu.memory_space<vmem>>
          %parallel_loop3A_132 = tpu.memref_squeeze %parallel_loop3A_131 : memref<1x16x1792xf32, #tpu.memory_space<vmem>> -> memref<16x1792xf32, #tpu.memory_space<vmem>>
          %parallel_loop3A_133 = tpu.vector_load_idx %parallel_loop3A_132[%parallel_loop3A_127, %parallel_loop3A_122] : memref<16x1792xf32, #tpu.memory_space<vmem>>[vector<16xi32>, vector<16xi32>], vector<16xf32>,
          %parallel_loop3A_134 = arith.constant 1 : i32
          %parallel_loop3A_135 = arith.constant 0 : i32
          %parallel_loop3A_136 = arith.constant 0 : i32
          %parallel_loop3A_137 = tpu.memref_slice %arg6[%parallel_loop3A_134, %parallel_loop3A_135, %parallel_loop3A_136] : memref<2x16x1792xf32, #tpu.memory_space<vmem>> -> memref<1x16x1792xf32, #tpu.memory_space<vmem>>
          %parallel_loop3A_138 = tpu.memref_squeeze %parallel_loop3A_137 : memref<1x16x1792xf32, #tpu.memory_space<vmem>> -> memref<16x1792xf32, #tpu.memory_space<vmem>>
          %parallel_loop3A_139 = tpu.vector_load_idx %parallel_loop3A_138[%parallel_loop3A_127, %parallel_loop3A_125] : memref<16x1792xf32, #tpu.memory_space<vmem>>[vector<16xi32>, vector<16xi32>], vector<16xf32>,
          %parallel_loop3A_140 = arith.constant 1 : i32
          %parallel_loop3A_141 = arith.constant 0 : i32
          %parallel_loop3A_142 = arith.index_cast %parallel_loop3A_140 : i32 to index
          %parallel_loop3A_143 = arith.index_cast %parallel_loop3A_141 : i32 to index
          %parallel_loop3A_144 = arith.index_cast %parallel_loop3A_118 : i32 to index
          %parallel_loop3A_145 = tpu.vector_load %arg8[%parallel_loop3A_142, %parallel_loop3A_143, %parallel_loop3A_144] {strides = array<i32>} : memref<2x16x896xf32, #tpu.memory_space<vmem>>, vector<16xf32>,
          tpu.vector_store %arg8[%parallel_loop3A_142, %parallel_loop3A_143, %parallel_loop3A_144], %parallel_loop3A_133 {strides = array<i32>} : memref<2x16x896xf32, #tpu.memory_space<vmem>>, vector<16xf32>,
          %parallel_loop3A_146 = arith.constant 1 : i32
          %parallel_loop3A_147 = arith.constant 0 : i32
          %parallel_loop3A_148 = arith.index_cast %parallel_loop3A_146 : i32 to index
          %parallel_loop3A_149 = arith.index_cast %parallel_loop3A_147 : i32 to index
          %parallel_loop3A_150 = arith.index_cast %parallel_loop3A_118 : i32 to index
          %parallel_loop3A_151 = tpu.vector_load %arg9[%parallel_loop3A_148, %parallel_loop3A_149, %parallel_loop3A_150] {strides = array<i32>} : memref<2x16x896xf32, #tpu.memory_space<vmem>>, vector<16xf32>,
          tpu.vector_store %arg9[%parallel_loop3A_148, %parallel_loop3A_149, %parallel_loop3A_150], %parallel_loop3A_139 {strides = array<i32>} : memref<2x16x896xf32, #tpu.memory_space<vmem>>, vector<16xf32>,
          %parallel_loop3A_152 = arith.constant 1 : i32
          %parallel_loop3A_153 = vector.broadcast %parallel_loop3A_152 : i32 to vector<16xi32>
          %parallel_loop3A_154 = arith.constant 1 : i32
          %parallel_loop3A_155 = arith.constant 0 : i32
          %parallel_loop3A_156 = arith.constant 0 : i32
          %parallel_loop3A_157 = tpu.memref_slice %arg6[%parallel_loop3A_154, %parallel_loop3A_155, %parallel_loop3A_156] : memref<2x16x1792xf32, #tpu.memory_space<vmem>> -> memref<1x16x1792xf32, #tpu.memory_space<vmem>>
          %parallel_loop3A_158 = tpu.memref_squeeze %parallel_loop3A_157 : memref<1x16x1792xf32, #tpu.memory_space<vmem>> -> memref<16x1792xf32, #tpu.memory_space<vmem>>
          %parallel_loop3A_159 = tpu.vector_load_idx %parallel_loop3A_158[%parallel_loop3A_153, %parallel_loop3A_122] : memref<16x1792xf32, #tpu.memory_space<vmem>>[vector<16xi32>, vector<16xi32>], vector<16xf32>,
          %parallel_loop3A_160 = arith.constant 1 : i32
          %parallel_loop3A_161 = arith.constant 0 : i32
          %parallel_loop3A_162 = arith.constant 0 : i32
          %parallel_loop3A_163 = tpu.memref_slice %arg6[%parallel_loop3A_160, %parallel_loop3A_161, %parallel_loop3A_162] : memref<2x16x1792xf32, #tpu.memory_space<vmem>> -> memref<1x16x1792xf32, #tpu.memory_space<vmem>>
          %parallel_loop3A_164 = tpu.memref_squeeze %parallel_loop3A_163 : memref<1x16x1792xf32, #tpu.memory_space<vmem>> -> memref<16x1792xf32, #tpu.memory_space<vmem>>
          %parallel_loop3A_165 = tpu.vector_load_idx %parallel_loop3A_164[%parallel_loop3A_153, %parallel_loop3A_125] : memref<16x1792xf32, #tpu.memory_space<vmem>>[vector<16xi32>, vector<16xi32>], vector<16xf32>,
          %parallel_loop3A_166 = arith.constant 1 : i32
          %parallel_loop3A_167 = arith.constant 1 : i32
          %parallel_loop3A_168 = arith.index_cast %parallel_loop3A_166 : i32 to index
          %parallel_loop3A_169 = arith.index_cast %parallel_loop3A_167 : i32 to index
          %parallel_loop3A_170 = arith.index_cast %parallel_loop3A_118 : i32 to index
          %parallel_loop3A_171 = tpu.vector_load %arg8[%parallel_loop3A_168, %parallel_loop3A_169, %parallel_loop3A_170] {strides = array<i32>} : memref<2x16x896xf32, #tpu.memory_space<vmem>>, vector<16xf32>,
          tpu.vector_store %arg8[%parallel_loop3A_168, %parallel_loop3A_169, %parallel_loop3A_170], %parallel_loop3A_159 {strides = array<i32>} : memref<2x16x896xf32, #tpu.memory_space<vmem>>, vector<16xf32>,
          %parallel_loop3A_172 = arith.constant 1 : i32
          %parallel_loop3A_173 = arith.constant 1 : i32
          %parallel_loop3A_174 = arith.index_cast %parallel_loop3A_172 : i32 to index
          %parallel_loop3A_175 = arith.index_cast %parallel_loop3A_173 : i32 to index
          %parallel_loop3A_176 = arith.index_cast %parallel_loop3A_118 : i32 to index
          %parallel_loop3A_177 = tpu.vector_load %arg9[%parallel_loop3A_174, %parallel_loop3A_175, %parallel_loop3A_176] {strides = array<i32>} : memref<2x16x896xf32, #tpu.memory_space<vmem>>, vector<16xf32>,
          tpu.vector_store %arg9[%parallel_loop3A_174, %parallel_loop3A_175, %parallel_loop3A_176], %parallel_loop3A_165 {strides = array<i32>} : memref<2x16x896xf32, #tpu.memory_space<vmem>>, vector<16xf32>,
          %parallel_loop3A_178 = arith.constant 2 : i32
          %parallel_loop3A_179 = vector.broadcast %parallel_loop3A_178 : i32 to vector<16xi32>
          %parallel_loop3A_180 = arith.constant 1 : i32
          %parallel_loop3A_181 = arith.constant 0 : i32
          %parallel_loop3A_182 = arith.constant 0 : i32
          %parallel_loop3A_183 = tpu.memref_slice %arg6[%parallel_loop3A_180, %parallel_loop3A_181, %parallel_loop3A_182] : memref<2x16x1792xf32, #tpu.memory_space<vmem>> -> memref<1x16x1792xf32, #tpu.memory_space<vmem>>
          %parallel_loop3A_184 = tpu.memref_squeeze %parallel_loop3A_183 : memref<1x16x1792xf32, #tpu.memory_space<vmem>> -> memref<16x1792xf32, #tpu.memory_space<vmem>>
          %parallel_loop3A_185 = tpu.vector_load_idx %parallel_loop3A_184[%parallel_loop3A_179, %parallel_loop3A_122] : memref<16x1792xf32, #tpu.memory_space<vmem>>[vector<16xi32>, vector<16xi32>], vector<16xf32>,
          %parallel_loop3A_186 = arith.constant 1 : i32
          %parallel_loop3A_187 = arith.constant 0 : i32
          %parallel_loop3A_188 = arith.constant 0 : i32
          %parallel_loop3A_189 = tpu.memref_slice %arg6[%parallel_loop3A_186, %parallel_loop3A_187, %parallel_loop3A_188] : memref<2x16x1792xf32, #tpu.memory_space<vmem>> -> memref<1x16x1792xf32, #tpu.memory_space<vmem>>
          %parallel_loop3A_190 = tpu.memref_squeeze %parallel_loop3A_189 : memref<1x16x1792xf32, #tpu.memory_space<vmem>> -> memref<16x1792xf32, #tpu.memory_space<vmem>>
          %parallel_loop3A_191 = tpu.vector_load_idx %parallel_loop3A_190[%parallel_loop3A_179, %parallel_loop3A_125] : memref<16x1792xf32, #tpu.memory_space<vmem>>[vector<16xi32>, vector<16xi32>], vector<16xf32>,
          %parallel_loop3A_192 = arith.constant 1 : i32
          %parallel_loop3A_193 = arith.constant 2 : i32
          %parallel_loop3A_194 = arith.index_cast %parallel_loop3A_192 : i32 to index
          %parallel_loop3A_195 = arith.index_cast %parallel_loop3A_193 : i32 to index
          %parallel_loop3A_196 = arith.index_cast %parallel_loop3A_118 : i32 to index
          %parallel_loop3A_197 = tpu.vector_load %arg8[%parallel_loop3A_194, %parallel_loop3A_195, %parallel_loop3A_196] {strides = array<i32>} : memref<2x16x896xf32, #tpu.memory_space<vmem>>, vector<16xf32>,
          tpu.vector_store %arg8[%parallel_loop3A_194, %parallel_loop3A_195, %parallel_loop3A_196], %parallel_loop3A_185 {strides = array<i32>} : memref<2x16x896xf32, #tpu.memory_space<vmem>>, vector<16xf32>,
          %parallel_loop3A_198 = arith.constant 1 : i32
          %parallel_loop3A_199 = arith.constant 2 : i32
          %parallel_loop3A_200 = arith.index_cast %parallel_loop3A_198 : i32 to index
          %parallel_loop3A_201 = arith.index_cast %parallel_loop3A_199 : i32 to index
          %parallel_loop3A_202 = arith.index_cast %parallel_loop3A_118 : i32 to index
          %parallel_loop3A_203 = tpu.vector_load %arg9[%parallel_loop3A_200, %parallel_loop3A_201, %parallel_loop3A_202] {strides = array<i32>} : memref<2x16x896xf32, #tpu.memory_space<vmem>>, vector<16xf32>,
          tpu.vector_store %arg9[%parallel_loop3A_200, %parallel_loop3A_201, %parallel_loop3A_202], %parallel_loop3A_191 {strides = array<i32>} : memref<2x16x896xf32, #tpu.memory_space<vmem>>, vector<16xf32>,
          %parallel_loop3A_204 = arith.constant 3 : i32
          %parallel_loop3A_205 = vector.broadcast %parallel_loop3A_204 : i32 to vector<16xi32>
          %parallel_loop3A_206 = arith.constant 1 : i32
          %parallel_loop3A_207 = arith.constant 0 : i32
          %parallel_loop3A_208 = arith.constant 0 : i32
          %parallel_loop3A_209 = tpu.memref_slice %arg6[%parallel_loop3A_206, %parallel_loop3A_207, %parallel_loop3A_208] : memref<2x16x1792xf32, #tpu.memory_space<vmem>> -> memref<1x16x1792xf32, #tpu.memory_space<vmem>>
          %parallel_loop3A_210 = tpu.memref_squeeze %parallel_loop3A_209 : memref<1x16x1792xf32, #tpu.memory_space<vmem>> -> memref<16x1792xf32, #tpu.memory_space<vmem>>
          %parallel_loop3A_211 = tpu.vector_load_idx %parallel_loop3A_210[%parallel_loop3A_205, %parallel_loop3A_122] : memref<16x1792xf32, #tpu.memory_space<vmem>>[vector<16xi32>, vector<16xi32>], vector<16xf32>,
          %parallel_loop3A_212 = arith.constant 1 : i32
          %parallel_loop3A_213 = arith.constant 0 : i32
          %parallel_loop3A_214 = arith.constant 0 : i32
          %parallel_loop3A_215 = tpu.memref_slice %arg6[%parallel_loop3A_212, %parallel_loop3A_213, %parallel_loop3A_214] : memref<2x16x1792xf32, #tpu.memory_space<vmem>> -> memref<1x16x1792xf32, #tpu.memory_space<vmem>>
          %parallel_loop3A_216 = tpu.memref_squeeze %parallel_loop3A_215 : memref<1x16x1792xf32, #tpu.memory_space<vmem>> -> memref<16x1792xf32, #tpu.memory_space<vmem>>
          %parallel_loop3A_217 = tpu.vector_load_idx %parallel_loop3A_216[%parallel_loop3A_205, %parallel_loop3A_125] : memref<16x1792xf32, #tpu.memory_space<vmem>>[vector<16xi32>, vector<16xi32>], vector<16xf32>,
          %parallel_loop3A_218 = arith.constant 1 : i32
          %parallel_loop3A_219 = arith.constant 3 : i32
          %parallel_loop3A_220 = arith.index_cast %parallel_loop3A_218 : i32 to index
          %parallel_loop3A_221 = arith.index_cast %parallel_loop3A_219 : i32 to index
          %parallel_loop3A_222 = arith.index_cast %parallel_loop3A_118 : i32 to index
          %parallel_loop3A_223 = tpu.vector_load %arg8[%parallel_loop3A_220, %parallel_loop3A_221, %parallel_loop3A_222] {strides = array<i32>} : memref<2x16x896xf32, #tpu.memory_space<vmem>>, vector<16xf32>,
          tpu.vector_store %arg8[%parallel_loop3A_220, %parallel_loop3A_221, %parallel_loop3A_222], %parallel_loop3A_211 {strides = array<i32>} : memref<2x16x896xf32, #tpu.memory_space<vmem>>, vector<16xf32>,
          %parallel_loop3A_224 = arith.constant 1 : i32
          %parallel_loop3A_225 = arith.constant 3 : i32
          %parallel_loop3A_226 = arith.index_cast %parallel_loop3A_224 : i32 to index
          %parallel_loop3A_227 = arith.index_cast %parallel_loop3A_225 : i32 to index
          %parallel_loop3A_228 = arith.index_cast %parallel_loop3A_118 : i32 to index
          %parallel_loop3A_229 = tpu.vector_load %arg9[%parallel_loop3A_226, %parallel_loop3A_227, %parallel_loop3A_228] {strides = array<i32>} : memref<2x16x896xf32, #tpu.memory_space<vmem>>, vector<16xf32>,
          tpu.vector_store %arg9[%parallel_loop3A_226, %parallel_loop3A_227, %parallel_loop3A_228], %parallel_loop3A_217 {strides = array<i32>} : memref<2x16x896xf32, #tpu.memory_space<vmem>>, vector<16xf32>,
          %parallel_loop3A_230 = arith.constant 4 : i32
          %parallel_loop3A_231 = vector.broadcast %parallel_loop3A_230 : i32 to vector<16xi32>
          %parallel_loop3A_232 = arith.constant 1 : i32
          %parallel_loop3A_233 = arith.constant 0 : i32
          %parallel_loop3A_234 = arith.constant 0 : i32
          %parallel_loop3A_235 = tpu.memref_slice %arg6[%parallel_loop3A_232, %parallel_loop3A_233, %parallel_loop3A_234] : memref<2x16x1792xf32, #tpu.memory_space<vmem>> -> memref<1x16x1792xf32, #tpu.memory_space<vmem>>
          %parallel_loop3A_236 = tpu.memref_squeeze %parallel_loop3A_235 : memref<1x16x1792xf32, #tpu.memory_space<vmem>> -> memref<16x1792xf32, #tpu.memory_space<vmem>>
          %parallel_loop3A_237 = tpu.vector_load_idx %parallel_loop3A_236[%parallel_loop3A_231, %parallel_loop3A_122] : memref<16x1792xf32, #tpu.memory_space<vmem>>[vector<16xi32>, vector<16xi32>], vector<16xf32>,
          %parallel_loop3A_238 = arith.constant 1 : i32
          %parallel_loop3A_239 = arith.constant 0 : i32
          %parallel_loop3A_240 = arith.constant 0 : i32
          %parallel_loop3A_241 = tpu.memref_slice %arg6[%parallel_loop3A_238, %parallel_loop3A_239, %parallel_loop3A_240] : memref<2x16x1792xf32, #tpu.memory_space<vmem>> -> memref<1x16x1792xf32, #tpu.memory_space<vmem>>
          %parallel_loop3A_242 = tpu.memref_squeeze %parallel_loop3A_241 : memref<1x16x1792xf32, #tpu.memory_space<vmem>> -> memref<16x1792xf32, #tpu.memory_space<vmem>>
          %parallel_loop3A_243 = tpu.vector_load_idx %parallel_loop3A_242[%parallel_loop3A_231, %parallel_loop3A_125] : memref<16x1792xf32, #tpu.memory_space<vmem>>[vector<16xi32>, vector<16xi32>], vector<16xf32>,
          %parallel_loop3A_244 = arith.constant 1 : i32
          %parallel_loop3A_245 = arith.constant 4 : i32
          %parallel_loop3A_246 = arith.index_cast %parallel_loop3A_244 : i32 to index
          %parallel_loop3A_247 = arith.index_cast %parallel_loop3A_245 : i32 to index
          %parallel_loop3A_248 = arith.index_cast %parallel_loop3A_118 : i32 to index
          %parallel_loop3A_249 = tpu.vector_load %arg8[%parallel_loop3A_246, %parallel_loop3A_247, %parallel_loop3A_248] {strides = array<i32>} : memref<2x16x896xf32, #tpu.memory_space<vmem>>, vector<16xf32>,
          tpu.vector_store %arg8[%parallel_loop3A_246, %parallel_loop3A_247, %parallel_loop3A_248], %parallel_loop3A_237 {strides = array<i32>} : memref<2x16x896xf32, #tpu.memory_space<vmem>>, vector<16xf32>,
          %parallel_loop3A_250 = arith.constant 1 : i32
          %parallel_loop3A_251 = arith.constant 4 : i32
          %parallel_loop3A_252 = arith.index_cast %parallel_loop3A_250 : i32 to index
          %parallel_loop3A_253 = arith.index_cast %parallel_loop3A_251 : i32 to index
          %parallel_loop3A_254 = arith.index_cast %parallel_loop3A_118 : i32 to index
          %parallel_loop3A_255 = tpu.vector_load %arg9[%parallel_loop3A_252, %parallel_loop3A_253, %parallel_loop3A_254] {strides = array<i32>} : memref<2x16x896xf32, #tpu.memory_space<vmem>>, vector<16xf32>,
          tpu.vector_store %arg9[%parallel_loop3A_252, %parallel_loop3A_253, %parallel_loop3A_254], %parallel_loop3A_243 {strides = array<i32>} : memref<2x16x896xf32, #tpu.memory_space<vmem>>, vector<16xf32>,
          %parallel_loop3A_256 = arith.constant 5 : i32
          %parallel_loop3A_257 = vector.broadcast %parallel_loop3A_256 : i32 to vector<16xi32>
          %parallel_loop3A_258 = arith.constant 1 : i32
          %parallel_loop3A_259 = arith.constant 0 : i32
          %parallel_loop3A_260 = arith.constant 0 : i32
          %parallel_loop3A_261 = tpu.memref_slice %arg6[%parallel_loop3A_258, %parallel_loop3A_259, %parallel_loop3A_260] : memref<2x16x1792xf32, #tpu.memory_space<vmem>> -> memref<1x16x1792xf32, #tpu.memory_space<vmem>>
          %parallel_loop3A_262 = tpu.memref_squeeze %parallel_loop3A_261 : memref<1x16x1792xf32, #tpu.memory_space<vmem>> -> memref<16x1792xf32, #tpu.memory_space<vmem>>
          %parallel_loop3A_263 = tpu.vector_load_idx %parallel_loop3A_262[%parallel_loop3A_257, %parallel_loop3A_122] : memref<16x1792xf32, #tpu.memory_space<vmem>>[vector<16xi32>, vector<16xi32>], vector<16xf32>,
          %parallel_loop3A_264 = arith.constant 1 : i32
          %parallel_loop3A_265 = arith.constant 0 : i32
          %parallel_loop3A_266 = arith.constant 0 : i32
          %parallel_loop3A_267 = tpu.memref_slice %arg6[%parallel_loop3A_264, %parallel_loop3A_265, %parallel_loop3A_266] : memref<2x16x1792xf32, #tpu.memory_space<vmem>> -> memref<1x16x1792xf32, #tpu.memory_space<vmem>>
          %parallel_loop3A_268 = tpu.memref_squeeze %parallel_loop3A_267 : memref<1x16x1792xf32, #tpu.memory_space<vmem>> -> memref<16x1792xf32, #tpu.memory_space<vmem>>
          %parallel_loop3A_269 = tpu.vector_load_idx %parallel_loop3A_268[%parallel_loop3A_257, %parallel_loop3A_125] : memref<16x1792xf32, #tpu.memory_space<vmem>>[vector<16xi32>, vector<16xi32>], vector<16xf32>,
          %parallel_loop3A_270 = arith.constant 1 : i32
          %parallel_loop3A_271 = arith.constant 5 : i32
          %parallel_loop3A_272 = arith.index_cast %parallel_loop3A_270 : i32 to index
          %parallel_loop3A_273 = arith.index_cast %parallel_loop3A_271 : i32 to index
          %parallel_loop3A_274 = arith.index_cast %parallel_loop3A_118 : i32 to index
          %parallel_loop3A_275 = tpu.vector_load %arg8[%parallel_loop3A_272, %parallel_loop3A_273, %parallel_loop3A_274] {strides = array<i32>} : memref<2x16x896xf32, #tpu.memory_space<vmem>>, vector<16xf32>,
          tpu.vector_store %arg8[%parallel_loop3A_272, %parallel_loop3A_273, %parallel_loop3A_274], %parallel_loop3A_263 {strides = array<i32>} : memref<2x16x896xf32, #tpu.memory_space<vmem>>, vector<16xf32>,
          %parallel_loop3A_276 = arith.constant 1 : i32
          %parallel_loop3A_277 = arith.constant 5 : i32
          %parallel_loop3A_278 = arith.index_cast %parallel_loop3A_276 : i32 to index
          %parallel_loop3A_279 = arith.index_cast %parallel_loop3A_277 : i32 to index
          %parallel_loop3A_280 = arith.index_cast %parallel_loop3A_118 : i32 to index
          %parallel_loop3A_281 = tpu.vector_load %arg9[%parallel_loop3A_278, %parallel_loop3A_279, %parallel_loop3A_280] {strides = array<i32>} : memref<2x16x896xf32, #tpu.memory_space<vmem>>, vector<16xf32>,
          tpu.vector_store %arg9[%parallel_loop3A_278, %parallel_loop3A_279, %parallel_loop3A_280], %parallel_loop3A_269 {strides = array<i32>} : memref<2x16x896xf32, #tpu.memory_space<vmem>>, vector<16xf32>,
          %parallel_loop3A_282 = arith.constant 6 : i32
          %parallel_loop3A_283 = vector.broadcast %parallel_loop3A_282 : i32 to vector<16xi32>
          %parallel_loop3A_284 = arith.constant 1 : i32
          %parallel_loop3A_285 = arith.constant 0 : i32
          %parallel_loop3A_286 = arith.constant 0 : i32
          %parallel_loop3A_287 = tpu.memref_slice %arg6[%parallel_loop3A_284, %parallel_loop3A_285, %parallel_loop3A_286] : memref<2x16x1792xf32, #tpu.memory_space<vmem>> -> memref<1x16x1792xf32, #tpu.memory_space<vmem>>
          %parallel_loop3A_288 = tpu.memref_squeeze %parallel_loop3A_287 : memref<1x16x1792xf32, #tpu.memory_space<vmem>> -> memref<16x1792xf32, #tpu.memory_space<vmem>>
          %parallel_loop3A_289 = tpu.vector_load_idx %parallel_loop3A_288[%parallel_loop3A_283, %parallel_loop3A_122] : memref<16x1792xf32, #tpu.memory_space<vmem>>[vector<16xi32>, vector<16xi32>], vector<16xf32>,
          %parallel_loop3A_290 = arith.constant 1 : i32
          %parallel_loop3A_291 = arith.constant 0 : i32
          %parallel_loop3A_292 = arith.constant 0 : i32
          %parallel_loop3A_293 = tpu.memref_slice %arg6[%parallel_loop3A_290, %parallel_loop3A_291, %parallel_loop3A_292] : memref<2x16x1792xf32, #tpu.memory_space<vmem>> -> memref<1x16x1792xf32, #tpu.memory_space<vmem>>
          %parallel_loop3A_294 = tpu.memref_squeeze %parallel_loop3A_293 : memref<1x16x1792xf32, #tpu.memory_space<vmem>> -> memref<16x1792xf32, #tpu.memory_space<vmem>>
          %parallel_loop3A_295 = tpu.vector_load_idx %parallel_loop3A_294[%parallel_loop3A_283, %parallel_loop3A_125] : memref<16x1792xf32, #tpu.memory_space<vmem>>[vector<16xi32>, vector<16xi32>], vector<16xf32>,
          %parallel_loop3A_296 = arith.constant 1 : i32
          %parallel_loop3A_297 = arith.constant 6 : i32
          %parallel_loop3A_298 = arith.index_cast %parallel_loop3A_296 : i32 to index
          %parallel_loop3A_299 = arith.index_cast %parallel_loop3A_297 : i32 to index
          %parallel_loop3A_300 = arith.index_cast %parallel_loop3A_118 : i32 to index
          %parallel_loop3A_301 = tpu.vector_load %arg8[%parallel_loop3A_298, %parallel_loop3A_299, %parallel_loop3A_300] {strides = array<i32>} : memref<2x16x896xf32, #tpu.memory_space<vmem>>, vector<16xf32>,
          tpu.vector_store %arg8[%parallel_loop3A_298, %parallel_loop3A_299, %parallel_loop3A_300], %parallel_loop3A_289 {strides = array<i32>} : memref<2x16x896xf32, #tpu.memory_space<vmem>>, vector<16xf32>,
          %parallel_loop3A_302 = arith.constant 1 : i32
          %parallel_loop3A_303 = arith.constant 6 : i32
          %parallel_loop3A_304 = arith.index_cast %parallel_loop3A_302 : i32 to index
          %parallel_loop3A_305 = arith.index_cast %parallel_loop3A_303 : i32 to index
          %parallel_loop3A_306 = arith.index_cast %parallel_loop3A_118 : i32 to index
          %parallel_loop3A_307 = tpu.vector_load %arg9[%parallel_loop3A_304, %parallel_loop3A_305, %parallel_loop3A_306] {strides = array<i32>} : memref<2x16x896xf32, #tpu.memory_space<vmem>>, vector<16xf32>,
          tpu.vector_store %arg9[%parallel_loop3A_304, %parallel_loop3A_305, %parallel_loop3A_306], %parallel_loop3A_295 {strides = array<i32>} : memref<2x16x896xf32, #tpu.memory_space<vmem>>, vector<16xf32>,
          %parallel_loop3A_308 = arith.constant 7 : i32
          %parallel_loop3A_309 = vector.broadcast %parallel_loop3A_308 : i32 to vector<16xi32>
          %parallel_loop3A_310 = arith.constant 1 : i32
          %parallel_loop3A_311 = arith.constant 0 : i32
          %parallel_loop3A_312 = arith.constant 0 : i32
          %parallel_loop3A_313 = tpu.memref_slice %arg6[%parallel_loop3A_310, %parallel_loop3A_311, %parallel_loop3A_312] : memref<2x16x1792xf32, #tpu.memory_space<vmem>> -> memref<1x16x1792xf32, #tpu.memory_space<vmem>>
          %parallel_loop3A_314 = tpu.memref_squeeze %parallel_loop3A_313 : memref<1x16x1792xf32, #tpu.memory_space<vmem>> -> memref<16x1792xf32, #tpu.memory_space<vmem>>
          %parallel_loop3A_315 = tpu.vector_load_idx %parallel_loop3A_314[%parallel_loop3A_309, %parallel_loop3A_122] : memref<16x1792xf32, #tpu.memory_space<vmem>>[vector<16xi32>, vector<16xi32>], vector<16xf32>,
          %parallel_loop3A_316 = arith.constant 1 : i32
          %parallel_loop3A_317 = arith.constant 0 : i32
          %parallel_loop3A_318 = arith.constant 0 : i32
          %parallel_loop3A_319 = tpu.memref_slice %arg6[%parallel_loop3A_316, %parallel_loop3A_317, %parallel_loop3A_318] : memref<2x16x1792xf32, #tpu.memory_space<vmem>> -> memref<1x16x1792xf32, #tpu.memory_space<vmem>>
          %parallel_loop3A_320 = tpu.memref_squeeze %parallel_loop3A_319 : memref<1x16x1792xf32, #tpu.memory_space<vmem>> -> memref<16x1792xf32, #tpu.memory_space<vmem>>
          %parallel_loop3A_321 = tpu.vector_load_idx %parallel_loop3A_320[%parallel_loop3A_309, %parallel_loop3A_125] : memref<16x1792xf32, #tpu.memory_space<vmem>>[vector<16xi32>, vector<16xi32>], vector<16xf32>,
          %parallel_loop3A_322 = arith.constant 1 : i32
          %parallel_loop3A_323 = arith.constant 7 : i32
          %parallel_loop3A_324 = arith.index_cast %parallel_loop3A_322 : i32 to index
          %parallel_loop3A_325 = arith.index_cast %parallel_loop3A_323 : i32 to index
          %parallel_loop3A_326 = arith.index_cast %parallel_loop3A_118 : i32 to index
          %parallel_loop3A_327 = tpu.vector_load %arg8[%parallel_loop3A_324, %parallel_loop3A_325, %parallel_loop3A_326] {strides = array<i32>} : memref<2x16x896xf32, #tpu.memory_space<vmem>>, vector<16xf32>,
          tpu.vector_store %arg8[%parallel_loop3A_324, %parallel_loop3A_325, %parallel_loop3A_326], %parallel_loop3A_315 {strides = array<i32>} : memref<2x16x896xf32, #tpu.memory_space<vmem>>, vector<16xf32>,
          %parallel_loop3A_328 = arith.constant 1 : i32
          %parallel_loop3A_329 = arith.constant 7 : i32
          %parallel_loop3A_330 = arith.index_cast %parallel_loop3A_328 : i32 to index
          %parallel_loop3A_331 = arith.index_cast %parallel_loop3A_329 : i32 to index
          %parallel_loop3A_332 = arith.index_cast %parallel_loop3A_118 : i32 to index
          %parallel_loop3A_333 = tpu.vector_load %arg9[%parallel_loop3A_330, %parallel_loop3A_331, %parallel_loop3A_332] {strides = array<i32>} : memref<2x16x896xf32, #tpu.memory_space<vmem>>, vector<16xf32>,
          tpu.vector_store %arg9[%parallel_loop3A_330, %parallel_loop3A_331, %parallel_loop3A_332], %parallel_loop3A_321 {strides = array<i32>} : memref<2x16x896xf32, #tpu.memory_space<vmem>>, vector<16xf32>,
          %parallel_loop3A_334 = arith.constant 8 : i32
          %parallel_loop3A_335 = vector.broadcast %parallel_loop3A_334 : i32 to vector<16xi32>
          %parallel_loop3A_336 = arith.constant 1 : i32
          %parallel_loop3A_337 = arith.constant 0 : i32
          %parallel_loop3A_338 = arith.constant 0 : i32
          %parallel_loop3A_339 = tpu.memref_slice %arg6[%parallel_loop3A_336, %parallel_loop3A_337, %parallel_loop3A_338] : memref<2x16x1792xf32, #tpu.memory_space<vmem>> -> memref<1x16x1792xf32, #tpu.memory_space<vmem>>
          %parallel_loop3A_340 = tpu.memref_squeeze %parallel_loop3A_339 : memref<1x16x1792xf32, #tpu.memory_space<vmem>> -> memref<16x1792xf32, #tpu.memory_space<vmem>>
          %parallel_loop3A_341 = tpu.vector_load_idx %parallel_loop3A_340[%parallel_loop3A_335, %parallel_loop3A_122] : memref<16x1792xf32, #tpu.memory_space<vmem>>[vector<16xi32>, vector<16xi32>], vector<16xf32>,
          %parallel_loop3A_342 = arith.constant 1 : i32
          %parallel_loop3A_343 = arith.constant 0 : i32
          %parallel_loop3A_344 = arith.constant 0 : i32
          %parallel_loop3A_345 = tpu.memref_slice %arg6[%parallel_loop3A_342, %parallel_loop3A_343, %parallel_loop3A_344] : memref<2x16x1792xf32, #tpu.memory_space<vmem>> -> memref<1x16x1792xf32, #tpu.memory_space<vmem>>
          %parallel_loop3A_346 = tpu.memref_squeeze %parallel_loop3A_345 : memref<1x16x1792xf32, #tpu.memory_space<vmem>> -> memref<16x1792xf32, #tpu.memory_space<vmem>>
          %parallel_loop3A_347 = tpu.vector_load_idx %parallel_loop3A_346[%parallel_loop3A_335, %parallel_loop3A_125] : memref<16x1792xf32, #tpu.memory_space<vmem>>[vector<16xi32>, vector<16xi32>], vector<16xf32>,
          %parallel_loop3A_348 = arith.constant 1 : i32
          %parallel_loop3A_349 = arith.constant 8 : i32
          %parallel_loop3A_350 = arith.index_cast %parallel_loop3A_348 : i32 to index
          %parallel_loop3A_351 = arith.index_cast %parallel_loop3A_349 : i32 to index
          %parallel_loop3A_352 = arith.index_cast %parallel_loop3A_118 : i32 to index
          %parallel_loop3A_353 = tpu.vector_load %arg8[%parallel_loop3A_350, %parallel_loop3A_351, %parallel_loop3A_352] {strides = array<i32>} : memref<2x16x896xf32, #tpu.memory_space<vmem>>, vector<16xf32>,
          tpu.vector_store %arg8[%parallel_loop3A_350, %parallel_loop3A_351, %parallel_loop3A_352], %parallel_loop3A_341 {strides = array<i32>} : memref<2x16x896xf32, #tpu.memory_space<vmem>>, vector<16xf32>,
          %parallel_loop3A_354 = arith.constant 1 : i32
          %parallel_loop3A_355 = arith.constant 8 : i32
          %parallel_loop3A_356 = arith.index_cast %parallel_loop3A_354 : i32 to index
          %parallel_loop3A_357 = arith.index_cast %parallel_loop3A_355 : i32 to index
          %parallel_loop3A_358 = arith.index_cast %parallel_loop3A_118 : i32 to index
          %parallel_loop3A_359 = tpu.vector_load %arg9[%parallel_loop3A_356, %parallel_loop3A_357, %parallel_loop3A_358] {strides = array<i32>} : memref<2x16x896xf32, #tpu.memory_space<vmem>>, vector<16xf32>,
          tpu.vector_store %arg9[%parallel_loop3A_356, %parallel_loop3A_357, %parallel_loop3A_358], %parallel_loop3A_347 {strides = array<i32>} : memref<2x16x896xf32, #tpu.memory_space<vmem>>, vector<16xf32>,
          %parallel_loop3A_360 = arith.constant 9 : i32
          %parallel_loop3A_361 = vector.broadcast %parallel_loop3A_360 : i32 to vector<16xi32>
          %parallel_loop3A_362 = arith.constant 1 : i32
          %parallel_loop3A_363 = arith.constant 0 : i32
          %parallel_loop3A_364 = arith.constant 0 : i32
          %parallel_loop3A_365 = tpu.memref_slice %arg6[%parallel_loop3A_362, %parallel_loop3A_363, %parallel_loop3A_364] : memref<2x16x1792xf32, #tpu.memory_space<vmem>> -> memref<1x16x1792xf32, #tpu.memory_space<vmem>>
          %parallel_loop3A_366 = tpu.memref_squeeze %parallel_loop3A_365 : memref<1x16x1792xf32, #tpu.memory_space<vmem>> -> memref<16x1792xf32, #tpu.memory_space<vmem>>
          %parallel_loop3A_367 = tpu.vector_load_idx %parallel_loop3A_366[%parallel_loop3A_361, %parallel_loop3A_122] : memref<16x1792xf32, #tpu.memory_space<vmem>>[vector<16xi32>, vector<16xi32>], vector<16xf32>,
          %parallel_loop3A_368 = arith.constant 1 : i32
          %parallel_loop3A_369 = arith.constant 0 : i32
          %parallel_loop3A_370 = arith.constant 0 : i32
          %parallel_loop3A_371 = tpu.memref_slice %arg6[%parallel_loop3A_368, %parallel_loop3A_369, %parallel_loop3A_370] : memref<2x16x1792xf32, #tpu.memory_space<vmem>> -> memref<1x16x1792xf32, #tpu.memory_space<vmem>>
          %parallel_loop3A_372 = tpu.memref_squeeze %parallel_loop3A_371 : memref<1x16x1792xf32, #tpu.memory_space<vmem>> -> memref<16x1792xf32, #tpu.memory_space<vmem>>
          %parallel_loop3A_373 = tpu.vector_load_idx %parallel_loop3A_372[%parallel_loop3A_361, %parallel_loop3A_125] : memref<16x1792xf32, #tpu.memory_space<vmem>>[vector<16xi32>, vector<16xi32>], vector<16xf32>,
          %parallel_loop3A_374 = arith.constant 1 : i32
          %parallel_loop3A_375 = arith.constant 9 : i32
          %parallel_loop3A_376 = arith.index_cast %parallel_loop3A_374 : i32 to index
          %parallel_loop3A_377 = arith.index_cast %parallel_loop3A_375 : i32 to index
          %parallel_loop3A_378 = arith.index_cast %parallel_loop3A_118 : i32 to index
          %parallel_loop3A_379 = tpu.vector_load %arg8[%parallel_loop3A_376, %parallel_loop3A_377, %parallel_loop3A_378] {strides = array<i32>} : memref<2x16x896xf32, #tpu.memory_space<vmem>>, vector<16xf32>,
          tpu.vector_store %arg8[%parallel_loop3A_376, %parallel_loop3A_377, %parallel_loop3A_378], %parallel_loop3A_367 {strides = array<i32>} : memref<2x16x896xf32, #tpu.memory_space<vmem>>, vector<16xf32>,
          %parallel_loop3A_380 = arith.constant 1 : i32
          %parallel_loop3A_381 = arith.constant 9 : i32
          %parallel_loop3A_382 = arith.index_cast %parallel_loop3A_380 : i32 to index
          %parallel_loop3A_383 = arith.index_cast %parallel_loop3A_381 : i32 to index
          %parallel_loop3A_384 = arith.index_cast %parallel_loop3A_118 : i32 to index
          %parallel_loop3A_385 = tpu.vector_load %arg9[%parallel_loop3A_382, %parallel_loop3A_383, %parallel_loop3A_384] {strides = array<i32>} : memref<2x16x896xf32, #tpu.memory_space<vmem>>, vector<16xf32>,
          tpu.vector_store %arg9[%parallel_loop3A_382, %parallel_loop3A_383, %parallel_loop3A_384], %parallel_loop3A_373 {strides = array<i32>} : memref<2x16x896xf32, #tpu.memory_space<vmem>>, vector<16xf32>,
          %parallel_loop3A_386 = arith.constant 10 : i32
          %parallel_loop3A_387 = vector.broadcast %parallel_loop3A_386 : i32 to vector<16xi32>
          %parallel_loop3A_388 = arith.constant 1 : i32
          %parallel_loop3A_389 = arith.constant 0 : i32
          %parallel_loop3A_390 = arith.constant 0 : i32
          %parallel_loop3A_391 = tpu.memref_slice %arg6[%parallel_loop3A_388, %parallel_loop3A_389, %parallel_loop3A_390] : memref<2x16x1792xf32, #tpu.memory_space<vmem>> -> memref<1x16x1792xf32, #tpu.memory_space<vmem>>
          %parallel_loop3A_392 = tpu.memref_squeeze %parallel_loop3A_391 : memref<1x16x1792xf32, #tpu.memory_space<vmem>> -> memref<16x1792xf32, #tpu.memory_space<vmem>>
          %parallel_loop3A_393 = tpu.vector_load_idx %parallel_loop3A_392[%parallel_loop3A_387, %parallel_loop3A_122] : memref<16x1792xf32, #tpu.memory_space<vmem>>[vector<16xi32>, vector<16xi32>], vector<16xf32>,
          %parallel_loop3A_394 = arith.constant 1 : i32
          %parallel_loop3A_395 = arith.constant 0 : i32
          %parallel_loop3A_396 = arith.constant 0 : i32
          %parallel_loop3A_397 = tpu.memref_slice %arg6[%parallel_loop3A_394, %parallel_loop3A_395, %parallel_loop3A_396] : memref<2x16x1792xf32, #tpu.memory_space<vmem>> -> memref<1x16x1792xf32, #tpu.memory_space<vmem>>
          %parallel_loop3A_398 = tpu.memref_squeeze %parallel_loop3A_397 : memref<1x16x1792xf32, #tpu.memory_space<vmem>> -> memref<16x1792xf32, #tpu.memory_space<vmem>>
          %parallel_loop3A_399 = tpu.vector_load_idx %parallel_loop3A_398[%parallel_loop3A_387, %parallel_loop3A_125] : memref<16x1792xf32, #tpu.memory_space<vmem>>[vector<16xi32>, vector<16xi32>], vector<16xf32>,
          %parallel_loop3A_400 = arith.constant 1 : i32
          %parallel_loop3A_401 = arith.constant 10 : i32
          %parallel_loop3A_402 = arith.index_cast %parallel_loop3A_400 : i32 to index
          %parallel_loop3A_403 = arith.index_cast %parallel_loop3A_401 : i32 to index
          %parallel_loop3A_404 = arith.index_cast %parallel_loop3A_118 : i32 to index
          %parallel_loop3A_405 = tpu.vector_load %arg8[%parallel_loop3A_402, %parallel_loop3A_403, %parallel_loop3A_404] {strides = array<i32>} : memref<2x16x896xf32, #tpu.memory_space<vmem>>, vector<16xf32>,
          tpu.vector_store %arg8[%parallel_loop3A_402, %parallel_loop3A_403, %parallel_loop3A_404], %parallel_loop3A_393 {strides = array<i32>} : memref<2x16x896xf32, #tpu.memory_space<vmem>>, vector<16xf32>,
          %parallel_loop3A_406 = arith.constant 1 : i32
          %parallel_loop3A_407 = arith.constant 10 : i32
          %parallel_loop3A_408 = arith.index_cast %parallel_loop3A_406 : i32 to index
          %parallel_loop3A_409 = arith.index_cast %parallel_loop3A_407 : i32 to index
          %parallel_loop3A_410 = arith.index_cast %parallel_loop3A_118 : i32 to index
          %parallel_loop3A_411 = tpu.vector_load %arg9[%parallel_loop3A_408, %parallel_loop3A_409, %parallel_loop3A_410] {strides = array<i32>} : memref<2x16x896xf32, #tpu.memory_space<vmem>>, vector<16xf32>,
          tpu.vector_store %arg9[%parallel_loop3A_408, %parallel_loop3A_409, %parallel_loop3A_410], %parallel_loop3A_399 {strides = array<i32>} : memref<2x16x896xf32, #tpu.memory_space<vmem>>, vector<16xf32>,
          %parallel_loop3A_412 = arith.constant 11 : i32
          %parallel_loop3A_413 = vector.broadcast %parallel_loop3A_412 : i32 to vector<16xi32>
          %parallel_loop3A_414 = arith.constant 1 : i32
          %parallel_loop3A_415 = arith.constant 0 : i32
          %parallel_loop3A_416 = arith.constant 0 : i32
          %parallel_loop3A_417 = tpu.memref_slice %arg6[%parallel_loop3A_414, %parallel_loop3A_415, %parallel_loop3A_416] : memref<2x16x1792xf32, #tpu.memory_space<vmem>> -> memref<1x16x1792xf32, #tpu.memory_space<vmem>>
          %parallel_loop3A_418 = tpu.memref_squeeze %parallel_loop3A_417 : memref<1x16x1792xf32, #tpu.memory_space<vmem>> -> memref<16x1792xf32, #tpu.memory_space<vmem>>
          %parallel_loop3A_419 = tpu.vector_load_idx %parallel_loop3A_418[%parallel_loop3A_413, %parallel_loop3A_122] : memref<16x1792xf32, #tpu.memory_space<vmem>>[vector<16xi32>, vector<16xi32>], vector<16xf32>,
          %parallel_loop3A_420 = arith.constant 1 : i32
          %parallel_loop3A_421 = arith.constant 0 : i32
          %parallel_loop3A_422 = arith.constant 0 : i32
          %parallel_loop3A_423 = tpu.memref_slice %arg6[%parallel_loop3A_420, %parallel_loop3A_421, %parallel_loop3A_422] : memref<2x16x1792xf32, #tpu.memory_space<vmem>> -> memref<1x16x1792xf32, #tpu.memory_space<vmem>>
          %parallel_loop3A_424 = tpu.memref_squeeze %parallel_loop3A_423 : memref<1x16x1792xf32, #tpu.memory_space<vmem>> -> memref<16x1792xf32, #tpu.memory_space<vmem>>
          %parallel_loop3A_425 = tpu.vector_load_idx %parallel_loop3A_424[%parallel_loop3A_413, %parallel_loop3A_125] : memref<16x1792xf32, #tpu.memory_space<vmem>>[vector<16xi32>, vector<16xi32>], vector<16xf32>,
          %parallel_loop3A_426 = arith.constant 1 : i32
          %parallel_loop3A_427 = arith.constant 11 : i32
          %parallel_loop3A_428 = arith.index_cast %parallel_loop3A_426 : i32 to index
          %parallel_loop3A_429 = arith.index_cast %parallel_loop3A_427 : i32 to index
          %parallel_loop3A_430 = arith.index_cast %parallel_loop3A_118 : i32 to index
          %parallel_loop3A_431 = tpu.vector_load %arg8[%parallel_loop3A_428, %parallel_loop3A_429, %parallel_loop3A_430] {strides = array<i32>} : memref<2x16x896xf32, #tpu.memory_space<vmem>>, vector<16xf32>,
          tpu.vector_store %arg8[%parallel_loop3A_428, %parallel_loop3A_429, %parallel_loop3A_430], %parallel_loop3A_419 {strides = array<i32>} : memref<2x16x896xf32, #tpu.memory_space<vmem>>, vector<16xf32>,
          %parallel_loop3A_432 = arith.constant 1 : i32
          %parallel_loop3A_433 = arith.constant 11 : i32
          %parallel_loop3A_434 = arith.index_cast %parallel_loop3A_432 : i32 to index
          %parallel_loop3A_435 = arith.index_cast %parallel_loop3A_433 : i32 to index
          %parallel_loop3A_436 = arith.index_cast %parallel_loop3A_118 : i32 to index
          %parallel_loop3A_437 = tpu.vector_load %arg9[%parallel_loop3A_434, %parallel_loop3A_435, %parallel_loop3A_436] {strides = array<i32>} : memref<2x16x896xf32, #tpu.memory_space<vmem>>, vector<16xf32>,
          tpu.vector_store %arg9[%parallel_loop3A_434, %parallel_loop3A_435, %parallel_loop3A_436], %parallel_loop3A_425 {strides = array<i32>} : memref<2x16x896xf32, #tpu.memory_space<vmem>>, vector<16xf32>,
          %parallel_loop3A_438 = arith.constant 12 : i32
          %parallel_loop3A_439 = vector.broadcast %parallel_loop3A_438 : i32 to vector<16xi32>
          %parallel_loop3A_440 = arith.constant 1 : i32
          %parallel_loop3A_441 = arith.constant 0 : i32
          %parallel_loop3A_442 = arith.constant 0 : i32
          %parallel_loop3A_443 = tpu.memref_slice %arg6[%parallel_loop3A_440, %parallel_loop3A_441, %parallel_loop3A_442] : memref<2x16x1792xf32, #tpu.memory_space<vmem>> -> memref<1x16x1792xf32, #tpu.memory_space<vmem>>
          %parallel_loop3A_444 = tpu.memref_squeeze %parallel_loop3A_443 : memref<1x16x1792xf32, #tpu.memory_space<vmem>> -> memref<16x1792xf32, #tpu.memory_space<vmem>>
          %parallel_loop3A_445 = tpu.vector_load_idx %parallel_loop3A_444[%parallel_loop3A_439, %parallel_loop3A_122] : memref<16x1792xf32, #tpu.memory_space<vmem>>[vector<16xi32>, vector<16xi32>], vector<16xf32>,
          %parallel_loop3A_446 = arith.constant 1 : i32
          %parallel_loop3A_447 = arith.constant 0 : i32
          %parallel_loop3A_448 = arith.constant 0 : i32
          %parallel_loop3A_449 = tpu.memref_slice %arg6[%parallel_loop3A_446, %parallel_loop3A_447, %parallel_loop3A_448] : memref<2x16x1792xf32, #tpu.memory_space<vmem>> -> memref<1x16x1792xf32, #tpu.memory_space<vmem>>
          %parallel_loop3A_450 = tpu.memref_squeeze %parallel_loop3A_449 : memref<1x16x1792xf32, #tpu.memory_space<vmem>> -> memref<16x1792xf32, #tpu.memory_space<vmem>>
          %parallel_loop3A_451 = tpu.vector_load_idx %parallel_loop3A_450[%parallel_loop3A_439, %parallel_loop3A_125] : memref<16x1792xf32, #tpu.memory_space<vmem>>[vector<16xi32>, vector<16xi32>], vector<16xf32>,
          %parallel_loop3A_452 = arith.constant 1 : i32
          %parallel_loop3A_453 = arith.constant 12 : i32
          %parallel_loop3A_454 = arith.index_cast %parallel_loop3A_452 : i32 to index
          %parallel_loop3A_455 = arith.index_cast %parallel_loop3A_453 : i32 to index
          %parallel_loop3A_456 = arith.index_cast %parallel_loop3A_118 : i32 to index
          %parallel_loop3A_457 = tpu.vector_load %arg8[%parallel_loop3A_454, %parallel_loop3A_455, %parallel_loop3A_456] {strides = array<i32>} : memref<2x16x896xf32, #tpu.memory_space<vmem>>, vector<16xf32>,
          tpu.vector_store %arg8[%parallel_loop3A_454, %parallel_loop3A_455, %parallel_loop3A_456], %parallel_loop3A_445 {strides = array<i32>} : memref<2x16x896xf32, #tpu.memory_space<vmem>>, vector<16xf32>,
          %parallel_loop3A_458 = arith.constant 1 : i32
          %parallel_loop3A_459 = arith.constant 12 : i32
          %parallel_loop3A_460 = arith.index_cast %parallel_loop3A_458 : i32 to index
          %parallel_loop3A_461 = arith.index_cast %parallel_loop3A_459 : i32 to index
          %parallel_loop3A_462 = arith.index_cast %parallel_loop3A_118 : i32 to index
          %parallel_loop3A_463 = tpu.vector_load %arg9[%parallel_loop3A_460, %parallel_loop3A_461, %parallel_loop3A_462] {strides = array<i32>} : memref<2x16x896xf32, #tpu.memory_space<vmem>>, vector<16xf32>,
          tpu.vector_store %arg9[%parallel_loop3A_460, %parallel_loop3A_461, %parallel_loop3A_462], %parallel_loop3A_451 {strides = array<i32>} : memref<2x16x896xf32, #tpu.memory_space<vmem>>, vector<16xf32>,
          %parallel_loop3A_464 = arith.constant 13 : i32
          %parallel_loop3A_465 = vector.broadcast %parallel_loop3A_464 : i32 to vector<16xi32>
          %parallel_loop3A_466 = arith.constant 1 : i32
          %parallel_loop3A_467 = arith.constant 0 : i32
          %parallel_loop3A_468 = arith.constant 0 : i32
          %parallel_loop3A_469 = tpu.memref_slice %arg6[%parallel_loop3A_466, %parallel_loop3A_467, %parallel_loop3A_468] : memref<2x16x1792xf32, #tpu.memory_space<vmem>> -> memref<1x16x1792xf32, #tpu.memory_space<vmem>>
          %parallel_loop3A_470 = tpu.memref_squeeze %parallel_loop3A_469 : memref<1x16x1792xf32, #tpu.memory_space<vmem>> -> memref<16x1792xf32, #tpu.memory_space<vmem>>
          %parallel_loop3A_471 = tpu.vector_load_idx %parallel_loop3A_470[%parallel_loop3A_465, %parallel_loop3A_122] : memref<16x1792xf32, #tpu.memory_space<vmem>>[vector<16xi32>, vector<16xi32>], vector<16xf32>,
          %parallel_loop3A_472 = arith.constant 1 : i32
          %parallel_loop3A_473 = arith.constant 0 : i32
          %parallel_loop3A_474 = arith.constant 0 : i32
          %parallel_loop3A_475 = tpu.memref_slice %arg6[%parallel_loop3A_472, %parallel_loop3A_473, %parallel_loop3A_474] : memref<2x16x1792xf32, #tpu.memory_space<vmem>> -> memref<1x16x1792xf32, #tpu.memory_space<vmem>>
          %parallel_loop3A_476 = tpu.memref_squeeze %parallel_loop3A_475 : memref<1x16x1792xf32, #tpu.memory_space<vmem>> -> memref<16x1792xf32, #tpu.memory_space<vmem>>
          %parallel_loop3A_477 = tpu.vector_load_idx %parallel_loop3A_476[%parallel_loop3A_465, %parallel_loop3A_125] : memref<16x1792xf32, #tpu.memory_space<vmem>>[vector<16xi32>, vector<16xi32>], vector<16xf32>,
          %parallel_loop3A_478 = arith.constant 1 : i32
          %parallel_loop3A_479 = arith.constant 13 : i32
          %parallel_loop3A_480 = arith.index_cast %parallel_loop3A_478 : i32 to index
          %parallel_loop3A_481 = arith.index_cast %parallel_loop3A_479 : i32 to index
          %parallel_loop3A_482 = arith.index_cast %parallel_loop3A_118 : i32 to index
          %parallel_loop3A_483 = tpu.vector_load %arg8[%parallel_loop3A_480, %parallel_loop3A_481, %parallel_loop3A_482] {strides = array<i32>} : memref<2x16x896xf32, #tpu.memory_space<vmem>>, vector<16xf32>,
          tpu.vector_store %arg8[%parallel_loop3A_480, %parallel_loop3A_481, %parallel_loop3A_482], %parallel_loop3A_471 {strides = array<i32>} : memref<2x16x896xf32, #tpu.memory_space<vmem>>, vector<16xf32>,
          %parallel_loop3A_484 = arith.constant 1 : i32
          %parallel_loop3A_485 = arith.constant 13 : i32
          %parallel_loop3A_486 = arith.index_cast %parallel_loop3A_484 : i32 to index
          %parallel_loop3A_487 = arith.index_cast %parallel_loop3A_485 : i32 to index
          %parallel_loop3A_488 = arith.index_cast %parallel_loop3A_118 : i32 to index
          %parallel_loop3A_489 = tpu.vector_load %arg9[%parallel_loop3A_486, %parallel_loop3A_487, %parallel_loop3A_488] {strides = array<i32>} : memref<2x16x896xf32, #tpu.memory_space<vmem>>, vector<16xf32>,
          tpu.vector_store %arg9[%parallel_loop3A_486, %parallel_loop3A_487, %parallel_loop3A_488], %parallel_loop3A_477 {strides = array<i32>} : memref<2x16x896xf32, #tpu.memory_space<vmem>>, vector<16xf32>,
          %parallel_loop3A_490 = arith.constant 14 : i32
          %parallel_loop3A_491 = vector.broadcast %parallel_loop3A_490 : i32 to vector<16xi32>
          %parallel_loop3A_492 = arith.constant 1 : i32
          %parallel_loop3A_493 = arith.constant 0 : i32
          %parallel_loop3A_494 = arith.constant 0 : i32
          %parallel_loop3A_495 = tpu.memref_slice %arg6[%parallel_loop3A_492, %parallel_loop3A_493, %parallel_loop3A_494] : memref<2x16x1792xf32, #tpu.memory_space<vmem>> -> memref<1x16x1792xf32, #tpu.memory_space<vmem>>
          %parallel_loop3A_496 = tpu.memref_squeeze %parallel_loop3A_495 : memref<1x16x1792xf32, #tpu.memory_space<vmem>> -> memref<16x1792xf32, #tpu.memory_space<vmem>>
          %parallel_loop3A_497 = tpu.vector_load_idx %parallel_loop3A_496[%parallel_loop3A_491, %parallel_loop3A_122] : memref<16x1792xf32, #tpu.memory_space<vmem>>[vector<16xi32>, vector<16xi32>], vector<16xf32>,
          %parallel_loop3A_498 = arith.constant 1 : i32
          %parallel_loop3A_499 = arith.constant 0 : i32
          %parallel_loop3A_500 = arith.constant 0 : i32
          %parallel_loop3A_501 = tpu.memref_slice %arg6[%parallel_loop3A_498, %parallel_loop3A_499, %parallel_loop3A_500] : memref<2x16x1792xf32, #tpu.memory_space<vmem>> -> memref<1x16x1792xf32, #tpu.memory_space<vmem>>
          %parallel_loop3A_502 = tpu.memref_squeeze %parallel_loop3A_501 : memref<1x16x1792xf32, #tpu.memory_space<vmem>> -> memref<16x1792xf32, #tpu.memory_space<vmem>>
          %parallel_loop3A_503 = tpu.vector_load_idx %parallel_loop3A_502[%parallel_loop3A_491, %parallel_loop3A_125] : memref<16x1792xf32, #tpu.memory_space<vmem>>[vector<16xi32>, vector<16xi32>], vector<16xf32>,
          %parallel_loop3A_504 = arith.constant 1 : i32
          %parallel_loop3A_505 = arith.constant 14 : i32
          %parallel_loop3A_506 = arith.index_cast %parallel_loop3A_504 : i32 to index
          %parallel_loop3A_507 = arith.index_cast %parallel_loop3A_505 : i32 to index
          %parallel_loop3A_508 = arith.index_cast %parallel_loop3A_118 : i32 to index
          %parallel_loop3A_509 = tpu.vector_load %arg8[%parallel_loop3A_506, %parallel_loop3A_507, %parallel_loop3A_508] {strides = array<i32>} : memref<2x16x896xf32, #tpu.memory_space<vmem>>, vector<16xf32>,
          tpu.vector_store %arg8[%parallel_loop3A_506, %parallel_loop3A_507, %parallel_loop3A_508], %parallel_loop3A_497 {strides = array<i32>} : memref<2x16x896xf32, #tpu.memory_space<vmem>>, vector<16xf32>,
          %parallel_loop3A_510 = arith.constant 1 : i32
          %parallel_loop3A_511 = arith.constant 14 : i32
          %parallel_loop3A_512 = arith.index_cast %parallel_loop3A_510 : i32 to index
          %parallel_loop3A_513 = arith.index_cast %parallel_loop3A_511 : i32 to index
          %parallel_loop3A_514 = arith.index_cast %parallel_loop3A_118 : i32 to index
          %parallel_loop3A_515 = tpu.vector_load %arg9[%parallel_loop3A_512, %parallel_loop3A_513, %parallel_loop3A_514] {strides = array<i32>} : memref<2x16x896xf32, #tpu.memory_space<vmem>>, vector<16xf32>,
          tpu.vector_store %arg9[%parallel_loop3A_512, %parallel_loop3A_513, %parallel_loop3A_514], %parallel_loop3A_503 {strides = array<i32>} : memref<2x16x896xf32, #tpu.memory_space<vmem>>, vector<16xf32>,
          %parallel_loop3A_516 = arith.constant 15 : i32
          %parallel_loop3A_517 = vector.broadcast %parallel_loop3A_516 : i32 to vector<16xi32>
          %parallel_loop3A_518 = arith.constant 1 : i32
          %parallel_loop3A_519 = arith.constant 0 : i32
          %parallel_loop3A_520 = arith.constant 0 : i32
          %parallel_loop3A_521 = tpu.memref_slice %arg6[%parallel_loop3A_518, %parallel_loop3A_519, %parallel_loop3A_520] : memref<2x16x1792xf32, #tpu.memory_space<vmem>> -> memref<1x16x1792xf32, #tpu.memory_space<vmem>>
          %parallel_loop3A_522 = tpu.memref_squeeze %parallel_loop3A_521 : memref<1x16x1792xf32, #tpu.memory_space<vmem>> -> memref<16x1792xf32, #tpu.memory_space<vmem>>
          %parallel_loop3A_523 = tpu.vector_load_idx %parallel_loop3A_522[%parallel_loop3A_517, %parallel_loop3A_122] : memref<16x1792xf32, #tpu.memory_space<vmem>>[vector<16xi32>, vector<16xi32>], vector<16xf32>,
          %parallel_loop3A_524 = arith.constant 1 : i32
          %parallel_loop3A_525 = arith.constant 0 : i32
          %parallel_loop3A_526 = arith.constant 0 : i32
          %parallel_loop3A_527 = tpu.memref_slice %arg6[%parallel_loop3A_524, %parallel_loop3A_525, %parallel_loop3A_526] : memref<2x16x1792xf32, #tpu.memory_space<vmem>> -> memref<1x16x1792xf32, #tpu.memory_space<vmem>>
          %parallel_loop3A_528 = tpu.memref_squeeze %parallel_loop3A_527 : memref<1x16x1792xf32, #tpu.memory_space<vmem>> -> memref<16x1792xf32, #tpu.memory_space<vmem>>
          %parallel_loop3A_529 = tpu.vector_load_idx %parallel_loop3A_528[%parallel_loop3A_517, %parallel_loop3A_125] : memref<16x1792xf32, #tpu.memory_space<vmem>>[vector<16xi32>, vector<16xi32>], vector<16xf32>,
          %parallel_loop3A_530 = arith.constant 1 : i32
          %parallel_loop3A_531 = arith.constant 15 : i32
          %parallel_loop3A_532 = arith.index_cast %parallel_loop3A_530 : i32 to index
          %parallel_loop3A_533 = arith.index_cast %parallel_loop3A_531 : i32 to index
          %parallel_loop3A_534 = arith.index_cast %parallel_loop3A_118 : i32 to index
          %parallel_loop3A_535 = tpu.vector_load %arg8[%parallel_loop3A_532, %parallel_loop3A_533, %parallel_loop3A_534] {strides = array<i32>} : memref<2x16x896xf32, #tpu.memory_space<vmem>>, vector<16xf32>,
          tpu.vector_store %arg8[%parallel_loop3A_532, %parallel_loop3A_533, %parallel_loop3A_534], %parallel_loop3A_523 {strides = array<i32>} : memref<2x16x896xf32, #tpu.memory_space<vmem>>, vector<16xf32>,
          %parallel_loop3A_536 = arith.constant 1 : i32
          %parallel_loop3A_537 = arith.constant 15 : i32
          %parallel_loop3A_538 = arith.index_cast %parallel_loop3A_536 : i32 to index
          %parallel_loop3A_539 = arith.index_cast %parallel_loop3A_537 : i32 to index
          %parallel_loop3A_540 = arith.index_cast %parallel_loop3A_118 : i32 to index
          %parallel_loop3A_541 = tpu.vector_load %arg9[%parallel_loop3A_538, %parallel_loop3A_539, %parallel_loop3A_540] {strides = array<i32>} : memref<2x16x896xf32, #tpu.memory_space<vmem>>, vector<16xf32>,
          tpu.vector_store %arg9[%parallel_loop3A_538, %parallel_loop3A_539, %parallel_loop3A_540], %parallel_loop3A_529 {strides = array<i32>} : memref<2x16x896xf32, #tpu.memory_space<vmem>>, vector<16xf32>,
        } {sc.loop_unroll_factor = 4 : i64, sc.parallel_access}
        %mul3A_88 = arith.constant 32 : i32
        %mul3A_89 = arith.muli %mul3A_88, %add3A_49 : i32
        %add3A_90 = arith.addi %add3A, %mul3A_89 : i32
        %mul3A_91 = arith.constant 896 : i32
        %mul3A_92 = arith.muli %add3A_90, %mul3A_91 : i32
        %multiple_of3A = tpu.assume_multiple %mul3A_92, 896 : i32
        %dma_start3A = arith.constant 1 : i32
        %dma_start3A_93 = arith.constant 0 : i32
        %dma_start3A_94 = arith.constant 0 : i32
        %dma_start3A_95 = tpu.memref_slice %arg8[%dma_start3A, %dma_start3A_93, %dma_start3A_94] : memref<2x16x896xf32, #tpu.memory_space<vmem>> -> memref<1x16x896xf32, #tpu.memory_space<vmem>>
        %dma_start3A_96 = tpu.memref_squeeze %dma_start3A_95 : memref<1x16x896xf32, #tpu.memory_space<vmem>> -> memref<16x896xf32, #tpu.memory_space<vmem>>
        %dma_start3A_97 = arith.constant 0 : i32
        %dma_start3A_98 = tpu.memref_slice %arg4[%dma_start3A_97, %multiple_of3A] : memref<16x524160xf32, #tpu.memory_space<hbm>> -> memref<16x896xf32, #tpu.memory_space<hbm>>
        %dma_start3A_99 = arith.constant 0 : i32
        %dma_start3A_100 = tpu.memref_slice %arg4[%dma_start3A_99, %multiple_of3A] : memref<16x524160xf32, #tpu.memory_space<hbm>> -> memref<16x896xf32, #tpu.memory_space<hbm>>
        %dma_start3A_101 = arith.constant 0 : i32
        %dma_start3A_102 = arith.constant 0 : i32
        %dma_start3A_103 = tpu.memref_slice %arg8[%dma_start3A, %dma_start3A_101, %dma_start3A_102] : memref<2x16x896xf32, #tpu.memory_space<vmem>> -> memref<1x16x896xf32, #tpu.memory_space<vmem>>
        %dma_start3A_104 = tpu.memref_squeeze %dma_start3A_103 : memref<1x16x896xf32, #tpu.memory_space<vmem>> -> memref<16x896xf32, #tpu.memory_space<vmem>>
        tpu.enqueue_dma source(%dma_start3A_104 : memref<16x896xf32, #tpu.memory_space<vmem>>) target(%dma_start3A_100 : memref<16x896xf32, #tpu.memory_space<hbm>>) target_semaphore(%arg13 : memref<!tpu.dma_semaphore, #tpu.memory_space<semaphore_mem>>)
        %dma_start3A_105 = arith.constant 1 : i32
        %dma_start3A_106 = arith.constant 0 : i32
        %dma_start3A_107 = arith.constant 0 : i32
        %dma_start3A_108 = tpu.memref_slice %arg9[%dma_start3A_105, %dma_start3A_106, %dma_start3A_107] : memref<2x16x896xf32, #tpu.memory_space<vmem>> -> memref<1x16x896xf32, #tpu.memory_space<vmem>>
        %dma_start3A_109 = tpu.memref_squeeze %dma_start3A_108 : memref<1x16x896xf32, #tpu.memory_space<vmem>> -> memref<16x896xf32, #tpu.memory_space<vmem>>
        %dma_start3A_110 = arith.constant 0 : i32
        %dma_start3A_111 = tpu.memref_slice %arg5[%dma_start3A_110, %multiple_of3A] : memref<16x524160xf32, #tpu.memory_space<hbm>> -> memref<16x896xf32, #tpu.memory_space<hbm>>
        %dma_start3A_112 = arith.constant 0 : i32
        %dma_start3A_113 = tpu.memref_slice %arg5[%dma_start3A_112, %multiple_of3A] : memref<16x524160xf32, #tpu.memory_space<hbm>> -> memref<16x896xf32, #tpu.memory_space<hbm>>
        %dma_start3A_114 = arith.constant 0 : i32
        %dma_start3A_115 = arith.constant 0 : i32
        %dma_start3A_116 = tpu.memref_slice %arg9[%dma_start3A_105, %dma_start3A_114, %dma_start3A_115] : memref<2x16x896xf32, #tpu.memory_space<vmem>> -> memref<1x16x896xf32, #tpu.memory_space<vmem>>
        %dma_start3A_117 = tpu.memref_squeeze %dma_start3A_116 : memref<1x16x896xf32, #tpu.memory_space<vmem>> -> memref<16x896xf32, #tpu.memory_space<vmem>>
        tpu.enqueue_dma source(%dma_start3A_117 : memref<16x896xf32, #tpu.memory_space<vmem>>) target(%dma_start3A_113 : memref<16x896xf32, #tpu.memory_space<hbm>>) target_semaphore(%arg13 : memref<!tpu.dma_semaphore, #tpu.memory_space<semaphore_mem>>)
      } else {
      }
    }
    %scan3A_7 = arith.constant 11 : i32
    return
  }
}

</mosaic_0001>

<sc_bundles>
// kernel: kernel.3.cloned.1.call-start
scs
__scs_entry_jumppad:
0x0: {  	(pc) =	sbr.rel $0x88, $3  }
0x1: {  	(tag) =	ssettag $0x0;
	lr =	simm.s32 $0x1  }
0x2: {  	[smem:$0x3FA0] =	sst lr;
	_ =	strace $0xD0000000  }
0x3: {  	_ = 	snop  }
0x4: {  	_ = 	snop  }
0x5: {  	_ = 	snop  }
0x6: {  	_ = 	snop  }
0x7: {  	_ = 	snop  }
__scs_overlays_trampoline_lowered:
0x8: {  	[smem:$0x3FAF] =	sst s0  }
0x9: {  	[smem:$0x3FB0] =	sst s1  }
0xa: {  	[smem:$0x3FB1] =	sst s2  }
0xb: {  	[smem:$0x3FB2] =	sst s3  }
0xc: {  	[smem:$0x3FB3] =	sst s4  }
0xd: {  	[smem:$0x3FB4] =	sst s5  }
0xe: {  	[smem:$0x3FB5] =	sst s6  }
0xf: {  	[smem:$0x3FB6] =	sst s7  }
0x10: {  	[smem:$0x3FB7] =	sst s8  }
0x11: {  	[smem:$0x3FB8] =	sst s9;
	s0 =	simm.s32 @!p0 $0x0  }
0x12: {  	s1 =	sld [smem:$0x3F9E];
	s0 =	simm.s32 @p0 $0x1  }
0x13: {  	[smem:$0x3FB9] =	sst s0;
	s0 =	simm.s32 @!p1 $0x0  }
0x14: {  	s2 =	sld [smem:$0x3F9D];
	s0 =	simm.s32 @p1 $0x1  }
0x15: {  	[smem:$0x3FBA] =	sst s0;
	s0 =	simm.s32 @!p2 $0x0  }
0x16: {  	s3 =	sld [smem:$0x3FDB];
	s0 =	simm.s32 @p2 $0x1  }
0x17: {  	s4 =	simm.s32 $0x1BF5;
	[smem:$0x3FBC] =	sst s0  }
0x18: {  	s0 =	sld [smem:$0x3F9F];
	_ =	swait.ge [sflag:s4], $0x0  }
0x19: {  	s7 =	sld [smem:$0x3FA0]  }
0x1a: {  	s8 =	sadd.s32 $0xFFFFE003, lr  }
0x1b: {  	s9 =	sadd.s32 $0xFFFFFEF7, lr;
	s5 =	simm.s32 $0xFFFFFFFF;
	p2 =	slt.u32 s8, $0xFFFFF086  }
0x1c: {  	p1 =	slt.u32 s9, $0xF7A;
	s5 =	simm.s32 @!p2 $0x0  }
0x1d: {  	s5 =	simm.s32 @p1 $0x1;
	p0 =	seq.s32 s7, s2  }
0x1e: {  	s7 =	smul.u32 @!p0 $0xF7A, s2;
	p2 =	seq.s32 @!p0 s5, $0x0  }
0x1f: {  	s9 =	smul.u32 $0xF7A, s1;
	s8 =	simm.s32 @!p0 $0x1BF5;
	p2 =	por !p2, p0  }
0x20: {  	[sflag:s8] =	ssyncset.s32 @!p0 $0xFFFFF086;
	s6 =	sadd.s32 @!p0 s3, s7;
	s7 =	simm.s32 @!p0 $0x108  }
0x21: {  	s3 =	sadd.s32 s3, s9;
	s6 =	sadd.s32 @!p0 $0x88, s6;
	s7 =	simm.s32 @p2 $0x1082  }
0x22: {  	[simem:s7], [sflag:s8] =	dma.local @!p0 [hbm:s6], $0xF7A  }
0x23: {  	s9 =	sor.u32 $0xD0000000, s2;
	s6 =	simm.s32 $0x108;
	_ =	swait.ge @!p0 [sflag:s8], $0x0  }
0x24: {  	s3 =	sadd.s32 $0x88, s3;
	s6 =	simm.s32 @!p1 $0x1082;
	[sflag:s4] =	ssyncset.s32 $0xFFFFF086  }
0x25: {  	[simem:s6], [sflag:s4] =	dma.local [hbm:s3], $0xF7A  }
0x26: {  	[smem:$0x3FA0] =	sst s1;
	(tag) =	ssettag s2;
	_ =	strace s9  }
0x27: {  	s1 =	sld [smem:$0x3FB0]  }
0x28: {  	s2 =	sld [smem:$0x3FB1]  }
0x29: {  	s4 =	sld [smem:$0x3FB3]  }
0x2a: {  	p0 =	seq.s32 s5, $0x0;
	s5 =	sld [smem:$0x3FB4]  }
0x2b: {  	s6 =	sld [smem:$0x3FB5]  }
0x2c: {  	s7 =	sld [smem:$0x3FB6]  }
0x2d: {  	s3 =	simm.s32 $0x108;
	s8 =	sld [smem:$0x3FB7]  }
0x2e: {  	s3 =	simm.s32 @!p0 $0x1082;
	s9 =	sld [smem:$0x3FB8]  }
0x2f: {  	lr =	sadd.s32 s0, s3;
	s0 =	sld [smem:$0x3FAF]  }
0x30: {  	s3 =	sld [smem:$0x3FB2]  }
0x31: {  	[smem:$0x3FBB] =	sst s10  }
0x32: {  	s10 =	sld [smem:$0x3FB9];
	_ =	sdelay $0x3  }
0x33: {  	p0 =	seq.s32 s10, $0x1;
	s10 =	sld [smem:$0x3FBB];
	_ =	sdelay $0x3  }
0x34: {  	[smem:$0x3FBB] =	sst s10  }
0x35: {  	s10 =	sld [smem:$0x3FBA];
	_ =	sdelay $0x3  }
0x36: {  	p1 =	seq.s32 s10, $0x1;
	s10 =	sld [smem:$0x3FBB];
	_ =	sdelay $0x3  }
0x37: {  	[smem:$0x3FBB] =	sst s10  }
0x38: {  	s10 =	sld [smem:$0x3FBC]  }
0x39: {  	_ = 	snop;
	(pc) =	sbr.ind lr, $3  }
0x3a: {  	_ = 	snop  }
0x3b: {  	_ = 	snop  }
0x3c: {  	p2 =	seq.s32 s10, $0x1;
	s10 =	sld [smem:$0x3FBB]  }
0x3d: {  	_ =	shalt  }
0x3e: {  	_ =	shalt  }
0x3f: {  	_ =	shalt  }
0x40: {  	_ =	shalt  }
0x41: {  	_ =	shalt  }
0x42: {  	_ =	shalt  }
0x43: {  	_ =	shalt  }
0x44: {  	_ =	shalt  }
0x45: {  	_ =	shalt  }
0x46: {  	_ =	shalt  }
0x47: {  	_ =	shalt  }
0x48: {  	_ =	shalt  }
0x49: {  	_ =	shalt  }
0x4a: {  	_ =	shalt  }
0x4b: {  	_ =	shalt  }
0x4c: {  	_ =	shalt  }
0x4d: {  	_ =	shalt  }
0x4e: {  	_ =	shalt  }
0x4f: {  	_ =	shalt  }
0x50: {  	_ =	shalt  }
0x51: {  	_ =	shalt  }
0x52: {  	_ =	shalt  }
0x53: {  	_ =	shalt  }
0x54: {  	_ =	shalt  }
0x55: {  	_ =	shalt  }
0x56: {  	_ =	shalt  }
0x57: {  	_ =	shalt  }
0x58: {  	_ =	shalt  }
0x59: {  	_ =	shalt  }
0x5a: {  	_ =	shalt  }
0x5b: {  	_ =	shalt  }
0x5c: {  	_ =	shalt  }
0x5d: {  	_ =	shalt  }
0x5e: {  	_ =	shalt  }
0x5f: {  	_ =	shalt  }
0x60: {  	_ =	shalt  }
0x61: {  	_ =	shalt  }
0x62: {  	_ =	shalt  }
0x63: {  	_ =	shalt  }
0x64: {  	_ =	shalt  }
0x65: {  	_ =	shalt  }
0x66: {  	_ =	shalt  }
0x67: {  	_ =	shalt  }
0x68: {  	_ =	shalt  }
0x69: {  	_ =	shalt  }
0x6a: {  	_ =	shalt  }
0x6b: {  	_ =	shalt  }
0x6c: {  	_ =	shalt  }
0x6d: {  	_ =	shalt  }
0x6e: {  	_ =	shalt  }
0x6f: {  	_ =	shalt  }
0x70: {  	_ =	shalt  }
0x71: {  	_ =	shalt  }
0x72: {  	_ =	shalt  }
0x73: {  	_ =	shalt  }
0x74: {  	_ =	shalt  }
0x75: {  	_ =	shalt  }
0x76: {  	_ =	shalt  }
0x77: {  	_ =	shalt  }
0x78: {  	_ =	shalt  }
0x79: {  	_ =	shalt  }
0x7a: {  	_ =	shalt  }
0x7b: {  	_ =	shalt  }
0x7c: {  	_ =	shalt  }
0x7d: {  	_ =	shalt  }
0x7e: {  	_ =	shalt  }
0x7f: {  	_ =	shalt  }
0x80: {  	_ =	shalt  }
0x81: {  	_ =	shalt  }
0x82: {  	_ =	shalt  }
0x83: {  	_ =	shalt  }
0x84: {  	_ =	shalt  }
0x85: {  	_ =	shalt  }
0x86: {  	_ =	shalt  }
0x87: {  	_ =	shalt  }
.Lfunc_end0:
.L_simem_size_0:
called_computation_lowered:
.L_overlay_start_0:
0x88: {  	s2 =	sld [smem:$0x3FD9]  }
0x89: {  	s3 =	sld [smem:$0x3FFE];
	_ =	sdelay $0x1  }
0x8a: {  	s1 =	srdreg.scid  }
0x8b: {  	s0 =	sand.u32 $0x1, s1  }
0x8c: {  	s14 =	sshll.u32 s0, $0xA;
	s2 =	sadd.s32 s3, s2  }
0x8d: {  	s2 =	sadd.s32 s2, s14  }
0x8e: {  	[smem:$0x3FC7] =	sst s2  }
0x8f: {  	_ = 	snop  }
0x90: {  	s2 =	sld [smem:$0x3FD0];
	_ =	sdelay $0x2  }
0x91: {  	s4 =	simm.s32 $0xA;
	s5 =	simm.s32 $0x10;
	s15 =	sld [smem:$0x3FC9]  }
0x92: {  	[smem:s5], [sflag:s4] =	dma.local [hbm:s2], $0x1  }
0x93: {  	_ =	swait.eq [sflag:s4], $0x1  }
0x94: {  	[sflag:s4] =	ssyncset.done $0x0  }
0x95: {  	s16 =	sld [smem:$0x10];
	[sflag:s4] =	ssyncadd.s32 $0xFFFFFFFF  }
0x96: {  	s17 =	sld [smem:$0x11];
	(tm) =	ssettm $0x1  }
0x97: {  	s18 =	sld [smem:$0x3FFB];
	_ =	sdelay $0x3  }
0x98: {  	_ =	strace s18  }
0x99: {  	s5 =	sld [smem:$0x3FFC];
	_ =	sdelay $0x3  }
0x9a: {  	_ =	strace s5  }
0x9b: {  	s5 =	sld [smem:$0x3FFD];
	_ =	sdelay $0x3  }
0x9c: {  	_ =	strace s5  }
0x9d: {  	_ =	strace $0x8FFFFFFF  }
0x9e: {  	s19 =	sld [smem:$0x3FDB];
	_ =	sdelay $0x1  }
0x9f: {  	s6 =	simm.s32 $_scs_section_size  }
0xa0: {  	s7 =	simm.s32 $_size__tile_overlayer_lowered;
	s8 =	simm.s32 $_tile_overlayer_lowered  }
0xa1: {  	s22 =	simm.s32 $0x1BFF;
	s21 =	sshll.u32 s8, $0x1;
	s5 =	sadd.s32 s6, s19  }
0xa2: {  	s9 =	simm.s32 $0x0;
	s20 =	sshll.u32 s7, $0x1;
	s7 =	sadd.s32 s21, s5  }
0xa3: {  	[timem:s9], [sflag:s22] =	dma.local [hbm:s7], s20  }
0xa4: {  	_ =	swait.ge [sflag:s22], s20  }
0xa5: {  	s6 =	ssub.s32 $0x0, s20;
	[sflag:s22] =	ssyncset.done $0x0  }
0xa6: {  	[sflag:s22] =	ssyncadd.s32 s6;
	_ =	sdelay $0x1  }
0xa7: {  	s23 =	simm.s32 $0x1B8B  }
0xa8: {  	_ =	swait.ge [sflag:s23], $0x1  }
0xa9: {  	[sflag:s23] =	ssyncset.done $0x0  }
0xaa: {  	s25 =	simm.s32 $0x1B8E;
	s24 =	sld [smem:$0x3FFE];
	[sflag:s23] =	ssyncadd.s32 $0xFFFFFFFF  }
0xab: {  	s26 =	simm.s32 $execute0_lowered;
	[smem:$0x3FD2] =	sst s25  }
0xac: {  	s7 =	sshll.u32 s26, $0x1;
	_ =	strace $0x80000046;
	[dreg:$0x1] =	wrdreg $0xFFFFFFFF  }
0xad: {  	s28 =	simm.s32 $_size_execute0_lowered;
	s5 =	sadd.s32 s5, s7;
	[dreg:$0x0] =	wrdreg $0x0  }
0xae: {  	s7 =	sshll.u32 s28, $0x1;
	[dreg:$0x2] =	wrdreg s5  }
0xaf: {  	[dreg:$0x3] =	wrdreg s7  }
0xb0: {  	[dreg:$0x4] =	wrdreg $0xC0  }
0xb1: {  	_ =	task [dreg:s9], $0x5FFFF  }
0xb2: {  	[dreg:$0x1] =	wrdreg $0xFFFFFFFF  }
0xb3: {  	[dreg:$0x0] =	wrdreg $0x60  }
0xb4: {  	[dreg:$0x2] =	wrdreg s15  }
0xb5: {  	[dreg:$0x3] =	wrdreg s24  }
0xb6: {  	[dreg:$0x4] =	wrdreg s16  }
0xb7: {  	[dreg:$0x5] =	wrdreg s17  }
0xb8: {  	[dreg:$0x6] =	wrdreg $0x9  }
0xb9: {  	_ =	task.clear_ibuf [dreg:s9], $0x7FFFF;
	_ =	strace $0x90000046  }
0xba: {  	s29 =	simm.s32 $0x9;
	_ =	strace $0x80000048  }
0xbb: {  	_ =	swait.ge [sflag:s29], $0x1  }
0xbc: {  	[sflag:s29] =	ssyncadd.s32 $0xFFFFFFFF  }
0xbd: {  	_ =	strace $0x90000048  }
0xbe: {  	_ =	sfence  }
0xbf: {  	s30 =	sld [smem:$0x0];
	_ =	sdelay $0x2  }
0xc0: {  	s31 =	sshll.u32 s1, $0xD;
	s1 =	sshrl.u32 s1, $0x2  }
0xc1: {  	s3 =	sand.u32 $0x4000, s31;
	s1 =	sadd.s32 s1, s30  }
0xc2: {  	s0 =	sor.u32 s3, s0;
	s1 =	sshll.u32 s1, $0x11  }
0xc3: {  	s0 =	sor.u32 s1, s0  }
0xc4: {  	s0 =	sadd.s32 $0x8F2B, s0  }
0xc5: {  	[sflag:s0] =	ssyncadd.remote.s32 $0x1  }
0xc6: {  	_ =	sfence.sel $0xFFFF  }
0xc7: {  	[dreg:$0x0] =	wrdreg $0xFFFFFFFF;
	(pc) =	sbr.abs _section_cstart, $3  }
0xc8: {  	[dreg:$0x1] =	wrdreg $0xFFFFFFFF  }
0xc9: {  	_ =	task.clear_ibuf [dreg:s9], $0x2FFFF;
	_ =	strace $0x9FFFFFFF  }
0xca: {  	(tm) =	ssettm $0x7FFFFFFF  }
0xcb: {  	_ =	shalt  }
tec
execute0_lowered:
.L_overlay_start_1:
0x0: {  	(tag) =	ssettag $0x1  }
0x1: {  	s30 =	rddreg [dreg:$0x0]  }
0x2: {  	s0 =	rddreg [dreg:$0x1];
	s1 =	srdreg.scid  }
0x3: {  	s2 =	stileid.u32;
	s31 =	rddreg [dreg:$0x2]  }
0x4: {  	s6 =	simm.s32 $0x0;
	s1 =	sand.u32 $0x1, s1;
	s2 =	sshll.u32 s2, $0x1  }
0x5: {  	[smem:$0x7FF] =	sst s6;
	s5 =	sadd.s32 $0x600, s0;
	s4 =	sor.u32 s1, s2  }
0x6: {  	s1 =	ssub.s32 $0x2, s1;
	_ =	strace $0x80000047;
	[dreg:$0x6] =	wrdreg s5  }
0x7: {  	s2 =	smul.u32 $0x700, s4;
	s20 =	sor.u32 $0x40, s4;
	[dreg:$0x5] =	wrdreg s4  }
0x8: {  	s3 =	smul.u32 $0x70, s4;
	s28 =	ssub.s32 $0x289, s4;
	[dreg:$0x9] =	wrdreg s20  }
0x9: {  	s17 =	sshrl.u32 s1, $0x1;
	s29 =	ssub.s32 $0x269, s4;
	[dreg:$0x11] =	wrdreg s28  }
0xa: {  	s0 =	ssub.s32 s1, s17;
	[dreg:$0x12] =	wrdreg s29;
	s18 =	sadd.s32 s30, s2  }
0xb: {  	s0 =	smax.u32 s0, $0x1;
	[dreg:$0x7] =	wrdreg s18  }
0xc: {  	s19 =	sadd.s32 s5, s3;
	[dreg:$0xa] =	wrdreg s0  }
0xd: {  	s21 =	sadd.s32 $0x10, s19;
	[dreg:$0x8] =	wrdreg s19  }
0xe: {  	s22 =	sadd.s32 $0x20, s19;
	[dreg:$0xb] =	wrdreg s21  }
.Ltmp0:
0xf: {  	s23 =	sadd.s32 $0x30, s19;
	[dreg:$0xc] =	wrdreg s22;
	(pc) =	sbr.rel .LBB2_1-.Ltmp0, $4  }
0x10: {  	s24 =	sadd.s32 $0x40, s19;
	[dreg:$0xd] =	wrdreg s23  }
0x11: {  	s25 =	sadd.s32 $0x50, s19;
	[dreg:$0xe] =	wrdreg s24  }
0x12: {  	s26 =	sadd.s32 $0x60, s19;
	[dreg:$0xf] =	wrdreg s25  }
0x13: {  	s20 =	simm.s32 $0x7000;
	s1 =	simm.s32 $0x0;
	[dreg:$0x10] =	wrdreg s26  }
.LBB2_11:
0x14: {  	s1 =	rddreg [dreg:$0x13]  }
0x15: {  	s0 =	rddreg [dreg:$0xa];
	s1 =	sadd.s32 $0x1, s1  }
0x16: {  	p0 =	sne.s32 s1, s0  }
.Ltmp1:
0x17: {  	_ = 	snop;
	(pc) =	sbr.rel @!p0 .LBB2_12-.Ltmp1, $1  }
0x18: {  	_ =	sdelay $0x3  }
.LBB2_1:
0x19: {  	s0 =	rddreg [dreg:$0x7];
	s13 =	simm.s32 $0x3800;
	s2 =	simm.s32 $0x800000  }
0x1a: {  	[tilespmem:s6], [sflag:$0x1] =	stream.strided.gather [hbm4b:s0+s13], $0x7000, s2, s13, $0x38;
	[tilespmem:$0x1C700] =	vst v63  }
0x1b: {  	s14 =	rddreg [dreg:$0x8];
	s15 =	simm.s32 $0xE000  }
0x1c: {  	[tilespmem:s15], [sflag:$0x1] =	stream.linear.gather [hbm4b:s14+s6], $0x80, $0x38;
	[tilespmem:$0x1C700] =	vst v63  }
0x1d: {  	s16 =	rddreg [dreg:$0xb];
	s17 =	simm.s32 $0xE100  }
0x1e: {  	[tilespmem:s17], [sflag:$0x1] =	stream.linear.gather [hbm4b:s16+s6], $0x80, $0x38;
	[tilespmem:$0x1C700] =	vst v63  }
0x1f: {  	s18 =	rddreg [dreg:$0xc];
	s19 =	simm.s32 $0xE200  }
0x20: {  	[tilespmem:s19], [sflag:$0x1] =	stream.linear.gather [hbm4b:s18+s6], $0x80, $0x38;
	[tilespmem:$0x1C700] =	vst v63  }
0x21: {  	s21 =	rddreg [dreg:$0xd];
	s22 =	simm.s32 $0xE300  }
0x22: {  	[tilespmem:s22], [sflag:$0x1] =	stream.linear.gather [hbm4b:s21+s6], $0x80, $0x38;
	[tilespmem:$0x1C700] =	vst v63  }
0x23: {  	s23 =	rddreg [dreg:$0xe];
	s24 =	simm.s32 $0xE400  }
0x24: {  	[tilespmem:s24], [sflag:$0x1] =	stream.linear.gather [hbm4b:s23+s6], $0x80, $0x38;
	[tilespmem:$0x1C700] =	vst v63  }
.Ltmp2:
0x25: {  	[dreg:$0x13] =	wrdreg s1;
	(pc) =	sbr.rel .LBB2_2-.Ltmp2, $4  }
0x26: {  	s25 =	rddreg [dreg:$0xf];
	s26 =	simm.s32 $0xE500  }
0x27: {  	[tilespmem:s26], [sflag:$0x1] =	stream.linear.gather [hbm4b:s25+s6], $0x80, $0x38;
	[tilespmem:$0x1C700] =	vst v63  }
0x28: {  	s28 =	rddreg [dreg:$0x10];
	s29 =	simm.s32 $0xE600;
	s24 =	simm.s32 $0x0  }
0x29: {  	[tilespmem:s29], [sflag:$0x1] =	stream.linear.gather [hbm4b:s28+s6], $0x80, $0x38;
	[tilespmem:$0x1C700] =	vst v63  }
.LBB2_10:
0x2a: {  	s24 =	sadd.s32 $0x1, s24  }
0x2b: {  	p0 =	sne.s32 s24, $0xB  }
.Ltmp3:
0x2c: {  	_ = 	snop;
	(pc) =	sbr.rel @!p0 .LBB2_11-.Ltmp3, $1  }
0x2d: {  	_ =	sdelay $0x3  }
.LBB2_2:
0x2e: {  	s26 =	sshll.u32 s24, $0x6;
	s0 =	rddreg [dreg:$0x5]  }
0x2f: {  	s28 =	sor.u32 s0, s26  }
0x30: {  	p2 =	sgt.u32 s28, $0x248  }
0x31: {  	s0 =	simm.s32 @!p2 $0x1  }
0x32: {  	_ =	swait.ge @!p2 [sflag:s0], $0x7000  }
0x33: {  	s25 =	sor.u32 $0x20, s28;
	[sflag:s0] =	ssyncset.done @!p2 $0x0  }
0x34: {  	p0 =	sgt.u32 s25, $0x248;
	[sflag:s0] =	ssyncadd.s32 @!p2 $0xFFFF9000  }
0x35: {  	s1 =	smul.u32 @!p0 $0x700, s25;
	s2 =	simm.s32 @!p0 $0x800000;
	_ =	swait.ge @!p2 [sflag:s0], $0x380  }
0x36: {  	s3 =	simm.s32 @!p0 $0x7000;
	s4 =	smul.u32 @!p0 $0x70, s25;
	[sflag:s0] =	ssyncset.done @!p2 $0x0  }
0x37: {  	[sflag:s0] =	ssyncadd.s32 @!p2 $0xFFFFFC80;
	s0 =	sadd.s32 @!p0 s30, s1;
	s1 =	simm.s32 @!p0 $0x3800  }
0x38: {  	[tilespmem:s3], [sflag:$0x2] =	stream.strided.gather @!p0 [hbm4b:s0+s1], $0x7000, s2, s1, $0x38;
	[tilespmem:$0x1C700] =	vst v63  }
0x39: {  	s0 =	sadd.s32 @!p0 s5, s4;
	s1 =	simm.s32 @!p0 $0x0;
	s2 =	simm.s32 @!p0 $0xE080  }
0x3a: {  	[tilespmem:s2], [sflag:$0x2] =	stream.linear.gather @!p0 [hbm4b:s0+s1], $0x80, $0x38;
	[tilespmem:$0x1C700] =	vst v63  }
0x3b: {  	s3 =	simm.s32 @!p0 $0xE180;
	s2 =	sadd.s32 @!p0 $0x10, s0  }
0x3c: {  	[tilespmem:s3], [sflag:$0x2] =	stream.linear.gather @!p0 [hbm4b:s2+s1], $0x80, $0x38;
	[tilespmem:$0x1C700] =	vst v63  }
0x3d: {  	s2 =	sadd.s32 @!p0 $0x20, s0;
	s3 =	simm.s32 @!p0 $0xE280  }
0x3e: {  	[tilespmem:s3], [sflag:$0x2] =	stream.linear.gather @!p0 [hbm4b:s2+s1], $0x80, $0x38;
	[tilespmem:$0x1C700] =	vst v63  }
0x3f: {  	s2 =	sadd.s32 @!p0 $0x30, s0;
	s3 =	simm.s32 @!p0 $0xE380  }
0x40: {  	[tilespmem:s3], [sflag:$0x2] =	stream.linear.gather @!p0 [hbm4b:s2+s1], $0x80, $0x38;
	[tilespmem:$0x1C700] =	vst v63  }
0x41: {  	s2 =	sadd.s32 @!p0 $0x40, s0;
	s3 =	simm.s32 @!p0 $0xE480  }
0x42: {  	[tilespmem:s3], [sflag:$0x2] =	stream.linear.gather @!p0 [hbm4b:s2+s1], $0x80, $0x38;
	[tilespmem:$0x1C700] =	vst v63  }
0x43: {  	s2 =	sadd.s32 @!p0 $0x50, s0;
	s3 =	simm.s32 @!p0 $0xE580  }
0x44: {  	[tilespmem:s3], [sflag:$0x2] =	stream.linear.gather @!p0 [hbm4b:s2+s1], $0x80, $0x38;
	[tilespmem:$0x1C700] =	vst v63  }
0x45: {  	s0 =	sadd.s32 @!p0 $0x60, s0;
	s2 =	simm.s32 @!p0 $0xE680  }
0x46: {  	[tilespmem:s2], [sflag:$0x2] =	stream.linear.gather @!p0 [hbm4b:s0+s1], $0x80, $0x38;
	[tilespmem:$0x1C700] =	vst v63  }
0x47: {  	p1 =	seq.s32 s24, $0x0;
	s0 =	rddreg [dreg:$0x11]  }
0x48: {  	p3 =	sge.u32 @!p1 s26, s0  }
0x49: {  	p3 =	por p3, p1  }
0x4a: {  	s0 =	simm.s32 @!p3 $0x3  }
0x4b: {  	_ =	swait.ge @!p3 [sflag:s0], $0x3800  }
.Ltmp4:
0x4c: {  	[sflag:s0] =	ssyncset.done @!p3 $0x0;
	(pc) =	sbr.rel @p2 .LBB2_6-.Ltmp4, $4  }
0x4d: {  	[sflag:s0] =	ssyncadd.s32 @!p3 $0xFFFFC800  }
0x4e: {  	_ =	swait.ge @!p3 [sflag:s0], $0x3800  }
0x4f: {  	[sflag:s0] =	ssyncset.done @!p3 $0x0  }
0x50: {  	[sflag:s0] =	ssyncadd.s32 @!p3 $0xFFFFC800  }
0x51: {  	s0 =	simm.s32 $0x0  }
0x52: {  	s2 =	simm.s32 $0x0;
	s15 =	sand.u32 $0x1C00, s0  }
0x53: {  	s13 =	sand.u32 $0x40, s2;
	s1 =	sshrl.u32 s15, $0x2  }
0x54: {  	s17 =	sor.u32 $0x30, s13;
	s1 =	sor.u32 $0xE000, s1  }
0x55: {  	s3 =	sor.u32 s17, s1  }
0x56: {  	v0 =	vld [tilespmem:s3+$0x0];
	_ =	sdelay $0x1  }
0x57: {  	s30 =	sor.u32 s13, s1  }
0x58: {  	s16 =	sor.u32 $0x10, s13;
	v1 =	vld [tilespmem:s30+$0x0]  }
0x59: {  	s31 =	sor.u32 s16, s1  }
0x5a: {  	v4 =	vld [tilespmem:s31+$0x0];
	v2 =	vshll.u32 v0, $0x3  }
0x5b: {  	v3 =	vand.u32 $0x7F, v0;
	v11 =	vand.u32 $0xFFFFFC00, v2  }
0x5c: {  	s29 =	sor.u32 $0x20, s13;
	v2 =	vxor.u32 $0x1, v3;
	v6 =	vor.u32 v3, v11  }
0x5d: {  	s1 =	sor.u32 s29, s1;
	v0 =	vshll.u32 v1, $0x3;
	v7 =	vor.u32 v2, v11  }
0x5e: {  	v12 =	vld [tilespmem:s1+$0x0];
	v5 =	vand.u32 $0x7F, v1;
	v10 =	vand.u32 $0xFFFFFC00, v0  }
0x5f: {  	v0 =	vshll.u32 v4, $0x3;
	v8 =	vxor.u32 $0x1, v5;
	v1 =	vor.u32 v5, v10  }
0x60: {  	v4 =	vand.u32 $0x7F, v4;
	v9 =	vand.u32 $0xFFFFFC00, v0;
	v13 =	vor.u32 v8, v10  }
0x61: {  	v0 =	vxor.u32 $0x1, v4;
	v14 =	vor.u32 v4, v9;
	v15 =	vld.idx.msk [tilespmem:v6+s6+$0x0], $0xffff  }
0x62: {  	v18 =	vor.u32 $0x80, v11;
	v16 =	vor.u32 v0, v9;
	v17 =	vld.idx.msk [tilespmem:v7+s6+$0x0], $0xffff  }
0x63: {  	v19 =	vor.u32 v3, v18;
	v7 =	vshll.u32 v12, $0x3  }
0x64: {  	v18 =	vor.u32 v2, v18;
	v6 =	vand.u32 $0x7F, v12;
	v12 =	vld.idx.msk [tilespmem:v1+s6+$0x0], $0xffff;
	v7 =	vand.u32 $0xFFFFFC00, v7  }
0x65: {  	s4 =	sor.u32 s17, s15;
	v13 =	vld.idx.msk [tilespmem:v13+s6+$0x0], $0xffff;
	v1 =	vxor.u32 $0x1, v6;
	v20 =	vor.u32 v6, v7  }
0x66: {  	v21 =	vor.u32 $0x80, v10;
	v14 =	vld.idx.msk [tilespmem:v14+s6+$0x0], $0xffff;
	v22 =	vor.u32 v1, v7;
	[tilespmem:s4+$0xE700] =	vst v15  }
0x67: {  	v16 =	vld.idx.msk [tilespmem:v16+s6+$0x0], $0xffff;
	v15 =	vor.u32 v5, v21;
	[tilespmem:s4+$0x15700] =	vst v17  }
0x68: {  	v17 =	vor.u32 $0x80, v9;
	v21 =	vor.u32 v8, v21;
	v19 =	vld.idx.msk [tilespmem:v19+s6+$0x0], $0xffff  }
0x69: {  	s9 =	sor.u32 s13, s15;
	v23 =	vor.u32 v4, v17;
	v18 =	vld.idx.msk [tilespmem:v18+s6+$0x0], $0xffff  }
0x6a: {  	[tilespmem:s9+$0xE700] =	vst v12;
	v17 =	vor.u32 v0, v17;
	v12 =	vld.idx.msk [tilespmem:v20+s6+$0x0], $0xffff;
	v20 =	vor.u32 $0x100, v11  }
0x6b: {  	s1 =	sor.u32 s16, s15;
	[tilespmem:s9+$0x15700] =	vst v13;
	v13 =	vld.idx.msk [tilespmem:v22+s6+$0x0], $0xffff;
	v22 =	vor.u32 v3, v20  }
0x6c: {  	v24 =	vor.u32 $0x80, v7;
	[tilespmem:s1+$0xE700] =	vst v14;
	v14 =	vor.u32 v2, v20;
	v15 =	vld.idx.msk [tilespmem:v15+s6+$0x0], $0xffff  }
0x6d: {  	[tilespmem:s1+$0x15700] =	vst v16;
	v20 =	vor.u32 v6, v24;
	v21 =	vld.idx.msk [tilespmem:v21+s6+$0x0], $0xffff  }
0x6e: {  	v16 =	vor.u32 $0x100, v10;
	v24 =	vor.u32 v1, v24;
	v23 =	vld.idx.msk [tilespmem:v23+s6+$0x0], $0xffff;
	[tilespmem:s4+$0xE780] =	vst v19  }
0x6f: {  	s8 =	sor.u32 s29, s15;
	v19 =	vor.u32 v5, v16;
	v17 =	vld.idx.msk [tilespmem:v17+s6+$0x0], $0xffff;
	[tilespmem:s4+$0x15780] =	vst v18  }
0x70: {  	v18 =	vor.u32 $0x100, v9;
	v16 =	vor.u32 v8, v16;
	[tilespmem:s8+$0xE700] =	vst v12;
	v12 =	vld.idx.msk [tilespmem:v22+s6+$0x0], $0xffff  }
0x71: {  	[tilespmem:s8+$0x15700] =	vst v13;
	v22 =	vor.u32 v4, v18;
	v13 =	vld.idx.msk [tilespmem:v14+s6+$0x0], $0xffff  }
0x72: {  	v14 =	vor.u32 v0, v18;
	v18 =	vor.u32 $0x180, v11;
	[tilespmem:s9+$0xE780] =	vst v15;
	v15 =	vld.idx.msk [tilespmem:v20+s6+$0x0], $0xffff  }
0x73: {  	[tilespmem:s9+$0x15780] =	vst v21;
	v20 =	vld.idx.msk [tilespmem:v24+s6+$0x0], $0xffff;
	v21 =	vor.u32 v3, v18  }
0x74: {  	v24 =	vor.u32 $0x100, v7;
	v18 =	vor.u32 v2, v18;
	v19 =	vld.idx.msk [tilespmem:v19+s6+$0x0], $0xffff;
	[tilespmem:s1+$0xE780] =	vst v23  }
0x75: {  	v23 =	vor.u32 v6, v24;
	v16 =	vld.idx.msk [tilespmem:v16+s6+$0x0], $0xffff;
	[tilespmem:s1+$0x15780] =	vst v17  }
0x76: {  	v17 =	vor.u32 $0x180, v10;
	v24 =	vor.u32 v1, v24;
	v22 =	vld.idx.msk [tilespmem:v22+s6+$0x0], $0xffff;
	[tilespmem:s4+$0xE800] =	vst v12  }
0x77: {  	v12 =	vor.u32 v5, v17;
	v14 =	vld.idx.msk [tilespmem:v14+s6+$0x0], $0xffff;
	[tilespmem:s4+$0x15800] =	vst v13  }
0x78: {  	v13 =	vor.u32 $0x180, v9;
	v17 =	vor.u32 v8, v17;
	[tilespmem:s8+$0xE780] =	vst v15;
	v15 =	vld.idx.msk [tilespmem:v21+s6+$0x0], $0xffff  }
0x79: {  	v21 =	vor.u32 v4, v13;
	[tilespmem:s8+$0x15780] =	vst v20;
	v18 =	vld.idx.msk [tilespmem:v18+s6+$0x0], $0xffff  }
0x7a: {  	v13 =	vor.u32 v0, v13;
	v20 =	vor.u32 $0x200, v11;
	[tilespmem:s9+$0xE800] =	vst v19;
	v19 =	vld.idx.msk [tilespmem:v23+s6+$0x0], $0xffff  }
0x7b: {  	[tilespmem:s9+$0x15800] =	vst v16;
	v16 =	vld.idx.msk [tilespmem:v24+s6+$0x0], $0xffff;
	v23 =	vor.u32 v3, v20  }
0x7c: {  	v24 =	vor.u32 $0x180, v7;
	v20 =	vor.u32 v2, v20;
	v12 =	vld.idx.msk [tilespmem:v12+s6+$0x0], $0xffff;
	[tilespmem:s1+$0xE800] =	vst v22  }
0x7d: {  	v22 =	vor.u32 v6, v24;
	v17 =	vld.idx.msk [tilespmem:v17+s6+$0x0], $0xffff;
	[tilespmem:s1+$0x15800] =	vst v14  }
0x7e: {  	v14 =	vor.u32 $0x200, v10;
	v24 =	vor.u32 v1, v24;
	v21 =	vld.idx.msk [tilespmem:v21+s6+$0x0], $0xffff;
	[tilespmem:s4+$0xE880] =	vst v15  }
0x7f: {  	v15 =	vor.u32 v5, v14;
	v13 =	vld.idx.msk [tilespmem:v13+s6+$0x0], $0xffff;
	[tilespmem:s4+$0x15880] =	vst v18  }
0x80: {  	v18 =	vor.u32 $0x200, v9;
	v14 =	vor.u32 v8, v14;
	[tilespmem:s8+$0xE800] =	vst v19;
	v19 =	vld.idx.msk [tilespmem:v23+s6+$0x0], $0xffff  }
0x81: {  	v23 =	vor.u32 v4, v18;
	[tilespmem:s8+$0x15800] =	vst v16;
	v16 =	vld.idx.msk [tilespmem:v20+s6+$0x0], $0xffff  }
0x82: {  	v18 =	vor.u32 v0, v18;
	v20 =	vor.u32 $0x280, v11;
	[tilespmem:s9+$0xE880] =	vst v12;
	v12 =	vld.idx.msk [tilespmem:v22+s6+$0x0], $0xffff  }
0x83: {  	[tilespmem:s9+$0x15880] =	vst v17;
	v17 =	vld.idx.msk [tilespmem:v24+s6+$0x0], $0xffff;
	v22 =	vor.u32 v3, v20  }
0x84: {  	v24 =	vor.u32 $0x200, v7;
	v20 =	vor.u32 v2, v20;
	v15 =	vld.idx.msk [tilespmem:v15+s6+$0x0], $0xffff;
	[tilespmem:s1+$0xE880] =	vst v21  }
0x85: {  	v21 =	vor.u32 v6, v24;
	v14 =	vld.idx.msk [tilespmem:v14+s6+$0x0], $0xffff;
	[tilespmem:s1+$0x15880] =	vst v13  }
0x86: {  	v13 =	vor.u32 $0x280, v10;
	v24 =	vor.u32 v1, v24;
	v23 =	vld.idx.msk [tilespmem:v23+s6+$0x0], $0xffff;
	[tilespmem:s4+$0xE900] =	vst v19  }
0x87: {  	v19 =	vor.u32 v5, v13;
	v18 =	vld.idx.msk [tilespmem:v18+s6+$0x0], $0xffff;
	[tilespmem:s4+$0x15900] =	vst v16  }
0x88: {  	v16 =	vor.u32 $0x280, v9;
	v13 =	vor.u32 v8, v13;
	[tilespmem:s8+$0xE880] =	vst v12;
	v12 =	vld.idx.msk [tilespmem:v22+s6+$0x0], $0xffff  }
0x89: {  	v22 =	vor.u32 v4, v16;
	[tilespmem:s8+$0x15880] =	vst v17;
	v17 =	vld.idx.msk [tilespmem:v20+s6+$0x0], $0xffff  }
0x8a: {  	v16 =	vor.u32 v0, v16;
	v20 =	vor.u32 $0x300, v11;
	[tilespmem:s9+$0xE900] =	vst v15;
	v15 =	vld.idx.msk [tilespmem:v21+s6+$0x0], $0xffff  }
0x8b: {  	[tilespmem:s9+$0x15900] =	vst v14;
	v14 =	vld.idx.msk [tilespmem:v24+s6+$0x0], $0xffff;
	v21 =	vor.u32 v3, v20  }
0x8c: {  	v24 =	vor.u32 $0x280, v7;
	v20 =	vor.u32 v2, v20;
	v19 =	vld.idx.msk [tilespmem:v19+s6+$0x0], $0xffff;
	[tilespmem:s1+$0xE900] =	vst v23  }
0x8d: {  	v23 =	vor.u32 v6, v24;
	v13 =	vld.idx.msk [tilespmem:v13+s6+$0x0], $0xffff;
	[tilespmem:s1+$0x15900] =	vst v18  }
0x8e: {  	v18 =	vor.u32 $0x300, v10;
	v24 =	vor.u32 v1, v24;
	v22 =	vld.idx.msk [tilespmem:v22+s6+$0x0], $0xffff;
	[tilespmem:s4+$0xE980] =	vst v12  }
0x8f: {  	v12 =	vor.u32 v5, v18;
	v16 =	vld.idx.msk [tilespmem:v16+s6+$0x0], $0xffff;
	[tilespmem:s4+$0x15980] =	vst v17  }
0x90: {  	v17 =	vor.u32 $0x300, v9;
	v18 =	vor.u32 v8, v18;
	[tilespmem:s8+$0xE900] =	vst v15;
	v15 =	vld.idx.msk [tilespmem:v21+s6+$0x0], $0xffff  }
0x91: {  	v21 =	vor.u32 v4, v17;
	[tilespmem:s8+$0x15900] =	vst v14;
	v14 =	vld.idx.msk [tilespmem:v20+s6+$0x0], $0xffff  }
0x92: {  	v17 =	vor.u32 v0, v17;
	v20 =	vor.u32 $0x380, v11;
	[tilespmem:s9+$0xE980] =	vst v19;
	v19 =	vld.idx.msk [tilespmem:v23+s6+$0x0], $0xffff  }
0x93: {  	[tilespmem:s9+$0x15980] =	vst v13;
	v13 =	vld.idx.msk [tilespmem:v24+s6+$0x0], $0xffff;
	v23 =	vor.u32 v3, v20  }
0x94: {  	v24 =	vor.u32 $0x300, v7;
	v20 =	vor.u32 v2, v20;
	v12 =	vld.idx.msk [tilespmem:v12+s6+$0x0], $0xffff;
	[tilespmem:s1+$0xE980] =	vst v22  }
0x95: {  	v22 =	vor.u32 v6, v24;
	v18 =	vld.idx.msk [tilespmem:v18+s6+$0x0], $0xffff;
	[tilespmem:s1+$0x15980] =	vst v16  }
0x96: {  	v16 =	vor.u32 $0x380, v10;
	v24 =	vor.u32 v1, v24;
	v21 =	vld.idx.msk [tilespmem:v21+s6+$0x0], $0xffff;
	[tilespmem:s4+$0xEA00] =	vst v15  }
0x97: {  	v15 =	vor.u32 v5, v16;
	v17 =	vld.idx.msk [tilespmem:v17+s6+$0x0], $0xffff;
	[tilespmem:s4+$0x15A00] =	vst v14  }
0x98: {  	v14 =	vor.u32 $0x380, v9;
	v16 =	vor.u32 v8, v16;
	[tilespmem:s8+$0xE980] =	vst v19;
	v19 =	vld.idx.msk [tilespmem:v23+s6+$0x0], $0xffff  }
0x99: {  	v23 =	vor.u32 v4, v14;
	[tilespmem:s8+$0x15980] =	vst v13;
	v13 =	vld.idx.msk [tilespmem:v20+s6+$0x0], $0xffff  }
0x9a: {  	v14 =	vor.u32 v0, v14;
	v20 =	vadd.s32 $0x3800, v11;
	[tilespmem:s9+$0xEA00] =	vst v12;
	v12 =	vld.idx.msk [tilespmem:v22+s6+$0x0], $0xffff  }
0x9b: {  	[tilespmem:s9+$0x15A00] =	vst v18;
	v18 =	vld.idx.msk [tilespmem:v24+s6+$0x0], $0xffff;
	v22 =	vor.u32 v3, v20  }
0x9c: {  	v24 =	vor.u32 $0x380, v7;
	v20 =	vor.u32 v2, v20;
	v15 =	vld.idx.msk [tilespmem:v15+s6+$0x0], $0xffff;
	[tilespmem:s1+$0xEA00] =	vst v21  }
0x9d: {  	v21 =	vor.u32 v6, v24;
	v16 =	vld.idx.msk [tilespmem:v16+s6+$0x0], $0xffff;
	[tilespmem:s1+$0x15A00] =	vst v17  }
0x9e: {  	v17 =	vadd.s32 $0x3800, v10;
	v24 =	vor.u32 v1, v24;
	v23 =	vld.idx.msk [tilespmem:v23+s6+$0x0], $0xffff;
	[tilespmem:s4+$0xEA80] =	vst v19  }
0x9f: {  	v19 =	vor.u32 v5, v17;
	v14 =	vld.idx.msk [tilespmem:v14+s6+$0x0], $0xffff;
	[tilespmem:s4+$0x15A80] =	vst v13  }
0xa0: {  	s0 =	sor.u32 s0, s2;
	v13 =	vadd.s32 $0x3800, v9;
	v17 =	vor.u32 v8, v17;
	[tilespmem:s8+$0xEA00] =	vst v12;
	v12 =	vld.idx.msk [tilespmem:v22+s6+$0x0], $0xffff  }
0xa1: {  	s0 =	sor.u32 $0x380, s0;
	v22 =	vor.u32 v4, v13;
	[tilespmem:s8+$0x15A00] =	vst v18;
	v18 =	vld.idx.msk [tilespmem:v20+s6+$0x0], $0xffff  }
0xa2: {  	v13 =	vor.u32 v0, v13;
	v20 =	vadd.s32 $0x3880, v11;
	[tilespmem:s0+$0xE700] =	vst v15;
	v15 =	vld.idx.msk [tilespmem:v21+s6+$0x0], $0xffff  }
0xa3: {  	[tilespmem:s0+$0x15700] =	vst v16;
	v16 =	vld.idx.msk [tilespmem:v24+s6+$0x0], $0xffff;
	v21 =	vor.u32 v3, v20  }
0xa4: {  	s5 =	sadd.s32 $0x1C00, s15;
	v24 =	vadd.s32 $0x3800, v7;
	v20 =	vor.u32 v2, v20;
	v19 =	vld.idx.msk [tilespmem:v19+s6+$0x0], $0xffff;
	[tilespmem:s1+$0xEA80] =	vst v23  }
0xa5: {  	s7 =	sor.u32 s17, s5;
	v23 =	vor.u32 v6, v24;
	v17 =	vld.idx.msk [tilespmem:v17+s6+$0x0], $0xffff;
	[tilespmem:s1+$0x15A80] =	vst v14  }
0xa6: {  	v14 =	vadd.s32 $0x3880, v10;
	v24 =	vor.u32 v1, v24;
	v22 =	vld.idx.msk [tilespmem:v22+s6+$0x0], $0xffff;
	[tilespmem:s7+$0xE700] =	vst v12  }
0xa7: {  	v12 =	vor.u32 v5, v14;
	v13 =	vld.idx.msk [tilespmem:v13+s6+$0x0], $0xffff;
	[tilespmem:s7+$0x15700] =	vst v18  }
0xa8: {  	v18 =	vadd.s32 $0x3880, v9;
	v14 =	vor.u32 v8, v14;
	[tilespmem:s8+$0xEA80] =	vst v15;
	v15 =	vld.idx.msk [tilespmem:v21+s6+$0x0], $0xffff  }
0xa9: {  	s9 =	sor.u32 s13, s5;
	v21 =	vor.u32 v4, v18;
	[tilespmem:s8+$0x15A80] =	vst v16;
	v16 =	vld.idx.msk [tilespmem:v20+s6+$0x0], $0xffff  }
0xaa: {  	v18 =	vor.u32 v0, v18;
	v20 =	vadd.s32 $0x3900, v11;
	[tilespmem:s9+$0xE700] =	vst v19;
	v19 =	vld.idx.msk [tilespmem:v23+s6+$0x0], $0xffff  }
0xab: {  	s10 =	sor.u32 s16, s5;
	[tilespmem:s9+$0x15700] =	vst v17;
	v17 =	vld.idx.msk [tilespmem:v24+s6+$0x0], $0xffff;
	v23 =	vor.u32 v3, v20  }
0xac: {  	s11 =	sadd.s32 $0x1C80, s15;
	v24 =	vadd.s32 $0x3880, v7;
	v20 =	vor.u32 v2, v20;
	v12 =	vld.idx.msk [tilespmem:v12+s6+$0x0], $0xffff;
	[tilespmem:s10+$0xE700] =	vst v22  }
0xad: {  	s12 =	sor.u32 s17, s11;
	v22 =	vor.u32 v6, v24;
	v14 =	vld.idx.msk [tilespmem:v14+s6+$0x0], $0xffff;
	[tilespmem:s10+$0x15700] =	vst v13  }
0xae: {  	v13 =	vadd.s32 $0x3900, v10;
	v24 =	vor.u32 v1, v24;
	v21 =	vld.idx.msk [tilespmem:v21+s6+$0x0], $0xffff;
	[tilespmem:s12+$0xE700] =	vst v15  }
0xaf: {  	s0 =	sor.u32 s29, s5;
	v15 =	vor.u32 v5, v13;
	v18 =	vld.idx.msk [tilespmem:v18+s6+$0x0], $0xffff;
	[tilespmem:s12+$0x15700] =	vst v16  }
0xb0: {  	v16 =	vadd.s32 $0x3900, v9;
	v13 =	vor.u32 v8, v13;
	[tilespmem:s0+$0xE700] =	vst v19;
	v19 =	vld.idx.msk [tilespmem:v23+s6+$0x0], $0xffff  }
0xb1: {  	s14 =	sor.u32 s13, s11;
	v23 =	vor.u32 v4, v16;
	[tilespmem:s0+$0x15700] =	vst v17;
	v17 =	vld.idx.msk [tilespmem:v20+s6+$0x0], $0xffff  }
0xb2: {  	v16 =	vor.u32 v0, v16;
	v20 =	vadd.s32 $0x3980, v11;
	[tilespmem:s14+$0xE700] =	vst v12;
	v12 =	vld.idx.msk [tilespmem:v22+s6+$0x0], $0xffff  }
0xb3: {  	s18 =	sor.u32 s16, s11;
	[tilespmem:s14+$0x15700] =	vst v14;
	v14 =	vld.idx.msk [tilespmem:v24+s6+$0x0], $0xffff;
	v22 =	vor.u32 v3, v20  }
0xb4: {  	s19 =	sadd.s32 $0x1D00, s15;
	v24 =	vadd.s32 $0x3900, v7;
	v20 =	vor.u32 v2, v20;
	v15 =	vld.idx.msk [tilespmem:v15+s6+$0x0], $0xffff;
	[tilespmem:s18+$0xE700] =	vst v21  }
0xb5: {  	s21 =	sor.u32 s17, s19;
	v21 =	vor.u32 v6, v24;
	v13 =	vld.idx.msk [tilespmem:v13+s6+$0x0], $0xffff;
	[tilespmem:s18+$0x15700] =	vst v18  }
0xb6: {  	v18 =	vadd.s32 $0x3980, v10;
	v24 =	vor.u32 v1, v24;
	v23 =	vld.idx.msk [tilespmem:v23+s6+$0x0], $0xffff;
	[tilespmem:s21+$0xE700] =	vst v19  }
0xb7: {  	s1 =	sor.u32 s29, s11;
	v19 =	vor.u32 v5, v18;
	v16 =	vld.idx.msk [tilespmem:v16+s6+$0x0], $0xffff;
	[tilespmem:s21+$0x15700] =	vst v17  }
0xb8: {  	v17 =	vadd.s32 $0x3980, v9;
	v18 =	vor.u32 v8, v18;
	[tilespmem:s1+$0xE700] =	vst v12;
	v12 =	vld.idx.msk [tilespmem:v22+s6+$0x0], $0xffff  }
0xb9: {  	s22 =	sor.u32 s13, s19;
	v22 =	vor.u32 v4, v17;
	[tilespmem:s1+$0x15700] =	vst v14;
	v14 =	vld.idx.msk [tilespmem:v20+s6+$0x0], $0xffff  }
0xba: {  	v17 =	vor.u32 v0, v17;
	v20 =	vadd.s32 $0x3A00, v11;
	[tilespmem:s22+$0xE700] =	vst v15;
	v15 =	vld.idx.msk [tilespmem:v21+s6+$0x0], $0xffff  }
0xbb: {  	s23 =	sor.u32 s16, s19;
	[tilespmem:s22+$0x15700] =	vst v13;
	v13 =	vld.idx.msk [tilespmem:v24+s6+$0x0], $0xffff;
	v21 =	vor.u32 v3, v20  }
0xbc: {  	s30 =	sadd.s32 $0x1D80, s15;
	v24 =	vadd.s32 $0x3980, v7;
	v20 =	vor.u32 v2, v20;
	v19 =	vld.idx.msk [tilespmem:v19+s6+$0x0], $0xffff;
	[tilespmem:s23+$0xE700] =	vst v23  }
0xbd: {  	s31 =	sor.u32 s17, s30;
	v23 =	vor.u32 v6, v24;
	v18 =	vld.idx.msk [tilespmem:v18+s6+$0x0], $0xffff;
	[tilespmem:s23+$0x15700] =	vst v16  }
0xbe: {  	v16 =	vadd.s32 $0x3A00, v10;
	v24 =	vor.u32 v1, v24;
	v22 =	vld.idx.msk [tilespmem:v22+s6+$0x0], $0xffff;
	[tilespmem:s31+$0xE700] =	vst v12  }
0xbf: {  	s2 =	sor.u32 s29, s19;
	v12 =	vor.u32 v5, v16;
	v17 =	vld.idx.msk [tilespmem:v17+s6+$0x0], $0xffff;
	[tilespmem:s31+$0x15700] =	vst v14  }
0xc0: {  	v14 =	vadd.s32 $0x3A00, v9;
	v16 =	vor.u32 v8, v16;
	[tilespmem:s2+$0xE700] =	vst v15;
	v15 =	vld.idx.msk [tilespmem:v21+s6+$0x0], $0xffff  }
0xc1: {  	s3 =	sor.u32 s13, s30;
	v21 =	vor.u32 v4, v14;
	[tilespmem:s2+$0x15700] =	vst v13;
	v13 =	vld.idx.msk [tilespmem:v20+s6+$0x0], $0xffff  }
0xc2: {  	v14 =	vor.u32 v0, v14;
	v20 =	vadd.s32 $0x3A80, v11;
	[tilespmem:s3+$0xE700] =	vst v19;
	v19 =	vld.idx.msk [tilespmem:v23+s6+$0x0], $0xffff  }
0xc3: {  	s4 =	sor.u32 s16, s30;
	[tilespmem:s3+$0x15700] =	vst v18;
	v18 =	vld.idx.msk [tilespmem:v24+s6+$0x0], $0xffff;
	v23 =	vor.u32 v3, v20  }
0xc4: {  	s5 =	sadd.s32 $0x1E00, s15;
	v24 =	vadd.s32 $0x3A00, v7;
	v20 =	vor.u32 v2, v20;
	v12 =	vld.idx.msk [tilespmem:v12+s6+$0x0], $0xffff;
	[tilespmem:s4+$0xE700] =	vst v22  }
0xc5: {  	s7 =	sor.u32 s17, s5;
	v22 =	vor.u32 v6, v24;
	v16 =	vld.idx.msk [tilespmem:v16+s6+$0x0], $0xffff;
	[tilespmem:s4+$0x15700] =	vst v17  }
0xc6: {  	v17 =	vadd.s32 $0x3A80, v10;
	v24 =	vor.u32 v1, v24;
	v21 =	vld.idx.msk [tilespmem:v21+s6+$0x0], $0xffff;
	[tilespmem:s7+$0xE700] =	vst v15  }
0xc7: {  	s0 =	sor.u32 s29, s30;
	v15 =	vor.u32 v5, v17;
	v14 =	vld.idx.msk [tilespmem:v14+s6+$0x0], $0xffff;
	[tilespmem:s7+$0x15700] =	vst v13  }
0xc8: {  	v13 =	vadd.s32 $0x3A80, v9;
	v17 =	vor.u32 v8, v17;
	[tilespmem:s0+$0xE700] =	vst v19;
	v19 =	vld.idx.msk [tilespmem:v23+s6+$0x0], $0xffff  }
0xc9: {  	s8 =	sor.u32 s13, s5;
	v23 =	vor.u32 v4, v13;
	[tilespmem:s0+$0x15700] =	vst v18;
	v18 =	vld.idx.msk [tilespmem:v20+s6+$0x0], $0xffff  }
0xca: {  	v13 =	vor.u32 v0, v13;
	v20 =	vadd.s32 $0x3B00, v11;
	[tilespmem:s8+$0xE700] =	vst v12;
	v12 =	vld.idx.msk [tilespmem:v22+s6+$0x0], $0xffff  }
0xcb: {  	s9 =	sor.u32 s16, s5;
	[tilespmem:s8+$0x15700] =	vst v16;
	v16 =	vld.idx.msk [tilespmem:v24+s6+$0x0], $0xffff;
	v22 =	vor.u32 v3, v20  }
0xcc: {  	s10 =	sadd.s32 $0x1E80, s15;
	v24 =	vadd.s32 $0x3A80, v7;
	v20 =	vor.u32 v2, v20;
	v15 =	vld.idx.msk [tilespmem:v15+s6+$0x0], $0xffff;
	[tilespmem:s9+$0xE700] =	vst v21  }
0xcd: {  	s14 =	sor.u32 s17, s10;
	v21 =	vor.u32 v6, v24;
	v17 =	vld.idx.msk [tilespmem:v17+s6+$0x0], $0xffff;
	[tilespmem:s9+$0x15700] =	vst v14  }
0xce: {  	v14 =	vadd.s32 $0x3B00, v10;
	v24 =	vor.u32 v1, v24;
	v23 =	vld.idx.msk [tilespmem:v23+s6+$0x0], $0xffff;
	[tilespmem:s14+$0xE700] =	vst v19  }
0xcf: {  	s1 =	sor.u32 s29, s5;
	v19 =	vor.u32 v5, v14;
	v13 =	vld.idx.msk [tilespmem:v13+s6+$0x0], $0xffff;
	[tilespmem:s14+$0x15700] =	vst v18  }
0xd0: {  	v18 =	vadd.s32 $0x3B00, v9;
	v14 =	vor.u32 v8, v14;
	[tilespmem:s1+$0xE700] =	vst v12;
	v12 =	vld.idx.msk [tilespmem:v22+s6+$0x0], $0xffff  }
0xd1: {  	s18 =	sor.u32 s13, s10;
	v22 =	vor.u32 v4, v18;
	[tilespmem:s1+$0x15700] =	vst v16;
	v16 =	vld.idx.msk [tilespmem:v20+s6+$0x0], $0xffff  }
0xd2: {  	s3 =	simm.s32 $0x200;
	v11 =	vadd.s32 $0x3B80, v11;
	[tilespmem:s18+$0xE700] =	vst v15;
	v15 =	vld.idx.msk [tilespmem:v21+s6+$0x0], $0xffff  }
0xd3: {  	s19 =	sor.u32 s16, s10;
	s0 =	sand.u32 $0x1C00, s3;
	s8 =	simm.s32 $0x40;
	v2 =	vor.u32 v2, v11;
	[tilespmem:s18+$0x15700] =	vst v17;
	v17 =	vld.idx.msk [tilespmem:v24+s6+$0x0], $0xffff  }
0xd4: {  	s11 =	sadd.s32 $0x1F00, s15;
	s22 =	sshrl.u32 s0, $0x2;
	s2 =	sand.u32 $0x40, s8;
	v19 =	vld.idx.msk [tilespmem:v19+s6+$0x0], $0xffff;
	[tilespmem:s19+$0xE700] =	vst v23  }
0xd5: {  	s23 =	sor.u32 s17, s11;
	s12 =	sor.u32 $0xE000, s22;
	s21 =	sor.u32 $0x30, s2;
	v14 =	vld.idx.msk [tilespmem:v14+s6+$0x0], $0xffff;
	[tilespmem:s19+$0x15700] =	vst v13  }
0xd6: {  	s9 =	sor.u32 s21, s12;
	v13 =	vld.idx.msk [tilespmem:v22+s6+$0x0], $0xffff;
	[tilespmem:s23+$0xE700] =	vst v12  }
0xd7: {  	s30 =	sor.u32 s29, s10;
	v18 =	vor.u32 v0, v18;
	v12 =	vld [tilespmem:s9+$0x0];
	[tilespmem:s23+$0x15700] =	vst v16;
	v16 =	vadd.s32 $0x3B00, v7  }
0xd8: {  	s31 =	sor.u32 s2, s12;
	s23 =	sor.u32 $0x10, s2;
	v2 =	vld.idx.msk [tilespmem:v2+s6+$0x0], $0xffff;
	v20 =	vor.u32 v6, v16;
	[tilespmem:s30+$0xE700] =	vst v15  }
0xd9: {  	v3 =	vor.u32 v3, v11;
	v10 =	vadd.s32 $0x3B80, v10;
	s9 =	sor.u32 $0x20, s2;
	s5 =	sor.u32 s23, s12;
	v11 =	vor.u32 v1, v16;
	v15 =	vld [tilespmem:s31+$0x0];
	[tilespmem:s30+$0x15700] =	vst v17  }
0xda: {  	v8 =	vor.u32 v8, v10;
	s7 =	sor.u32 s9, s12;
	v21 =	vld [tilespmem:s5+$0x0]  }
0xdb: {  	v22 =	vld [tilespmem:s7+$0x0]  }
0xdc: {  	s10 =	sor.u32 s13, s11;
	v9 =	vadd.s32 $0x3B80, v9;
	v16 =	vor.u32 v5, v10;
	v10 =	vld.idx.msk [tilespmem:v18+s6+$0x0], $0xffff  }
0xdd: {  	v23 =	vor.u32 v4, v9;
	[tilespmem:s10+$0xE700] =	vst v19;
	v5 =	vshll.u32 v12, $0x3;
	v24 =	vld.idx.msk [tilespmem:v20+s6+$0x0], $0xffff  }
0xde: {  	v0 =	vor.u32 v0, v9;
	[tilespmem:s10+$0x15700] =	vst v14;
	v4 =	vand.u32 $0x7F, v12;
	v20 =	vand.u32 $0xFFFFFC00, v5;
	v11 =	vld.idx.msk [tilespmem:v11+s6+$0x0], $0xffff  }
0xdf: {  	s12 =	sor.u32 s16, s11;
	v17 =	vld.idx.msk [tilespmem:v8+s6+$0x0], $0xffff;
	v19 =	vxor.u32 $0x1, v4;
	v25 =	vor.u32 v4, v20  }
0xe0: {  	[tilespmem:s12+$0xE700] =	vst v13;
	v5 =	vld.idx.msk [tilespmem:v3+s6+$0x0], $0xffff;
	v3 =	vadd.s32 $0x3B80, v7;
	v26 =	vor.u32 v19, v20  }
0xe1: {  	v18 =	vld.idx.msk [tilespmem:v16+s6+$0x0], $0xffff;
	v7 =	vshll.u32 v15, $0x3;
	v6 =	vor.u32 v6, v3;
	[tilespmem:s12+$0x15700] =	vst v10  }
0xe2: {  	s14 =	sor.u32 s29, s11;
	v13 =	vand.u32 $0x7F, v15;
	v1 =	vor.u32 v1, v3;
	v16 =	vand.u32 $0xFFFFFC00, v7;
	v12 =	vld.idx.msk [tilespmem:v23+s6+$0x0], $0xffff  }
0xe3: {  	v7 =	vshll.u32 v21, $0x3;
	v14 =	vxor.u32 $0x1, v13;
	v27 =	vor.u32 v13, v16;
	[tilespmem:s14+$0x15700] =	vst v11;
	v11 =	vld.idx.msk [tilespmem:v0+s6+$0x0], $0xffff  }
0xe4: {  	v10 =	vand.u32 $0x7F, v21;
	v15 =	vand.u32 $0xFFFFFC00, v7;
	v21 =	vor.u32 v14, v16;
	v23 =	vld.idx.msk [tilespmem:v25+s6+$0x0], $0xffff  }
0xe5: {  	v9 =	vxor.u32 $0x1, v10;
	[tilespmem:s14+$0xE700] =	vst v24;
	v24 =	vor.u32 v10, v15;
	v25 =	vld.idx.msk [tilespmem:v26+s6+$0x0], $0xffff  }
0xe6: {  	v28 =	vor.u32 $0x80, v20;
	v26 =	vor.u32 v9, v15;
	v32 =	vld.idx.msk [tilespmem:v6+s6+$0x0], $0xffff  }
0xe7: {  	v29 =	vor.u32 v4, v28;
	v0 =	vshll.u32 v22, $0x3;
	v33 =	vld.idx.msk [tilespmem:v1+s6+$0x0], $0xffff  }
0xe8: {  	v7 =	vand.u32 $0x7F, v22;
	v22 =	vor.u32 v19, v28;
	v8 =	vand.u32 $0xFFFFFC00, v0;
	v0 =	vld.idx.msk [tilespmem:v27+s6+$0x0], $0xffff  }
0xe9: {  	s18 =	sor.u32 s21, s0;
	v6 =	vxor.u32 $0x1, v7;
	v27 =	vor.u32 v7, v8;
	v21 =	vld.idx.msk [tilespmem:v21+s6+$0x0], $0xffff  }
0xea: {  	v28 =	vor.u32 $0x80, v16;
	v30 =	vor.u32 v6, v8;
	v24 =	vld.idx.msk [tilespmem:v24+s6+$0x0], $0xffff;
	[tilespmem:s18+$0xE700] =	vst v23  }
0xeb: {  	v23 =	vor.u32 v13, v28;
	v26 =	vld.idx.msk [tilespmem:v26+s6+$0x0], $0xffff;
	[tilespmem:s18+$0x15700] =	vst v25  }
0xec: {  	s14 =	sor.u32 s2, s0;
	v25 =	vor.u32 $0x80, v15;
	v28 =	vor.u32 v14, v28;
	v29 =	vld.idx.msk [tilespmem:v29+s6+$0x0], $0xffff  }
0xed: {  	v31 =	vor.u32 v10, v25;
	v22 =	vld.idx.msk [tilespmem:v22+s6+$0x0], $0xffff;
	[tilespmem:s14+$0xE700] =	vst v0  }
0xee: {  	s19 =	sor.u32 s23, s0;
	v25 =	vor.u32 v9, v25;
	v0 =	vld.idx.msk [tilespmem:v27+s6+$0x0], $0xffff;
	v27 =	vor.u32 $0x100, v20;
	[tilespmem:s14+$0x15700] =	vst v21  }
0xef: {  	v21 =	vld.idx.msk [tilespmem:v30+s6+$0x0], $0xffff;
	v30 =	vor.u32 v4, v27;
	[tilespmem:s19+$0xE700] =	vst v24  }
0xf0: {  	v27 =	vor.u32 v19, v27;
	v24 =	vor.u32 $0x80, v8;
	v23 =	vld.idx.msk [tilespmem:v23+s6+$0x0], $0xffff;
	[tilespmem:s19+$0x15700] =	vst v26  }
0xf1: {  	v26 =	vor.u32 v7, v24;
	v28 =	vld.idx.msk [tilespmem:v28+s6+$0x0], $0xffff;
	[tilespmem:s18+$0xE780] =	vst v29  }
0xf2: {  	s22 =	sor.u32 s9, s0;
	v24 =	vor.u32 v6, v24;
	v29 =	vor.u32 $0x100, v16;
	v31 =	vld.idx.msk [tilespmem:v31+s6+$0x0], $0xffff;
	[tilespmem:s18+$0x15780] =	vst v22  }
0xf3: {  	v25 =	vld.idx.msk [tilespmem:v25+s6+$0x0], $0xffff;
	v22 =	vor.u32 v13, v29;
	[tilespmem:s22+$0xE700] =	vst v0  }
0xf4: {  	v0 =	vor.u32 $0x100, v15;
	v29 =	vor.u32 v14, v29;
	[tilespmem:s22+$0x15700] =	vst v21;
	v30 =	vld.idx.msk [tilespmem:v30+s6+$0x0], $0xffff  }
0xf5: {  	v21 =	vor.u32 v10, v0;
	v27 =	vld.idx.msk [tilespmem:v27+s6+$0x0], $0xffff;
	[tilespmem:s14+$0xE780] =	vst v23  }
0xf6: {  	v0 =	vor.u32 v9, v0;
	v23 =	vld.idx.msk [tilespmem:v26+s6+$0x0], $0xffff;
	v26 =	vor.u32 $0x180, v20;
	[tilespmem:s14+$0x15780] =	vst v28  }
0xf7: {  	v24 =	vld.idx.msk [tilespmem:v24+s6+$0x0], $0xffff;
	v28 =	vor.u32 v4, v26;
	[tilespmem:s19+$0xE780] =	vst v31  }
0xf8: {  	v31 =	vor.u32 $0x100, v8;
	v26 =	vor.u32 v19, v26;
	[tilespmem:s19+$0x15780] =	vst v25;
	v22 =	vld.idx.msk [tilespmem:v22+s6+$0x0], $0xffff  }
0xf9: {  	v25 =	vor.u32 v7, v31;
	v29 =	vld.idx.msk [tilespmem:v29+s6+$0x0], $0xffff;
	[tilespmem:s18+$0xE800] =	vst v30  }
0xfa: {  	v31 =	vor.u32 v6, v31;
	v30 =	vor.u32 $0x180, v16;
	v21 =	vld.idx.msk [tilespmem:v21+s6+$0x0], $0xffff;
	[tilespmem:s18+$0x15800] =	vst v27  }
0xfb: {  	v0 =	vld.idx.msk [tilespmem:v0+s6+$0x0], $0xffff;
	v27 =	vor.u32 v13, v30;
	[tilespmem:s22+$0xE780] =	vst v23  }
0xfc: {  	v30 =	vor.u32 v14, v30;
	v23 =	vor.u32 $0x180, v15;
	[tilespmem:s22+$0x15780] =	vst v24;
	v28 =	vld.idx.msk [tilespmem:v28+s6+$0x0], $0xffff  }
0xfd: {  	v24 =	vor.u32 v10, v23;
	v26 =	vld.idx.msk [tilespmem:v26+s6+$0x0], $0xffff;
	[tilespmem:s14+$0xE800] =	vst v22  }
0xfe: {  	v23 =	vor.u32 v9, v23;
	v22 =	vld.idx.msk [tilespmem:v25+s6+$0x0], $0xffff;
	v25 =	vor.u32 $0x200, v20;
	[tilespmem:s14+$0x15800] =	vst v29  }
0xff: {  	v29 =	vld.idx.msk [tilespmem:v31+s6+$0x0], $0xffff;
	v31 =	vor.u32 v4, v25;
	[tilespmem:s19+$0xE800] =	vst v21  }
0x100: {  	v21 =	vor.u32 $0x180, v8;
	v25 =	vor.u32 v19, v25;
	[tilespmem:s19+$0x15800] =	vst v0;
	v27 =	vld.idx.msk [tilespmem:v27+s6+$0x0], $0xffff  }
0x101: {  	v0 =	vor.u32 v7, v21;
	v30 =	vld.idx.msk [tilespmem:v30+s6+$0x0], $0xffff;
	[tilespmem:s18+$0xE880] =	vst v28  }
0x102: {  	v21 =	vor.u32 v6, v21;
	v28 =	vor.u32 $0x200, v16;
	v24 =	vld.idx.msk [tilespmem:v24+s6+$0x0], $0xffff;
	[tilespmem:s18+$0x15880] =	vst v26  }
0x103: {  	v23 =	vld.idx.msk [tilespmem:v23+s6+$0x0], $0xffff;
	v26 =	vor.u32 v13, v28;
	[tilespmem:s22+$0xE800] =	vst v22  }
0x104: {  	v22 =	vor.u32 $0x200, v15;
	v28 =	vor.u32 v14, v28;
	[tilespmem:s22+$0x15800] =	vst v29;
	v31 =	vld.idx.msk [tilespmem:v31+s6+$0x0], $0xffff  }
0x105: {  	v29 =	vor.u32 v10, v22;
	v25 =	vld.idx.msk [tilespmem:v25+s6+$0x0], $0xffff;
	[tilespmem:s14+$0xE880] =	vst v27  }
0x106: {  	v22 =	vor.u32 v9, v22;
	v0 =	vld.idx.msk [tilespmem:v0+s6+$0x0], $0xffff;
	v27 =	vor.u32 $0x280, v20;
	[tilespmem:s14+$0x15880] =	vst v30  }
0x107: {  	v21 =	vld.idx.msk [tilespmem:v21+s6+$0x0], $0xffff;
	v30 =	vor.u32 v4, v27;
	[tilespmem:s19+$0xE880] =	vst v24  }
0x108: {  	v27 =	vor.u32 v19, v27;
	v24 =	vor.u32 $0x200, v8;
	[tilespmem:s19+$0x15880] =	vst v23;
	v26 =	vld.idx.msk [tilespmem:v26+s6+$0x0], $0xffff  }
0x109: {  	v23 =	vor.u32 v7, v24;
	v28 =	vld.idx.msk [tilespmem:v28+s6+$0x0], $0xffff;
	[tilespmem:s18+$0xE900] =	vst v31  }
0x10a: {  	v24 =	vor.u32 v6, v24;
	v31 =	vor.u32 $0x280, v16;
	v29 =	vld.idx.msk [tilespmem:v29+s6+$0x0], $0xffff;
	[tilespmem:s18+$0x15900] =	vst v25  }
0x10b: {  	v22 =	vld.idx.msk [tilespmem:v22+s6+$0x0], $0xffff;
	v25 =	vor.u32 v13, v31;
	[tilespmem:s22+$0xE880] =	vst v0  }
0x10c: {  	v0 =	vor.u32 $0x280, v15;
	v31 =	vor.u32 v14, v31;
	[tilespmem:s22+$0x15880] =	vst v21;
	v30 =	vld.idx.msk [tilespmem:v30+s6+$0x0], $0xffff  }
0x10d: {  	v21 =	vor.u32 v10, v0;
	v27 =	vld.idx.msk [tilespmem:v27+s6+$0x0], $0xffff;
	[tilespmem:s14+$0xE900] =	vst v26  }
0x10e: {  	v0 =	vor.u32 v9, v0;
	v23 =	vld.idx.msk [tilespmem:v23+s6+$0x0], $0xffff;
	v26 =	vor.u32 $0x300, v20;
	[tilespmem:s14+$0x15900] =	vst v28  }
0x10f: {  	v24 =	vld.idx.msk [tilespmem:v24+s6+$0x0], $0xffff;
	v28 =	vor.u32 v4, v26;
	[tilespmem:s19+$0xE900] =	vst v29  }
0x110: {  	v29 =	vor.u32 $0x280, v8;
	v26 =	vor.u32 v19, v26;
	[tilespmem:s19+$0x15900] =	vst v22;
	v25 =	vld.idx.msk [tilespmem:v25+s6+$0x0], $0xffff  }
0x111: {  	v22 =	vor.u32 v7, v29;
	v31 =	vld.idx.msk [tilespmem:v31+s6+$0x0], $0xffff;
	[tilespmem:s18+$0xE980] =	vst v30  }
0x112: {  	v29 =	vor.u32 v6, v29;
	v30 =	vor.u32 $0x300, v16;
	v21 =	vld.idx.msk [tilespmem:v21+s6+$0x0], $0xffff;
	[tilespmem:s18+$0x15980] =	vst v27  }
0x113: {  	v0 =	vld.idx.msk [tilespmem:v0+s6+$0x0], $0xffff;
	v27 =	vor.u32 v13, v30;
	[tilespmem:s22+$0xE900] =	vst v23  }
0x114: {  	v30 =	vor.u32 v14, v30;
	v23 =	vor.u32 $0x300, v15;
	[tilespmem:s22+$0x15900] =	vst v24;
	v28 =	vld.idx.msk [tilespmem:v28+s6+$0x0], $0xffff  }
0x115: {  	v24 =	vor.u32 v10, v23;
	v26 =	vld.idx.msk [tilespmem:v26+s6+$0x0], $0xffff;
	[tilespmem:s14+$0xE980] =	vst v25  }
0x116: {  	v23 =	vor.u32 v9, v23;
	v22 =	vld.idx.msk [tilespmem:v22+s6+$0x0], $0xffff;
	v25 =	vor.u32 $0x380, v20;
	[tilespmem:s14+$0x15980] =	vst v31  }
0x117: {  	v29 =	vld.idx.msk [tilespmem:v29+s6+$0x0], $0xffff;
	v31 =	vor.u32 v4, v25;
	[tilespmem:s19+$0xE980] =	vst v21  }
0x118: {  	v21 =	vor.u32 $0x300, v8;
	v25 =	vor.u32 v19, v25;
	[tilespmem:s19+$0x15980] =	vst v0;
	v27 =	vld.idx.msk [tilespmem:v27+s6+$0x0], $0xffff  }
0x119: {  	v0 =	vor.u32 v7, v21;
	v30 =	vld.idx.msk [tilespmem:v30+s6+$0x0], $0xffff;
	[tilespmem:s18+$0xEA00] =	vst v28  }
0x11a: {  	v21 =	vor.u32 v6, v21;
	v28 =	vor.u32 $0x380, v16;
	v24 =	vld.idx.msk [tilespmem:v24+s6+$0x0], $0xffff;
	[tilespmem:s18+$0x15A00] =	vst v26  }
0x11b: {  	v23 =	vld.idx.msk [tilespmem:v23+s6+$0x0], $0xffff;
	v26 =	vor.u32 v13, v28;
	[tilespmem:s22+$0xE980] =	vst v22  }
0x11c: {  	v22 =	vor.u32 $0x380, v15;
	v28 =	vor.u32 v14, v28;
	[tilespmem:s22+$0x15980] =	vst v29;
	v31 =	vld.idx.msk [tilespmem:v31+s6+$0x0], $0xffff  }
0x11d: {  	v29 =	vor.u32 v10, v22;
	v25 =	vld.idx.msk [tilespmem:v25+s6+$0x0], $0xffff;
	[tilespmem:s14+$0xEA00] =	vst v27  }
0x11e: {  	v22 =	vor.u32 v9, v22;
	v0 =	vld.idx.msk [tilespmem:v0+s6+$0x0], $0xffff;
	v27 =	vadd.s32 $0x3800, v20;
	[tilespmem:s14+$0x15A00] =	vst v30  }
0x11f: {  	v21 =	vld.idx.msk [tilespmem:v21+s6+$0x0], $0xffff;
	v30 =	vor.u32 v4, v27;
	[tilespmem:s19+$0xEA00] =	vst v24  }
0x120: {  	v27 =	vor.u32 v19, v27;
	v24 =	vor.u32 $0x380, v8;
	[tilespmem:s19+$0x15A00] =	vst v23;
	v26 =	vld.idx.msk [tilespmem:v26+s6+$0x0], $0xffff  }
0x121: {  	v23 =	vor.u32 v7, v24;
	v28 =	vld.idx.msk [tilespmem:v28+s6+$0x0], $0xffff;
	[tilespmem:s18+$0xEA80] =	vst v31  }
0x122: {  	v24 =	vor.u32 v6, v24;
	v31 =	vadd.s32 $0x3800, v16;
	v29 =	vld.idx.msk [tilespmem:v29+s6+$0x0], $0xffff;
	[tilespmem:s18+$0x15A80] =	vst v25  }
0x123: {  	s30 =	sor.u32 s3, s8;
	v22 =	vld.idx.msk [tilespmem:v22+s6+$0x0], $0xffff;
	v25 =	vor.u32 v13, v31;
	[tilespmem:s22+$0xEA00] =	vst v0  }
0x124: {  	s1 =	sor.u32 $0x380, s30;
	v0 =	vadd.s32 $0x3800, v15;
	v31 =	vor.u32 v14, v31;
	[tilespmem:s22+$0x15A00] =	vst v21;
	v30 =	vld.idx.msk [tilespmem:v30+s6+$0x0], $0xffff  }
0x125: {  	v21 =	vor.u32 v10, v0;
	v27 =	vld.idx.msk [tilespmem:v27+s6+$0x0], $0xffff;
	[tilespmem:s1+$0xE700] =	vst v26  }
0x126: {  	v0 =	vor.u32 v9, v0;
	v23 =	vld.idx.msk [tilespmem:v23+s6+$0x0], $0xffff;
	v26 =	vadd.s32 $0x3880, v20;
	[tilespmem:s1+$0x15700] =	vst v28  }
0x127: {  	s31 =	sadd.s32 $0x1C00, s0;
	v24 =	vld.idx.msk [tilespmem:v24+s6+$0x0], $0xffff;
	v28 =	vor.u32 v4, v26;
	[tilespmem:s19+$0xEA80] =	vst v29  }
0x128: {  	s5 =	sor.u32 s21, s31;
	v29 =	vadd.s32 $0x3800, v8;
	v26 =	vor.u32 v19, v26;
	[tilespmem:s19+$0x15A80] =	vst v22;
	v25 =	vld.idx.msk [tilespmem:v25+s6+$0x0], $0xffff  }
0x129: {  	v22 =	vor.u32 v7, v29;
	v31 =	vld.idx.msk [tilespmem:v31+s6+$0x0], $0xffff;
	[tilespmem:s5+$0xE700] =	vst v30  }
0x12a: {  	v29 =	vor.u32 v6, v29;
	v30 =	vadd.s32 $0x3880, v16;
	v21 =	vld.idx.msk [tilespmem:v21+s6+$0x0], $0xffff;
	[tilespmem:s5+$0x15700] =	vst v27  }
0x12b: {  	v0 =	vld.idx.msk [tilespmem:v0+s6+$0x0], $0xffff;
	v27 =	vor.u32 v13, v30;
	[tilespmem:s22+$0xEA80] =	vst v23  }
0x12c: {  	s7 =	sor.u32 s2, s31;
	v30 =	vor.u32 v14, v30;
	v23 =	vadd.s32 $0x3880, v15;
	[tilespmem:s22+$0x15A80] =	vst v24;
	v28 =	vld.idx.msk [tilespmem:v28+s6+$0x0], $0xffff  }
0x12d: {  	v24 =	vor.u32 v10, v23;
	v26 =	vld.idx.msk [tilespmem:v26+s6+$0x0], $0xffff;
	[tilespmem:s7+$0xE700] =	vst v25  }
0x12e: {  	s8 =	sor.u32 s23, s31;
	v23 =	vor.u32 v9, v23;
	v22 =	vld.idx.msk [tilespmem:v22+s6+$0x0], $0xffff;
	v25 =	vadd.s32 $0x3900, v20;
	[tilespmem:s7+$0x15700] =	vst v31  }
0x12f: {  	s10 =	sadd.s32 $0x1C80, s0;
	v29 =	vld.idx.msk [tilespmem:v29+s6+$0x0], $0xffff;
	v31 =	vor.u32 v4, v25;
	[tilespmem:s8+$0xE700] =	vst v21  }
0x130: {  	s11 =	sor.u32 s21, s10;
	v21 =	vadd.s32 $0x3880, v8;
	v25 =	vor.u32 v19, v25;
	[tilespmem:s8+$0x15700] =	vst v0;
	v27 =	vld.idx.msk [tilespmem:v27+s6+$0x0], $0xffff  }
0x131: {  	v0 =	vor.u32 v7, v21;
	v30 =	vld.idx.msk [tilespmem:v30+s6+$0x0], $0xffff;
	[tilespmem:s11+$0xE700] =	vst v28  }
0x132: {  	s1 =	sor.u32 s9, s31;
	v21 =	vor.u32 v6, v21;
	v28 =	vadd.s32 $0x3900, v16;
	v24 =	vld.idx.msk [tilespmem:v24+s6+$0x0], $0xffff;
	[tilespmem:s11+$0x15700] =	vst v26  }
0x133: {  	v23 =	vld.idx.msk [tilespmem:v23+s6+$0x0], $0xffff;
	v26 =	vor.u32 v13, v28;
	[tilespmem:s1+$0xE700] =	vst v22  }
0x134: {  	s12 =	sor.u32 s2, s10;
	v22 =	vadd.s32 $0x3900, v15;
	v28 =	vor.u32 v14, v28;
	[tilespmem:s1+$0x15700] =	vst v29;
	v31 =	vld.idx.msk [tilespmem:v31+s6+$0x0], $0xffff  }
0x135: {  	v29 =	vor.u32 v10, v22;
	v25 =	vld.idx.msk [tilespmem:v25+s6+$0x0], $0xffff;
	[tilespmem:s12+$0xE700] =	vst v27  }
0x136: {  	s14 =	sor.u32 s23, s10;
	v22 =	vor.u32 v9, v22;
	v0 =	vld.idx.msk [tilespmem:v0+s6+$0x0], $0xffff;
	v27 =	vadd.s32 $0x3980, v20;
	[tilespmem:s12+$0x15700] =	vst v30  }
0x137: {  	s18 =	sadd.s32 $0x1D00, s0;
	v21 =	vld.idx.msk [tilespmem:v21+s6+$0x0], $0xffff;
	v30 =	vor.u32 v4, v27;
	[tilespmem:s14+$0xE700] =	vst v24  }
0x138: {  	s19 =	sor.u32 s21, s18;
	v27 =	vor.u32 v19, v27;
	v24 =	vadd.s32 $0x3900, v8;
	[tilespmem:s14+$0x15700] =	vst v23;
	v26 =	vld.idx.msk [tilespmem:v26+s6+$0x0], $0xffff  }
0x139: {  	v23 =	vor.u32 v7, v24;
	v28 =	vld.idx.msk [tilespmem:v28+s6+$0x0], $0xffff;
	[tilespmem:s19+$0xE700] =	vst v31  }
0x13a: {  	s3 =	sor.u32 s9, s10;
	v24 =	vor.u32 v6, v24;
	v31 =	vadd.s32 $0x3980, v16;
	v29 =	vld.idx.msk [tilespmem:v29+s6+$0x0], $0xffff;
	[tilespmem:s19+$0x15700] =	vst v25  }
0x13b: {  	v22 =	vld.idx.msk [tilespmem:v22+s6+$0x0], $0xffff;
	v25 =	vor.u32 v13, v31;
	[tilespmem:s3+$0xE700] =	vst v0  }
0x13c: {  	s22 =	sor.u32 s2, s18;
	v0 =	vadd.s32 $0x3980, v15;
	v31 =	vor.u32 v14, v31;
	[tilespmem:s3+$0x15700] =	vst v21;
	v30 =	vld.idx.msk [tilespmem:v30+s6+$0x0], $0xffff  }
0x13d: {  	v21 =	vor.u32 v10, v0;
	v27 =	vld.idx.msk [tilespmem:v27+s6+$0x0], $0xffff;
	[tilespmem:s22+$0xE700] =	vst v26  }
0x13e: {  	s30 =	sor.u32 s23, s18;
	v0 =	vor.u32 v9, v0;
	v23 =	vld.idx.msk [tilespmem:v23+s6+$0x0], $0xffff;
	v26 =	vadd.s32 $0x3A00, v20;
	[tilespmem:s22+$0x15700] =	vst v28  }
0x13f: {  	s31 =	sadd.s32 $0x1D80, s0;
	v24 =	vld.idx.msk [tilespmem:v24+s6+$0x0], $0xffff;
	v28 =	vor.u32 v4, v26;
	[tilespmem:s30+$0xE700] =	vst v29  }
0x140: {  	s5 =	sor.u32 s21, s31;
	v29 =	vadd.s32 $0x3980, v8;
	v26 =	vor.u32 v19, v26;
	[tilespmem:s30+$0x15700] =	vst v22;
	v25 =	vld.idx.msk [tilespmem:v25+s6+$0x0], $0xffff  }
0x141: {  	v22 =	vor.u32 v7, v29;
	v31 =	vld.idx.msk [tilespmem:v31+s6+$0x0], $0xffff;
	[tilespmem:s5+$0xE700] =	vst v30  }
0x142: {  	s1 =	sor.u32 s9, s18;
	v29 =	vor.u32 v6, v29;
	v30 =	vadd.s32 $0x3A00, v16;
	v21 =	vld.idx.msk [tilespmem:v21+s6+$0x0], $0xffff;
	[tilespmem:s5+$0x15700] =	vst v27  }
0x143: {  	v0 =	vld.idx.msk [tilespmem:v0+s6+$0x0], $0xffff;
	v27 =	vor.u32 v13, v30;
	[tilespmem:s1+$0xE700] =	vst v23  }
0x144: {  	s7 =	sor.u32 s2, s31;
	v30 =	vor.u32 v14, v30;
	v23 =	vadd.s32 $0x3A00, v15;
	[tilespmem:s1+$0x15700] =	vst v24;
	v28 =	vld.idx.msk [tilespmem:v28+s6+$0x0], $0xffff  }
0x145: {  	v24 =	vor.u32 v10, v23;
	v26 =	vld.idx.msk [tilespmem:v26+s6+$0x0], $0xffff;
	[tilespmem:s7+$0xE700] =	vst v25  }
0x146: {  	s8 =	sor.u32 s23, s31;
	v23 =	vor.u32 v9, v23;
	v22 =	vld.idx.msk [tilespmem:v22+s6+$0x0], $0xffff;
	v25 =	vadd.s32 $0x3A80, v20;
	[tilespmem:s7+$0x15700] =	vst v31  }
0x147: {  	s10 =	sadd.s32 $0x1E00, s0;
	v29 =	vld.idx.msk [tilespmem:v29+s6+$0x0], $0xffff;
	v31 =	vor.u32 v4, v25;
	[tilespmem:s8+$0xE700] =	vst v21  }
0x148: {  	s11 =	sor.u32 s21, s10;
	v21 =	vadd.s32 $0x3A00, v8;
	v25 =	vor.u32 v19, v25;
	[tilespmem:s8+$0x15700] =	vst v0;
	v27 =	vld.idx.msk [tilespmem:v27+s6+$0x0], $0xffff  }
0x149: {  	v0 =	vor.u32 v7, v21;
	v30 =	vld.idx.msk [tilespmem:v30+s6+$0x0], $0xffff;
	[tilespmem:s11+$0xE700] =	vst v28  }
0x14a: {  	s12 =	sor.u32 s9, s31;
	v21 =	vor.u32 v6, v21;
	v28 =	vadd.s32 $0x3A80, v16;
	v24 =	vld.idx.msk [tilespmem:v24+s6+$0x0], $0xffff;
	[tilespmem:s11+$0x15700] =	vst v26  }
0x14b: {  	v23 =	vld.idx.msk [tilespmem:v23+s6+$0x0], $0xffff;
	v26 =	vor.u32 v13, v28;
	[tilespmem:s12+$0xE700] =	vst v22  }
0x14c: {  	s14 =	sor.u32 s2, s10;
	v22 =	vadd.s32 $0x3A80, v15;
	v28 =	vor.u32 v14, v28;
	[tilespmem:s12+$0x15700] =	vst v29;
	v31 =	vld.idx.msk [tilespmem:v31+s6+$0x0], $0xffff  }
0x14d: {  	v29 =	vor.u32 v10, v22;
	v25 =	vld.idx.msk [tilespmem:v25+s6+$0x0], $0xffff;
	[tilespmem:s14+$0xE700] =	vst v27  }
0x14e: {  	s18 =	sor.u32 s23, s10;
	v22 =	vor.u32 v9, v22;
	v0 =	vld.idx.msk [tilespmem:v0+s6+$0x0], $0xffff;
	v27 =	vadd.s32 $0x3B00, v20;
	[tilespmem:s14+$0x15700] =	vst v30  }
0x14f: {  	s1 =	sadd.s32 $0x1E80, s0;
	v21 =	vld.idx.msk [tilespmem:v21+s6+$0x0], $0xffff;
	v30 =	vor.u32 v4, v27;
	[tilespmem:s18+$0xE700] =	vst v24  }
0x150: {  	s19 =	sor.u32 s21, s1;
	v27 =	vor.u32 v19, v27;
	v24 =	vadd.s32 $0x3A80, v8;
	[tilespmem:s18+$0x15700] =	vst v23;
	v26 =	vld.idx.msk [tilespmem:v26+s6+$0x0], $0xffff  }
0x151: {  	v23 =	vor.u32 v7, v24;
	v28 =	vld.idx.msk [tilespmem:v28+s6+$0x0], $0xffff;
	[tilespmem:s19+$0xE700] =	vst v31  }
0x152: {  	s22 =	sor.u32 s9, s10;
	v24 =	vor.u32 v6, v24;
	v29 =	vld.idx.msk [tilespmem:v29+s6+$0x0], $0xffff;
	[tilespmem:s19+$0x15700] =	vst v25  }
0x153: {  	s3 =	simm.s32 $0x400;
	v31 =	vadd.s32 $0x3B00, v16;
	v22 =	vld.idx.msk [tilespmem:v22+s6+$0x0], $0xffff;
	[tilespmem:s22+$0xE700] =	vst v0  }
0x154: {  	s30 =	sor.u32 s2, s1;
	s11 =	sand.u32 $0x1C00, s3;
	s14 =	simm.s32 $0x80;
	v25 =	vor.u32 v13, v31;
	[tilespmem:s22+$0x15700] =	vst v21;
	v30 =	vld.idx.msk [tilespmem:v30+s6+$0x0], $0xffff  }
0x155: {  	s31 =	sshrl.u32 s11, $0x2;
	s8 =	sand.u32 $0x40, s14;
	v0 =	vadd.s32 $0x3B00, v15;
	v31 =	vor.u32 v14, v31;
	v27 =	vld.idx.msk [tilespmem:v27+s6+$0x0], $0xffff;
	[tilespmem:s30+$0xE700] =	vst v26  }
0x156: {  	s10 =	sor.u32 $0xE000, s31;
	s12 =	sor.u32 $0x30, s8;
	s22 =	sor.u32 s23, s1;
	v21 =	vor.u32 v10, v0;
	v23 =	vld.idx.msk [tilespmem:v23+s6+$0x0], $0xffff;
	[tilespmem:s30+$0x15700] =	vst v28  }
0x157: {  	s4 =	sadd.s32 $0x1F00, s0;
	s5 =	sor.u32 s12, s10;
	v24 =	vld.idx.msk [tilespmem:v24+s6+$0x0], $0xffff;
	[tilespmem:s22+$0xE700] =	vst v29  }
0x158: {  	s18 =	sor.u32 s21, s4;
	v28 =	vld [tilespmem:s5+$0x0];
	[tilespmem:s22+$0x15700] =	vst v22  }
0x159: {  	v20 =	vadd.s32 $0x3B80, v20;
	v0 =	vor.u32 v9, v0;
	s22 =	sadd.s32 $0x1F80, s15;
	v25 =	vld.idx.msk [tilespmem:v25+s6+$0x0], $0xffff;
	[tilespmem:s18+$0xE700] =	vst v30  }
0x15a: {  	v19 =	vor.u32 v19, v20;
	v26 =	vld.idx.msk [tilespmem:v31+s6+$0x0], $0xffff;
	s17 =	sor.u32 s17, s22;
	[tilespmem:s18+$0x15700] =	vst v27  }
0x15b: {  	s19 =	sor.u32 s8, s10;
	s15 =	sor.u32 $0x10, s8;
	s7 =	sor.u32 s13, s22;
	v21 =	vld.idx.msk [tilespmem:v21+s6+$0x0], $0xffff;
	[tilespmem:s17+$0x15700] =	vst v2  }
0x15c: {  	v4 =	vor.u32 v4, v20;
	v22 =	vadd.s32 $0x3B00, v8;
	s5 =	sor.u32 s15, s10;
	[tilespmem:s7+$0xE700] =	vst v18;
	v18 =	vld [tilespmem:s19+$0x0]  }
0x15d: {  	v2 =	vor.u32 v7, v22;
	[tilespmem:s7+$0x15700] =	vst v17;
	v20 =	vld [tilespmem:s5+$0x0];
	s19 =	sor.u32 s16, s22  }
0x15e: {  	v16 =	vadd.s32 $0x3B80, v16;
	s13 =	sor.u32 $0x20, s8;
	v17 =	vor.u32 v6, v22;
	v0 =	vld.idx.msk [tilespmem:v0+s6+$0x0], $0xffff;
	[tilespmem:s19+$0xE700] =	vst v12  }
0x15f: {  	s1 =	sor.u32 s9, s1;
	v13 =	vor.u32 v13, v16;
	s10 =	sor.u32 s13, s10;
	v19 =	vld.idx.msk [tilespmem:v19+s6+$0x0], $0xffff;
	[tilespmem:s19+$0x15700] =	vst v11  }
0x160: {  	v14 =	vor.u32 v14, v16;
	v22 =	vld [tilespmem:s10+$0x0];
	v12 =	vadd.s32 $0x3B80, v15;
	[tilespmem:s1+$0xE700] =	vst v23;
	v15 =	vshll.u32 v28, $0x3  }
0x161: {  	s30 =	sor.u32 s2, s4;
	v29 =	vld.idx.msk [tilespmem:v4+s6+$0x0], $0xffff;
	[tilespmem:s1+$0x15700] =	vst v24;
	v16 =	vor.u32 v10, v12;
	v62 =	vand.u32 $0x7F, v28;
	v10 =	vand.u32 $0xFFFFFC00, v15  }
0x162: {  	v4 =	vxor.u32 $0x1, v62;
	[tilespmem:s30+$0xE700] =	vst v25;
	v23 =	vor.u32 v62, v10;
	v2 =	vld.idx.msk [tilespmem:v2+s6+$0x0], $0xffff  }
0x163: {  	s31 =	sor.u32 s23, s4;
	[tilespmem:s30+$0x15700] =	vst v26;
	v25 =	vor.u32 v4, v10;
	v24 =	vld.idx.msk [tilespmem:v17+s6+$0x0], $0xffff;
	v11 =	vshll.u32 v18, $0x3  }
0x164: {  	s0 =	sadd.s32 $0x1F80, s0;
	v12 =	vor.u32 v9, v12;
	v26 =	vld.idx.msk [tilespmem:v13+s6+$0x0], $0xffff;
	[tilespmem:s31+$0xE700] =	vst v21;
	v9 =	vand.u32 $0x7F, v18;
	v17 =	vand.u32 $0xFFFFFC00, v11  }
0x165: {  	s16 =	sor.u32 s21, s0;
	v21 =	vld.idx.msk [tilespmem:v14+s6+$0x0], $0xffff;
	v14 =	vshll.u32 v20, $0x3;
	[tilespmem:s31+$0x15700] =	vst v0;
	v13 =	vxor.u32 $0x1, v9;
	v0 =	vor.u32 v9, v17  }
0x166: {  	[tilespmem:s16+$0x15700] =	vst v19;
	v11 =	vand.u32 $0x7F, v20;
	v15 =	vand.u32 $0xFFFFFC00, v14;
	v1 =	vld.idx.msk [tilespmem:v16+s6+$0x0], $0xffff;
	v19 =	vor.u32 v13, v17  }
0x167: {  	s4 =	sor.u32 s9, s4;
	[tilespmem:s17+$0xE700] =	vst v5;
	v14 =	vxor.u32 $0x1, v11;
	v5 =	vor.u32 v11, v15;
	v20 =	vld.idx.msk [tilespmem:v23+s6+$0x0], $0xffff  }
0x168: {  	v16 =	vor.u32 $0x80, v10;
	v23 =	vld.idx.msk [tilespmem:v25+s6+$0x0], $0xffff;
	[tilespmem:s4+$0xE700] =	vst v2;
	v2 =	vor.u32 v14, v15  }
0x169: {  	s2 =	sor.u32 s2, s0;
	v18 =	vshll.u32 v22, $0x3;
	v34 =	vld.idx.msk [tilespmem:v12+s6+$0x0], $0xffff;
	[tilespmem:s4+$0x15700] =	vst v24;
	v24 =	vor.u32 v62, v16  }
0x16a: {  	v12 =	vand.u32 $0x7F, v22;
	v18 =	vand.u32 $0xFFFFFC00, v18;
	v22 =	vor.u32 v4, v16;
	[tilespmem:s2+$0xE700] =	vst v26;
	v0 =	vld.idx.msk [tilespmem:v0+s6+$0x0], $0xffff  }
0x16b: {  	s5 =	sor.u32 s12, s11;
	v25 =	vor.u32 v12, v18;
	v16 =	vxor.u32 $0x1, v12;
	[tilespmem:s2+$0x15700] =	vst v21;
	v19 =	vld.idx.msk [tilespmem:v19+s6+$0x0], $0xffff  }
0x16c: {  	v21 =	vor.u32 $0x80, v17;
	v26 =	vor.u32 v16, v18;
	v5 =	vld.idx.msk [tilespmem:v5+s6+$0x0], $0xffff;
	[tilespmem:s5+$0xE700] =	vst v20  }
0x16d: {  	v20 =	vor.u32 v9, v21;
	[tilespmem:s5+$0x15700] =	vst v23;
	v2 =	vld.idx.msk [tilespmem:v2+s6+$0x0], $0xffff  }
0x16e: {  	s17 =	sor.u32 s23, s0;
	v23 =	vor.u32 $0x80, v15;
	v21 =	vor.u32 v13, v21;
	v24 =	vld.idx.msk [tilespmem:v24+s6+$0x0], $0xffff  }
0x16f: {  	s7 =	sor.u32 s8, s11;
	[tilespmem:s17+$0xE700] =	vst v1;
	v1 =	vor.u32 v11, v23;
	v22 =	vld.idx.msk [tilespmem:v22+s6+$0x0], $0xffff  }
0x170: {  	[tilespmem:s7+$0xE700] =	vst v0;
	v0 =	vor.u32 v14, v23;
	v23 =	vld.idx.msk [tilespmem:v25+s6+$0x0], $0xffff;
	v25 =	vor.u32 $0x100, v10  }
0x171: {  	s10 =	sor.u32 s15, s11;
	[tilespmem:s7+$0x15700] =	vst v19;
	v19 =	vld.idx.msk [tilespmem:v26+s6+$0x0], $0xffff;
	v26 =	vor.u32 v62, v25  }
0x172: {  	[tilespmem:s10+$0xE700] =	vst v5;
	v5 =	vor.u32 $0x80, v18;
	v25 =	vor.u32 v4, v25;
	v20 =	vld.idx.msk [tilespmem:v20+s6+$0x0], $0xffff  }
0x173: {  	v21 =	vld.idx.msk [tilespmem:v21+s6+$0x0], $0xffff;
	[tilespmem:s10+$0x15700] =	vst v2;
	v2 =	vor.u32 v12, v5  }
0x174: {  	[tilespmem:s5+$0xE780] =	vst v24;
	v24 =	vor.u32 $0x100, v17;
	v5 =	vor.u32 v16, v5;
	v1 =	vld.idx.msk [tilespmem:v1+s6+$0x0], $0xffff  }
0x175: {  	s18 =	sor.u32 s13, s11;
	[tilespmem:s5+$0x15780] =	vst v22;
	v22 =	vor.u32 v9, v24;
	v0 =	vld.idx.msk [tilespmem:v0+s6+$0x0], $0xffff  }
0x176: {  	v24 =	vor.u32 v13, v24;
	[tilespmem:s18+$0xE700] =	vst v23;
	v23 =	vor.u32 $0x100, v15;
	v26 =	vld.idx.msk [tilespmem:v26+s6+$0x0], $0xffff  }
0x177: {  	[tilespmem:s18+$0x15700] =	vst v19;
	v19 =	vor.u32 v11, v23;
	v25 =	vld.idx.msk [tilespmem:v25+s6+$0x0], $0xffff  }
0x178: {  	[tilespmem:s7+$0xE780] =	vst v20;
	v20 =	vor.u32 v14, v23;
	v23 =	vor.u32 $0x180, v10;
	v2 =	vld.idx.msk [tilespmem:v2+s6+$0x0], $0xffff  }
0x179: {  	[tilespmem:s7+$0x15780] =	vst v21;
	v5 =	vld.idx.msk [tilespmem:v5+s6+$0x0], $0xffff;
	v21 =	vor.u32 v62, v23  }
0x17a: {  	v23 =	vor.u32 v4, v23;
	[tilespmem:s10+$0xE780] =	vst v1;
	v1 =	vor.u32 $0x100, v18;
	v22 =	vld.idx.msk [tilespmem:v22+s6+$0x0], $0xffff  }
0x17b: {  	v24 =	vld.idx.msk [tilespmem:v24+s6+$0x0], $0xffff;
	[tilespmem:s10+$0x15780] =	vst v0;
	v0 =	vor.u32 v12, v1  }
0x17c: {  	v1 =	vor.u32 v16, v1;
	[tilespmem:s5+$0xE800] =	vst v26;
	v26 =	vor.u32 $0x180, v17;
	v19 =	vld.idx.msk [tilespmem:v19+s6+$0x0], $0xffff  }
0x17d: {  	[tilespmem:s5+$0x15800] =	vst v25;
	v25 =	vor.u32 v9, v26;
	v20 =	vld.idx.msk [tilespmem:v20+s6+$0x0], $0xffff  }
0x17e: {  	v26 =	vor.u32 v13, v26;
	[tilespmem:s18+$0xE780] =	vst v2;
	v2 =	vor.u32 $0x180, v15;
	v21 =	vld.idx.msk [tilespmem:v21+s6+$0x0], $0xffff  }
0x17f: {  	[tilespmem:s18+$0x15780] =	vst v5;
	v23 =	vld.idx.msk [tilespmem:v23+s6+$0x0], $0xffff;
	v5 =	vor.u32 v11, v2  }
0x180: {  	[tilespmem:s7+$0xE800] =	vst v22;
	v2 =	vor.u32 v14, v2;
	v22 =	vor.u32 $0x200, v10;
	v0 =	vld.idx.msk [tilespmem:v0+s6+$0x0], $0xffff  }
0x181: {  	[tilespmem:s7+$0x15800] =	vst v24;
	v1 =	vld.idx.msk [tilespmem:v1+s6+$0x0], $0xffff;
	v24 =	vor.u32 v62, v22  }
0x182: {  	v22 =	vor.u32 v4, v22;
	[tilespmem:s10+$0xE800] =	vst v19;
	v19 =	vor.u32 $0x180, v18;
	v25 =	vld.idx.msk [tilespmem:v25+s6+$0x0], $0xffff  }
0x183: {  	[tilespmem:s10+$0x15800] =	vst v20;
	v20 =	vor.u32 v12, v19;
	v26 =	vld.idx.msk [tilespmem:v26+s6+$0x0], $0xffff  }
0x184: {  	v19 =	vor.u32 v16, v19;
	[tilespmem:s5+$0xE880] =	vst v21;
	v21 =	vor.u32 $0x200, v17;
	v5 =	vld.idx.msk [tilespmem:v5+s6+$0x0], $0xffff  }
0x185: {  	[tilespmem:s5+$0x15880] =	vst v23;
	v23 =	vor.u32 v9, v21;
	v2 =	vld.idx.msk [tilespmem:v2+s6+$0x0], $0xffff  }
0x186: {  	v21 =	vor.u32 v13, v21;
	[tilespmem:s18+$0xE800] =	vst v0;
	v0 =	vor.u32 $0x200, v15;
	v24 =	vld.idx.msk [tilespmem:v24+s6+$0x0], $0xffff  }
0x187: {  	[tilespmem:s18+$0x15800] =	vst v1;
	v22 =	vld.idx.msk [tilespmem:v22+s6+$0x0], $0xffff;
	v1 =	vor.u32 v11, v0  }
0x188: {  	v0 =	vor.u32 v14, v0;
	[tilespmem:s7+$0xE880] =	vst v25;
	v20 =	vld.idx.msk [tilespmem:v20+s6+$0x0], $0xffff;
	v25 =	vor.u32 $0x280, v10  }
0x189: {  	[tilespmem:s7+$0x15880] =	vst v26;
	v19 =	vld.idx.msk [tilespmem:v19+s6+$0x0], $0xffff;
	v26 =	vor.u32 v62, v25  }
0x18a: {  	v25 =	vor.u32 v4, v25;
	[tilespmem:s10+$0xE880] =	vst v5;
	v5 =	vor.u32 $0x200, v18;
	v23 =	vld.idx.msk [tilespmem:v23+s6+$0x0], $0xffff  }
0x18b: {  	[tilespmem:s10+$0x15880] =	vst v2;
	v21 =	vld.idx.msk [tilespmem:v21+s6+$0x0], $0xffff;
	v2 =	vor.u32 v12, v5  }
0x18c: {  	[tilespmem:s5+$0xE900] =	vst v24;
	v24 =	vor.u32 $0x280, v17;
	v5 =	vor.u32 v16, v5;
	v1 =	vld.idx.msk [tilespmem:v1+s6+$0x0], $0xffff  }
0x18d: {  	[tilespmem:s5+$0x15900] =	vst v22;
	v22 =	vor.u32 v9, v24;
	v0 =	vld.idx.msk [tilespmem:v0+s6+$0x0], $0xffff  }
0x18e: {  	v24 =	vor.u32 v13, v24;
	[tilespmem:s18+$0xE880] =	vst v20;
	v20 =	vor.u32 $0x280, v15;
	v26 =	vld.idx.msk [tilespmem:v26+s6+$0x0], $0xffff  }
0x18f: {  	[tilespmem:s18+$0x15880] =	vst v19;
	v19 =	vor.u32 v11, v20;
	v25 =	vld.idx.msk [tilespmem:v25+s6+$0x0], $0xffff  }
0x190: {  	v20 =	vor.u32 v14, v20;
	[tilespmem:s7+$0xE900] =	vst v23;
	v23 =	vor.u32 $0x300, v10;
	v2 =	vld.idx.msk [tilespmem:v2+s6+$0x0], $0xffff  }
0x191: {  	[tilespmem:s7+$0x15900] =	vst v21;
	v5 =	vld.idx.msk [tilespmem:v5+s6+$0x0], $0xffff;
	v21 =	vor.u32 v62, v23  }
0x192: {  	v23 =	vor.u32 v4, v23;
	[tilespmem:s10+$0xE900] =	vst v1;
	v1 =	vor.u32 $0x280, v18;
	v22 =	vld.idx.msk [tilespmem:v22+s6+$0x0], $0xffff  }
0x193: {  	[tilespmem:s10+$0x15900] =	vst v0;
	v24 =	vld.idx.msk [tilespmem:v24+s6+$0x0], $0xffff;
	v0 =	vor.u32 v12, v1  }
0x194: {  	v1 =	vor.u32 v16, v1;
	[tilespmem:s5+$0xE980] =	vst v26;
	v26 =	vor.u32 $0x300, v17;
	v19 =	vld.idx.msk [tilespmem:v19+s6+$0x0], $0xffff  }
0x195: {  	[tilespmem:s5+$0x15980] =	vst v25;
	v20 =	vld.idx.msk [tilespmem:v20+s6+$0x0], $0xffff;
	v25 =	vor.u32 v9, v26  }
0x196: {  	v26 =	vor.u32 v13, v26;
	[tilespmem:s18+$0xE900] =	vst v2;
	v2 =	vor.u32 $0x300, v15;
	v21 =	vld.idx.msk [tilespmem:v21+s6+$0x0], $0xffff  }
0x197: {  	[tilespmem:s18+$0x15900] =	vst v5;
	v23 =	vld.idx.msk [tilespmem:v23+s6+$0x0], $0xffff;
	v5 =	vor.u32 v11, v2  }
0x198: {  	[tilespmem:s7+$0xE980] =	vst v22;
	v2 =	vor.u32 v14, v2;
	v22 =	vor.u32 $0x380, v10;
	v0 =	vld.idx.msk [tilespmem:v0+s6+$0x0], $0xffff  }
0x199: {  	[tilespmem:s7+$0x15980] =	vst v24;
	v1 =	vld.idx.msk [tilespmem:v1+s6+$0x0], $0xffff;
	v24 =	vor.u32 v62, v22  }
0x19a: {  	v22 =	vor.u32 v4, v22;
	[tilespmem:s10+$0xE980] =	vst v19;
	v19 =	vor.u32 $0x300, v18;
	v25 =	vld.idx.msk [tilespmem:v25+s6+$0x0], $0xffff  }
0x19b: {  	[tilespmem:s10+$0x15980] =	vst v20;
	v20 =	vor.u32 v12, v19;
	v26 =	vld.idx.msk [tilespmem:v26+s6+$0x0], $0xffff  }
0x19c: {  	v19 =	vor.u32 v16, v19;
	[tilespmem:s5+$0xEA00] =	vst v21;
	v21 =	vor.u32 $0x380, v17;
	v5 =	vld.idx.msk [tilespmem:v5+s6+$0x0], $0xffff  }
0x19d: {  	[tilespmem:s5+$0x15A00] =	vst v23;
	v23 =	vor.u32 v9, v21;
	v2 =	vld.idx.msk [tilespmem:v2+s6+$0x0], $0xffff  }
0x19e: {  	v21 =	vor.u32 v13, v21;
	[tilespmem:s18+$0xE980] =	vst v0;
	v0 =	vor.u32 $0x380, v15;
	v24 =	vld.idx.msk [tilespmem:v24+s6+$0x0], $0xffff  }
0x19f: {  	[tilespmem:s18+$0x15980] =	vst v1;
	v22 =	vld.idx.msk [tilespmem:v22+s6+$0x0], $0xffff;
	v1 =	vor.u32 v11, v0  }
0x1a0: {  	v0 =	vor.u32 v14, v0;
	[tilespmem:s7+$0xEA00] =	vst v25;
	v20 =	vld.idx.msk [tilespmem:v20+s6+$0x0], $0xffff;
	v25 =	vadd.s32 $0x3800, v10  }
0x1a1: {  	[tilespmem:s7+$0x15A00] =	vst v26;
	v19 =	vld.idx.msk [tilespmem:v19+s6+$0x0], $0xffff;
	v26 =	vor.u32 v62, v25  }
0x1a2: {  	v25 =	vor.u32 v4, v25;
	[tilespmem:s10+$0xEA00] =	vst v5;
	v5 =	vor.u32 $0x380, v18;
	v23 =	vld.idx.msk [tilespmem:v23+s6+$0x0], $0xffff  }
0x1a3: {  	[tilespmem:s10+$0x15A00] =	vst v2;
	v21 =	vld.idx.msk [tilespmem:v21+s6+$0x0], $0xffff;
	v2 =	vor.u32 v12, v5  }
0x1a4: {  	[tilespmem:s5+$0xEA80] =	vst v24;
	v24 =	vadd.s32 $0x3800, v17;
	v5 =	vor.u32 v16, v5;
	v1 =	vld.idx.msk [tilespmem:v1+s6+$0x0], $0xffff  }
0x1a5: {  	[tilespmem:s5+$0x15A80] =	vst v22;
	v22 =	vor.u32 v9, v24;
	v0 =	vld.idx.msk [tilespmem:v0+s6+$0x0], $0xffff  }
0x1a6: {  	s19 =	sor.u32 s3, s14;
	v24 =	vor.u32 v13, v24;
	[tilespmem:s18+$0xEA00] =	vst v20;
	v20 =	vadd.s32 $0x3800, v15;
	v26 =	vld.idx.msk [tilespmem:v26+s6+$0x0], $0xffff  }
0x1a7: {  	s1 =	sor.u32 $0x380, s19;
	[tilespmem:s18+$0x15A00] =	vst v19;
	v19 =	vor.u32 v11, v20;
	v25 =	vld.idx.msk [tilespmem:v25+s6+$0x0], $0xffff  }
0x1a8: {  	v20 =	vor.u32 v14, v20;
	[tilespmem:s1+$0xE700] =	vst v23;
	v23 =	vadd.s32 $0x3880, v10;
	v2 =	vld.idx.msk [tilespmem:v2+s6+$0x0], $0xffff  }
0x1a9: {  	[tilespmem:s1+$0x15700] =	vst v21;
	v5 =	vld.idx.msk [tilespmem:v5+s6+$0x0], $0xffff;
	v21 =	vor.u32 v62, v23  }
0x1aa: {  	s23 =	sadd.s32 $0x1C00, s11;
	v23 =	vor.u32 v4, v23;
	[tilespmem:s10+$0xEA80] =	vst v1;
	v1 =	vadd.s32 $0x3800, v18;
	v22 =	vld.idx.msk [tilespmem:v22+s6+$0x0], $0xffff  }
0x1ab: {  	s30 =	sor.u32 s12, s23;
	[tilespmem:s10+$0x15A80] =	vst v0;
	v24 =	vld.idx.msk [tilespmem:v24+s6+$0x0], $0xffff;
	v0 =	vor.u32 v12, v1  }
0x1ac: {  	v1 =	vor.u32 v16, v1;
	[tilespmem:s30+$0xE700] =	vst v26;
	v26 =	vadd.s32 $0x3880, v17;
	v19 =	vld.idx.msk [tilespmem:v19+s6+$0x0], $0xffff  }
0x1ad: {  	[tilespmem:s30+$0x15700] =	vst v25;
	v20 =	vld.idx.msk [tilespmem:v20+s6+$0x0], $0xffff;
	v25 =	vor.u32 v9, v26  }
0x1ae: {  	v26 =	vor.u32 v13, v26;
	[tilespmem:s18+$0xEA80] =	vst v2;
	v2 =	vadd.s32 $0x3880, v15;
	v21 =	vld.idx.msk [tilespmem:v21+s6+$0x0], $0xffff  }
0x1af: {  	s31 =	sor.u32 s8, s23;
	[tilespmem:s18+$0x15A80] =	vst v5;
	v23 =	vld.idx.msk [tilespmem:v23+s6+$0x0], $0xffff;
	v5 =	vor.u32 v11, v2  }
0x1b0: {  	[tilespmem:s31+$0xE700] =	vst v22;
	v2 =	vor.u32 v14, v2;
	v22 =	vadd.s32 $0x3900, v10;
	v0 =	vld.idx.msk [tilespmem:v0+s6+$0x0], $0xffff  }
0x1b1: {  	s4 =	sor.u32 s15, s23;
	[tilespmem:s31+$0x15700] =	vst v24;
	v1 =	vld.idx.msk [tilespmem:v1+s6+$0x0], $0xffff;
	v24 =	vor.u32 v62, v22  }
0x1b2: {  	s5 =	sadd.s32 $0x1C80, s11;
	v22 =	vor.u32 v4, v22;
	[tilespmem:s4+$0xE700] =	vst v19;
	v19 =	vadd.s32 $0x3880, v18;
	v25 =	vld.idx.msk [tilespmem:v25+s6+$0x0], $0xffff  }
0x1b3: {  	s7 =	sor.u32 s12, s5;
	[tilespmem:s4+$0x15700] =	vst v20;
	v20 =	vor.u32 v12, v19;
	v26 =	vld.idx.msk [tilespmem:v26+s6+$0x0], $0xffff  }
0x1b4: {  	v19 =	vor.u32 v16, v19;
	[tilespmem:s7+$0xE700] =	vst v21;
	v21 =	vadd.s32 $0x3900, v17;
	v5 =	vld.idx.msk [tilespmem:v5+s6+$0x0], $0xffff  }
0x1b5: {  	s1 =	sor.u32 s13, s23;
	[tilespmem:s7+$0x15700] =	vst v23;
	v23 =	vor.u32 v9, v21;
	v2 =	vld.idx.msk [tilespmem:v2+s6+$0x0], $0xffff  }
0x1b6: {  	v21 =	vor.u32 v13, v21;
	[tilespmem:s1+$0xE700] =	vst v0;
	v0 =	vadd.s32 $0x3900, v15;
	v24 =	vld.idx.msk [tilespmem:v24+s6+$0x0], $0xffff  }
0x1b7: {  	s10 =	sor.u32 s8, s5;
	[tilespmem:s1+$0x15700] =	vst v1;
	v22 =	vld.idx.msk [tilespmem:v22+s6+$0x0], $0xffff;
	v1 =	vor.u32 v11, v0  }
0x1b8: {  	v0 =	vor.u32 v14, v0;
	[tilespmem:s10+$0xE700] =	vst v25;
	v20 =	vld.idx.msk [tilespmem:v20+s6+$0x0], $0xffff;
	v25 =	vadd.s32 $0x3980, v10  }
0x1b9: {  	s18 =	sor.u32 s15, s5;
	[tilespmem:s10+$0x15700] =	vst v26;
	v19 =	vld.idx.msk [tilespmem:v19+s6+$0x0], $0xffff;
	v26 =	vor.u32 v62, v25  }
0x1ba: {  	s19 =	sadd.s32 $0x1D00, s11;
	v25 =	vor.u32 v4, v25;
	[tilespmem:s18+$0xE700] =	vst v5;
	v5 =	vadd.s32 $0x3900, v18;
	v23 =	vld.idx.msk [tilespmem:v23+s6+$0x0], $0xffff  }
0x1bb: {  	s21 =	sor.u32 s12, s19;
	[tilespmem:s18+$0x15700] =	vst v2;
	v21 =	vld.idx.msk [tilespmem:v21+s6+$0x0], $0xffff;
	v2 =	vor.u32 v12, v5  }
0x1bc: {  	[tilespmem:s21+$0xE700] =	vst v24;
	v24 =	vadd.s32 $0x3980, v17;
	v5 =	vor.u32 v16, v5;
	v1 =	vld.idx.msk [tilespmem:v1+s6+$0x0], $0xffff  }
0x1bd: {  	s3 =	sor.u32 s13, s5;
	[tilespmem:s21+$0x15700] =	vst v22;
	v22 =	vor.u32 v9, v24;
	v0 =	vld.idx.msk [tilespmem:v0+s6+$0x0], $0xffff  }
0x1be: {  	v24 =	vor.u32 v13, v24;
	[tilespmem:s3+$0xE700] =	vst v20;
	v20 =	vadd.s32 $0x3980, v15;
	v26 =	vld.idx.msk [tilespmem:v26+s6+$0x0], $0xffff  }
0x1bf: {  	s23 =	sor.u32 s8, s19;
	[tilespmem:s3+$0x15700] =	vst v19;
	v19 =	vor.u32 v11, v20;
	v25 =	vld.idx.msk [tilespmem:v25+s6+$0x0], $0xffff  }
0x1c0: {  	v20 =	vor.u32 v14, v20;
	[tilespmem:s23+$0xE700] =	vst v23;
	v23 =	vadd.s32 $0x3A00, v10;
	v2 =	vld.idx.msk [tilespmem:v2+s6+$0x0], $0xffff  }
0x1c1: {  	s30 =	sor.u32 s15, s19;
	[tilespmem:s23+$0x15700] =	vst v21;
	v5 =	vld.idx.msk [tilespmem:v5+s6+$0x0], $0xffff;
	v21 =	vor.u32 v62, v23  }
0x1c2: {  	s31 =	sadd.s32 $0x1D80, s11;
	v23 =	vor.u32 v4, v23;
	[tilespmem:s30+$0xE700] =	vst v1;
	v1 =	vadd.s32 $0x3980, v18;
	v22 =	vld.idx.msk [tilespmem:v22+s6+$0x0], $0xffff  }
0x1c3: {  	s4 =	sor.u32 s12, s31;
	[tilespmem:s30+$0x15700] =	vst v0;
	v24 =	vld.idx.msk [tilespmem:v24+s6+$0x0], $0xffff;
	v0 =	vor.u32 v12, v1  }
0x1c4: {  	v1 =	vor.u32 v16, v1;
	[tilespmem:s4+$0xE700] =	vst v26;
	v26 =	vadd.s32 $0x3A00, v17;
	v19 =	vld.idx.msk [tilespmem:v19+s6+$0x0], $0xffff  }
0x1c5: {  	s2 =	sor.u32 s13, s19;
	[tilespmem:s4+$0x15700] =	vst v25;
	v20 =	vld.idx.msk [tilespmem:v20+s6+$0x0], $0xffff;
	v25 =	vor.u32 v9, v26  }
0x1c6: {  	v8 =	vadd.s32 $0x3B80, v8;
	v26 =	vor.u32 v13, v26;
	[tilespmem:s2+$0xE700] =	vst v2;
	v21 =	vld.idx.msk [tilespmem:v21+s6+$0x0], $0xffff  }
0x1c7: {  	v7 =	vor.u32 v7, v8;
	s5 =	sor.u32 s8, s31;
	v2 =	vadd.s32 $0x3A00, v15;
	[tilespmem:s2+$0x15700] =	vst v5;
	v23 =	vld.idx.msk [tilespmem:v23+s6+$0x0], $0xffff  }
0x1c8: {  	v5 =	vor.u32 v11, v2;
	[tilespmem:s5+$0xE700] =	vst v22;
	v0 =	vld.idx.msk [tilespmem:v0+s6+$0x0], $0xffff  }
0x1c9: {  	s7 =	sor.u32 s15, s31;
	v2 =	vor.u32 v14, v2;
	v22 =	vadd.s32 $0x3A80, v10;
	[tilespmem:s5+$0x15700] =	vst v24;
	v1 =	vld.idx.msk [tilespmem:v1+s6+$0x0], $0xffff  }
0x1ca: {  	s10 =	sadd.s32 $0x1E00, s11;
	v24 =	vor.u32 v62, v22;
	[tilespmem:s7+$0xE700] =	vst v19;
	v19 =	vld.idx.msk [tilespmem:v25+s6+$0x0], $0xffff  }
0x1cb: {  	s18 =	sor.u32 s12, s10;
	v22 =	vor.u32 v4, v22;
	[tilespmem:s7+$0x15700] =	vst v20;
	v20 =	vadd.s32 $0x3A00, v18;
	v25 =	vld.idx.msk [tilespmem:v26+s6+$0x0], $0xffff  }
0x1cc: {  	v35 =	vld.idx.msk [tilespmem:v7+s6+$0x0], $0xffff;
	[tilespmem:s18+$0xE700] =	vst v21;
	v21 =	vor.u32 v12, v20  }
0x1cd: {  	s1 =	sor.u32 s13, s31;
	[tilespmem:s18+$0x15700] =	vst v23;
	v23 =	vadd.s32 $0x3A80, v17;
	v20 =	vor.u32 v16, v20;
	v5 =	vld.idx.msk [tilespmem:v5+s6+$0x0], $0xffff  }
0x1ce: {  	v2 =	vld.idx.msk [tilespmem:v2+s6+$0x0], $0xffff;
	v7 =	vor.u32 v13, v23;
	[tilespmem:s1+$0xE700] =	vst v0  }
0x1cf: {  	s19 =	sor.u32 s8, s10;
	v0 =	vor.u32 v9, v23;
	v24 =	vld.idx.msk [tilespmem:v24+s6+$0x0], $0xffff;
	[tilespmem:s1+$0x15700] =	vst v1;
	v1 =	vadd.s32 $0x3A80, v15  }
0x1d0: {  	v22 =	vld.idx.msk [tilespmem:v22+s6+$0x0], $0xffff;
	v23 =	vor.u32 v11, v1;
	[tilespmem:s19+$0x15700] =	vst v25;
	v25 =	vor.u32 v6, v8  }
0x1d1: {  	s21 =	sor.u32 s15, s10;
	[tilespmem:s19+$0xE700] =	vst v19;
	v6 =	vor.u32 v14, v1;
	v1 =	vadd.s32 $0x3B00, v10;
	v19 =	vadd.s32 $0x3B00, v17;
	v8 =	vld.idx.msk [tilespmem:v21+s6+$0x0], $0xffff  }
0x1d2: {  	v17 =	vadd.s32 $0x3B80, v17;
	v20 =	vld.idx.msk [tilespmem:v20+s6+$0x0], $0xffff;
	v26 =	vor.u32 v62, v1;
	v28 =	vor.u32 v4, v1;
	[tilespmem:s21+$0xE700] =	vst v5  }
0x1d3: {  	s23 =	sadd.s32 $0x1E80, s11;
	v3 =	vor.u32 v9, v19;
	v55 =	vor.u32 v13, v19;
	v5 =	vadd.s32 $0x3A80, v18;
	[tilespmem:s21+$0x15700] =	vst v2;
	v2 =	vld.idx.msk [tilespmem:v7+s6+$0x0], $0xffff  }
0x1d4: {  	s30 =	sor.u32 s12, s23;
	v19 =	vor.u32 v9, v17;
	v9 =	vadd.s32 $0x3B80, v15;
	v27 =	vor.u32 v12, v5;
	v0 =	vld.idx.msk [tilespmem:v0+s6+$0x0], $0xffff  }
0x1d5: {  	v17 =	vor.u32 v13, v17;
	v7 =	vadd.s32 $0x3B00, v15;
	v13 =	vor.u32 v11, v9;
	[tilespmem:s30+$0xE700] =	vst v24;
	v1 =	vld.idx.msk [tilespmem:v23+s6+$0x0], $0xffff  }
0x1d6: {  	s31 =	sor.u32 s13, s10;
	v60 =	vor.u32 v14, v9;
	[tilespmem:s30+$0x15700] =	vst v22;
	v24 =	vor.u32 v11, v7;
	v6 =	vld.idx.msk [tilespmem:v6+s6+$0x0], $0xffff  }
0x1d7: {  	v30 =	vor.u32 v14, v7;
	v7 =	vadd.s32 $0x3B00, v18;
	v31 =	vor.u32 v16, v5;
	[tilespmem:s31+$0xE700] =	vst v8;
	v5 =	vld.idx.msk [tilespmem:v26+s6+$0x0], $0xffff  }
0x1d8: {  	s9 =	sor.u32 s9, s0;
	s29 =	sor.u32 s29, s22;
	s1 =	sor.u32 s8, s23;
	v23 =	vor.u32 v16, v7;
	v8 =	vadd.s32 $0x3B80, v18;
	[tilespmem:s31+$0x15700] =	vst v20;
	v18 =	vor.u32 v12, v7;
	v7 =	vld.idx.msk [tilespmem:v28+s6+$0x0], $0xffff  }
0x1d9: {  	s0 =	sor.u32 s15, s23;
	s3 =	sor.u32 s13, s23;
	s23 =	simm.s32 $0x600;
	v11 =	vor.u32 v12, v8;
	v12 =	vor.u32 v16, v8;
	[tilespmem:s1+$0xE700] =	vst v0;
	v16 =	vld.idx.msk [tilespmem:v27+s6+$0x0], $0xffff;
	v0 =	vadd.s32 $0x3B80, v10  }
.LBB2_4:
0x1da: {  	_ = 	snop  }
0x1db: {  	[tilespmem:s1+$0x15700] =	vst v2  }
0x1dc: {  	s14 =	sadd.s32 $0x40, s14;
	s4 =	sand.u32 $0x1C00, s23;
	s5 =	sadd.s32 $0x1F00, s11;
	v2 =	vld.idx.msk [tilespmem:v31+s6+$0x0], $0xffff;
	[tilespmem:s0+$0xE700] =	vst v1  }
0x1dd: {  	v4 =	vor.u32 v4, v0;
	s2 =	sshrl.u32 s4, $0x2;
	s22 =	sor.u32 s12, s5;
	s1 =	sand.u32 $0x40, s14;
	[tilespmem:s0+$0x15700] =	vst v6;
	v8 =	vld.idx.msk [tilespmem:v3+s6+$0x0], $0xffff  }
0x1de: {  	s2 =	sor.u32 $0xE000, s2;
	[tilespmem:s22+$0xE700] =	vst v5;
	s10 =	sor.u32 $0x30, s1;
	v1 =	vld.idx.msk [tilespmem:v55+s6+$0x0], $0xffff  }
0x1df: {  	[tilespmem:s3+$0xE700] =	vst v16;
	v6 =	vld.idx.msk [tilespmem:v24+s6+$0x0], $0xffff;
	v3 =	vmov v35;
	s21 =	sor.u32 s10, s2  }
0x1e0: {  	s30 =	sor.u32 s1, s2;
	[tilespmem:$0x1FFD0] =	vst v3;
	v5 =	vld [tilespmem:s21+$0x0]  }
0x1e1: {  	s18 =	sor.u32 $0x10, s1;
	s19 =	sor.u32 $0x20, s1;
	[tilespmem:s22+$0x15700] =	vst v7;
	v7 =	vld [tilespmem:s30+$0x0]  }
0x1e2: {  	s31 =	sor.u32 s18, s2;
	s7 =	sor.u32 s19, s2;
	v4 =	vld.idx.msk [tilespmem:v4+s6+$0x0], $0xffff;
	[tilespmem:s3+$0x15700] =	vst v2  }
0x1e3: {  	v0 =	vor.u32 v62, v0;
	s30 =	sor.u32 s15, s5;
	s3 =	sor.u32 s13, s5;
	v2 =	vld [tilespmem:s31+$0x0];
	s5 =	sor.u32 s8, s5;
	[tilespmem:s17+$0x15700] =	vst v34  }
0x1e4: {  	v21 =	vld [tilespmem:s7+$0x0];
	[tilespmem:s5+$0xE700] =	vst v8  }
0x1e5: {  	[tilespmem:s5+$0x15700] =	vst v1;
	v1 =	vld.idx.msk [tilespmem:v30+s6+$0x0], $0xffff  }
0x1e6: {  	[tilespmem:s30+$0xE700] =	vst v6;
	v6 =	vld.idx.msk [tilespmem:v18+s6+$0x0], $0xffff  }
0x1e7: {  	s2 =	sor.u32 s18, s4;
	s0 =	sor.u32 s19, s4;
	s5 =	sadd.s32 $0x1F80, s11;
	v23 =	vld.idx.msk [tilespmem:v23+s6+$0x0], $0xffff;
	[tilespmem:s29+$0xE700] =	vst v32  }
0x1e8: {  	s22 =	sor.u32 s1, s4;
	v0 =	vld.idx.msk [tilespmem:v0+s6+$0x0], $0xffff;
	s11 =	smov.u32 s4;
	[tilespmem:s29+$0x15700] =	vst v33;
	s4 =	sor.u32 s12, s5;
	v8 =	vshll.u32 v5, $0x3;
	v10 =	vand.u32 $0x7F, v7;
	v62 =	vand.u32 $0x7F, v5  }
0x1e9: {  	v19 =	vld.idx.msk [tilespmem:v19+s6+$0x0], $0xffff;
	v5 =	vshll.u32 v7, $0x3;
	v8 =	vand.u32 $0xFFFFFC00, v8;
	[tilespmem:s4+$0x15700] =	vst v4;
	v4 =	vxor.u32 $0x1, v62  }
0x1ea: {  	v7 =	vor.u32 v62, v8;
	v16 =	vand.u32 $0x7F, v2;
	v2 =	vshll.u32 v2, $0x3;
	[tilespmem:s30+$0x15700] =	vst v1;
	v1 =	vld.idx.msk [tilespmem:v25+s6+$0x0], $0xffff  }
0x1eb: {  	v24 =	vor.u32 v4, v8;
	[tilespmem:s16+$0xE700] =	vst v29;
	v15 =	vand.u32 $0xFFFFFC00, v2  }
0x1ec: {  	v22 =	vxor.u32 $0x1, v16;
	[tilespmem:s3+$0xE700] =	vst v6;
	v6 =	vor.u32 v16, v15;
	v3 =	vld.idx.msk [tilespmem:v60+s6+$0x0], $0xffff  }
0x1ed: {  	s17 =	sor.u32 s15, s5;
	s7 =	sor.u32 s13, s5;
	s5 =	sor.u32 s8, s5;
	[tilespmem:s3+$0x15700] =	vst v23;
	v2 =	vld.idx.msk [tilespmem:v13+s6+$0x0], $0xffff;
	v13 =	vor.u32 v22, v15  }
0x1ee: {  	v14 =	vand.u32 $0xFFFFFC00, v5;
	v20 =	vand.u32 $0x7F, v21;
	v5 =	vshll.u32 v21, $0x3;
	v21 =	vld.idx.msk [tilespmem:v17+s6+$0x0], $0xffff;
	[tilespmem:s5+$0xE700] =	vst v19  }
0x1ef: {  	v17 =	vxor.u32 $0x1, v10;
	v7 =	vld.idx.msk [tilespmem:v7+s6+$0x0], $0xffff;
	[tilespmem:$0x1FF90] =	vst v1;
	v1 =	vmov v12  }
0x1f0: {  	v29 =	vor.u32 $0x80, v8;
	v18 =	vand.u32 $0xFFFFFC00, v5;
	v5 =	vor.u32 v17, v14;
	v24 =	vld.idx.msk [tilespmem:v24+s6+$0x0], $0xffff;
	[tilespmem:$0x1FEF0] =	vst v1  }
0x1f1: {  	v19 =	vor.u32 v62, v29;
	[tilespmem:$0x1FFC0] =	vst v3;
	v6 =	vld.idx.msk [tilespmem:v6+s6+$0x0], $0xffff  }
0x1f2: {  	s12 =	smov.u32 s10;
	v23 =	vor.u32 $0x80, v15;
	v1 =	vor.u32 v10, v14;
	v3 =	vmov v0;
	v13 =	vld.idx.msk [tilespmem:v13+s6+$0x0], $0xffff;
	[tilespmem:s17+$0xE700] =	vst v2  }
0x1f3: {  	s13 =	smov.u32 s19;
	s19 =	sor.u32 s12, s11;
	v25 =	vor.u32 $0x80, v14;
	[tilespmem:$0x1FFA0] =	vst v3;
	v3 =	vld.idx.msk [tilespmem:v11+s6+$0x0], $0xffff;
	v11 =	vor.u32 v16, v23  }
0x1f4: {  	v9 =	vor.u32 v17, v25;
	v23 =	vor.u32 v22, v23;
	[tilespmem:s19+$0xE700] =	vst v7  }
0x1f5: {  	v12 =	vxor.u32 $0x1, v20;
	v0 =	vor.u32 v10, v25;
	v25 =	vor.u32 v4, v29;
	v5 =	vld.idx.msk [tilespmem:v5+s6+$0x0], $0xffff;
	[tilespmem:s19+$0x15700] =	vst v24  }
0x1f6: {  	v27 =	vor.u32 v12, v18;
	v19 =	vld.idx.msk [tilespmem:v19+s6+$0x0], $0xffff;
	[tilespmem:s2+$0xE700] =	vst v6  }
0x1f7: {  	v26 =	vor.u32 v20, v18;
	v1 =	vld.idx.msk [tilespmem:v1+s6+$0x0], $0xffff;
	[tilespmem:s2+$0x15700] =	vst v13  }
0x1f8: {  	[tilespmem:s5+$0x15700] =	vst v21;
	v11 =	vld.idx.msk [tilespmem:v11+s6+$0x0], $0xffff  }
0x1f9: {  	v21 =	vor.u32 $0x100, v15;
	[tilespmem:$0x1FF50] =	vst v3;
	v46 =	vld.idx.msk [tilespmem:v23+s6+$0x0], $0xffff  }
0x1fa: {  	v25 =	vld.idx.msk [tilespmem:v25+s6+$0x0], $0xffff;
	v38 =	vor.u32 v16, v21;
	v39 =	vor.u32 v22, v21;
	v21 =	vor.u32 $0x180, v15;
	[tilespmem:s22+$0x15700] =	vst v5  }
0x1fb: {  	v28 =	vor.u32 $0x80, v18;
	v44 =	vor.u32 v16, v21;
	v45 =	vor.u32 v22, v21;
	v21 =	vld.idx.msk [tilespmem:v27+s6+$0x0], $0xffff;
	[tilespmem:s19+$0xE780] =	vst v19  }
0x1fc: {  	v58 =	vor.u32 v20, v28;
	v29 =	vor.u32 $0x100, v14;
	v2 =	vor.u32 $0x100, v8;
	[tilespmem:s22+$0xE700] =	vst v1;
	v1 =	vld.idx.msk [tilespmem:v26+s6+$0x0], $0xffff  }
0x1fd: {  	v51 =	vor.u32 $0x380, v18;
	v37 =	vor.u32 v10, v29;
	v26 =	vor.u32 v62, v2;
	v0 =	vld.idx.msk [tilespmem:v0+s6+$0x0], $0xffff;
	[tilespmem:s2+$0xE780] =	vst v11  }
0x1fe: {  	v7 =	vor.u32 v17, v29;
	v29 =	vor.u32 $0x180, v14;
	v2 =	vor.u32 v4, v2;
	v9 =	vld.idx.msk [tilespmem:v9+s6+$0x0], $0xffff;
	[tilespmem:s2+$0x15780] =	vst v46  }
0x1ff: {  	v42 =	vor.u32 v10, v29;
	v43 =	vor.u32 v17, v29;
	v6 =	vor.u32 $0x200, v15;
	[tilespmem:s19+$0x15780] =	vst v25;
	v38 =	vld.idx.msk [tilespmem:v38+s6+$0x0], $0xffff  }
0x200: {  	v29 =	vor.u32 v16, v6;
	v30 =	vor.u32 v22, v6;
	v6 =	vor.u32 $0x280, v15;
	[tilespmem:s0+$0x15700] =	vst v21;
	v39 =	vld.idx.msk [tilespmem:v39+s6+$0x0], $0xffff  }
0x201: {  	v23 =	vor.u32 v16, v6;
	v21 =	vor.u32 v22, v6;
	v6 =	vor.u32 $0x300, v15;
	[tilespmem:s0+$0xE700] =	vst v1  }
0x202: {  	v36 =	vor.u32 v12, v28;
	v11 =	vor.u32 v16, v6;
	v1 =	vor.u32 $0x280, v18;
	v26 =	vld.idx.msk [tilespmem:v26+s6+$0x0], $0xffff;
	[tilespmem:s22+$0xE780] =	vst v0  }
0x203: {  	v2 =	vld.idx.msk [tilespmem:v2+s6+$0x0], $0xffff;
	v19 =	vor.u32 v20, v1;
	v0 =	vor.u32 $0x180, v8;
	[tilespmem:s22+$0x15780] =	vst v9;
	v9 =	vor.u32 v12, v1  }
0x204: {  	v35 =	vld.idx.msk [tilespmem:v58+s6+$0x0], $0xffff;
	v1 =	vor.u32 $0x300, v18;
	v47 =	vor.u32 v62, v0;
	v48 =	vor.u32 v4, v0;
	[tilespmem:s2+$0xE800] =	vst v38  }
0x205: {  	v58 =	vadd.s32 $0x3800, v18;
	v49 =	vld.idx.msk [tilespmem:v7+s6+$0x0], $0xffff;
	v7 =	vor.u32 v22, v6;
	v0 =	vor.u32 v20, v51;
	[tilespmem:s2+$0x15800] =	vst v39  }
0x206: {  	v52 =	vor.u32 v20, v1;
	v6 =	vor.u32 v12, v1;
	v1 =	vor.u32 v12, v58;
	[tilespmem:$0x1FF00] =	vst v0  }
0x207: {  	v55 =	vadd.s32 $0x3880, v15;
	v0 =	vor.u32 v12, v51;
	[tilespmem:$0x1FF40] =	vst v1  }
0x208: {  	v1 =	vor.u32 v16, v55;
	[tilespmem:$0x1FF10] =	vst v0  }
0x209: {  	[tilespmem:$0x1FF60] =	vst v1  }
0x20a: {  	v56 =	vadd.s32 $0x3800, v14;
	[tilespmem:s19+$0xE800] =	vst v26  }
0x20b: {  	v36 =	vld.idx.msk [tilespmem:v36+s6+$0x0], $0xffff;
	v0 =	vor.u32 v10, v56;
	[tilespmem:s19+$0x15800] =	vst v2  }
0x20c: {  	v28 =	vor.u32 $0x100, v18;
	v37 =	vld.idx.msk [tilespmem:v37+s6+$0x0], $0xffff;
	v1 =	vor.u32 v22, v55;
	[tilespmem:$0x1FF20] =	vst v0  }
0x20d: {  	v57 =	vadd.s32 $0x3800, v15;
	v40 =	vor.u32 v20, v28;
	[tilespmem:$0x1FF70] =	vst v1  }
0x20e: {  	v50 =	vor.u32 $0x380, v14;
	v41 =	vor.u32 v12, v28;
	v0 =	vor.u32 v22, v57;
	[tilespmem:s0+$0xE780] =	vst v35  }
0x20f: {  	v63 =	vor.u32 v10, v50;
	v59 =	vor.u32 $0x380, v15;
	[tilespmem:$0x1FF30] =	vst v0;
	v0 =	vld.idx.msk [tilespmem:v44+s6+$0x0], $0xffff  }
0x210: {  	v61 =	vor.u32 v16, v59;
	v53 =	vor.u32 v22, v59;
	v59 =	vor.u32 $0x200, v8;
	[tilespmem:s0+$0x15780] =	vst v36;
	v35 =	vld.idx.msk [tilespmem:v47+s6+$0x0], $0xffff  }
0x211: {  	v26 =	vor.u32 v17, v50;
	v50 =	vor.u32 v17, v56;
	v56 =	vadd.s32 $0x3880, v18;
	v36 =	vld.idx.msk [tilespmem:v48+s6+$0x0], $0xffff;
	[tilespmem:s22+$0xE800] =	vst v37  }
0x212: {  	v54 =	vor.u32 v62, v59;
	v1 =	vor.u32 v12, v56;
	v37 =	vld.idx.msk [tilespmem:v40+s6+$0x0], $0xffff;
	[tilespmem:s22+$0x15800] =	vst v49  }
0x213: {  	v24 =	vor.u32 $0x180, v18;
	v41 =	vld.idx.msk [tilespmem:v41+s6+$0x0], $0xffff;
	v47 =	vor.u32 v4, v59;
	[tilespmem:$0x1FF80] =	vst v1  }
0x214: {  	v33 =	vor.u32 v20, v24;
	v40 =	vld.idx.msk [tilespmem:v45+s6+$0x0], $0xffff;
	[tilespmem:s2+$0xE880] =	vst v0  }
0x215: {  	v34 =	vor.u32 v12, v24;
	v42 =	vld.idx.msk [tilespmem:v42+s6+$0x0], $0xffff;
	[tilespmem:s19+$0xE880] =	vst v35  }
0x216: {  	v43 =	vld.idx.msk [tilespmem:v43+s6+$0x0], $0xffff;
	[tilespmem:s19+$0x15880] =	vst v36  }
0x217: {  	v5 =	vor.u32 $0x200, v14;
	[tilespmem:s0+$0xE800] =	vst v37;
	v37 =	vld.idx.msk [tilespmem:v54+s6+$0x0], $0xffff  }
0x218: {  	v60 =	vadd.s32 $0x3880, v14;
	v32 =	vor.u32 v10, v5;
	[tilespmem:s0+$0x15800] =	vst v41;
	v1 =	vld.idx.msk [tilespmem:v47+s6+$0x0], $0xffff  }
0x219: {  	v31 =	vor.u32 v17, v5;
	v48 =	vor.u32 v17, v60;
	v59 =	vor.u32 $0x280, v8;
	[tilespmem:s2+$0x15880] =	vst v40;
	v3 =	vld.idx.msk [tilespmem:v33+s6+$0x0], $0xffff  }
0x21a: {  	v35 =	vor.u32 v10, v60;
	v36 =	vadd.s32 $0x3900, v18;
	v60 =	vor.u32 v62, v59;
	[tilespmem:s22+$0xE880] =	vst v42;
	v34 =	vld.idx.msk [tilespmem:v34+s6+$0x0], $0xffff  }
0x21b: {  	[tilespmem:s22+$0x15880] =	vst v43;
	v45 =	vor.u32 v20, v36;
	v43 =	vor.u32 v12, v36;
	v36 =	vld.idx.msk [tilespmem:v29+s6+$0x0], $0xffff  }
0x21c: {  	v13 =	vor.u32 $0x200, v18;
	v49 =	vor.u32 v20, v56;
	v56 =	vor.u32 v4, v59;
	v30 =	vld.idx.msk [tilespmem:v30+s6+$0x0], $0xffff;
	[tilespmem:s19+$0xE900] =	vst v37  }
0x21d: {  	v27 =	vor.u32 v20, v13;
	v51 =	vor.u32 v16, v57;
	v57 =	vadd.s32 $0x3900, v14;
	[tilespmem:s19+$0x15900] =	vst v1  }
0x21e: {  	v28 =	vor.u32 v12, v13;
	v38 =	vadd.s32 $0x3980, v14;
	v39 =	vor.u32 v10, v57;
	v32 =	vld.idx.msk [tilespmem:v32+s6+$0x0], $0xffff;
	[tilespmem:s0+$0xE880] =	vst v3  }
0x21f: {  	v46 =	vor.u32 v17, v57;
	v0 =	vadd.s32 $0x3980, v18;
	v41 =	vor.u32 v17, v38;
	v31 =	vld.idx.msk [tilespmem:v31+s6+$0x0], $0xffff;
	[tilespmem:s0+$0x15880] =	vst v34  }
0x220: {  	v57 =	vadd.s32 $0x3A00, v14;
	v42 =	vor.u32 v10, v38;
	v38 =	vor.u32 v20, v0;
	[tilespmem:s2+$0xE900] =	vst v36;
	v3 =	vld.idx.msk [tilespmem:v60+s6+$0x0], $0xffff  }
0x221: {  	v5 =	vor.u32 $0x280, v14;
	v37 =	vor.u32 v12, v0;
	v0 =	vor.u32 v17, v57;
	[tilespmem:s2+$0x15900] =	vst v30;
	v55 =	vld.idx.msk [tilespmem:v56+s6+$0x0], $0xffff  }
0x222: {  	v24 =	vor.u32 v10, v5;
	[tilespmem:$0x1FFB0] =	vst v0;
	v27 =	vld.idx.msk [tilespmem:v27+s6+$0x0], $0xffff  }
0x223: {  	v25 =	vor.u32 v17, v5;
	v1 =	vadd.s32 $0x3A80, v14;
	[tilespmem:s22+$0xE900] =	vst v32;
	v28 =	vld.idx.msk [tilespmem:v28+s6+$0x0], $0xffff  }
0x224: {  	v60 =	vor.u32 $0x300, v8;
	[tilespmem:s22+$0x15900] =	vst v31;
	v32 =	vor.u32 v10, v1;
	v36 =	vor.u32 v17, v1;
	v1 =	vld.idx.msk [tilespmem:v23+s6+$0x0], $0xffff  }
0x225: {  	v21 =	vld.idx.msk [tilespmem:v21+s6+$0x0], $0xffff;
	v0 =	vor.u32 v62, v60;
	[tilespmem:s19+$0xE980] =	vst v3  }
0x226: {  	v60 =	vor.u32 v4, v60;
	[tilespmem:s19+$0x15980] =	vst v55  }
0x227: {  	v5 =	vor.u32 $0x300, v14;
	v2 =	vld.idx.msk [tilespmem:v24+s6+$0x0], $0xffff;
	[tilespmem:s0+$0xE900] =	vst v27  }
0x228: {  	v13 =	vor.u32 v10, v5;
	v25 =	vld.idx.msk [tilespmem:v25+s6+$0x0], $0xffff;
	[tilespmem:s0+$0x15900] =	vst v28  }
0x229: {  	v5 =	vor.u32 v17, v5;
	v54 =	vadd.s32 $0x3980, v15;
	v31 =	vadd.s32 $0x3A80, v18;
	[tilespmem:s2+$0xE980] =	vst v1  }
0x22a: {  	v40 =	vor.u32 v16, v54;
	v3 =	vor.u32 v20, v31;
	[tilespmem:s2+$0x15980] =	vst v21;
	v0 =	vld.idx.msk [tilespmem:v0+s6+$0x0], $0xffff  }
0x22b: {  	v29 =	vor.u32 v22, v54;
	v54 =	vor.u32 v10, v57;
	v24 =	vadd.s32 $0x3B00, v14;
	[tilespmem:$0x1FFF0] =	vst v3;
	v28 =	vld.idx.msk [tilespmem:v60+s6+$0x0], $0xffff  }
0x22c: {  	v14 =	vadd.s32 $0x3B80, v14;
	v3 =	vor.u32 v10, v24;
	[tilespmem:s22+$0xE980] =	vst v2;
	v2 =	vld.idx.msk [tilespmem:v19+s6+$0x0], $0xffff;
	v60 =	vor.u32 $0x380, v8  }
0x22d: {  	[tilespmem:s22+$0x15980] =	vst v25;
	v19 =	vor.u32 v10, v14;
	v10 =	vld.idx.msk [tilespmem:v9+s6+$0x0], $0xffff;
	v25 =	vor.u32 v62, v60  }
0x22e: {  	v55 =	vor.u32 v17, v24;
	v17 =	vor.u32 v17, v14;
	v14 =	vld.idx.msk [tilespmem:v11+s6+$0x0], $0xffff;
	v1 =	vor.u32 v4, v60  }
0x22f: {  	v9 =	vld.idx.msk [tilespmem:v13+s6+$0x0], $0xffff  }
0x230: {  	v5 =	vld.idx.msk [tilespmem:v5+s6+$0x0], $0xffff;
	[tilespmem:s19+$0xEA00] =	vst v0  }
0x231: {  	v0 =	vld.idx.msk [tilespmem:v7+s6+$0x0], $0xffff;
	[tilespmem:s19+$0x15A00] =	vst v28  }
0x232: {  	[tilespmem:s0+$0xE980] =	vst v2;
	v2 =	vld.idx.msk [tilespmem:v25+s6+$0x0], $0xffff  }
0x233: {  	[tilespmem:s0+$0x15980] =	vst v10;
	v1 =	vld.idx.msk [tilespmem:v1+s6+$0x0], $0xffff  }
0x234: {  	[tilespmem:s22+$0xEA00] =	vst v9;
	v7 =	vld.idx.msk [tilespmem:v52+s6+$0x0], $0xffff;
	v9 =	vadd.s32 $0x3800, v8  }
0x235: {  	[tilespmem:s22+$0x15A00] =	vst v5;
	v5 =	vld.idx.msk [tilespmem:v6+s6+$0x0], $0xffff;
	v6 =	vor.u32 v62, v9  }
0x236: {  	[tilespmem:s2+$0xEA00] =	vst v14;
	v10 =	vld.idx.msk [tilespmem:v63+s6+$0x0], $0xffff;
	v9 =	vor.u32 v4, v9  }
0x237: {  	v14 =	vld.idx.msk [tilespmem:v26+s6+$0x0], $0xffff;
	[tilespmem:s2+$0x15A00] =	vst v0  }
0x238: {  	v0 =	vld.idx.msk [tilespmem:v61+s6+$0x0], $0xffff;
	[tilespmem:s19+$0xEA80] =	vst v2  }
0x239: {  	v2 =	vld.idx.msk [tilespmem:v53+s6+$0x0], $0xffff;
	[tilespmem:s19+$0x15A80] =	vst v1  }
0x23a: {  	v1 =	vld.idx.msk [tilespmem:v6+s6+$0x0], $0xffff  }
0x23b: {  	s21 =	sor.u32 s23, s14;
	[tilespmem:s0+$0x15A00] =	vst v5;
	v5 =	vld.idx.msk [tilespmem:v9+s6+$0x0], $0xffff  }
0x23c: {  	s21 =	sor.u32 $0x380, s21;
	[tilespmem:s0+$0xEA00] =	vst v7;
	v6 =	vld [tilespmem:$0x1FF00]  }
0x23d: {  	v7 =	vadd.s32 $0x3880, v8;
	[tilespmem:s21+$0xE700] =	vst v10;
	v9 =	vld [tilespmem:$0x1FF10]  }
0x23e: {  	[tilespmem:s21+$0x15700] =	vst v14;
	v10 =	vor.u32 v62, v7;
	v14 =	vld [tilespmem:$0x1FF20]  }
0x23f: {  	s22 =	sadd.s32 $0x1C00, s11;
	[tilespmem:s2+$0xEA80] =	vst v0  }
0x240: {  	s5 =	sor.u32 s12, s22;
	v0 =	vor.u32 v4, v7;
	v7 =	vld.idx.msk [tilespmem:v50+s6+$0x0], $0xffff;
	[tilespmem:s2+$0x15A80] =	vst v2  }
0x241: {  	[tilespmem:s5+$0xE700] =	vst v1;
	v1 =	vld [tilespmem:$0x1FF30]  }
0x242: {  	v2 =	vld.idx.msk [tilespmem:v51+s6+$0x0], $0xffff;
	[tilespmem:s5+$0x15700] =	vst v5  }
0x243: {  	v5 =	vld.idx.msk [tilespmem:v10+s6+$0x0], $0xffff  }
0x244: {  	v6 =	vld.idx.msk [tilespmem:v6+s6+$0x0], $0xffff  }
0x245: {  	s29 =	smov.u32 s9;
	s8 =	smov.u32 s1;
	v9 =	vld.idx.msk [tilespmem:v9+s6+$0x0], $0xffff  }
0x246: {  	s9 =	smov.u32 s7;
	s7 =	sadd.s32 $0x1C80, s11;
	s1 =	sor.u32 s8, s22;
	v14 =	vld.idx.msk [tilespmem:v14+s6+$0x0], $0xffff  }
0x247: {  	s19 =	sor.u32 s12, s7;
	[tilespmem:s1+$0x15700] =	vst v7;
	v7 =	vld [tilespmem:$0x1FF40]  }
0x248: {  	v44 =	vor.u32 v20, v58;
	v0 =	vld.idx.msk [tilespmem:v0+s6+$0x0], $0xffff;
	[tilespmem:s19+$0xE700] =	vst v5  }
0x249: {  	v1 =	vld.idx.msk [tilespmem:v1+s6+$0x0], $0xffff;
	[tilespmem:s0+$0xEA80] =	vst v6  }
0x24a: {  	s15 =	smov.u32 s18;
	v25 =	vld [tilespmem:$0x1FEF0];
	[tilespmem:s0+$0x15A80] =	vst v9  }
0x24b: {  	s30 =	sor.u32 s15, s22;
	v5 =	vld [tilespmem:$0x1FF70];
	[tilespmem:s1+$0xE700] =	vst v14;
	v9 =	vadd.s32 $0x3900, v8  }
0x24c: {  	[tilespmem:s30+$0xE700] =	vst v2;
	v10 =	vor.u32 v62, v9;
	v2 =	vor.u32 v4, v9;
	v9 =	vld.idx.msk [tilespmem:v48+s6+$0x0], $0xffff  }
0x24d: {  	v6 =	vld.idx.msk [tilespmem:v44+s6+$0x0], $0xffff  }
0x24e: {  	[tilespmem:s30+$0x15700] =	vst v1;
	v1 =	vld [tilespmem:$0x1FF60]  }
0x24f: {  	v7 =	vld.idx.msk [tilespmem:v7+s6+$0x0], $0xffff  }
0x250: {  	s0 =	sor.u32 s8, s7;
	v14 =	vld.idx.msk [tilespmem:v35+s6+$0x0], $0xffff  }
0x251: {  	[tilespmem:s0+$0x15700] =	vst v9;
	v9 =	vld [tilespmem:$0x1FF80]  }
0x252: {  	v35 =	vld [tilespmem:$0x1FF50];
	[tilespmem:s19+$0x15700] =	vst v0  }
0x253: {  	s31 =	sor.u32 s13, s22;
	v0 =	vld.idx.msk [tilespmem:v10+s6+$0x0], $0xffff  }
0x254: {  	v2 =	vld.idx.msk [tilespmem:v2+s6+$0x0], $0xffff;
	[tilespmem:s31+$0x15700] =	vst v7;
	v7 =	vadd.s32 $0x3980, v8  }
0x255: {  	v5 =	vld.idx.msk [tilespmem:v5+s6+$0x0], $0xffff;
	v10 =	vor.u32 v62, v7  }
0x256: {  	v58 =	vadd.s32 $0x3900, v15;
	s21 =	sadd.s32 $0x1D00, s11;
	[tilespmem:s0+$0xE700] =	vst v14;
	v1 =	vld.idx.msk [tilespmem:v1+s6+$0x0], $0xffff  }
0x257: {  	v33 =	vor.u32 v16, v58;
	[tilespmem:s31+$0xE700] =	vst v6;
	v14 =	vld.idx.msk [tilespmem:v39+s6+$0x0], $0xffff;
	s31 =	sor.u32 s12, s21  }
0x258: {  	v6 =	vld.idx.msk [tilespmem:v49+s6+$0x0], $0xffff;
	[tilespmem:s31+$0xE700] =	vst v0  }
0x259: {  	s10 =	sor.u32 s15, s7;
	v47 =	vor.u32 v22, v58;
	[tilespmem:s31+$0x15700] =	vst v2;
	v9 =	vld.idx.msk [tilespmem:v9+s6+$0x0], $0xffff  }
0x25a: {  	[tilespmem:s10+$0x15700] =	vst v5;
	v2 =	vld.idx.msk [tilespmem:v10+s6+$0x0], $0xffff  }
0x25b: {  	[tilespmem:s10+$0xE700] =	vst v1;
	v1 =	vor.u32 v4, v7;
	v7 =	vld.idx.msk [tilespmem:v46+s6+$0x0], $0xffff  }
0x25c: {  	s18 =	sor.u32 s13, s7;
	v5 =	vld.idx.msk [tilespmem:v33+s6+$0x0], $0xffff  }
0x25d: {  	[tilespmem:s18+$0xE700] =	vst v6;
	v33 =	vld [tilespmem:$0x1FF90]  }
0x25e: {  	v0 =	vld.idx.msk [tilespmem:v47+s6+$0x0], $0xffff;
	[tilespmem:s18+$0x15700] =	vst v9  }
0x25f: {  	s0 =	sor.u32 s8, s21;
	v6 =	vld.idx.msk [tilespmem:v45+s6+$0x0], $0xffff  }
0x260: {  	[tilespmem:s0+$0xE700] =	vst v14;
	v1 =	vld.idx.msk [tilespmem:v1+s6+$0x0], $0xffff  }
0x261: {  	s22 =	sor.u32 s15, s21;
	v9 =	vadd.s32 $0x3A00, v8;
	[tilespmem:s0+$0x15700] =	vst v7;
	v7 =	vld.idx.msk [tilespmem:v43+s6+$0x0], $0xffff  }
0x262: {  	v10 =	vor.u32 v62, v9;
	v14 =	vld.idx.msk [tilespmem:v42+s6+$0x0], $0xffff;
	[tilespmem:s22+$0xE700] =	vst v5  }
0x263: {  	s16 =	smov.u32 s4;
	s4 =	sadd.s32 $0x1D80, s11;
	v5 =	vor.u32 v4, v9;
	v9 =	vld.idx.msk [tilespmem:v41+s6+$0x0], $0xffff;
	[tilespmem:s22+$0x15700] =	vst v0  }
0x264: {  	s10 =	sor.u32 s12, s4;
	v0 =	vld.idx.msk [tilespmem:v40+s6+$0x0], $0xffff  }
0x265: {  	[tilespmem:s10+$0xE700] =	vst v2;
	v2 =	vld.idx.msk [tilespmem:v29+s6+$0x0], $0xffff  }
0x266: {  	s30 =	sor.u32 s13, s21;
	v29 =	vld [tilespmem:$0x1FFA0];
	[tilespmem:s10+$0x15700] =	vst v1  }
0x267: {  	v58 =	vadd.s32 $0x3A00, v15;
	[tilespmem:s30+$0xE700] =	vst v6;
	v1 =	vld.idx.msk [tilespmem:v10+s6+$0x0], $0xffff  }
0x268: {  	v34 =	vor.u32 v16, v58;
	s0 =	sor.u32 s8, s4;
	[tilespmem:s30+$0x15700] =	vst v7;
	v5 =	vld.idx.msk [tilespmem:v5+s6+$0x0], $0xffff  }
0x269: {  	[tilespmem:s0+$0xE700] =	vst v14;
	v6 =	vld.idx.msk [tilespmem:v38+s6+$0x0], $0xffff  }
0x26a: {  	v56 =	vor.u32 v22, v58;
	s5 =	sor.u32 s15, s4;
	v7 =	vadd.s32 $0x3A80, v8;
	[tilespmem:s0+$0x15700] =	vst v9;
	v9 =	vld.idx.msk [tilespmem:v37+s6+$0x0], $0xffff  }
0x26b: {  	v10 =	vor.u32 v62, v7;
	[tilespmem:s5+$0xE700] =	vst v0;
	v0 =	vor.u32 v4, v7;
	v7 =	vld [tilespmem:$0x1FFB0]  }
0x26c: {  	v59 =	vadd.s32 $0x3A00, v18;
	s18 =	sadd.s32 $0x1E00, s11;
	v14 =	vld.idx.msk [tilespmem:v54+s6+$0x0], $0xffff;
	[tilespmem:s5+$0x15700] =	vst v2  }
0x26d: {  	v58 =	vor.u32 v20, v59;
	s22 =	sor.u32 s12, s18;
	v2 =	vld.idx.msk [tilespmem:v34+s6+$0x0], $0xffff  }
0x26e: {  	v34 =	vld [tilespmem:$0x1FFC0];
	[tilespmem:s22+$0xE700] =	vst v1  }
0x26f: {  	v57 =	vadd.s32 $0x3A80, v15;
	s7 =	sor.u32 s13, s4;
	v1 =	vld.idx.msk [tilespmem:v56+s6+$0x0], $0xffff;
	[tilespmem:s22+$0x15700] =	vst v5  }
0x270: {  	v23 =	vor.u32 v16, v57;
	v57 =	vor.u32 v22, v57;
	[tilespmem:s7+$0xE700] =	vst v6;
	v5 =	vld.idx.msk [tilespmem:v10+s6+$0x0], $0xffff  }
0x271: {  	[tilespmem:s7+$0x15700] =	vst v9;
	v6 =	vadd.s32 $0x3B00, v8;
	v0 =	vld.idx.msk [tilespmem:v0+s6+$0x0], $0xffff  }
0x272: {  	[tilespmem:$0x1FFE0] =	vst v23;
	s19 =	sor.u32 s15, s18;
	v9 =	vld.idx.msk [tilespmem:v58+s6+$0x0], $0xffff;
	v10 =	vor.u32 v62, v6  }
0x273: {  	v30 =	vadd.s32 $0x3B00, v15;
	v15 =	vadd.s32 $0x3B80, v15;
	v59 =	vor.u32 v12, v59;
	s30 =	sadd.s32 $0x1E80, s11;
	[tilespmem:s19+$0xE700] =	vst v2;
	v7 =	vld.idx.msk [tilespmem:v7+s6+$0x0], $0xffff  }
0x274: {  	v13 =	vor.u32 v16, v15;
	s31 =	sor.u32 s12, s30;
	[tilespmem:s19+$0x15700] =	vst v1;
	v1 =	vld [tilespmem:$0x1FFE0]  }
0x275: {  	v60 =	vor.u32 v22, v15;
	v15 =	vor.u32 v4, v6;
	[tilespmem:s31+$0xE700] =	vst v5;
	v6 =	vld.idx.msk [tilespmem:v57+s6+$0x0], $0xffff  }
0x276: {  	s0 =	sor.u32 s8, s18;
	[tilespmem:s31+$0x15700] =	vst v0;
	v0 =	vld [tilespmem:$0x1FFF0]  }
0x277: {  	[tilespmem:s0+$0xE700] =	vst v14;
	v5 =	vld.idx.msk [tilespmem:v10+s6+$0x0], $0xffff  }
0x278: {  	[tilespmem:s0+$0x15700] =	vst v7;
	v7 =	vld.idx.msk [tilespmem:v59+s6+$0x0], $0xffff  }
0x279: {  	p2 =	slt.u32 s14, $0x340;
	v14 =	vld.idx.msk [tilespmem:v32+s6+$0x0], $0xffff  }
.Ltmp5:
0x27a: {  	v32 =	vld [tilespmem:$0x1FFD0];
	(pc) =	sbr.rel @p2 .LBB2_4-.Ltmp5, $4  }
0x27b: {  	v23 =	vadd.s32 $0x3B00, v18;
	v31 =	vor.u32 v12, v31;
	s21 =	sor.u32 s13, s18;
	v2 =	vld.idx.msk [tilespmem:v36+s6+$0x0], $0xffff  }
0x27c: {  	v27 =	vadd.s32 $0x3B80, v18;
	v18 =	vor.u32 v20, v23;
	v23 =	vor.u32 v12, v23;
	[tilespmem:s21+$0xE700] =	vst v9;
	v1 =	vld.idx.msk [tilespmem:v1+s6+$0x0], $0xffff  }
0x27d: {  	v24 =	vor.u32 v16, v30;
	v30 =	vor.u32 v22, v30;
	s1 =	sor.u32 s8, s30;
	[tilespmem:s21+$0x15700] =	vst v7;
	v7 =	vld.idx.msk [tilespmem:v15+s6+$0x0], $0xffff  }
0x27e: {  	s23 =	sadd.s32 $0x200, s23;
	v11 =	vor.u32 v20, v27;
	v12 =	vor.u32 v12, v27;
	s3 =	sor.u32 s13, s30;
	s0 =	sor.u32 s15, s30;
	[tilespmem:s1+$0xE700] =	vst v14;
	v16 =	vld.idx.msk [tilespmem:v0+s6+$0x0], $0xffff;
	v0 =	vadd.s32 $0x3B80, v8  }
0x27f: {  	[tilespmem:s0+$0x15700] =	vst v6  }
0x280: {  	[tilespmem:s17+$0x15700] =	vst v34  }
0x281: {  	[tilespmem:s29+$0xE700] =	vst v32  }
0x282: {  	[tilespmem:s29+$0x15700] =	vst v33  }
0x283: {  	[tilespmem:s16+$0xE700] =	vst v29  }
0x284: {  	v61 =	vld.idx.msk [tilespmem:v25+s6+$0x0], $0xffff;
	[tilespmem:s9+$0xE700] =	vst v35  }
0x285: {  	v51 =	vld.idx.msk [tilespmem:v31+s6+$0x0], $0xffff;
	s5 =	sadd.s32 $0x1F00, s11;
	[tilespmem:s1+$0x15700] =	vst v2  }
0x286: {  	v4 =	vor.u32 v4, v0;
	s7 =	sor.u32 s12, s5;
	[tilespmem:s0+$0xE700] =	vst v1  }
0x287: {  	v52 =	vld.idx.msk [tilespmem:v3+s6+$0x0], $0xffff;
	[tilespmem:s7+$0xE700] =	vst v5  }
0x288: {  	v53 =	vld.idx.msk [tilespmem:v55+s6+$0x0], $0xffff;
	[tilespmem:s7+$0x15700] =	vst v7  }
0x289: {  	v55 =	vor.u32 v62, v0;
	v54 =	vld.idx.msk [tilespmem:v24+s6+$0x0], $0xffff;
	[tilespmem:s3+$0xE700] =	vst v16  }
0x28a: {  	v56 =	vld.idx.msk [tilespmem:v30+s6+$0x0], $0xffff;
	[tilespmem:s3+$0x15700] =	vst v51  }
0x28b: {  	s10 =	sor.u32 s8, s5;
	v4 =	vld.idx.msk [tilespmem:v4+s6+$0x0], $0xffff;
	[tilespmem:s9+$0x15700] =	vst v61  }
0x28c: {  	v2 =	vld.idx.msk [tilespmem:v18+s6+$0x0], $0xffff;
	[tilespmem:s10+$0xE700] =	vst v52  }
0x28d: {  	s2 =	sor.u32 s15, s5;
	v57 =	vld.idx.msk [tilespmem:v23+s6+$0x0], $0xffff;
	[tilespmem:s10+$0x15700] =	vst v53  }
0x28e: {  	s11 =	sadd.s32 $0x1F80, s11;
	v0 =	vld.idx.msk [tilespmem:v55+s6+$0x0], $0xffff;
	[tilespmem:s2+$0xE700] =	vst v54  }
0x28f: {  	s14 =	sor.u32 s12, s11;
	v58 =	vld.idx.msk [tilespmem:v19+s6+$0x0], $0xffff;
	[tilespmem:s2+$0x15700] =	vst v56  }
0x290: {  	s1 =	sor.u32 s13, s5;
	v59 =	vld.idx.msk [tilespmem:v17+s6+$0x0], $0xffff;
	[tilespmem:s14+$0x15700] =	vst v4  }
0x291: {  	v1 =	vld.idx.msk [tilespmem:v13+s6+$0x0], $0xffff;
	[tilespmem:s1+$0xE700] =	vst v2  }
0x292: {  	v60 =	vld.idx.msk [tilespmem:v60+s6+$0x0], $0xffff;
	[tilespmem:s1+$0x15700] =	vst v57  }
0x293: {  	s17 =	sor.u32 s8, s11;
	v62 =	vld.idx.msk [tilespmem:v11+s6+$0x0], $0xffff;
	[tilespmem:s14+$0xE700] =	vst v0  }
0x294: {  	v63 =	vld.idx.msk [tilespmem:v12+s6+$0x0], $0xffff;
	[tilespmem:s17+$0xE700] =	vst v58  }
0x295: {  	s18 =	sor.u32 s15, s11;
	[tilespmem:s17+$0x15700] =	vst v59  }
0x296: {  	[tilespmem:s18+$0xE700] =	vst v1  }
0x297: {  	s19 =	smul.u32 $0x380, s28;
	s0 =	sor.u32 s13, s11;
	[tilespmem:s18+$0x15700] =	vst v60  }
0x298: {  	s31 =	rddreg [dreg:$0x2];
	s22 =	simm.s32 $0x1C00;
	s23 =	simm.s32 $0x3FFC00;
	[tilespmem:s0+$0xE700] =	vst v62  }
0x299: {  	s4 =	simm.s32 $0xE700;
	s28 =	rddreg [dreg:$0x3];
	s21 =	sadd.s32 s31, s19;
	[tilespmem:s0+$0x15700] =	vst v63  }
0x29a: {  	[hbm4b:s21+s22] =	stream.strided.scatter [tilespmem:s4], [sflag:$0x3], $0x3800, s23, s22, $0x38;
	[tilespmem:$0x1C700] =	vst v63  }
0x29b: {  	s29 =	simm.s32 $0x15700;
	s0 =	sadd.s32 s28, s19  }
0x29c: {  	[hbm4b:s0+s22] =	stream.strided.scatter [tilespmem:s29], [sflag:$0x3], $0x3800, s23, s22, $0x38;
	[tilespmem:$0x1C700] =	vst v63  }
0x29d: {  	s0 =	simm.s32 @!p0 $0x2  }
0x29e: {  	_ =	swait.ge @!p0 [sflag:s0], $0x7000  }
0x29f: {  	[sflag:s0] =	ssyncset.done @!p0 $0x0  }
0x2a0: {  	[sflag:s0] =	ssyncadd.s32 @!p0 $0xFFFF9000  }
0x2a1: {  	_ =	swait.ge @!p0 [sflag:s0], $0x380  }
0x2a2: {  	[sflag:s0] =	ssyncset.done @!p0 $0x0  }
0x2a3: {  	s5 =	rddreg [dreg:$0x6];
	[sflag:s0] =	ssyncadd.s32 @!p0 $0xFFFFFC80  }
0x2a4: {  	s30 =	rddreg [dreg:$0x0]  }
.LBB2_6:
0x2a5: {  	s0 =	rddreg [dreg:$0x9]  }
0x2a6: {  	s0 =	sadd.s32 s0, s26  }
0x2a7: {  	p2 =	sgt.u32 s0, $0x248  }
0x2a8: {  	s1 =	smul.u32 @!p2 $0x700, s0  }
0x2a9: {  	s2 =	simm.s32 @!p2 $0x3800;
	s3 =	simm.s32 @!p2 $0x800000  }
0x2aa: {  	s4 =	simm.s32 @!p2 $0x0;
	s0 =	smul.u32 @!p2 $0x70, s0;
	s1 =	sadd.s32 @!p2 s30, s1  }
0x2ab: {  	[tilespmem:s4], [sflag:$0x1] =	stream.strided.gather @!p2 [hbm4b:s1+s2], $0x7000, s3, s2, $0x38;
	[tilespmem:$0x1C700] =	vst v63  }
0x2ac: {  	s0 =	sadd.s32 @!p2 s5, s0;
	s1 =	simm.s32 @!p2 $0xE000  }
0x2ad: {  	[tilespmem:s1], [sflag:$0x1] =	stream.linear.gather @!p2 [hbm4b:s0+s4], $0x80, $0x38;
	[tilespmem:$0x1C700] =	vst v63  }
0x2ae: {  	s2 =	simm.s32 @!p2 $0xE100;
	s1 =	sadd.s32 @!p2 $0x10, s0  }
0x2af: {  	[tilespmem:s2], [sflag:$0x1] =	stream.linear.gather @!p2 [hbm4b:s1+s4], $0x80, $0x38;
	[tilespmem:$0x1C700] =	vst v63  }
0x2b0: {  	s1 =	sadd.s32 @!p2 $0x20, s0;
	s2 =	simm.s32 @!p2 $0xE200  }
0x2b1: {  	[tilespmem:s2], [sflag:$0x1] =	stream.linear.gather @!p2 [hbm4b:s1+s4], $0x80, $0x38;
	[tilespmem:$0x1C700] =	vst v63  }
0x2b2: {  	s1 =	sadd.s32 @!p2 $0x30, s0;
	s2 =	simm.s32 @!p2 $0xE300  }
0x2b3: {  	[tilespmem:s2], [sflag:$0x1] =	stream.linear.gather @!p2 [hbm4b:s1+s4], $0x80, $0x38;
	[tilespmem:$0x1C700] =	vst v63  }
0x2b4: {  	s1 =	sadd.s32 @!p2 $0x40, s0;
	s2 =	simm.s32 @!p2 $0xE400  }
0x2b5: {  	[tilespmem:s2], [sflag:$0x1] =	stream.linear.gather @!p2 [hbm4b:s1+s4], $0x80, $0x38;
	[tilespmem:$0x1C700] =	vst v63  }
0x2b6: {  	s1 =	sadd.s32 @!p2 $0x50, s0;
	s2 =	simm.s32 @!p2 $0xE500  }
0x2b7: {  	[tilespmem:s2], [sflag:$0x1] =	stream.linear.gather @!p2 [hbm4b:s1+s4], $0x80, $0x38;
	[tilespmem:$0x1C700] =	vst v63  }
0x2b8: {  	s0 =	sadd.s32 @!p2 $0x60, s0;
	s1 =	simm.s32 @!p2 $0xE600  }
0x2b9: {  	[tilespmem:s1], [sflag:$0x1] =	stream.linear.gather @!p2 [hbm4b:s0+s4], $0x80, $0x38;
	[tilespmem:$0x1C700] =	vst v63  }
0x2ba: {  	s0 =	rddreg [dreg:$0x12]  }
0x2bb: {  	p2 =	sge.u32 @!p1 s26, s0  }
0x2bc: {  	p1 =	por p2, p1  }
0x2bd: {  	s0 =	simm.s32 @!p1 $0x4  }
0x2be: {  	_ =	swait.ge @!p1 [sflag:s0], $0x3800  }
.Ltmp6:
0x2bf: {  	[sflag:s0] =	ssyncset.done @!p1 $0x0;
	(pc) =	sbr.rel @p0 .LBB2_10-.Ltmp6, $4  }
0x2c0: {  	[sflag:s0] =	ssyncadd.s32 @!p1 $0xFFFFC800  }
0x2c1: {  	_ =	swait.ge @!p1 [sflag:s0], $0x3800  }
0x2c2: {  	[sflag:s0] =	ssyncset.done @!p1 $0x0  }
0x2c3: {  	[sflag:s0] =	ssyncadd.s32 @!p1 $0xFFFFC800  }
0x2c4: {  	s0 =	simm.s32 $0x0  }
0x2c5: {  	s1 =	simm.s32 $0x0;
	s12 =	sand.u32 $0x1C00, s0  }
0x2c6: {  	s11 =	sand.u32 $0x40, s1;
	s0 =	sshrl.u32 s12, $0x2  }
0x2c7: {  	s15 =	sor.u32 $0x30, s11;
	s0 =	sor.u32 $0xE000, s0  }
0x2c8: {  	s17 =	sor.u32 s15, s0  }
0x2c9: {  	v0 =	vld [tilespmem:s17+$0x80];
	_ =	sdelay $0x1  }
0x2ca: {  	s18 =	sor.u32 s11, s0  }
0x2cb: {  	s14 =	sor.u32 $0x10, s11;
	v1 =	vld [tilespmem:s18+$0x80]  }
0x2cc: {  	s19 =	sor.u32 s14, s0  }
0x2cd: {  	v4 =	vld [tilespmem:s19+$0x80];
	v2 =	vshll.u32 v0, $0x3  }
0x2ce: {  	v3 =	vand.u32 $0x7F, v0;
	v11 =	vand.u32 $0xFFFFFC00, v2  }
0x2cf: {  	s26 =	sor.u32 $0x20, s11;
	v2 =	vxor.u32 $0x1, v3;
	v6 =	vor.u32 v3, v11  }
0x2d0: {  	s0 =	sor.u32 s26, s0;
	v0 =	vshll.u32 v1, $0x3;
	v7 =	vor.u32 v2, v11  }
0x2d1: {  	v12 =	vld [tilespmem:s0+$0x80];
	v5 =	vand.u32 $0x7F, v1;
	v10 =	vand.u32 $0xFFFFFC00, v0  }
0x2d2: {  	v0 =	vshll.u32 v4, $0x3;
	v8 =	vxor.u32 $0x1, v5;
	v1 =	vor.u32 v5, v10  }
0x2d3: {  	v4 =	vand.u32 $0x7F, v4;
	v9 =	vand.u32 $0xFFFFFC00, v0;
	v13 =	vor.u32 v8, v10  }
0x2d4: {  	v0 =	vxor.u32 $0x1, v4;
	v14 =	vor.u32 v4, v9;
	v15 =	vld.idx.msk [tilespmem:v6+s20+$0x0], $0xffff  }
0x2d5: {  	v18 =	vor.u32 $0x80, v11;
	v16 =	vor.u32 v0, v9;
	v17 =	vld.idx.msk [tilespmem:v7+s20+$0x0], $0xffff  }
0x2d6: {  	v19 =	vor.u32 v3, v18;
	v7 =	vshll.u32 v12, $0x3  }
0x2d7: {  	s21 =	sadd.s32 $0x3800, s12;
	v18 =	vor.u32 v2, v18;
	v6 =	vand.u32 $0x7F, v12;
	v12 =	vld.idx.msk [tilespmem:v1+s20+$0x0], $0xffff;
	v7 =	vand.u32 $0xFFFFFC00, v7  }
0x2d8: {  	s22 =	sor.u32 s15, s21;
	v13 =	vld.idx.msk [tilespmem:v13+s20+$0x0], $0xffff;
	v1 =	vxor.u32 $0x1, v6;
	v20 =	vor.u32 v6, v7  }
0x2d9: {  	v21 =	vor.u32 $0x80, v10;
	v14 =	vld.idx.msk [tilespmem:v14+s20+$0x0], $0xffff;
	v22 =	vor.u32 v1, v7;
	[tilespmem:s22+$0xE700] =	vst v15  }
0x2da: {  	v16 =	vld.idx.msk [tilespmem:v16+s20+$0x0], $0xffff;
	v15 =	vor.u32 v5, v21;
	[tilespmem:s22+$0x15700] =	vst v17  }
0x2db: {  	v17 =	vor.u32 $0x80, v9;
	v21 =	vor.u32 v8, v21;
	v19 =	vld.idx.msk [tilespmem:v19+s20+$0x0], $0xffff  }
0x2dc: {  	s23 =	sor.u32 s11, s21;
	v23 =	vor.u32 v4, v17;
	v18 =	vld.idx.msk [tilespmem:v18+s20+$0x0], $0xffff  }
0x2dd: {  	[tilespmem:s23+$0xE700] =	vst v12;
	v17 =	vor.u32 v0, v17;
	v12 =	vld.idx.msk [tilespmem:v20+s20+$0x0], $0xffff;
	v20 =	vor.u32 $0x100, v11  }
0x2de: {  	s2 =	sor.u32 s14, s21;
	[tilespmem:s23+$0x15700] =	vst v13;
	v13 =	vld.idx.msk [tilespmem:v22+s20+$0x0], $0xffff;
	v43 =	vor.u32 v3, v20  }
0x2df: {  	s3 =	sadd.s32 $0x3880, s12;
	v24 =	vor.u32 $0x80, v7;
	[tilespmem:s2+$0xE700] =	vst v14;
	v14 =	vor.u32 v2, v20;
	v15 =	vld.idx.msk [tilespmem:v15+s20+$0x0], $0xffff  }
0x2e0: {  	s4 =	sor.u32 s15, s3;
	[tilespmem:s2+$0x15700] =	vst v16;
	v20 =	vor.u32 v6, v24;
	v21 =	vld.idx.msk [tilespmem:v21+s20+$0x0], $0xffff  }
0x2e1: {  	v16 =	vor.u32 $0x100, v10;
	v24 =	vor.u32 v1, v24;
	v23 =	vld.idx.msk [tilespmem:v23+s20+$0x0], $0xffff;
	[tilespmem:s4+$0xE700] =	vst v19  }
0x2e2: {  	s0 =	sor.u32 s26, s21;
	v19 =	vor.u32 v5, v16;
	v17 =	vld.idx.msk [tilespmem:v17+s20+$0x0], $0xffff;
	[tilespmem:s4+$0x15700] =	vst v18  }
0x2e3: {  	v18 =	vor.u32 $0x100, v9;
	v16 =	vor.u32 v8, v16;
	[tilespmem:s0+$0xE700] =	vst v12;
	v12 =	vld.idx.msk [tilespmem:v43+s20+$0x0], $0xffff  }
0x2e4: {  	s5 =	sor.u32 s11, s3;
	v44 =	vor.u32 v4, v18;
	[tilespmem:s0+$0x15700] =	vst v13;
	v13 =	vld.idx.msk [tilespmem:v14+s20+$0x0], $0xffff  }
0x2e5: {  	v14 =	vor.u32 v0, v18;
	v18 =	vor.u32 $0x180, v11;
	[tilespmem:s5+$0xE700] =	vst v15;
	v15 =	vld.idx.msk [tilespmem:v20+s20+$0x0], $0xffff  }
0x2e6: {  	s7 =	sor.u32 s14, s3;
	v45 =	vor.u32 v3, v18;
	v18 =	vor.u32 v2, v18;
	[tilespmem:s5+$0x15700] =	vst v21;
	v20 =	vld.idx.msk [tilespmem:v24+s20+$0x0], $0xffff  }
0x2e7: {  	s8 =	sadd.s32 $0x3900, s12;
	v24 =	vor.u32 $0x100, v7;
	v19 =	vld.idx.msk [tilespmem:v19+s20+$0x0], $0xffff;
	[tilespmem:s7+$0xE700] =	vst v23  }
0x2e8: {  	s9 =	sor.u32 s15, s8;
	v46 =	vor.u32 v6, v24;
	v16 =	vld.idx.msk [tilespmem:v16+s20+$0x0], $0xffff;
	[tilespmem:s7+$0x15700] =	vst v17  }
0x2e9: {  	v17 =	vor.u32 $0x180, v10;
	v24 =	vor.u32 v1, v24;
	v22 =	vld.idx.msk [tilespmem:v44+s20+$0x0], $0xffff;
	[tilespmem:s9+$0xE700] =	vst v12  }
0x2ea: {  	s1 =	sor.u32 s26, s3;
	v12 =	vor.u32 v5, v17;
	v14 =	vld.idx.msk [tilespmem:v14+s20+$0x0], $0xffff;
	[tilespmem:s9+$0x15700] =	vst v13  }
0x2eb: {  	v13 =	vor.u32 $0x180, v9;
	v17 =	vor.u32 v8, v17;
	v18 =	vld.idx.msk [tilespmem:v18+s20+$0x0], $0xffff;
	[tilespmem:s1+$0xE700] =	vst v15  }
0x2ec: {  	s10 =	sor.u32 s11, s8;
	v47 =	vor.u32 v4, v13;
	v15 =	vld.idx.msk [tilespmem:v45+s20+$0x0], $0xffff;
	[tilespmem:s1+$0x15700] =	vst v20  }
0x2ed: {  	v13 =	vor.u32 v0, v13;
	v20 =	vor.u32 $0x200, v11;
	[tilespmem:s10+$0xE700] =	vst v19;
	v19 =	vld.idx.msk [tilespmem:v46+s20+$0x0], $0xffff  }
0x2ee: {  	s13 =	sor.u32 s14, s8;
	[tilespmem:s10+$0x15700] =	vst v16;
	v16 =	vld.idx.msk [tilespmem:v24+s20+$0x0], $0xffff;
	v48 =	vor.u32 v3, v20  }
0x2ef: {  	s16 =	sadd.s32 $0x3980, s12;
	v24 =	vor.u32 $0x180, v7;
	v20 =	vor.u32 v2, v20;
	[tilespmem:s13+$0xE700] =	vst v22;
	v12 =	vld.idx.msk [tilespmem:v12+s20+$0x0], $0xffff  }
0x2f0: {  	s17 =	sor.u32 s15, s16;
	v49 =	vor.u32 v6, v24;
	v17 =	vld.idx.msk [tilespmem:v17+s20+$0x0], $0xffff;
	[tilespmem:s13+$0x15700] =	vst v14  }
0x2f1: {  	v24 =	vor.u32 v1, v24;
	v14 =	vor.u32 $0x200, v10;
	v21 =	vld.idx.msk [tilespmem:v47+s20+$0x0], $0xffff;
	[tilespmem:s17+$0x15700] =	vst v18  }
0x2f2: {  	s2 =	sor.u32 s26, s8;
	v13 =	vld.idx.msk [tilespmem:v13+s20+$0x0], $0xffff;
	[tilespmem:s17+$0xE700] =	vst v15;
	v15 =	vor.u32 v5, v14  }
0x2f3: {  	v18 =	vor.u32 $0x200, v9;
	v14 =	vor.u32 v8, v14;
	[tilespmem:s2+$0xE700] =	vst v19;
	v19 =	vld.idx.msk [tilespmem:v48+s20+$0x0], $0xffff  }
0x2f4: {  	s18 =	sor.u32 s11, s16;
	v50 =	vor.u32 v4, v18;
	[tilespmem:s2+$0x15700] =	vst v16;
	v16 =	vld.idx.msk [tilespmem:v20+s20+$0x0], $0xffff  }
0x2f5: {  	v18 =	vor.u32 v0, v18;
	v20 =	vor.u32 $0x280, v11;
	[tilespmem:s18+$0xE700] =	vst v12;
	v12 =	vld.idx.msk [tilespmem:v49+s20+$0x0], $0xffff  }
0x2f6: {  	s19 =	sor.u32 s14, s16;
	v51 =	vor.u32 v3, v20;
	[tilespmem:s18+$0x15700] =	vst v17;
	v17 =	vld.idx.msk [tilespmem:v24+s20+$0x0], $0xffff  }
0x2f7: {  	s21 =	sadd.s32 $0x3A00, s12;
	v20 =	vor.u32 v2, v20;
	v24 =	vor.u32 $0x200, v7;
	[tilespmem:s19+$0xE700] =	vst v21;
	v15 =	vld.idx.msk [tilespmem:v15+s20+$0x0], $0xffff  }
0x2f8: {  	s22 =	sor.u32 s15, s21;
	v52 =	vor.u32 v6, v24;
	[tilespmem:s19+$0x15700] =	vst v13;
	v14 =	vld.idx.msk [tilespmem:v14+s20+$0x0], $0xffff  }
0x2f9: {  	v13 =	vor.u32 $0x280, v10;
	v24 =	vor.u32 v1, v24;
	v23 =	vld.idx.msk [tilespmem:v50+s20+$0x0], $0xffff;
	[tilespmem:s22+$0xE700] =	vst v19  }
0x2fa: {  	s0 =	sor.u32 s26, s16;
	v18 =	vld.idx.msk [tilespmem:v18+s20+$0x0], $0xffff;
	v19 =	vor.u32 v5, v13;
	[tilespmem:s22+$0x15700] =	vst v16  }
0x2fb: {  	v16 =	vor.u32 $0x280, v9;
	v13 =	vor.u32 v8, v13;
	[tilespmem:s0+$0xE700] =	vst v12;
	v12 =	vld.idx.msk [tilespmem:v51+s20+$0x0], $0xffff  }
0x2fc: {  	s23 =	sor.u32 s11, s21;
	v53 =	vor.u32 v4, v16;
	[tilespmem:s0+$0x15700] =	vst v17;
	v17 =	vld.idx.msk [tilespmem:v20+s20+$0x0], $0xffff  }
0x2fd: {  	v16 =	vor.u32 v0, v16;
	v20 =	vor.u32 $0x300, v11;
	[tilespmem:s23+$0xE700] =	vst v15;
	v15 =	vld.idx.msk [tilespmem:v52+s20+$0x0], $0xffff  }
0x2fe: {  	s3 =	sor.u32 s14, s21;
	v54 =	vor.u32 v3, v20;
	[tilespmem:s23+$0x15700] =	vst v14;
	v14 =	vld.idx.msk [tilespmem:v24+s20+$0x0], $0xffff  }
0x2ff: {  	s4 =	sadd.s32 $0x3A80, s12;
	v20 =	vor.u32 v2, v20;
	v24 =	vor.u32 $0x280, v7;
	[tilespmem:s3+$0xE700] =	vst v23;
	v19 =	vld.idx.msk [tilespmem:v19+s20+$0x0], $0xffff  }
0x300: {  	s5 =	sor.u32 s15, s4;
	[tilespmem:s3+$0x15700] =	vst v18;
	v55 =	vor.u32 v6, v24;
	v13 =	vld.idx.msk [tilespmem:v13+s20+$0x0], $0xffff  }
0x301: {  	v18 =	vor.u32 $0x300, v10;
	v24 =	vor.u32 v1, v24;
	v22 =	vld.idx.msk [tilespmem:v53+s20+$0x0], $0xffff;
	[tilespmem:s5+$0xE700] =	vst v12  }
0x302: {  	s1 =	sor.u32 s26, s21;
	v16 =	vld.idx.msk [tilespmem:v16+s20+$0x0], $0xffff;
	v12 =	vor.u32 v5, v18;
	[tilespmem:s5+$0x15700] =	vst v17  }
0x303: {  	v17 =	vor.u32 $0x300, v9;
	v18 =	vor.u32 v8, v18;
	[tilespmem:s1+$0xE700] =	vst v15;
	v15 =	vld.idx.msk [tilespmem:v54+s20+$0x0], $0xffff  }
0x304: {  	s7 =	sor.u32 s11, s4;
	v56 =	vor.u32 v4, v17;
	[tilespmem:s1+$0x15700] =	vst v14;
	v14 =	vld.idx.msk [tilespmem:v20+s20+$0x0], $0xffff  }
0x305: {  	v17 =	vor.u32 v0, v17;
	v20 =	vor.u32 $0x380, v11;
	[tilespmem:s7+$0xE700] =	vst v19;
	v19 =	vld.idx.msk [tilespmem:v55+s20+$0x0], $0xffff  }
0x306: {  	s8 =	sor.u32 s14, s4;
	[tilespmem:s7+$0x15700] =	vst v13;
	v13 =	vld.idx.msk [tilespmem:v24+s20+$0x0], $0xffff;
	v57 =	vor.u32 v3, v20  }
0x307: {  	s9 =	sadd.s32 $0x3B00, s12;
	v24 =	vor.u32 $0x300, v7;
	v20 =	vor.u32 v2, v20;
	[tilespmem:s8+$0xE700] =	vst v22;
	v12 =	vld.idx.msk [tilespmem:v12+s20+$0x0], $0xffff  }
0x308: {  	s10 =	sor.u32 s15, s9;
	v58 =	vor.u32 v6, v24;
	[tilespmem:s8+$0x15700] =	vst v16;
	v18 =	vld.idx.msk [tilespmem:v18+s20+$0x0], $0xffff  }
0x309: {  	v16 =	vor.u32 $0x380, v10;
	v24 =	vor.u32 v1, v24;
	v21 =	vld.idx.msk [tilespmem:v56+s20+$0x0], $0xffff;
	[tilespmem:s10+$0xE700] =	vst v15  }
0x30a: {  	s2 =	sor.u32 s26, s4;
	v17 =	vld.idx.msk [tilespmem:v17+s20+$0x0], $0xffff;
	v15 =	vor.u32 v5, v16;
	[tilespmem:s10+$0x15700] =	vst v14  }
0x30b: {  	v14 =	vor.u32 $0x380, v9;
	v16 =	vor.u32 v8, v16;
	[tilespmem:s2+$0xE700] =	vst v19;
	v19 =	vld.idx.msk [tilespmem:v57+s20+$0x0], $0xffff  }
0x30c: {  	s13 =	sor.u32 s11, s9;
	v59 =	vor.u32 v4, v14;
	[tilespmem:s2+$0x15700] =	vst v13;
	v13 =	vld.idx.msk [tilespmem:v20+s20+$0x0], $0xffff  }
0x30d: {  	v14 =	vor.u32 v0, v14;
	v20 =	vadd.s32 $0x3800, v11;
	[tilespmem:s13+$0xE700] =	vst v12;
	v12 =	vld.idx.msk [tilespmem:v58+s20+$0x0], $0xffff  }
0x30e: {  	s16 =	sor.u32 s14, s9;
	v60 =	vor.u32 v3, v20;
	[tilespmem:s13+$0x15700] =	vst v18;
	v18 =	vld.idx.msk [tilespmem:v24+s20+$0x0], $0xffff  }
0x30f: {  	s17 =	sadd.s32 $0x3B80, s12;
	v20 =	vor.u32 v2, v20;
	v24 =	vor.u32 $0x380, v7;
	[tilespmem:s16+$0xE700] =	vst v21;
	v15 =	vld.idx.msk [tilespmem:v15+s20+$0x0], $0xffff  }
0x310: {  	s18 =	sor.u32 s15, s17;
	v61 =	vor.u32 v6, v24;
	[tilespmem:s16+$0x15700] =	vst v17;
	v16 =	vld.idx.msk [tilespmem:v16+s20+$0x0], $0xffff  }
0x311: {  	v17 =	vadd.s32 $0x3800, v10;
	v24 =	vor.u32 v1, v24;
	v23 =	vld.idx.msk [tilespmem:v59+s20+$0x0], $0xffff;
	[tilespmem:s18+$0xE700] =	vst v19  }
0x312: {  	s0 =	sor.u32 s26, s9;
	v19 =	vor.u32 v5, v17;
	v14 =	vld.idx.msk [tilespmem:v14+s20+$0x0], $0xffff;
	[tilespmem:s18+$0x15700] =	vst v13  }
0x313: {  	v13 =	vadd.s32 $0x3800, v9;
	v17 =	vor.u32 v8, v17;
	[tilespmem:s0+$0xE700] =	vst v12;
	v12 =	vld.idx.msk [tilespmem:v60+s20+$0x0], $0xffff  }
0x314: {  	s19 =	sor.u32 s11, s17;
	v62 =	vor.u32 v4, v13;
	[tilespmem:s0+$0x15700] =	vst v18;
	v18 =	vld.idx.msk [tilespmem:v20+s20+$0x0], $0xffff  }
0x315: {  	v13 =	vor.u32 v0, v13;
	v20 =	vadd.s32 $0x3880, v11;
	[tilespmem:s19+$0xE700] =	vst v15;
	v15 =	vld.idx.msk [tilespmem:v61+s20+$0x0], $0xffff  }
0x316: {  	s21 =	sor.u32 s14, s17;
	v63 =	vor.u32 v3, v20;
	[tilespmem:s19+$0x15700] =	vst v16;
	v16 =	vld.idx.msk [tilespmem:v24+s20+$0x0], $0xffff  }
0x317: {  	s22 =	sadd.s32 $0x5400, s12;
	v20 =	vor.u32 v2, v20;
	v24 =	vadd.s32 $0x3800, v7;
	v19 =	vld.idx.msk [tilespmem:v19+s20+$0x0], $0xffff;
	[tilespmem:s21+$0xE700] =	vst v23  }
0x318: {  	s23 =	sor.u32 s15, s22;
	v32 =	vor.u32 v6, v24;
	v17 =	vld.idx.msk [tilespmem:v17+s20+$0x0], $0xffff;
	[tilespmem:s21+$0x15700] =	vst v14  }
0x319: {  	v14 =	vadd.s32 $0x3880, v10;
	v24 =	vor.u32 v1, v24;
	v22 =	vld.idx.msk [tilespmem:v62+s20+$0x0], $0xffff;
	[tilespmem:s23+$0xE700] =	vst v12  }
0x31a: {  	s1 =	sor.u32 s26, s17;
	v13 =	vld.idx.msk [tilespmem:v13+s20+$0x0], $0xffff;
	v12 =	vor.u32 v5, v14;
	[tilespmem:s23+$0x15700] =	vst v18  }
0x31b: {  	v18 =	vadd.s32 $0x3880, v9;
	v14 =	vor.u32 v8, v14;
	[tilespmem:s1+$0xE700] =	vst v15;
	v15 =	vld.idx.msk [tilespmem:v63+s20+$0x0], $0xffff  }
0x31c: {  	s3 =	sor.u32 s11, s22;
	v33 =	vor.u32 v4, v18;
	[tilespmem:s1+$0x15700] =	vst v16;
	v16 =	vld.idx.msk [tilespmem:v20+s20+$0x0], $0xffff  }
0x31d: {  	v18 =	vor.u32 v0, v18;
	v20 =	vadd.s32 $0x3900, v11;
	[tilespmem:s3+$0xE700] =	vst v19;
	v19 =	vld.idx.msk [tilespmem:v32+s20+$0x0], $0xffff  }
0x31e: {  	s4 =	sor.u32 s14, s22;
	[tilespmem:s3+$0x15700] =	vst v17;
	v17 =	vld.idx.msk [tilespmem:v24+s20+$0x0], $0xffff;
	v34 =	vor.u32 v3, v20  }
0x31f: {  	s5 =	sadd.s32 $0x5480, s12;
	v24 =	vadd.s32 $0x3880, v7;
	v20 =	vor.u32 v2, v20;
	[tilespmem:s4+$0xE700] =	vst v22;
	v12 =	vld.idx.msk [tilespmem:v12+s20+$0x0], $0xffff  }
0x320: {  	s7 =	sor.u32 s15, s5;
	v35 =	vor.u32 v6, v24;
	[tilespmem:s4+$0x15700] =	vst v13;
	v14 =	vld.idx.msk [tilespmem:v14+s20+$0x0], $0xffff  }
0x321: {  	v13 =	vadd.s32 $0x3900, v10;
	v24 =	vor.u32 v1, v24;
	v21 =	vld.idx.msk [tilespmem:v33+s20+$0x0], $0xffff;
	[tilespmem:s7+$0xE700] =	vst v15  }
0x322: {  	s2 =	sor.u32 s26, s22;
	v18 =	vld.idx.msk [tilespmem:v18+s20+$0x0], $0xffff;
	v15 =	vor.u32 v5, v13;
	[tilespmem:s7+$0x15700] =	vst v16  }
0x323: {  	v16 =	vadd.s32 $0x3900, v9;
	v13 =	vor.u32 v8, v13;
	[tilespmem:s2+$0xE700] =	vst v19;
	v19 =	vld.idx.msk [tilespmem:v34+s20+$0x0], $0xffff  }
0x324: {  	s8 =	sor.u32 s11, s5;
	v36 =	vor.u32 v4, v16;
	[tilespmem:s2+$0x15700] =	vst v17;
	v17 =	vld.idx.msk [tilespmem:v20+s20+$0x0], $0xffff  }
0x325: {  	v16 =	vor.u32 v0, v16;
	v20 =	vadd.s32 $0x3980, v11;
	[tilespmem:s8+$0xE700] =	vst v12;
	v12 =	vld.idx.msk [tilespmem:v35+s20+$0x0], $0xffff  }
0x326: {  	s9 =	sor.u32 s14, s5;
	v37 =	vor.u32 v3, v20;
	[tilespmem:s8+$0x15700] =	vst v14;
	v14 =	vld.idx.msk [tilespmem:v24+s20+$0x0], $0xffff  }
0x327: {  	s10 =	sadd.s32 $0x5500, s12;
	v20 =	vor.u32 v2, v20;
	v24 =	vadd.s32 $0x3900, v7;
	[tilespmem:s9+$0xE700] =	vst v21;
	v15 =	vld.idx.msk [tilespmem:v15+s20+$0x0], $0xffff  }
0x328: {  	s13 =	sor.u32 s15, s10;
	v38 =	vor.u32 v6, v24;
	[tilespmem:s9+$0x15700] =	vst v18;
	v13 =	vld.idx.msk [tilespmem:v13+s20+$0x0], $0xffff  }
0x329: {  	v18 =	vadd.s32 $0x3980, v10;
	v24 =	vor.u32 v1, v24;
	v23 =	vld.idx.msk [tilespmem:v36+s20+$0x0], $0xffff;
	[tilespmem:s13+$0xE700] =	vst v19  }
0x32a: {  	s0 =	sor.u32 s26, s5;
	v19 =	vor.u32 v5, v18;
	v16 =	vld.idx.msk [tilespmem:v16+s20+$0x0], $0xffff;
	[tilespmem:s13+$0x15700] =	vst v17  }
0x32b: {  	v17 =	vadd.s32 $0x3980, v9;
	v18 =	vor.u32 v8, v18;
	[tilespmem:s0+$0xE700] =	vst v12;
	v12 =	vld.idx.msk [tilespmem:v37+s20+$0x0], $0xffff  }
0x32c: {  	s16 =	sor.u32 s11, s10;
	v39 =	vor.u32 v4, v17;
	[tilespmem:s0+$0x15700] =	vst v14;
	v14 =	vld.idx.msk [tilespmem:v20+s20+$0x0], $0xffff  }
0x32d: {  	v17 =	vor.u32 v0, v17;
	v20 =	vadd.s32 $0x3A00, v11;
	[tilespmem:s16+$0xE700] =	vst v15;
	v15 =	vld.idx.msk [tilespmem:v38+s20+$0x0], $0xffff  }
0x32e: {  	s17 =	sor.u32 s14, s10;
	v40 =	vor.u32 v3, v20;
	[tilespmem:s16+$0x15700] =	vst v13;
	v13 =	vld.idx.msk [tilespmem:v24+s20+$0x0], $0xffff  }
0x32f: {  	s18 =	sadd.s32 $0x5580, s12;
	v20 =	vor.u32 v2, v20;
	v24 =	vadd.s32 $0x3980, v7;
	v19 =	vld.idx.msk [tilespmem:v19+s20+$0x0], $0xffff;
	[tilespmem:s17+$0xE700] =	vst v23  }
0x330: {  	s19 =	sor.u32 s15, s18;
	v41 =	vor.u32 v6, v24;
	v18 =	vld.idx.msk [tilespmem:v18+s20+$0x0], $0xffff;
	[tilespmem:s17+$0x15700] =	vst v16  }
0x331: {  	v16 =	vadd.s32 $0x3A00, v10;
	v24 =	vor.u32 v1, v24;
	v22 =	vld.idx.msk [tilespmem:v39+s20+$0x0], $0xffff;
	[tilespmem:s19+$0xE700] =	vst v12  }
0x332: {  	s1 =	sor.u32 s26, s10;
	v17 =	vld.idx.msk [tilespmem:v17+s20+$0x0], $0xffff;
	v12 =	vor.u32 v5, v16;
	[tilespmem:s19+$0x15700] =	vst v14  }
0x333: {  	v14 =	vadd.s32 $0x3A00, v9;
	v16 =	vor.u32 v8, v16;
	[tilespmem:s1+$0xE700] =	vst v15;
	v15 =	vld.idx.msk [tilespmem:v40+s20+$0x0], $0xffff  }
0x334: {  	s21 =	sor.u32 s11, s18;
	v42 =	vor.u32 v4, v14;
	[tilespmem:s1+$0x15700] =	vst v13;
	v13 =	vld.idx.msk [tilespmem:v20+s20+$0x0], $0xffff  }
0x335: {  	v14 =	vor.u32 v0, v14;
	v20 =	vadd.s32 $0x3A80, v11;
	[tilespmem:s21+$0xE700] =	vst v19;
	v19 =	vld.idx.msk [tilespmem:v41+s20+$0x0], $0xffff  }
0x336: {  	s22 =	sor.u32 s14, s18;
	[tilespmem:s21+$0x15700] =	vst v18;
	v18 =	vld.idx.msk [tilespmem:v24+s20+$0x0], $0xffff;
	v43 =	vor.u32 v3, v20  }
0x337: {  	s23 =	sadd.s32 $0x5600, s12;
	v24 =	vadd.s32 $0x3A00, v7;
	v20 =	vor.u32 v2, v20;
	[tilespmem:s22+$0xE700] =	vst v22;
	v12 =	vld.idx.msk [tilespmem:v12+s20+$0x0], $0xffff  }
0x338: {  	s3 =	sor.u32 s15, s23;
	v44 =	vor.u32 v6, v24;
	[tilespmem:s22+$0x15700] =	vst v17;
	v16 =	vld.idx.msk [tilespmem:v16+s20+$0x0], $0xffff  }
0x339: {  	v17 =	vadd.s32 $0x3A80, v10;
	v24 =	vor.u32 v1, v24;
	v21 =	vld.idx.msk [tilespmem:v42+s20+$0x0], $0xffff;
	[tilespmem:s3+$0xE700] =	vst v15  }
0x33a: {  	s2 =	sor.u32 s26, s18;
	v14 =	vld.idx.msk [tilespmem:v14+s20+$0x0], $0xffff;
	v15 =	vor.u32 v5, v17;
	[tilespmem:s3+$0x15700] =	vst v13  }
0x33b: {  	v13 =	vadd.s32 $0x3A80, v9;
	v17 =	vor.u32 v8, v17;
	[tilespmem:s2+$0xE700] =	vst v19;
	v19 =	vld.idx.msk [tilespmem:v43+s20+$0x0], $0xffff  }
0x33c: {  	s4 =	sor.u32 s11, s23;
	v45 =	vor.u32 v4, v13;
	[tilespmem:s2+$0x15700] =	vst v18;
	v18 =	vld.idx.msk [tilespmem:v20+s20+$0x0], $0xffff  }
0x33d: {  	v13 =	vor.u32 v0, v13;
	v20 =	vadd.s32 $0x3B00, v11;
	[tilespmem:s4+$0xE700] =	vst v12;
	v12 =	vld.idx.msk [tilespmem:v44+s20+$0x0], $0xffff  }
0x33e: {  	s5 =	sor.u32 s14, s23;
	v46 =	vor.u32 v3, v20;
	[tilespmem:s4+$0x15700] =	vst v16;
	v16 =	vld.idx.msk [tilespmem:v24+s20+$0x0], $0xffff  }
0x33f: {  	s7 =	sadd.s32 $0x5680, s12;
	v20 =	vor.u32 v2, v20;
	v24 =	vadd.s32 $0x3A80, v7;
	[tilespmem:s5+$0xE700] =	vst v21;
	v15 =	vld.idx.msk [tilespmem:v15+s20+$0x0], $0xffff  }
0x340: {  	s8 =	sor.u32 s15, s7;
	v47 =	vor.u32 v6, v24;
	[tilespmem:s5+$0x15700] =	vst v14;
	v17 =	vld.idx.msk [tilespmem:v17+s20+$0x0], $0xffff  }
0x341: {  	v14 =	vadd.s32 $0x3B00, v10;
	v24 =	vor.u32 v1, v24;
	v23 =	vld.idx.msk [tilespmem:v45+s20+$0x0], $0xffff;
	[tilespmem:s8+$0xE700] =	vst v19  }
0x342: {  	s0 =	sor.u32 s26, s23;
	v19 =	vor.u32 v5, v14;
	v13 =	vld.idx.msk [tilespmem:v13+s20+$0x0], $0xffff;
	[tilespmem:s8+$0x15700] =	vst v18  }
0x343: {  	v18 =	vadd.s32 $0x3B00, v9;
	v14 =	vor.u32 v8, v14;
	[tilespmem:s0+$0xE700] =	vst v12;
	v12 =	vld.idx.msk [tilespmem:v46+s20+$0x0], $0xffff  }
0x344: {  	s9 =	sor.u32 s11, s7;
	v48 =	vor.u32 v4, v18;
	[tilespmem:s0+$0x15700] =	vst v16;
	v16 =	vld.idx.msk [tilespmem:v20+s20+$0x0], $0xffff  }
0x345: {  	s10 =	simm.s32 $0x200;
	v11 =	vadd.s32 $0x3B80, v11;
	[tilespmem:s9+$0xE700] =	vst v15;
	v15 =	vld.idx.msk [tilespmem:v47+s20+$0x0], $0xffff  }
0x346: {  	s23 =	sand.u32 $0x1C00, s10;
	s3 =	sor.u32 s14, s7;
	v2 =	vor.u32 v2, v11;
	s4 =	simm.s32 $0x40;
	[tilespmem:s9+$0x15700] =	vst v17;
	v17 =	vld.idx.msk [tilespmem:v24+s20+$0x0], $0xffff  }
0x347: {  	s13 =	sadd.s32 $0x5700, s12;
	s0 =	sshrl.u32 s23, $0x2;
	s9 =	sand.u32 $0x40, s4;
	v19 =	vld.idx.msk [tilespmem:v19+s20+$0x0], $0xffff;
	[tilespmem:s3+$0xE700] =	vst v23  }
0x348: {  	s17 =	sor.u32 s15, s13;
	s0 =	sor.u32 $0xE000, s0;
	s2 =	sor.u32 $0x30, s9;
	v14 =	vld.idx.msk [tilespmem:v14+s20+$0x0], $0xffff;
	[tilespmem:s3+$0x15700] =	vst v13  }
0x349: {  	s5 =	sor.u32 s2, s0;
	v13 =	vld.idx.msk [tilespmem:v48+s20+$0x0], $0xffff;
	[tilespmem:s17+$0xE700] =	vst v12  }
0x34a: {  	s1 =	sor.u32 s26, s7;
	v18 =	vor.u32 v0, v18;
	v12 =	vld [tilespmem:s5+$0x80];
	[tilespmem:s17+$0x15700] =	vst v16;
	v16 =	vadd.s32 $0x3B00, v7  }
0x34b: {  	s18 =	sor.u32 s9, s0;
	s17 =	sor.u32 $0x10, s9;
	v2 =	vld.idx.msk [tilespmem:v2+s20+$0x0], $0xffff;
	v20 =	vor.u32 v6, v16;
	[tilespmem:s1+$0xE700] =	vst v15  }
0x34c: {  	v3 =	vor.u32 v3, v11;
	s16 =	sor.u32 $0x20, s9;
	s19 =	sor.u32 s17, s0;
	v15 =	vld [tilespmem:s18+$0x80];
	[tilespmem:s1+$0x15700] =	vst v17  }
0x34d: {  	v10 =	vadd.s32 $0x3B80, v10;
	v11 =	vor.u32 v1, v16;
	s0 =	sor.u32 s16, s0;
	v49 =	vld [tilespmem:s19+$0x80]  }
0x34e: {  	v9 =	vadd.s32 $0x3B80, v9;
	v16 =	vor.u32 v5, v10;
	v50 =	vld [tilespmem:s0+$0x80]  }
0x34f: {  	v8 =	vor.u32 v8, v10;
	v51 =	vor.u32 v4, v9;
	v10 =	vld.idx.msk [tilespmem:v18+s20+$0x0], $0xffff;
	v5 =	vshll.u32 v12, $0x3  }
0x350: {  	s21 =	sor.u32 s11, s13;
	v0 =	vor.u32 v0, v9;
	v4 =	vand.u32 $0x7F, v12;
	v24 =	vld.idx.msk [tilespmem:v20+s20+$0x0], $0xffff;
	v20 =	vand.u32 $0xFFFFFC00, v5  }
0x351: {  	[tilespmem:s21+$0xE700] =	vst v19;
	v5 =	vld.idx.msk [tilespmem:v3+s20+$0x0], $0xffff;
	v19 =	vxor.u32 $0x1, v4;
	v25 =	vor.u32 v4, v20  }
0x352: {  	s22 =	sor.u32 s14, s13;
	[tilespmem:s21+$0x15700] =	vst v14;
	v26 =	vld.idx.msk [tilespmem:v11+s20+$0x0], $0xffff;
	v3 =	vadd.s32 $0x3B80, v7;
	v27 =	vor.u32 v19, v20;
	v7 =	vshll.u32 v15, $0x3  }
0x353: {  	[tilespmem:s22+$0xE700] =	vst v13;
	v18 =	vld.idx.msk [tilespmem:v16+s20+$0x0], $0xffff;
	v6 =	vor.u32 v6, v3;
	v13 =	vand.u32 $0x7F, v15;
	v16 =	vand.u32 $0xFFFFFC00, v7  }
0x354: {  	v17 =	vld.idx.msk [tilespmem:v8+s20+$0x0], $0xffff;
	[tilespmem:s22+$0x15700] =	vst v10;
	v7 =	vshll.u32 v49, $0x3;
	v14 =	vxor.u32 $0x1, v13;
	v28 =	vor.u32 v13, v16  }
0x355: {  	s3 =	sor.u32 s26, s13;
	v11 =	vand.u32 $0x7F, v49;
	v15 =	vand.u32 $0xFFFFFC00, v7;
	v52 =	vor.u32 v14, v16;
	v10 =	vld.idx.msk [tilespmem:v0+s20+$0x0], $0xffff  }
0x356: {  	v9 =	vxor.u32 $0x1, v11;
	[tilespmem:s3+$0xE700] =	vst v24;
	v24 =	vor.u32 v11, v15;
	v53 =	vld.idx.msk [tilespmem:v25+s20+$0x0], $0xffff  }
0x357: {  	[tilespmem:s3+$0x15700] =	vst v26;
	v26 =	vor.u32 $0x80, v20;
	v25 =	vld.idx.msk [tilespmem:v27+s20+$0x0], $0xffff;
	v27 =	vor.u32 v9, v15  }
0x358: {  	v0 =	vshll.u32 v50, $0x3;
	v7 =	vand.u32 $0x7F, v50;
	v29 =	vor.u32 v4, v26;
	v32 =	vld.idx.msk [tilespmem:v6+s20+$0x0], $0xffff  }
0x359: {  	s4 =	sadd.s32 $0x3800, s23;
	v8 =	vand.u32 $0xFFFFFC00, v0;
	v54 =	vor.u32 v19, v26;
	v6 =	vxor.u32 $0x1, v7;
	v0 =	vld.idx.msk [tilespmem:v28+s20+$0x0], $0xffff  }
0x35a: {  	s5 =	sor.u32 s2, s4;
	v30 =	vor.u32 v6, v8;
	v21 =	vld.idx.msk [tilespmem:v52+s20+$0x0], $0xffff  }
0x35b: {  	v26 =	vor.u32 v7, v8;
	v24 =	vld.idx.msk [tilespmem:v24+s20+$0x0], $0xffff;
	[tilespmem:s5+$0xE700] =	vst v53  }
0x35c: {  	v28 =	vor.u32 $0x80, v16;
	v27 =	vld.idx.msk [tilespmem:v27+s20+$0x0], $0xffff;
	[tilespmem:s5+$0x15700] =	vst v25  }
0x35d: {  	v55 =	vor.u32 v13, v28;
	v29 =	vld.idx.msk [tilespmem:v29+s20+$0x0], $0xffff  }
0x35e: {  	s7 =	sor.u32 s9, s4;
	v28 =	vor.u32 v14, v28;
	v25 =	vor.u32 $0x80, v15;
	v22 =	vld.idx.msk [tilespmem:v54+s20+$0x0], $0xffff  }
0x35f: {  	v31 =	vor.u32 v11, v25;
	v56 =	vld.idx.msk [tilespmem:v30+s20+$0x0], $0xffff;
	[tilespmem:s7+$0xE700] =	vst v0  }
0x360: {  	s8 =	sor.u32 s17, s4;
	v25 =	vor.u32 v9, v25;
	v0 =	vld.idx.msk [tilespmem:v26+s20+$0x0], $0xffff;
	v26 =	vor.u32 $0x100, v20;
	[tilespmem:s7+$0x15700] =	vst v21  }
0x361: {  	s10 =	sadd.s32 $0x3880, s23;
	v30 =	vor.u32 v4, v26;
	[tilespmem:s8+$0xE700] =	vst v24  }
0x362: {  	s13 =	sor.u32 s2, s10;
	v23 =	vld.idx.msk [tilespmem:v55+s20+$0x0], $0xffff;
	v26 =	vor.u32 v19, v26;
	v24 =	vor.u32 $0x80, v8;
	[tilespmem:s8+$0x15700] =	vst v27  }
0x363: {  	v28 =	vld.idx.msk [tilespmem:v28+s20+$0x0], $0xffff;
	v27 =	vor.u32 v7, v24;
	[tilespmem:s13+$0xE700] =	vst v29  }
0x364: {  	s0 =	sor.u32 s16, s4;
	v24 =	vor.u32 v6, v24;
	v29 =	vor.u32 $0x100, v16;
	v31 =	vld.idx.msk [tilespmem:v31+s20+$0x0], $0xffff;
	[tilespmem:s13+$0x15700] =	vst v22  }
0x365: {  	v25 =	vld.idx.msk [tilespmem:v25+s20+$0x0], $0xffff;
	[tilespmem:s0+$0x15700] =	vst v56;
	v57 =	vor.u32 v13, v29  }
0x366: {  	s18 =	sor.u32 s9, s10;
	[tilespmem:s0+$0xE700] =	vst v0;
	v0 =	vor.u32 $0x100, v15;
	v29 =	vor.u32 v14, v29;
	v30 =	vld.idx.msk [tilespmem:v30+s20+$0x0], $0xffff  }
0x367: {  	v58 =	vor.u32 v11, v0;
	v26 =	vld.idx.msk [tilespmem:v26+s20+$0x0], $0xffff;
	[tilespmem:s18+$0xE700] =	vst v23  }
0x368: {  	s19 =	sor.u32 s17, s10;
	v0 =	vor.u32 v9, v0;
	[tilespmem:s18+$0x15700] =	vst v28;
	v59 =	vld.idx.msk [tilespmem:v27+s20+$0x0], $0xffff;
	v27 =	vor.u32 $0x180, v20  }
0x369: {  	s21 =	sadd.s32 $0x3900, s23;
	v24 =	vld.idx.msk [tilespmem:v24+s20+$0x0], $0xffff;
	v28 =	vor.u32 v4, v27;
	[tilespmem:s19+$0xE700] =	vst v31  }
0x36a: {  	s22 =	sor.u32 s2, s21;
	v31 =	vor.u32 $0x100, v8;
	v27 =	vor.u32 v19, v27;
	[tilespmem:s19+$0x15700] =	vst v25;
	v22 =	vld.idx.msk [tilespmem:v57+s20+$0x0], $0xffff  }
0x36b: {  	v25 =	vor.u32 v7, v31;
	v29 =	vld.idx.msk [tilespmem:v29+s20+$0x0], $0xffff;
	[tilespmem:s22+$0xE700] =	vst v30  }
0x36c: {  	s1 =	sor.u32 s16, s10;
	v31 =	vor.u32 v6, v31;
	v30 =	vor.u32 $0x180, v16;
	v21 =	vld.idx.msk [tilespmem:v58+s20+$0x0], $0xffff;
	[tilespmem:s22+$0x15700] =	vst v26  }
0x36d: {  	v0 =	vld.idx.msk [tilespmem:v0+s20+$0x0], $0xffff;
	v26 =	vor.u32 v13, v30;
	[tilespmem:s1+$0xE700] =	vst v59  }
0x36e: {  	s4 =	sor.u32 s9, s21;
	v60 =	vor.u32 $0x180, v15;
	v30 =	vor.u32 v14, v30;
	[tilespmem:s1+$0x15700] =	vst v24;
	v28 =	vld.idx.msk [tilespmem:v28+s20+$0x0], $0xffff  }
0x36f: {  	v23 =	vor.u32 v9, v60;
	v27 =	vld.idx.msk [tilespmem:v27+s20+$0x0], $0xffff;
	[tilespmem:s4+$0xE700] =	vst v22  }
0x370: {  	s5 =	sor.u32 s17, s21;
	v24 =	vor.u32 v11, v60;
	v61 =	vld.idx.msk [tilespmem:v25+s20+$0x0], $0xffff;
	[tilespmem:s4+$0x15700] =	vst v29  }
0x371: {  	s7 =	sadd.s32 $0x3980, s23;
	v25 =	vor.u32 $0x200, v20;
	v29 =	vld.idx.msk [tilespmem:v31+s20+$0x0], $0xffff;
	[tilespmem:s5+$0xE700] =	vst v21  }
0x372: {  	s8 =	sor.u32 s2, s7;
	v31 =	vor.u32 v4, v25;
	[tilespmem:s5+$0x15700] =	vst v0;
	v26 =	vld.idx.msk [tilespmem:v26+s20+$0x0], $0xffff  }
0x373: {  	v62 =	vor.u32 $0x180, v8;
	v25 =	vor.u32 v19, v25;
	v30 =	vld.idx.msk [tilespmem:v30+s20+$0x0], $0xffff;
	[tilespmem:s8+$0xE700] =	vst v28  }
0x374: {  	s0 =	sor.u32 s16, s21;
	v0 =	vor.u32 v7, v62;
	v23 =	vld.idx.msk [tilespmem:v23+s20+$0x0], $0xffff;
	[tilespmem:s8+$0x15700] =	vst v27  }
0x375: {  	v63 =	vor.u32 $0x200, v15;
	v21 =	vor.u32 v6, v62;
	v24 =	vld.idx.msk [tilespmem:v24+s20+$0x0], $0xffff;
	[tilespmem:s0+$0xE700] =	vst v61  }
0x376: {  	s10 =	sor.u32 s9, s7;
	v22 =	vor.u32 v9, v63;
	v28 =	vor.u32 $0x200, v16;
	[tilespmem:s0+$0x15700] =	vst v29  }
0x377: {  	v27 =	vor.u32 v13, v28;
	v31 =	vld.idx.msk [tilespmem:v31+s20+$0x0], $0xffff;
	[tilespmem:s10+$0xE700] =	vst v26  }
0x378: {  	s13 =	sor.u32 s17, s7;
	v28 =	vor.u32 v14, v28;
	v25 =	vld.idx.msk [tilespmem:v25+s20+$0x0], $0xffff;
	[tilespmem:s10+$0x15700] =	vst v30  }
0x379: {  	v29 =	vor.u32 v11, v63;
	v0 =	vld.idx.msk [tilespmem:v0+s20+$0x0], $0xffff;
	v26 =	vor.u32 $0x280, v20;
	[tilespmem:s13+$0x15700] =	vst v23  }
0x37a: {  	s18 =	sadd.s32 $0x3A00, s23;
	v21 =	vld.idx.msk [tilespmem:v21+s20+$0x0], $0xffff;
	v30 =	vor.u32 v4, v26;
	[tilespmem:s13+$0xE700] =	vst v24  }
0x37b: {  	s19 =	sor.u32 s2, s18;
	v24 =	vor.u32 $0x200, v8;
	v26 =	vor.u32 v19, v26;
	v22 =	vld.idx.msk [tilespmem:v22+s20+$0x0], $0xffff  }
0x37c: {  	v33 =	vor.u32 v7, v24;
	v27 =	vld.idx.msk [tilespmem:v27+s20+$0x0], $0xffff;
	[tilespmem:s19+$0xE700] =	vst v31  }
0x37d: {  	s1 =	sor.u32 s16, s7;
	v24 =	vor.u32 v6, v24;
	v28 =	vld.idx.msk [tilespmem:v28+s20+$0x0], $0xffff;
	v31 =	vor.u32 $0x280, v16;
	[tilespmem:s19+$0x15700] =	vst v25  }
0x37e: {  	v29 =	vld.idx.msk [tilespmem:v29+s20+$0x0], $0xffff;
	[tilespmem:s1+$0xE700] =	vst v0;
	v25 =	vor.u32 v13, v31  }
0x37f: {  	s22 =	sor.u32 s17, s18;
	v0 =	vor.u32 $0x280, v15;
	[tilespmem:s1+$0x15700] =	vst v21;
	v31 =	vor.u32 v14, v31;
	v30 =	vld.idx.msk [tilespmem:v30+s20+$0x0], $0xffff  }
0x380: {  	s21 =	sor.u32 s9, s18;
	v34 =	vor.u32 v11, v0;
	v26 =	vld.idx.msk [tilespmem:v26+s20+$0x0], $0xffff;
	[tilespmem:s22+$0x15700] =	vst v22  }
0x381: {  	v0 =	vor.u32 v9, v0;
	v23 =	vld.idx.msk [tilespmem:v33+s20+$0x0], $0xffff;
	[tilespmem:s21+$0xE700] =	vst v27;
	v27 =	vor.u32 $0x300, v20  }
0x382: {  	s4 =	sadd.s32 $0x3A80, s23;
	v24 =	vld.idx.msk [tilespmem:v24+s20+$0x0], $0xffff;
	[tilespmem:s21+$0x15700] =	vst v28;
	v28 =	vor.u32 v4, v27  }
0x383: {  	s5 =	sor.u32 s2, s4;
	[tilespmem:s22+$0xE700] =	vst v29;
	v29 =	vor.u32 $0x280, v8;
	v27 =	vor.u32 v19, v27;
	v25 =	vld.idx.msk [tilespmem:v25+s20+$0x0], $0xffff  }
0x384: {  	v35 =	vor.u32 v7, v29;
	v31 =	vld.idx.msk [tilespmem:v31+s20+$0x0], $0xffff;
	[tilespmem:s5+$0xE700] =	vst v30  }
0x385: {  	s0 =	sor.u32 s16, s18;
	v29 =	vor.u32 v6, v29;
	v21 =	vld.idx.msk [tilespmem:v34+s20+$0x0], $0xffff;
	v30 =	vor.u32 $0x300, v16;
	[tilespmem:s5+$0x15700] =	vst v26  }
0x386: {  	v0 =	vld.idx.msk [tilespmem:v0+s20+$0x0], $0xffff;
	v26 =	vor.u32 v13, v30;
	[tilespmem:s0+$0xE700] =	vst v23  }
0x387: {  	v36 =	vor.u32 $0x300, v15;
	s7 =	sor.u32 s9, s4;
	v30 =	vor.u32 v14, v30;
	[tilespmem:s0+$0x15700] =	vst v24;
	v28 =	vld.idx.msk [tilespmem:v28+s20+$0x0], $0xffff  }
0x388: {  	v24 =	vor.u32 v11, v36;
	v27 =	vld.idx.msk [tilespmem:v27+s20+$0x0], $0xffff;
	[tilespmem:s7+$0xE700] =	vst v25  }
0x389: {  	s8 =	sor.u32 s17, s4;
	v23 =	vor.u32 v9, v36;
	v22 =	vld.idx.msk [tilespmem:v35+s20+$0x0], $0xffff;
	[tilespmem:s7+$0x15700] =	vst v31  }
0x38a: {  	v37 =	vor.u32 $0x300, v8;
	s10 =	sadd.s32 $0x3B00, s23;
	v29 =	vld.idx.msk [tilespmem:v29+s20+$0x0], $0xffff;
	[tilespmem:s8+$0xE700] =	vst v21  }
0x38b: {  	s13 =	sor.u32 s2, s10;
	v25 =	vor.u32 $0x380, v20;
	[tilespmem:s8+$0x15700] =	vst v0;
	v0 =	vor.u32 v7, v37;
	v26 =	vld.idx.msk [tilespmem:v26+s20+$0x0], $0xffff  }
0x38c: {  	v31 =	vor.u32 v4, v25;
	v30 =	vld.idx.msk [tilespmem:v30+s20+$0x0], $0xffff;
	[tilespmem:s13+$0xE700] =	vst v28  }
0x38d: {  	s1 =	sor.u32 s16, s4;
	v25 =	vor.u32 v19, v25;
	v24 =	vld.idx.msk [tilespmem:v24+s20+$0x0], $0xffff;
	[tilespmem:s13+$0x15700] =	vst v27  }
0x38e: {  	v38 =	vor.u32 $0x380, v15;
	v21 =	vor.u32 v6, v37;
	v23 =	vld.idx.msk [tilespmem:v23+s20+$0x0], $0xffff;
	[tilespmem:s1+$0xE700] =	vst v22  }
0x38f: {  	v12 =	vld.idx.msk [tilespmem:v51+s20+$0x0], $0xffff;
	s18 =	sor.u32 s9, s10;
	[tilespmem:s1+$0x15700] =	vst v29;
	v29 =	vor.u32 v11, v38  }
0x390: {  	v28 =	vor.u32 $0x380, v16;
	v22 =	vor.u32 v9, v38;
	v0 =	vld.idx.msk [tilespmem:v0+s20+$0x0], $0xffff;
	[tilespmem:s18+$0xE700] =	vst v26  }
0x391: {  	s19 =	sor.u32 s17, s10;
	v27 =	vor.u32 v13, v28;
	v31 =	vld.idx.msk [tilespmem:v31+s20+$0x0], $0xffff;
	[tilespmem:s18+$0x15700] =	vst v30  }
0x392: {  	v28 =	vor.u32 v14, v28;
	v25 =	vld.idx.msk [tilespmem:v25+s20+$0x0], $0xffff;
	v26 =	vadd.s32 $0x3800, v20;
	[tilespmem:s19+$0xE700] =	vst v24  }
0x393: {  	v21 =	vld.idx.msk [tilespmem:v21+s20+$0x0], $0xffff;
	v24 =	vor.u32 $0x380, v8;
	[tilespmem:s19+$0x15700] =	vst v23;
	v30 =	vor.u32 v4, v26  }
0x394: {  	s21 =	sadd.s32 $0x3B80, s23;
	s0 =	sor.u32 s16, s10;
	v39 =	vor.u32 v7, v24;
	v29 =	vld.idx.msk [tilespmem:v29+s20+$0x0], $0xffff  }
0x395: {  	s22 =	sor.u32 s2, s21;
	v24 =	vor.u32 v6, v24;
	v22 =	vld.idx.msk [tilespmem:v22+s20+$0x0], $0xffff;
	[tilespmem:s0+$0xE700] =	vst v0  }
0x396: {  	v26 =	vor.u32 v19, v26;
	v27 =	vld.idx.msk [tilespmem:v27+s20+$0x0], $0xffff;
	v0 =	vadd.s32 $0x3800, v15;
	[tilespmem:s22+$0xE700] =	vst v31  }
0x397: {  	v28 =	vld.idx.msk [tilespmem:v28+s20+$0x0], $0xffff;
	[tilespmem:s22+$0x15700] =	vst v25;
	v40 =	vor.u32 v11, v0  }
0x398: {  	s5 =	sor.u32 s17, s21;
	[tilespmem:s0+$0x15700] =	vst v21;
	v31 =	vadd.s32 $0x3800, v16;
	v0 =	vor.u32 v9, v0;
	v30 =	vld.idx.msk [tilespmem:v30+s20+$0x0], $0xffff  }
0x399: {  	v25 =	vor.u32 v13, v31;
	v23 =	vld.idx.msk [tilespmem:v39+s20+$0x0], $0xffff;
	[tilespmem:s5+$0xE700] =	vst v29  }
0x39a: {  	s4 =	sor.u32 s9, s21;
	v31 =	vor.u32 v14, v31;
	v24 =	vld.idx.msk [tilespmem:v24+s20+$0x0], $0xffff;
	v29 =	vadd.s32 $0x3800, v8;
	[tilespmem:s5+$0x15700] =	vst v22  }
0x39b: {  	s7 =	sadd.s32 $0x5400, s23;
	v26 =	vld.idx.msk [tilespmem:v26+s20+$0x0], $0xffff;
	[tilespmem:s4+$0xE700] =	vst v27;
	v41 =	vor.u32 v7, v29  }
0x39c: {  	s8 =	sor.u32 s2, s7;
	v27 =	vadd.s32 $0x3880, v20;
	[tilespmem:s4+$0x15700] =	vst v28;
	v29 =	vor.u32 v6, v29;
	v21 =	vld.idx.msk [tilespmem:v40+s20+$0x0], $0xffff  }
0x39d: {  	s1 =	sor.u32 s16, s21;
	v28 =	vor.u32 v4, v27;
	v0 =	vld.idx.msk [tilespmem:v0+s20+$0x0], $0xffff;
	[tilespmem:s8+$0xE700] =	vst v30  }
0x39e: {  	v42 =	vadd.s32 $0x3880, v15;
	v27 =	vor.u32 v19, v27;
	v25 =	vld.idx.msk [tilespmem:v25+s20+$0x0], $0xffff;
	[tilespmem:s1+$0xE700] =	vst v23  }
0x39f: {  	v31 =	vld.idx.msk [tilespmem:v31+s20+$0x0], $0xffff;
	[tilespmem:s1+$0x15700] =	vst v24;
	v24 =	vor.u32 v11, v42  }
0x3a0: {  	s13 =	sor.u32 s17, s7;
	v30 =	vadd.s32 $0x3880, v16;
	[tilespmem:s8+$0x15700] =	vst v26;
	v23 =	vor.u32 v9, v42;
	v22 =	vld.idx.msk [tilespmem:v41+s20+$0x0], $0xffff  }
0x3a1: {  	v26 =	vor.u32 v13, v30;
	v29 =	vld.idx.msk [tilespmem:v29+s20+$0x0], $0xffff;
	[tilespmem:s13+$0xE700] =	vst v21  }
0x3a2: {  	v43 =	vadd.s32 $0x3880, v8;
	s10 =	sor.u32 s9, s7;
	v30 =	vor.u32 v14, v30;
	v28 =	vld.idx.msk [tilespmem:v28+s20+$0x0], $0xffff;
	[tilespmem:s13+$0x15700] =	vst v0  }
0x3a3: {  	v27 =	vld.idx.msk [tilespmem:v27+s20+$0x0], $0xffff;
	v0 =	vor.u32 v7, v43;
	[tilespmem:s10+$0xE700] =	vst v25  }
0x3a4: {  	s0 =	sor.u32 s16, s7;
	v21 =	vor.u32 v6, v43;
	v25 =	vadd.s32 $0x3900, v20;
	[tilespmem:s10+$0x15700] =	vst v31;
	v24 =	vld.idx.msk [tilespmem:v24+s20+$0x0], $0xffff  }
0x3a5: {  	s18 =	sadd.s32 $0x5480, s23;
	v31 =	vor.u32 v4, v25;
	v23 =	vld.idx.msk [tilespmem:v23+s20+$0x0], $0xffff;
	[tilespmem:s0+$0xE700] =	vst v22  }
0x3a6: {  	v44 =	vadd.s32 $0x3900, v15;
	s19 =	sor.u32 s2, s18;
	v25 =	vor.u32 v19, v25;
	v26 =	vld.idx.msk [tilespmem:v26+s20+$0x0], $0xffff;
	[tilespmem:s0+$0x15700] =	vst v29  }
0x3a7: {  	v30 =	vld.idx.msk [tilespmem:v30+s20+$0x0], $0xffff;
	v29 =	vor.u32 v11, v44;
	[tilespmem:s19+$0xE700] =	vst v28  }
0x3a8: {  	s22 =	sor.u32 s17, s18;
	v22 =	vor.u32 v9, v44;
	v28 =	vadd.s32 $0x3900, v16;
	[tilespmem:s19+$0x15700] =	vst v27;
	v0 =	vld.idx.msk [tilespmem:v0+s20+$0x0], $0xffff  }
0x3a9: {  	v21 =	vld.idx.msk [tilespmem:v21+s20+$0x0], $0xffff;
	v27 =	vor.u32 v13, v28;
	[tilespmem:s22+$0xE700] =	vst v24  }
0x3aa: {  	s21 =	sor.u32 s9, s18;
	v28 =	vor.u32 v14, v28;
	v31 =	vld.idx.msk [tilespmem:v31+s20+$0x0], $0xffff;
	v24 =	vadd.s32 $0x3900, v8;
	[tilespmem:s22+$0x15700] =	vst v23  }
0x3ab: {  	v25 =	vld.idx.msk [tilespmem:v25+s20+$0x0], $0xffff;
	[tilespmem:s21+$0xE700] =	vst v26;
	v45 =	vor.u32 v7, v24  }
0x3ac: {  	s1 =	sor.u32 s16, s18;
	v26 =	vadd.s32 $0x3980, v20;
	[tilespmem:s21+$0x15700] =	vst v30;
	v24 =	vor.u32 v6, v24;
	v29 =	vld.idx.msk [tilespmem:v29+s20+$0x0], $0xffff  }
0x3ad: {  	s4 =	sadd.s32 $0x5500, s23;
	v30 =	vor.u32 v4, v26;
	v22 =	vld.idx.msk [tilespmem:v22+s20+$0x0], $0xffff;
	[tilespmem:s1+$0xE700] =	vst v0  }
0x3ae: {  	s5 =	sor.u32 s2, s4;
	v26 =	vor.u32 v19, v26;
	v0 =	vadd.s32 $0x3980, v15;
	[tilespmem:s1+$0x15700] =	vst v21;
	v27 =	vld.idx.msk [tilespmem:v27+s20+$0x0], $0xffff  }
0x3af: {  	v28 =	vld.idx.msk [tilespmem:v28+s20+$0x0], $0xffff;
	v46 =	vor.u32 v11, v0;
	[tilespmem:s5+$0xE700] =	vst v31  }
0x3b0: {  	s8 =	sor.u32 s17, s4;
	v0 =	vor.u32 v9, v0;
	v31 =	vadd.s32 $0x3980, v16;
	[tilespmem:s5+$0x15700] =	vst v25;
	v23 =	vld.idx.msk [tilespmem:v45+s20+$0x0], $0xffff  }
0x3b1: {  	v25 =	vor.u32 v13, v31;
	v24 =	vld.idx.msk [tilespmem:v24+s20+$0x0], $0xffff;
	[tilespmem:s8+$0xE700] =	vst v29  }
0x3b2: {  	s7 =	sor.u32 s9, s4;
	v31 =	vor.u32 v14, v31;
	v30 =	vld.idx.msk [tilespmem:v30+s20+$0x0], $0xffff;
	v29 =	vadd.s32 $0x3980, v8;
	[tilespmem:s8+$0x15700] =	vst v22  }
0x3b3: {  	v26 =	vld.idx.msk [tilespmem:v26+s20+$0x0], $0xffff;
	v47 =	vor.u32 v7, v29;
	[tilespmem:s7+$0xE700] =	vst v27  }
0x3b4: {  	s0 =	sor.u32 s16, s4;
	v29 =	vor.u32 v6, v29;
	v27 =	vadd.s32 $0x3A00, v20;
	[tilespmem:s7+$0x15700] =	vst v28;
	v21 =	vld.idx.msk [tilespmem:v46+s20+$0x0], $0xffff  }
0x3b5: {  	s10 =	sadd.s32 $0x5580, s23;
	v0 =	vld.idx.msk [tilespmem:v0+s20+$0x0], $0xffff;
	v28 =	vor.u32 v4, v27;
	[tilespmem:s0+$0xE700] =	vst v23  }
0x3b6: {  	v48 =	vadd.s32 $0x3A00, v15;
	s13 =	sor.u32 s2, s10;
	v27 =	vor.u32 v19, v27;
	v25 =	vld.idx.msk [tilespmem:v25+s20+$0x0], $0xffff;
	[tilespmem:s0+$0x15700] =	vst v24  }
0x3b7: {  	v31 =	vld.idx.msk [tilespmem:v31+s20+$0x0], $0xffff;
	v24 =	vor.u32 v11, v48;
	[tilespmem:s13+$0xE700] =	vst v30  }
0x3b8: {  	s19 =	sor.u32 s17, s10;
	v23 =	vor.u32 v9, v48;
	v30 =	vadd.s32 $0x3A00, v16;
	[tilespmem:s13+$0x15700] =	vst v26;
	v22 =	vld.idx.msk [tilespmem:v47+s20+$0x0], $0xffff  }
0x3b9: {  	v26 =	vor.u32 v13, v30;
	v29 =	vld.idx.msk [tilespmem:v29+s20+$0x0], $0xffff;
	[tilespmem:s19+$0xE700] =	vst v21  }
0x3ba: {  	v49 =	vadd.s32 $0x3A00, v8;
	s18 =	sor.u32 s9, s10;
	v30 =	vor.u32 v14, v30;
	[tilespmem:s19+$0x15700] =	vst v0;
	v28 =	vld.idx.msk [tilespmem:v28+s20+$0x0], $0xffff  }
0x3bb: {  	v0 =	vor.u32 v7, v49;
	v27 =	vld.idx.msk [tilespmem:v27+s20+$0x0], $0xffff;
	[tilespmem:s18+$0xE700] =	vst v25  }
0x3bc: {  	s1 =	sor.u32 s16, s10;
	v21 =	vor.u32 v6, v49;
	[tilespmem:s18+$0x15700] =	vst v31;
	v24 =	vld.idx.msk [tilespmem:v24+s20+$0x0], $0xffff  }
0x3bd: {  	v1 =	vor.u32 v1, v3;
	s21 =	sadd.s32 $0x5600, s23;
	v25 =	vadd.s32 $0x3A80, v20;
	v23 =	vld.idx.msk [tilespmem:v23+s20+$0x0], $0xffff;
	[tilespmem:s1+$0xE700] =	vst v22  }
0x3be: {  	s22 =	sor.u32 s2, s21;
	v31 =	vor.u32 v4, v25;
	v26 =	vld.idx.msk [tilespmem:v26+s20+$0x0], $0xffff;
	[tilespmem:s1+$0x15700] =	vst v29  }
0x3bf: {  	v50 =	vadd.s32 $0x3A80, v15;
	v25 =	vor.u32 v19, v25;
	v30 =	vld.idx.msk [tilespmem:v30+s20+$0x0], $0xffff;
	[tilespmem:s22+$0xE700] =	vst v28  }
0x3c0: {  	s4 =	sor.u32 s17, s21;
	v29 =	vor.u32 v11, v50;
	v0 =	vld.idx.msk [tilespmem:v0+s20+$0x0], $0xffff;
	[tilespmem:s22+$0x15700] =	vst v27  }
0x3c1: {  	v22 =	vor.u32 v9, v50;
	v21 =	vld.idx.msk [tilespmem:v21+s20+$0x0], $0xffff;
	v28 =	vadd.s32 $0x3A80, v16;
	[tilespmem:s4+$0xE700] =	vst v24  }
0x3c2: {  	v34 =	vld.idx.msk [tilespmem:v1+s20+$0x0], $0xffff;
	s3 =	sor.u32 s9, s21;
	v27 =	vor.u32 v13, v28;
	[tilespmem:s4+$0x15700] =	vst v23  }
0x3c3: {  	v28 =	vor.u32 v14, v28;
	v31 =	vld.idx.msk [tilespmem:v31+s20+$0x0], $0xffff;
	[tilespmem:s3+$0xE700] =	vst v26  }
0x3c4: {  	s10 =	simm.s32 $0x400;
	s5 =	sadd.s32 $0x5680, s23;
	s0 =	sor.u32 s16, s21;
	v25 =	vld.idx.msk [tilespmem:v25+s20+$0x0], $0xffff;
	[tilespmem:s3+$0x15700] =	vst v30  }
0x3c5: {  	s29 =	sand.u32 $0x1C00, s10;
	s8 =	sor.u32 s9, s5;
	s7 =	sor.u32 s2, s5;
	v24 =	vadd.s32 $0x3A80, v8;
	v29 =	vld.idx.msk [tilespmem:v29+s20+$0x0], $0xffff;
	[tilespmem:s0+$0xE700] =	vst v0  }
0x3c6: {  	s13 =	simm.s32 $0x80;
	s19 =	sshrl.u32 s29, $0x2;
	v51 =	vor.u32 v7, v24;
	v22 =	vld.idx.msk [tilespmem:v22+s20+$0x0], $0xffff;
	[tilespmem:s0+$0x15700] =	vst v21;
	s0 =	sadd.s32 $0x5780, s12  }
0x3c7: {  	s28 =	sand.u32 $0x40, s13;
	s21 =	sor.u32 $0xE000, s19;
	v24 =	vor.u32 v6, v24;
	v26 =	vadd.s32 $0x3B00, v20;
	s4 =	sor.u32 s15, s0;
	v27 =	vld.idx.msk [tilespmem:v27+s20+$0x0], $0xffff  }
0x3c8: {  	v30 =	vor.u32 v4, v26;
	s12 =	sor.u32 $0x20, s28;
	s22 =	sor.u32 s11, s0;
	s15 =	sor.u32 s28, s21;
	v28 =	vld.idx.msk [tilespmem:v28+s20+$0x0], $0xffff;
	[tilespmem:s4+$0x15700] =	vst v2  }
0x3c9: {  	s18 =	sor.u32 s17, s5;
	s1 =	sor.u32 s16, s5;
	v26 =	vor.u32 v19, v26;
	s5 =	sor.u32 s12, s21;
	[tilespmem:s22+$0xE700] =	vst v18;
	v18 =	vld [tilespmem:s15+$0x80]  }
0x3ca: {  	v0 =	vadd.s32 $0x3B00, v15;
	v54 =	vld [tilespmem:s5+$0x80];
	[tilespmem:s7+$0xE700] =	vst v31  }
0x3cb: {  	v52 =	vor.u32 v11, v0;
	[tilespmem:s7+$0x15700] =	vst v25;
	v23 =	vld.idx.msk [tilespmem:v51+s20+$0x0], $0xffff  }
0x3cc: {  	v31 =	vadd.s32 $0x3B00, v16;
	v24 =	vld.idx.msk [tilespmem:v24+s20+$0x0], $0xffff;
	[tilespmem:s18+$0xE700] =	vst v29  }
0x3cd: {  	s11 =	sor.u32 $0x10, s28;
	v25 =	vor.u32 v13, v31;
	[tilespmem:s18+$0x15700] =	vst v22;
	v30 =	vld.idx.msk [tilespmem:v30+s20+$0x0], $0xffff  }
0x3ce: {  	v53 =	vadd.s32 $0x3B00, v8;
	v20 =	vadd.s32 $0x3B80, v20;
	v31 =	vor.u32 v14, v31;
	s18 =	sor.u32 s11, s21;
	v26 =	vld.idx.msk [tilespmem:v26+s20+$0x0], $0xffff;
	[tilespmem:s8+$0xE700] =	vst v27  }
0x3cf: {  	v19 =	vor.u32 v19, v20;
	v4 =	vor.u32 v4, v20;
	v0 =	vor.u32 v9, v0;
	v20 =	vld [tilespmem:s18+$0x80];
	[tilespmem:s8+$0x15700] =	vst v28;
	s8 =	sor.u32 $0x30, s28  }
0x3d0: {  	s19 =	sor.u32 s14, s0;
	v2 =	vor.u32 v7, v53;
	[tilespmem:s22+$0x15700] =	vst v17;
	v21 =	vld.idx.msk [tilespmem:v52+s20+$0x0], $0xffff;
	s10 =	sor.u32 s8, s21  }
0x3d1: {  	[tilespmem:s19+$0xE700] =	vst v12;
	v28 =	vld [tilespmem:s10+$0x80]  }
0x3d2: {  	s3 =	sadd.s32 $0x5700, s23;
	v17 =	vor.u32 v6, v53;
	[tilespmem:s1+$0xE700] =	vst v23;
	v25 =	vld.idx.msk [tilespmem:v25+s20+$0x0], $0xffff  }
0x3d3: {  	s7 =	sor.u32 s2, s3;
	v16 =	vadd.s32 $0x3B80, v16;
	[tilespmem:s1+$0x15700] =	vst v24;
	v27 =	vld.idx.msk [tilespmem:v31+s20+$0x0], $0xffff  }
0x3d4: {  	v13 =	vor.u32 v13, v16;
	v0 =	vld.idx.msk [tilespmem:v0+s20+$0x0], $0xffff;
	[tilespmem:s7+$0xE700] =	vst v30  }
0x3d5: {  	v12 =	vadd.s32 $0x3B80, v15;
	v14 =	vor.u32 v14, v16;
	v2 =	vld.idx.msk [tilespmem:v2+s20+$0x0], $0xffff;
	[tilespmem:s7+$0x15700] =	vst v26  }
0x3d6: {  	[tilespmem:s19+$0x15700] =	vst v10;
	v55 =	vor.u32 v11, v12;
	s21 =	sor.u32 s9, s3;
	v19 =	vld.idx.msk [tilespmem:v19+s20+$0x0], $0xffff;
	v15 =	vshll.u32 v28, $0x3  }
0x3d7: {  	v12 =	vor.u32 v9, v12;
	v17 =	vld.idx.msk [tilespmem:v17+s20+$0x0], $0xffff;
	[tilespmem:s21+$0xE700] =	vst v25;
	v3 =	vand.u32 $0x7F, v28;
	v11 =	vand.u32 $0xFFFFFC00, v15  }
0x3d8: {  	s22 =	sor.u32 s17, s3;
	v33 =	vld.idx.msk [tilespmem:v4+s20+$0x0], $0xffff;
	[tilespmem:s21+$0x15700] =	vst v27;
	v59 =	vxor.u32 $0x1, v3;
	v15 =	vshll.u32 v18, $0x3;
	v24 =	vor.u32 v3, v11  }
0x3d9: {  	v9 =	vand.u32 $0x7F, v18;
	[tilespmem:s22+$0xE700] =	vst v21;
	s21 =	sadd.s32 $0x5780, s23;
	v25 =	vld.idx.msk [tilespmem:v13+s20+$0x0], $0xffff;
	v57 =	vor.u32 v59, v11;
	v16 =	vand.u32 $0xFFFFFC00, v15  }
0x3da: {  	[tilespmem:s22+$0x15700] =	vst v0;
	v26 =	vld.idx.msk [tilespmem:v14+s20+$0x0], $0xffff;
	s14 =	sor.u32 s2, s21;
	v14 =	vshll.u32 v20, $0x3;
	v13 =	vxor.u32 $0x1, v9;
	v0 =	vor.u32 v9, v16  }
0x3db: {  	v10 =	vand.u32 $0x7F, v20;
	v1 =	vld.idx.msk [tilespmem:v55+s20+$0x0], $0xffff;
	[tilespmem:s14+$0x15700] =	vst v19;
	v15 =	vand.u32 $0xFFFFFC00, v14;
	v19 =	vor.u32 v13, v16  }
0x3dc: {  	[tilespmem:s4+$0xE700] =	vst v5;
	s10 =	sor.u32 s16, s3;
	v35 =	vld.idx.msk [tilespmem:v12+s20+$0x0], $0xffff;
	v14 =	vxor.u32 $0x1, v10;
	v5 =	vor.u32 v10, v15  }
0x3dd: {  	[tilespmem:s10+$0xE700] =	vst v2;
	v18 =	vshll.u32 v54, $0x3;
	v2 =	vor.u32 v14, v15;
	v20 =	vld.idx.msk [tilespmem:v24+s20+$0x0], $0xffff  }
0x3de: {  	v12 =	vand.u32 $0x7F, v54;
	[tilespmem:s10+$0x15700] =	vst v17;
	s15 =	sor.u32 s9, s21;
	v18 =	vand.u32 $0xFFFFFC00, v18;
	v21 =	vld.idx.msk [tilespmem:v57+s20+$0x0], $0xffff  }
0x3df: {  	v58 =	vor.u32 $0x80, v11;
	v61 =	vor.u32 v12, v18;
	[tilespmem:s15+$0xE700] =	vst v25;
	v0 =	vld.idx.msk [tilespmem:v0+s20+$0x0], $0xffff  }
0x3e0: {  	s18 =	sadd.s32 $0x3800, s29;
	[tilespmem:s15+$0x15700] =	vst v26;
	s15 =	sor.u32 s17, s21;
	v24 =	vor.u32 v3, v58;
	v19 =	vld.idx.msk [tilespmem:v19+s20+$0x0], $0xffff  }
0x3e1: {  	s19 =	sor.u32 s8, s18;
	v17 =	vxor.u32 $0x1, v12;
	v60 =	vor.u32 v59, v58;
	[tilespmem:s15+$0xE700] =	vst v1;
	v5 =	vld.idx.msk [tilespmem:v5+s20+$0x0], $0xffff  }
0x3e2: {  	v62 =	vor.u32 $0x80, v15;
	v26 =	vor.u32 v17, v18;
	v2 =	vld.idx.msk [tilespmem:v2+s20+$0x0], $0xffff;
	[tilespmem:s19+$0xE700] =	vst v20  }
0x3e3: {  	s22 =	sor.u32 s28, s18;
	v25 =	vor.u32 $0x80, v16;
	v1 =	vor.u32 v10, v62;
	[tilespmem:s19+$0x15700] =	vst v21  }
0x3e4: {  	v63 =	vld.idx.msk [tilespmem:v61+s20+$0x0], $0xffff;
	v20 =	vor.u32 v9, v25;
	[tilespmem:s22+$0xE700] =	vst v0  }
0x3e5: {  	s23 =	sor.u32 s11, s18;
	v25 =	vor.u32 v13, v25;
	v24 =	vld.idx.msk [tilespmem:v24+s20+$0x0], $0xffff;
	[tilespmem:s22+$0x15700] =	vst v19  }
0x3e6: {  	v36 =	vor.u32 $0x100, v11;
	v22 =	vld.idx.msk [tilespmem:v60+s20+$0x0], $0xffff;
	v0 =	vor.u32 v14, v62;
	[tilespmem:s23+$0xE700] =	vst v5  }
0x3e7: {  	v19 =	vld.idx.msk [tilespmem:v26+s20+$0x0], $0xffff;
	v26 =	vor.u32 v3, v36;
	[tilespmem:s23+$0x15700] =	vst v2  }
0x3e8: {  	s4 =	sadd.s32 $0x3880, s29;
	s1 =	sor.u32 s12, s18;
	v23 =	vor.u32 v59, v36;
	v5 =	vor.u32 $0x80, v18;
	v1 =	vld.idx.msk [tilespmem:v1+s20+$0x0], $0xffff  }
0x3e9: {  	s5 =	sor.u32 s8, s4;
	[tilespmem:s1+$0xE700] =	vst v63;
	v2 =	vor.u32 v12, v5;
	v20 =	vld.idx.msk [tilespmem:v20+s20+$0x0], $0xffff  }
0x3ea: {  	v5 =	vor.u32 v17, v5;
	v25 =	vld.idx.msk [tilespmem:v25+s20+$0x0], $0xffff;
	[tilespmem:s5+$0xE700] =	vst v24;
	v24 =	vor.u32 $0x100, v16  }
0x3eb: {  	[tilespmem:s5+$0x15700] =	vst v22;
	v0 =	vld.idx.msk [tilespmem:v0+s20+$0x0], $0xffff;
	v37 =	vor.u32 v9, v24  }
0x3ec: {  	s9 =	sor.u32 s11, s4;
	v38 =	vor.u32 $0x100, v15;
	[tilespmem:s1+$0x15700] =	vst v19;
	v24 =	vor.u32 v13, v24;
	v26 =	vld.idx.msk [tilespmem:v26+s20+$0x0], $0xffff  }
0x3ed: {  	s7 =	sor.u32 s28, s4;
	v39 =	vor.u32 $0x180, v11;
	v19 =	vor.u32 v10, v38;
	v23 =	vld.idx.msk [tilespmem:v23+s20+$0x0], $0xffff;
	[tilespmem:s9+$0xE700] =	vst v1  }
0x3ee: {  	v21 =	vor.u32 v59, v39;
	v2 =	vld.idx.msk [tilespmem:v2+s20+$0x0], $0xffff;
	[tilespmem:s7+$0xE700] =	vst v20  }
0x3ef: {  	s10 =	sadd.s32 $0x3900, s29;
	v5 =	vld.idx.msk [tilespmem:v5+s20+$0x0], $0xffff;
	v20 =	vor.u32 v14, v38;
	[tilespmem:s7+$0x15700] =	vst v25  }
0x3f0: {  	s17 =	sor.u32 s8, s10;
	v1 =	vor.u32 $0x100, v18;
	v25 =	vor.u32 v3, v39;
	[tilespmem:s9+$0x15700] =	vst v0;
	v22 =	vld.idx.msk [tilespmem:v37+s20+$0x0], $0xffff  }
0x3f1: {  	v0 =	vor.u32 v12, v1;
	v24 =	vld.idx.msk [tilespmem:v24+s20+$0x0], $0xffff;
	[tilespmem:s17+$0xE700] =	vst v26  }
0x3f2: {  	s2 =	sor.u32 s12, s4;
	v1 =	vor.u32 v17, v1;
	v26 =	vor.u32 $0x180, v16;
	v19 =	vld.idx.msk [tilespmem:v19+s20+$0x0], $0xffff;
	[tilespmem:s17+$0x15700] =	vst v23  }
0x3f3: {  	[tilespmem:s2+$0xE700] =	vst v2;
	v40 =	vor.u32 v9, v26;
	v21 =	vld.idx.msk [tilespmem:v21+s20+$0x0], $0xffff  }
0x3f4: {  	s18 =	sor.u32 s28, s10;
	v2 =	vor.u32 $0x180, v15;
	[tilespmem:s2+$0x15700] =	vst v5;
	v26 =	vor.u32 v13, v26;
	v20 =	vld.idx.msk [tilespmem:v20+s20+$0x0], $0xffff  }
0x3f5: {  	v5 =	vor.u32 v10, v2;
	v25 =	vld.idx.msk [tilespmem:v25+s20+$0x0], $0xffff;
	[tilespmem:s18+$0xE700] =	vst v22  }
0x3f6: {  	v41 =	vor.u32 $0x200, v11;
	s19 =	sor.u32 s11, s10;
	s22 =	sadd.s32 $0x3980, s29;
	v2 =	vor.u32 v14, v2;
	v0 =	vld.idx.msk [tilespmem:v0+s20+$0x0], $0xffff;
	[tilespmem:s18+$0x15700] =	vst v24  }
0x3f7: {  	s23 =	sor.u32 s8, s22;
	v1 =	vld.idx.msk [tilespmem:v1+s20+$0x0], $0xffff;
	v24 =	vor.u32 v3, v41;
	[tilespmem:s19+$0xE700] =	vst v19  }
0x3f8: {  	v19 =	vor.u32 $0x180, v18;
	v22 =	vor.u32 v59, v41;
	v23 =	vld.idx.msk [tilespmem:v40+s20+$0x0], $0xffff;
	[tilespmem:s23+$0x15700] =	vst v21  }
0x3f9: {  	v26 =	vld.idx.msk [tilespmem:v26+s20+$0x0], $0xffff;
	[tilespmem:s19+$0x15700] =	vst v20;
	v20 =	vor.u32 v12, v19  }
0x3fa: {  	s3 =	sor.u32 s12, s10;
	[tilespmem:s23+$0xE700] =	vst v25;
	v25 =	vor.u32 $0x200, v16;
	v19 =	vor.u32 v17, v19;
	v5 =	vld.idx.msk [tilespmem:v5+s20+$0x0], $0xffff  }
0x3fb: {  	v42 =	vor.u32 v9, v25;
	v2 =	vld.idx.msk [tilespmem:v2+s20+$0x0], $0xffff;
	[tilespmem:s3+$0xE700] =	vst v0  }
0x3fc: {  	s4 =	sor.u32 s28, s22;
	v0 =	vor.u32 $0x200, v15;
	v25 =	vor.u32 v13, v25;
	[tilespmem:s3+$0x15700] =	vst v1;
	v24 =	vld.idx.msk [tilespmem:v24+s20+$0x0], $0xffff  }
0x3fd: {  	v1 =	vor.u32 v10, v0;
	v22 =	vld.idx.msk [tilespmem:v22+s20+$0x0], $0xffff;
	[tilespmem:s4+$0xE700] =	vst v23  }
0x3fe: {  	v43 =	vor.u32 $0x280, v11;
	s5 =	sor.u32 s11, s22;
	v0 =	vor.u32 v14, v0;
	[tilespmem:s4+$0x15700] =	vst v26;
	v20 =	vld.idx.msk [tilespmem:v20+s20+$0x0], $0xffff  }
0x3ff: {  	s7 =	sadd.s32 $0x3A00, s29;
	v26 =	vor.u32 v3, v43;
	v19 =	vld.idx.msk [tilespmem:v19+s20+$0x0], $0xffff;
	[tilespmem:s5+$0xE700] =	vst v5  }
0x400: {  	s9 =	sor.u32 s8, s7;
	v23 =	vor.u32 v59, v43;
	v5 =	vor.u32 $0x200, v18;
	v21 =	vld.idx.msk [tilespmem:v42+s20+$0x0], $0xffff;
	[tilespmem:s5+$0x15700] =	vst v2  }
0x401: {  	v25 =	vld.idx.msk [tilespmem:v25+s20+$0x0], $0xffff;
	v2 =	vor.u32 v12, v5;
	[tilespmem:s9+$0xE700] =	vst v24  }
0x402: {  	s1 =	sor.u32 s12, s22;
	v24 =	vor.u32 $0x280, v16;
	v5 =	vor.u32 v17, v5;
	v1 =	vld.idx.msk [tilespmem:v1+s20+$0x0], $0xffff;
	[tilespmem:s9+$0x15700] =	vst v22  }
0x403: {  	v0 =	vld.idx.msk [tilespmem:v0+s20+$0x0], $0xffff;
	v44 =	vor.u32 v9, v24;
	[tilespmem:s1+$0xE700] =	vst v20  }
0x404: {  	s10 =	sor.u32 s28, s7;
	v24 =	vor.u32 v13, v24;
	v26 =	vld.idx.msk [tilespmem:v26+s20+$0x0], $0xffff;
	v20 =	vor.u32 $0x280, v15;
	[tilespmem:s1+$0x15700] =	vst v19  }
0x405: {  	v23 =	vld.idx.msk [tilespmem:v23+s20+$0x0], $0xffff;
	v19 =	vor.u32 v10, v20;
	[tilespmem:s10+$0xE700] =	vst v21  }
0x406: {  	v45 =	vor.u32 $0x300, v11;
	s17 =	sor.u32 s11, s7;
	v20 =	vor.u32 v14, v20;
	[tilespmem:s10+$0x15700] =	vst v25;
	v2 =	vld.idx.msk [tilespmem:v2+s20+$0x0], $0xffff  }
0x407: {  	s18 =	sadd.s32 $0x3A80, s29;
	v25 =	vor.u32 v3, v45;
	v5 =	vld.idx.msk [tilespmem:v5+s20+$0x0], $0xffff;
	[tilespmem:s17+$0xE700] =	vst v1  }
0x408: {  	s19 =	sor.u32 s8, s18;
	v21 =	vor.u32 v59, v45;
	v1 =	vor.u32 $0x280, v18;
	[tilespmem:s17+$0x15700] =	vst v0;
	v22 =	vld.idx.msk [tilespmem:v44+s20+$0x0], $0xffff  }
0x409: {  	v0 =	vor.u32 v12, v1;
	v24 =	vld.idx.msk [tilespmem:v24+s20+$0x0], $0xffff;
	[tilespmem:s19+$0xE700] =	vst v26  }
0x40a: {  	s2 =	sor.u32 s12, s7;
	v26 =	vor.u32 $0x300, v16;
	v1 =	vor.u32 v17, v1;
	[tilespmem:s19+$0x15700] =	vst v23;
	v19 =	vld.idx.msk [tilespmem:v19+s20+$0x0], $0xffff  }
0x40b: {  	v46 =	vor.u32 v9, v26;
	v20 =	vld.idx.msk [tilespmem:v20+s20+$0x0], $0xffff;
	[tilespmem:s2+$0xE700] =	vst v2  }
0x40c: {  	s22 =	sor.u32 s28, s18;
	v26 =	vor.u32 v13, v26;
	v25 =	vld.idx.msk [tilespmem:v25+s20+$0x0], $0xffff;
	v2 =	vor.u32 $0x300, v15;
	[tilespmem:s2+$0x15700] =	vst v5  }
0x40d: {  	v21 =	vld.idx.msk [tilespmem:v21+s20+$0x0], $0xffff;
	v5 =	vor.u32 v10, v2;
	[tilespmem:s22+$0xE700] =	vst v22  }
0x40e: {  	v47 =	vor.u32 $0x380, v11;
	s23 =	sor.u32 s11, s18;
	v2 =	vor.u32 v14, v2;
	v0 =	vld.idx.msk [tilespmem:v0+s20+$0x0], $0xffff;
	[tilespmem:s22+$0x15700] =	vst v24  }
0x40f: {  	s4 =	sadd.s32 $0x3B00, s29;
	v1 =	vld.idx.msk [tilespmem:v1+s20+$0x0], $0xffff;
	v24 =	vor.u32 v3, v47;
	[tilespmem:s23+$0xE700] =	vst v19  }
0x410: {  	s5 =	sor.u32 s8, s4;
	v22 =	vor.u32 v59, v47;
	v23 =	vld.idx.msk [tilespmem:v46+s20+$0x0], $0xffff;
	v19 =	vor.u32 $0x300, v18;
	[tilespmem:s23+$0x15700] =	vst v20  }
0x411: {  	v26 =	vld.idx.msk [tilespmem:v26+s20+$0x0], $0xffff;
	[tilespmem:s5+$0xE700] =	vst v25;
	v20 =	vor.u32 v12, v19  }
0x412: {  	s3 =	sor.u32 s12, s18;
	v25 =	vor.u32 $0x380, v16;
	[tilespmem:s5+$0x15700] =	vst v21;
	v19 =	vor.u32 v17, v19;
	v5 =	vld.idx.msk [tilespmem:v5+s20+$0x0], $0xffff  }
0x413: {  	v48 =	vor.u32 v9, v25;
	v2 =	vld.idx.msk [tilespmem:v2+s20+$0x0], $0xffff;
	[tilespmem:s3+$0xE700] =	vst v0  }
0x414: {  	s7 =	sor.u32 s28, s4;
	v25 =	vor.u32 v13, v25;
	v0 =	vor.u32 $0x380, v15;
	v24 =	vld.idx.msk [tilespmem:v24+s20+$0x0], $0xffff;
	[tilespmem:s3+$0x15700] =	vst v1  }
0x415: {  	v22 =	vld.idx.msk [tilespmem:v22+s20+$0x0], $0xffff;
	v1 =	vor.u32 v10, v0;
	[tilespmem:s7+$0xE700] =	vst v23  }
0x416: {  	v49 =	vadd.s32 $0x3800, v11;
	s9 =	sor.u32 s11, s4;
	v0 =	vor.u32 v14, v0;
	[tilespmem:s7+$0x15700] =	vst v26;
	v20 =	vld.idx.msk [tilespmem:v20+s20+$0x0], $0xffff  }
0x417: {  	s10 =	sadd.s32 $0x3B80, s29;
	v26 =	vor.u32 v3, v49;
	v19 =	vld.idx.msk [tilespmem:v19+s20+$0x0], $0xffff;
	[tilespmem:s9+$0xE700] =	vst v5  }
0x418: {  	s17 =	sor.u32 s8, s10;
	v23 =	vor.u32 v59, v49;
	v21 =	vld.idx.msk [tilespmem:v48+s20+$0x0], $0xffff;
	[tilespmem:s9+$0x15700] =	vst v2  }
0x419: {  	v25 =	vld.idx.msk [tilespmem:v25+s20+$0x0], $0xffff;
	v5 =	vor.u32 $0x380, v18;
	[tilespmem:s17+$0xE700] =	vst v24  }
0x41a: {  	s1 =	sor.u32 s12, s4;
	[tilespmem:s17+$0x15700] =	vst v22;
	v2 =	vor.u32 v12, v5;
	v1 =	vld.idx.msk [tilespmem:v1+s20+$0x0], $0xffff  }
0x41b: {  	v24 =	vadd.s32 $0x3800, v16;
	v5 =	vor.u32 v17, v5;
	v0 =	vld.idx.msk [tilespmem:v0+s20+$0x0], $0xffff;
	[tilespmem:s1+$0xE700] =	vst v20  }
0x41c: {  	s18 =	sor.u32 s28, s10;
	v50 =	vor.u32 v9, v24;
	v24 =	vor.u32 v13, v24;
	v26 =	vld.idx.msk [tilespmem:v26+s20+$0x0], $0xffff;
	[tilespmem:s1+$0x15700] =	vst v19  }
0x41d: {  	v51 =	vadd.s32 $0x3880, v11;
	v23 =	vld.idx.msk [tilespmem:v23+s20+$0x0], $0xffff;
	[tilespmem:s18+$0xE700] =	vst v21  }
0x41e: {  	s19 =	sor.u32 s11, s10;
	[tilespmem:s18+$0x15700] =	vst v25;
	v25 =	vor.u32 v3, v51  }
0x41f: {  	s22 =	sadd.s32 $0x5400, s29;
	v20 =	vadd.s32 $0x3800, v15;
	v21 =	vor.u32 v59, v51;
	v2 =	vld.idx.msk [tilespmem:v2+s20+$0x0], $0xffff;
	[tilespmem:s19+$0xE700] =	vst v1  }
0x420: {  	s23 =	sor.u32 s8, s22;
	v19 =	vor.u32 v10, v20;
	v5 =	vld.idx.msk [tilespmem:v5+s20+$0x0], $0xffff;
	[tilespmem:s19+$0x15700] =	vst v0  }
0x421: {  	v20 =	vor.u32 v14, v20;
	v1 =	vadd.s32 $0x3800, v18;
	v24 =	vld.idx.msk [tilespmem:v24+s20+$0x0], $0xffff;
	[tilespmem:s23+$0xE700] =	vst v26  }
0x422: {  	v22 =	vld.idx.msk [tilespmem:v50+s20+$0x0], $0xffff;
	v26 =	vadd.s32 $0x3880, v16;
	[tilespmem:s23+$0x15700] =	vst v23;
	v0 =	vor.u32 v12, v1  }
0x423: {  	s2 =	sor.u32 s12, s10;
	v52 =	vor.u32 v9, v26;
	v25 =	vld.idx.msk [tilespmem:v25+s20+$0x0], $0xffff  }
0x424: {  	v26 =	vor.u32 v13, v26;
	v21 =	vld.idx.msk [tilespmem:v21+s20+$0x0], $0xffff;
	[tilespmem:s2+$0xE700] =	vst v2  }
0x425: {  	v53 =	vadd.s32 $0x3900, v11;
	s4 =	sor.u32 s28, s22;
	v1 =	vor.u32 v17, v1;
	v19 =	vld.idx.msk [tilespmem:v19+s20+$0x0], $0xffff;
	[tilespmem:s2+$0x15700] =	vst v5  }
0x426: {  	s7 =	sadd.s32 $0x5480, s29;
	v20 =	vld.idx.msk [tilespmem:v20+s20+$0x0], $0xffff;
	[tilespmem:s4+$0x15700] =	vst v24;
	v24 =	vor.u32 v3, v53  }
0x427: {  	s9 =	sor.u32 s8, s7;
	v2 =	vadd.s32 $0x3880, v15;
	[tilespmem:s4+$0xE700] =	vst v22;
	v22 =	vor.u32 v59, v53;
	v0 =	vld.idx.msk [tilespmem:v0+s20+$0x0], $0xffff  }
0x428: {  	v5 =	vor.u32 v10, v2;
	v23 =	vld.idx.msk [tilespmem:v52+s20+$0x0], $0xffff;
	[tilespmem:s9+$0xE700] =	vst v25  }
0x429: {  	s5 =	sor.u32 s11, s22;
	v2 =	vor.u32 v14, v2;
	v26 =	vld.idx.msk [tilespmem:v26+s20+$0x0], $0xffff;
	v25 =	vadd.s32 $0x3900, v16;
	[tilespmem:s9+$0x15700] =	vst v21  }
0x42a: {  	v1 =	vld.idx.msk [tilespmem:v1+s20+$0x0], $0xffff;
	[tilespmem:s5+$0xE700] =	vst v19;
	v54 =	vor.u32 v9, v25  }
0x42b: {  	s3 =	sor.u32 s12, s22;
	v19 =	vadd.s32 $0x3880, v18;
	[tilespmem:s5+$0x15700] =	vst v20;
	v25 =	vor.u32 v13, v25;
	v24 =	vld.idx.msk [tilespmem:v24+s20+$0x0], $0xffff  }
0x42c: {  	s10 =	sor.u32 s28, s7;
	v20 =	vor.u32 v12, v19;
	v22 =	vld.idx.msk [tilespmem:v22+s20+$0x0], $0xffff;
	[tilespmem:s3+$0xE700] =	vst v0  }
0x42d: {  	v55 =	vadd.s32 $0x3980, v11;
	v19 =	vor.u32 v17, v19;
	v5 =	vld.idx.msk [tilespmem:v5+s20+$0x0], $0xffff;
	[tilespmem:s10+$0xE700] =	vst v23  }
0x42e: {  	s18 =	sadd.s32 $0x5500, s29;
	v2 =	vld.idx.msk [tilespmem:v2+s20+$0x0], $0xffff;
	[tilespmem:s10+$0x15700] =	vst v26;
	v26 =	vor.u32 v3, v55  }
0x42f: {  	s19 =	sor.u32 s8, s18;
	v0 =	vadd.s32 $0x3900, v15;
	[tilespmem:s3+$0x15700] =	vst v1;
	v23 =	vor.u32 v59, v55;
	v21 =	vld.idx.msk [tilespmem:v54+s20+$0x0], $0xffff  }
0x430: {  	v1 =	vor.u32 v10, v0;
	v25 =	vld.idx.msk [tilespmem:v25+s20+$0x0], $0xffff;
	[tilespmem:s19+$0xE700] =	vst v24  }
0x431: {  	s17 =	sor.u32 s11, s7;
	v0 =	vor.u32 v14, v0;
	v20 =	vld.idx.msk [tilespmem:v20+s20+$0x0], $0xffff;
	v24 =	vadd.s32 $0x3980, v16;
	[tilespmem:s19+$0x15700] =	vst v22  }
0x432: {  	v19 =	vld.idx.msk [tilespmem:v19+s20+$0x0], $0xffff;
	[tilespmem:s17+$0xE700] =	vst v5;
	v56 =	vor.u32 v9, v24  }
0x433: {  	s22 =	sor.u32 s28, s18;
	v5 =	vadd.s32 $0x3900, v18;
	[tilespmem:s17+$0x15700] =	vst v2;
	v24 =	vor.u32 v13, v24;
	v26 =	vld.idx.msk [tilespmem:v26+s20+$0x0], $0xffff  }
0x434: {  	v23 =	vld.idx.msk [tilespmem:v23+s20+$0x0], $0xffff;
	v2 =	vor.u32 v12, v5;
	[tilespmem:s22+$0xE700] =	vst v21  }
0x435: {  	v57 =	vadd.s32 $0x3A00, v11;
	s1 =	sor.u32 s12, s7;
	v5 =	vor.u32 v17, v5;
	v1 =	vld.idx.msk [tilespmem:v1+s20+$0x0], $0xffff;
	[tilespmem:s22+$0x15700] =	vst v25  }
0x436: {  	s4 =	sadd.s32 $0x5580, s29;
	v0 =	vld.idx.msk [tilespmem:v0+s20+$0x0], $0xffff;
	v25 =	vor.u32 v3, v57;
	[tilespmem:s1+$0xE700] =	vst v20  }
0x437: {  	s5 =	sor.u32 s8, s4;
	v21 =	vor.u32 v59, v57;
	v20 =	vadd.s32 $0x3980, v15;
	[tilespmem:s1+$0x15700] =	vst v19;
	v22 =	vld.idx.msk [tilespmem:v56+s20+$0x0], $0xffff  }
0x438: {  	v19 =	vor.u32 v10, v20;
	v20 =	vor.u32 v14, v20;
	v24 =	vld.idx.msk [tilespmem:v24+s20+$0x0], $0xffff;
	[tilespmem:s5+$0xE700] =	vst v26  }
0x439: {  	v8 =	vadd.s32 $0x3B80, v8;
	s23 =	sor.u32 s11, s18;
	[tilespmem:s5+$0x15700] =	vst v23;
	v2 =	vld.idx.msk [tilespmem:v2+s20+$0x0], $0xffff  }
0x43a: {  	v7 =	vor.u32 v7, v8;
	v5 =	vld.idx.msk [tilespmem:v5+s20+$0x0], $0xffff;
	[tilespmem:s23+$0xE700] =	vst v1;
	v1 =	vadd.s32 $0x3980, v18  }
0x43b: {  	s7 =	sor.u32 s28, s4;
	[tilespmem:s23+$0x15700] =	vst v0;
	v0 =	vor.u32 v12, v1;
	v25 =	vld.idx.msk [tilespmem:v25+s20+$0x0], $0xffff  }
0x43c: {  	v26 =	vadd.s32 $0x3A00, v16;
	v1 =	vor.u32 v17, v1;
	v21 =	vld.idx.msk [tilespmem:v21+s20+$0x0], $0xffff;
	[tilespmem:s7+$0xE700] =	vst v22  }
0x43d: {  	s2 =	sor.u32 s12, s18;
	v58 =	vor.u32 v9, v26;
	v26 =	vor.u32 v13, v26;
	v20 =	vld.idx.msk [tilespmem:v20+s20+$0x0], $0xffff;
	[tilespmem:s7+$0x15700] =	vst v24  }
0x43e: {  	v60 =	vadd.s32 $0x3A80, v11;
	s10 =	sadd.s32 $0x5600, s29;
	v19 =	vld.idx.msk [tilespmem:v19+s20+$0x0], $0xffff;
	[tilespmem:s2+$0xE700] =	vst v2  }
0x43f: {  	v38 =	vld.idx.msk [tilespmem:v7+s20+$0x0], $0xffff;
	s17 =	sor.u32 s8, s10;
	v24 =	vor.u32 v3, v60;
	v2 =	vadd.s32 $0x3A00, v15;
	[tilespmem:s2+$0x15700] =	vst v5  }
0x440: {  	v5 =	vor.u32 v10, v2;
	v0 =	vld.idx.msk [tilespmem:v0+s20+$0x0], $0xffff;
	[tilespmem:s17+$0xE700] =	vst v25  }
0x441: {  	s9 =	sor.u32 s11, s4;
	v2 =	vor.u32 v14, v2;
	v1 =	vld.idx.msk [tilespmem:v1+s20+$0x0], $0xffff;
	[tilespmem:s17+$0x15700] =	vst v21  }
0x442: {  	v22 =	vor.u32 v59, v60;
	v61 =	vld.idx.msk [tilespmem:v26+s20+$0x0], $0xffff;
	[tilespmem:s9+$0x15700] =	vst v20;
	v20 =	vadd.s32 $0x3A00, v18  }
0x443: {  	[tilespmem:s9+$0xE700] =	vst v19;
	v19 =	vld.idx.msk [tilespmem:v58+s20+$0x0], $0xffff;
	v25 =	vor.u32 v12, v20  }
0x444: {  	v62 =	vadd.s32 $0x3A80, v16;
	s3 =	sor.u32 s12, s4;
	v24 =	vld.idx.msk [tilespmem:v24+s20+$0x0], $0xffff;
	v20 =	vor.u32 v17, v20  }
0x445: {  	v7 =	vor.u32 v13, v62;
	v5 =	vld.idx.msk [tilespmem:v5+s20+$0x0], $0xffff;
	[tilespmem:s3+$0xE700] =	vst v0  }
0x446: {  	s18 =	sor.u32 s28, s10;
	v2 =	vld.idx.msk [tilespmem:v2+s20+$0x0], $0xffff;
	v0 =	vor.u32 v9, v62;
	[tilespmem:s3+$0x15700] =	vst v1;
	v1 =	vadd.s32 $0x3A80, v15  }
0x447: {  	s22 =	sadd.s32 $0x5680, s29;
	v26 =	vld.idx.msk [tilespmem:v22+s20+$0x0], $0xffff;
	[tilespmem:s18+$0x15700] =	vst v61;
	v63 =	vor.u32 v10, v1  }
0x448: {  	v36 =	vor.u32 v6, v8;
	s23 =	sor.u32 s8, s22;
	v6 =	vor.u32 v14, v1;
	v1 =	vadd.s32 $0x3B00, v11;
	[tilespmem:s18+$0xE700] =	vst v19;
	v8 =	vld.idx.msk [tilespmem:v25+s20+$0x0], $0xffff  }
0x449: {  	s19 =	sor.u32 s11, s10;
	v28 =	vor.u32 v3, v1;
	v31 =	vor.u32 v59, v1;
	v19 =	vadd.s32 $0x3B00, v16;
	[tilespmem:s23+$0xE700] =	vst v24;
	v27 =	vld.idx.msk [tilespmem:v20+s20+$0x0], $0xffff  }
0x44a: {  	v37 =	vor.u32 v9, v19;
	v57 =	vor.u32 v13, v19;
	v1 =	vld.idx.msk [tilespmem:v7+s20+$0x0], $0xffff;
	[tilespmem:s19+$0xE700] =	vst v5;
	v5 =	vadd.s32 $0x3A80, v18  }
0x44b: {  	v7 =	vadd.s32 $0x3B80, v15;
	[tilespmem:s19+$0x15700] =	vst v2;
	v2 =	vadd.s32 $0x3B80, v16;
	v30 =	vld.idx.msk [tilespmem:v0+s20+$0x0], $0xffff;
	v29 =	vor.u32 v12, v5  }
0x44c: {  	[tilespmem:s23+$0x15700] =	vst v26;
	v19 =	vor.u32 v9, v2;
	v16 =	vor.u32 v13, v2;
	v2 =	vadd.s32 $0x3B00, v15;
	v0 =	vld.idx.msk [tilespmem:v63+s20+$0x0], $0xffff  }
0x44d: {  	s1 =	sor.u32 s12, s10;
	v13 =	vor.u32 v10, v7;
	v6 =	vld.idx.msk [tilespmem:v6+s20+$0x0], $0xffff;
	v9 =	vor.u32 v14, v7;
	v4 =	vor.u32 v17, v5  }
0x44e: {  	v7 =	vadd.s32 $0x3B00, v18;
	v24 =	vor.u32 v10, v2;
	v58 =	vor.u32 v14, v2;
	v2 =	vld.idx.msk [tilespmem:v28+s20+$0x0], $0xffff;
	[tilespmem:s1+$0xE700] =	vst v8  }
0x44f: {  	s2 =	sor.u32 s28, s22;
	s17 =	sor.u32 s26, s0;
	s0 =	sor.u32 s12, s22;
	v5 =	vadd.s32 $0x3B80, v18;
	v28 =	vor.u32 v12, v7;
	v25 =	vor.u32 v17, v7;
	v7 =	vld.idx.msk [tilespmem:v31+s20+$0x0], $0xffff;
	[tilespmem:s1+$0x15700] =	vst v27  }
0x450: {  	s9 =	sor.u32 s16, s21;
	s16 =	simm.s32 $0x600;
	v10 =	vor.u32 v12, v5;
	v12 =	vor.u32 v17, v5;
	v5 =	vadd.s32 $0x3B80, v11;
	s1 =	sor.u32 s11, s22;
	[tilespmem:s2+$0xE700] =	vst v30;
	v15 =	vld.idx.msk [tilespmem:v29+s20+$0x0], $0xffff  }
.LBB2_8:
0x451: {  	_ =	sdelay $0x2  }
0x452: {  	s13 =	sadd.s32 $0x40, s13;
	s3 =	sand.u32 $0x1C00, s16;
	[tilespmem:s2+$0x15700] =	vst v1;
	v1 =	vld.idx.msk [tilespmem:v4+s20+$0x0], $0xffff  }
0x453: {  	s5 =	sadd.s32 $0x5700, s29;
	s4 =	sand.u32 $0x40, s13;
	s23 =	sshrl.u32 s3, $0x2;
	v4 =	vor.u32 v59, v5;
	[tilespmem:s1+$0xE700] =	vst v0;
	v8 =	vld.idx.msk [tilespmem:v37+s20+$0x0], $0xffff  }
0x454: {  	s26 =	sor.u32 s8, s5;
	s7 =	sor.u32 $0x30, s4;
	s2 =	sor.u32 $0xE000, s23;
	[tilespmem:s1+$0x15700] =	vst v6;
	v0 =	vld.idx.msk [tilespmem:v57+s20+$0x0], $0xffff  }
0x455: {  	[tilespmem:s26+$0xE700] =	vst v2;
	s19 =	sor.u32 s7, s2;
	v6 =	vld.idx.msk [tilespmem:v24+s20+$0x0], $0xffff  }
0x456: {  	[tilespmem:s0+$0xE700] =	vst v15;
	s21 =	sor.u32 s4, s2;
	v2 =	vld [tilespmem:s19+$0x80]  }
0x457: {  	s10 =	sor.u32 $0x10, s4;
	[tilespmem:s26+$0x15700] =	vst v7;
	v7 =	vld [tilespmem:s21+$0x80]  }
0x458: {  	s18 =	sor.u32 $0x20, s4;
	s22 =	sor.u32 s10, s2;
	s26 =	sor.u32 s28, s5;
	v4 =	vld.idx.msk [tilespmem:v4+s20+$0x0], $0xffff;
	[tilespmem:s0+$0x15700] =	vst v1  }
0x459: {  	s23 =	sor.u32 s18, s2;
	v1 =	vor.u32 v3, v5;
	v5 =	vld [tilespmem:s22+$0x80];
	[tilespmem:s26+$0xE700] =	vst v8  }
0x45a: {  	s1 =	sor.u32 s11, s5;
	v21 =	vld [tilespmem:s23+$0x80];
	[tilespmem:s26+$0x15700] =	vst v0  }
0x45b: {  	v0 =	vld.idx.msk [tilespmem:v58+s20+$0x0], $0xffff;
	[tilespmem:s1+$0xE700] =	vst v6  }
0x45c: {  	v20 =	vld.idx.msk [tilespmem:v28+s20+$0x0], $0xffff;
	v6 =	vshll.u32 v2, $0x3;
	[tilespmem:s15+$0x15700] =	vst v35  }
0x45d: {  	s22 =	sadd.s32 $0x5780, s29;
	v11 =	vand.u32 $0x7F, v7;
	v3 =	vand.u32 $0x7F, v2;
	v2 =	vshll.u32 v7, $0x3;
	v7 =	vld.idx.msk [tilespmem:v25+s20+$0x0], $0xffff;
	[tilespmem:s17+$0xE700] =	vst v32  }
0x45e: {  	s26 =	sor.u32 s8, s22;
	[tilespmem:s17+$0x15700] =	vst v34  }
0x45f: {  	v8 =	vand.u32 $0xFFFFFC00, v6;
	v1 =	vld.idx.msk [tilespmem:v1+s20+$0x0], $0xffff;
	[tilespmem:s26+$0x15700] =	vst v4;
	v4 =	vmov v38  }
0x460: {  	v23 =	vld.idx.msk [tilespmem:v19+s20+$0x0], $0xffff;
	v59 =	vxor.u32 $0x1, v3;
	v14 =	vand.u32 $0xFFFFFC00, v2;
	v6 =	vor.u32 v3, v8;
	[tilespmem:$0x1FEC0] =	vst v4  }
0x461: {  	v15 =	vand.u32 $0x7F, v5;
	v5 =	vshll.u32 v5, $0x3;
	v2 =	vshll.u32 v21, $0x3;
	[tilespmem:s1+$0x15700] =	vst v0;
	v0 =	vld.idx.msk [tilespmem:v36+s20+$0x0], $0xffff  }
0x462: {  	s2 =	sor.u32 s12, s5;
	v22 =	vor.u32 v59, v8;
	[tilespmem:s14+$0xE700] =	vst v33;
	v18 =	vand.u32 $0xFFFFFC00, v5;
	v19 =	vand.u32 $0xFFFFFC00, v2;
	v2 =	vld.idx.msk [tilespmem:v13+s20+$0x0], $0xffff  }
0x463: {  	v17 =	vand.u32 $0x7F, v21;
	v21 =	vxor.u32 $0x1, v15;
	[tilespmem:s2+$0xE700] =	vst v20;
	v13 =	vor.u32 v15, v18;
	v4 =	vld.idx.msk [tilespmem:v9+s20+$0x0], $0xffff  }
0x464: {  	s0 =	sor.u32 s28, s22;
	v20 =	vor.u32 v21, v18;
	[tilespmem:s2+$0x15700] =	vst v7  }
0x465: {  	v24 =	vld.idx.msk [tilespmem:v16+s20+$0x0], $0xffff;
	[tilespmem:s0+$0xE700] =	vst v23  }
0x466: {  	v16 =	vxor.u32 $0x1, v11;
	v6 =	vld.idx.msk [tilespmem:v6+s20+$0x0], $0xffff;
	[tilespmem:$0x1FE90] =	vst v0;
	v0 =	vmov v12  }
0x467: {  	v5 =	vor.u32 v16, v14;
	v22 =	vld.idx.msk [tilespmem:v22+s20+$0x0], $0xffff;
	[tilespmem:$0x1FE80] =	vst v0  }
0x468: {  	s29 =	smov.u32 s3;
	s15 =	sor.u32 s11, s22;
	v29 =	vor.u32 $0x80, v8;
	v0 =	vor.u32 v11, v14;
	[tilespmem:$0x1FEA0] =	vst v4;
	v13 =	vld.idx.msk [tilespmem:v13+s20+$0x0], $0xffff  }
0x469: {  	s8 =	smov.u32 s7;
	s11 =	smov.u32 s10;
	s10 =	sadd.s32 $0x3800, s29;
	v25 =	vor.u32 $0x80, v14;
	v49 =	vor.u32 v3, v29;
	v7 =	vor.u32 $0x80, v18;
	v4 =	vmovc v1;
	v20 =	vld.idx.msk [tilespmem:v20+s20+$0x0], $0xffff;
	[tilespmem:s15+$0xE700] =	vst v2  }
0x46a: {  	s21 =	sor.u32 s8, s10;
	v9 =	vor.u32 v16, v25;
	v1 =	vor.u32 v11, v25;
	v25 =	vor.u32 v59, v29;
	[tilespmem:$0x1FE60] =	vst v4  }
0x46b: {  	v4 =	vld.idx.msk [tilespmem:v10+s20+$0x0], $0xffff;
	v10 =	vor.u32 v15, v7;
	[tilespmem:s21+$0xE700] =	vst v6  }
0x46c: {  	v28 =	vor.u32 $0x80, v19;
	v5 =	vld.idx.msk [tilespmem:v5+s20+$0x0], $0xffff;
	v7 =	vor.u32 v21, v7;
	[tilespmem:s21+$0x15700] =	vst v22  }
0x46d: {  	s23 =	sor.u32 s12, s22;
	s12 =	smov.u32 s18;
	s18 =	sor.u32 s11, s10;
	v26 =	vor.u32 v17, v19;
	v50 =	vor.u32 v17, v28;
	v12 =	vxor.u32 $0x1, v17;
	v0 =	vld.idx.msk [tilespmem:v0+s20+$0x0], $0xffff;
	[tilespmem:s0+$0x15700] =	vst v24  }
0x46e: {  	v27 =	vor.u32 v12, v19;
	v51 =	vor.u32 v12, v28;
	v28 =	vor.u32 $0x100, v19;
	v22 =	vld.idx.msk [tilespmem:v49+s20+$0x0], $0xffff;
	[tilespmem:s18+$0xE700] =	vst v13  }
0x46f: {  	s28 =	smov.u32 s4;
	v42 =	vor.u32 v17, v28;
	v43 =	vor.u32 v12, v28;
	v28 =	vld.idx.msk [tilespmem:v25+s20+$0x0], $0xffff;
	[tilespmem:s18+$0x15700] =	vst v20  }
0x470: {  	s1 =	sor.u32 s28, s10;
	v2 =	vor.u32 $0x100, v8;
	[tilespmem:$0x1FE70] =	vst v4;
	v10 =	vld.idx.msk [tilespmem:v10+s20+$0x0], $0xffff  }
0x471: {  	s22 =	sadd.s32 $0x3880, s29;
	v53 =	vor.u32 v3, v2;
	[tilespmem:s1+$0x15700] =	vst v5;
	v7 =	vld.idx.msk [tilespmem:v7+s20+$0x0], $0xffff  }
0x472: {  	s5 =	sor.u32 s8, s22;
	v2 =	vor.u32 v59, v2;
	[tilespmem:s1+$0xE700] =	vst v0;
	v0 =	vld.idx.msk [tilespmem:v26+s20+$0x0], $0xffff  }
0x473: {  	v24 =	vor.u32 $0x100, v18;
	[tilespmem:s5+$0xE700] =	vst v22;
	v26 =	vld.idx.msk [tilespmem:v27+s20+$0x0], $0xffff  }
0x474: {  	s17 =	smov.u32 s9;
	s9 =	smov.u32 s23;
	s23 =	sor.u32 s11, s22;
	v52 =	vor.u32 $0x180, v18;
	v40 =	vor.u32 v15, v24;
	[tilespmem:s5+$0x15700] =	vst v28;
	v1 =	vld.idx.msk [tilespmem:v1+s20+$0x0], $0xffff  }
0x475: {  	v36 =	vor.u32 v15, v52;
	v29 =	vor.u32 $0x100, v14;
	v41 =	vor.u32 v21, v24;
	v9 =	vld.idx.msk [tilespmem:v9+s20+$0x0], $0xffff;
	[tilespmem:s23+$0xE700] =	vst v10  }
0x476: {  	s19 =	sor.u32 s12, s10;
	v39 =	vor.u32 v11, v29;
	v6 =	vor.u32 v16, v29;
	v29 =	vor.u32 $0x180, v14;
	v27 =	vld.idx.msk [tilespmem:v53+s20+$0x0], $0xffff;
	[tilespmem:s23+$0x15700] =	vst v7  }
0x477: {  	v35 =	vor.u32 v21, v52;
	v44 =	vor.u32 v11, v29;
	v2 =	vld.idx.msk [tilespmem:v2+s20+$0x0], $0xffff;
	[tilespmem:s19+$0xE700] =	vst v0  }
0x478: {  	v45 =	vor.u32 v16, v29;
	v13 =	vor.u32 $0x200, v18;
	v20 =	vor.u32 $0x200, v19;
	s1 =	sor.u32 s28, s22;
	[tilespmem:s19+$0x15700] =	vst v26  }
0x479: {  	s7 =	sadd.s32 $0x3900, s29;
	v29 =	vor.u32 v15, v13;
	v30 =	vor.u32 v21, v13;
	v13 =	vor.u32 $0x280, v18;
	v40 =	vld.idx.msk [tilespmem:v40+s20+$0x0], $0xffff;
	[tilespmem:s1+$0xE700] =	vst v1  }
0x47a: {  	v54 =	vor.u32 $0x380, v19;
	v25 =	vor.u32 v17, v20;
	v22 =	vor.u32 v15, v13;
	v41 =	vld.idx.msk [tilespmem:v41+s20+$0x0], $0xffff;
	s19 =	sor.u32 s8, s7;
	[tilespmem:s1+$0x15700] =	vst v9  }
0x47b: {  	v28 =	vor.u32 v12, v20;
	v20 =	vor.u32 v21, v13;
	v0 =	vor.u32 $0x280, v19;
	[tilespmem:s19+$0xE700] =	vst v27  }
0x47c: {  	v13 =	vor.u32 v17, v0;
	v52 =	vor.u32 v12, v0;
	[tilespmem:s19+$0x15700] =	vst v2;
	v0 =	vor.u32 v17, v54  }
0x47d: {  	s10 =	sor.u32 s11, s7;
	v37 =	vld.idx.msk [tilespmem:v50+s20+$0x0], $0xffff;
	[tilespmem:$0x1FDE0] =	vst v0  }
0x47e: {  	v38 =	vld.idx.msk [tilespmem:v51+s20+$0x0], $0xffff;
	[tilespmem:s10+$0xE700] =	vst v40  }
0x47f: {  	v55 =	vadd.s32 $0x3800, v14;
	v1 =	vor.u32 $0x180, v8;
	v39 =	vld.idx.msk [tilespmem:v39+s20+$0x0], $0xffff;
	v0 =	vor.u32 v12, v54;
	[tilespmem:s10+$0x15700] =	vst v41  }
0x480: {  	v46 =	vor.u32 v3, v1;
	v49 =	vld.idx.msk [tilespmem:v6+s20+$0x0], $0xffff;
	[tilespmem:$0x1FDF0] =	vst v0;
	v0 =	vor.u32 v11, v55  }
0x481: {  	s14 =	smov.u32 s26;
	s26 =	sor.u32 s12, s22;
	v36 =	vld.idx.msk [tilespmem:v36+s20+$0x0], $0xffff;
	[tilespmem:$0x1FE00] =	vst v0  }
0x482: {  	v48 =	vor.u32 v59, v1;
	v35 =	vld.idx.msk [tilespmem:v35+s20+$0x0], $0xffff;
	[tilespmem:s26+$0xE700] =	vst v37  }
0x483: {  	s0 =	sor.u32 s28, s7;
	[tilespmem:s26+$0x15700] =	vst v38  }
0x484: {  	v57 =	vor.u32 $0x200, v8;
	s21 =	sadd.s32 $0x3980, s29;
	[tilespmem:s0+$0xE700] =	vst v39  }
0x485: {  	v61 =	vor.u32 v16, v55;
	v56 =	vadd.s32 $0x3800, v18;
	v47 =	vor.u32 $0x300, v19;
	s22 =	sor.u32 s11, s21;
	v37 =	vld.idx.msk [tilespmem:v46+s20+$0x0], $0xffff;
	[tilespmem:s0+$0x15700] =	vst v49  }
0x486: {  	v63 =	vor.u32 v15, v56;
	v24 =	vor.u32 $0x180, v19;
	v39 =	vld.idx.msk [tilespmem:v42+s20+$0x0], $0xffff;
	v42 =	vadd.s32 $0x3800, v19;
	[tilespmem:s22+$0xE700] =	vst v36  }
0x487: {  	v5 =	vor.u32 $0x200, v14;
	v33 =	vor.u32 v17, v24;
	v38 =	vld.idx.msk [tilespmem:v48+s20+$0x0], $0xffff;
	v0 =	vor.u32 v17, v42;
	[tilespmem:s22+$0x15700] =	vst v35  }
0x488: {  	v31 =	vor.u32 v11, v5;
	v54 =	vadd.s32 $0x3880, v18;
	[tilespmem:$0x1FE10] =	vst v0;
	v0 =	vor.u32 v12, v42  }
0x489: {  	v32 =	vor.u32 v16, v5;
	v5 =	vor.u32 $0x280, v14;
	[tilespmem:$0x1FE20] =	vst v0;
	v0 =	vor.u32 v15, v54  }
0x48a: {  	v34 =	vor.u32 v12, v24;
	v24 =	vor.u32 v11, v5;
	v26 =	vor.u32 $0x300, v18;
	s26 =	sor.u32 s8, s21;
	v43 =	vld.idx.msk [tilespmem:v43+s20+$0x0], $0xffff;
	[tilespmem:$0x1FE30] =	vst v0  }
0x48b: {  	v53 =	vor.u32 v3, v57;
	v10 =	vor.u32 v15, v26;
	v7 =	vor.u32 v21, v26;
	[tilespmem:s26+$0xE700] =	vst v37  }
0x48c: {  	v26 =	vor.u32 v17, v47;
	v44 =	vld.idx.msk [tilespmem:v44+s20+$0x0], $0xffff;
	v0 =	vor.u32 v21, v54;
	[tilespmem:s26+$0x15700] =	vst v38  }
0x48d: {  	s18 =	sor.u32 s12, s7;
	v6 =	vor.u32 v12, v47;
	v47 =	vor.u32 v59, v57;
	v45 =	vld.idx.msk [tilespmem:v45+s20+$0x0], $0xffff;
	[tilespmem:$0x1FE40] =	vst v0  }
0x48e: {  	v23 =	vor.u32 v16, v5;
	v50 =	vor.u32 $0x380, v14;
	v55 =	vadd.s32 $0x3880, v19;
	v29 =	vld.idx.msk [tilespmem:v29+s20+$0x0], $0xffff;
	[tilespmem:s18+$0xE700] =	vst v39  }
0x48f: {  	v58 =	vadd.s32 $0x3880, v14;
	v60 =	vor.u32 v11, v50;
	v30 =	vld.idx.msk [tilespmem:v30+s20+$0x0], $0xffff;
	[tilespmem:s18+$0x15700] =	vst v43;
	v0 =	vor.u32 v12, v55  }
0x490: {  	s2 =	sor.u32 s28, s21;
	v27 =	vor.u32 v16, v50;
	v50 =	vor.u32 v21, v56;
	v56 =	vadd.s32 $0x3900, v14;
	[tilespmem:$0x1FE50] =	vst v0  }
0x491: {  	s5 =	sadd.s32 $0x3A00, s29;
	v48 =	vor.u32 v16, v58;
	v42 =	vor.u32 v11, v58;
	v58 =	vor.u32 $0x280, v8;
	v39 =	vld.idx.msk [tilespmem:v53+s20+$0x0], $0xffff;
	[tilespmem:s2+$0xE700] =	vst v44  }
0x492: {  	s7 =	sor.u32 s11, s5;
	v41 =	vor.u32 v11, v56;
	v54 =	vor.u32 v3, v58;
	v0 =	vld.idx.msk [tilespmem:v47+s20+$0x0], $0xffff;
	[tilespmem:s2+$0x15700] =	vst v45  }
0x493: {  	v37 =	vadd.s32 $0x3900, v18;
	v44 =	vor.u32 v16, v56;
	v4 =	vld.idx.msk [tilespmem:v33+s20+$0x0], $0xffff;
	v56 =	vadd.s32 $0x3A00, v19;
	[tilespmem:s7+$0xE700] =	vst v29  }
0x494: {  	v33 =	vor.u32 v15, v37;
	v34 =	vld.idx.msk [tilespmem:v34+s20+$0x0], $0xffff;
	v2 =	vor.u32 v17, v56;
	[tilespmem:s7+$0x15700] =	vst v30  }
0x495: {  	v5 =	vor.u32 $0x300, v14;
	s18 =	sor.u32 s8, s5;
	v47 =	vor.u32 v21, v37;
	v37 =	vor.u32 v59, v58;
	v1 =	vld.idx.msk [tilespmem:v31+s20+$0x0], $0xffff;
	[tilespmem:$0x1FEB0] =	vst v2  }
0x496: {  	v9 =	vor.u32 v11, v5;
	v51 =	vor.u32 $0x380, v18;
	v32 =	vld.idx.msk [tilespmem:v32+s20+$0x0], $0xffff;
	[tilespmem:s18+$0xE700] =	vst v39  }
0x497: {  	s23 =	sor.u32 s12, s21;
	v5 =	vor.u32 v16, v5;
	v62 =	vor.u32 v15, v51;
	v38 =	vadd.s32 $0x3900, v19;
	[tilespmem:s18+$0x15700] =	vst v0  }
0x498: {  	v57 =	vadd.s32 $0x3980, v14;
	v49 =	vor.u32 v17, v55;
	v46 =	vor.u32 v17, v38;
	[tilespmem:s23+$0xE700] =	vst v4  }
0x499: {  	s3 =	sor.u32 s28, s5;
	v36 =	vadd.s32 $0x3980, v19;
	v43 =	vor.u32 v12, v38;
	v45 =	vor.u32 v11, v57;
	[tilespmem:s23+$0x15700] =	vst v34;
	v4 =	vld.idx.msk [tilespmem:v54+s20+$0x0], $0xffff  }
0x49a: {  	v53 =	vadd.s32 $0x3980, v18;
	v38 =	vor.u32 v17, v36;
	v31 =	vor.u32 v16, v57;
	v37 =	vld.idx.msk [tilespmem:v37+s20+$0x0], $0xffff;
	[tilespmem:s3+$0xE700] =	vst v1  }
0x49b: {  	v0 =	vadd.s32 $0x3A80, v14;
	v1 =	vld.idx.msk [tilespmem:v25+s20+$0x0], $0xffff;
	v25 =	vor.u32 $0x300, v8;
	[tilespmem:s3+$0x15700] =	vst v32;
	v32 =	vor.u32 v12, v56  }
0x49c: {  	s19 =	sadd.s32 $0x3A80, s29;
	v28 =	vld.idx.msk [tilespmem:v28+s20+$0x0], $0xffff;
	v56 =	vor.u32 v11, v0;
	v0 =	vor.u32 v16, v0;
	v58 =	vor.u32 v3, v25  }
0x49d: {  	v35 =	vadd.s32 $0x3A00, v18;
	v40 =	vor.u32 v15, v53;
	v22 =	vld.idx.msk [tilespmem:v22+s20+$0x0], $0xffff;
	s23 =	sor.u32 s8, s19;
	v29 =	vor.u32 v59, v25;
	[tilespmem:$0x1FED0] =	vst v0  }
0x49e: {  	v55 =	vadd.s32 $0x3A00, v14;
	v39 =	vor.u32 v21, v53;
	v53 =	vor.u32 v12, v36;
	v2 =	vld.idx.msk [tilespmem:v24+s20+$0x0], $0xffff;
	[tilespmem:s23+$0xE700] =	vst v4  }
0x49f: {  	s10 =	sor.u32 s12, s5;
	v57 =	vadd.s32 $0x3A80, v19;
	v36 =	vor.u32 v11, v55;
	v34 =	vor.u32 v15, v35;
	v23 =	vld.idx.msk [tilespmem:v23+s20+$0x0], $0xffff;
	[tilespmem:s23+$0x15700] =	vst v37  }
0x4a0: {  	v20 =	vld.idx.msk [tilespmem:v20+s20+$0x0], $0xffff;
	v54 =	vor.u32 v16, v55;
	v24 =	vadd.s32 $0x3B00, v14;
	v0 =	vadd.s32 $0x3B00, v18;
	[tilespmem:s10+$0xE700] =	vst v1  }
0x4a1: {  	v25 =	vadd.s32 $0x3B00, v19;
	v4 =	vor.u32 v17, v57;
	v37 =	vor.u32 v11, v24;
	[tilespmem:s10+$0x15700] =	vst v28;
	v1 =	vld.idx.msk [tilespmem:v58+s20+$0x0], $0xffff  }
0x4a2: {  	s3 =	sor.u32 s28, s19;
	v14 =	vadd.s32 $0x3B80, v14;
	[tilespmem:$0x1FEE0] =	vst v4;
	v4 =	vor.u32 v12, v57;
	v57 =	vor.u32 v16, v24;
	v29 =	vld.idx.msk [tilespmem:v29+s20+$0x0], $0xffff  }
0x4a3: {  	v24 =	vor.u32 v15, v0;
	v58 =	vor.u32 v21, v0;
	[tilespmem:s3+$0xE700] =	vst v2;
	v2 =	vld.idx.msk [tilespmem:v13+s20+$0x0], $0xffff;
	v13 =	vor.u32 $0x380, v8  }
0x4a4: {  	s21 =	sor.u32 s11, s19;
	v0 =	vadd.s32 $0x3B80, v19;
	[tilespmem:s3+$0x15700] =	vst v23;
	v19 =	vor.u32 v11, v14;
	v11 =	vld.idx.msk [tilespmem:v52+s20+$0x0], $0xffff;
	v23 =	vor.u32 v3, v13  }
0x4a5: {  	s26 =	sadd.s32 $0x3B00, s29;
	v55 =	vadd.s32 $0x3A80, v18;
	[tilespmem:s21+$0xE700] =	vst v22;
	v16 =	vor.u32 v16, v14;
	v52 =	vld.idx.msk [tilespmem:v9+s20+$0x0], $0xffff;
	v14 =	vor.u32 v59, v13  }
0x4a6: {  	s7 =	sor.u32 s8, s26;
	v30 =	vor.u32 v15, v55;
	v18 =	vadd.s32 $0x3B80, v18;
	[tilespmem:s21+$0x15700] =	vst v20;
	v28 =	vor.u32 v17, v25;
	v5 =	vld.idx.msk [tilespmem:v5+s20+$0x0], $0xffff  }
0x4a7: {  	v25 =	vor.u32 v12, v25;
	v13 =	vor.u32 v15, v18;
	v15 =	vld.idx.msk [tilespmem:v10+s20+$0x0], $0xffff;
	[tilespmem:s7+$0xE700] =	vst v1  }
0x4a8: {  	s22 =	sor.u32 s12, s19;
	v10 =	vor.u32 v17, v0;
	v12 =	vor.u32 v12, v0;
	v0 =	vld.idx.msk [tilespmem:v7+s20+$0x0], $0xffff;
	[tilespmem:s7+$0x15700] =	vst v29  }
0x4a9: {  	[tilespmem:s22+$0xE700] =	vst v2;
	v1 =	vld.idx.msk [tilespmem:v23+s20+$0x0], $0xffff  }
0x4aa: {  	s2 =	sor.u32 s28, s26;
	[tilespmem:s22+$0x15700] =	vst v11;
	v2 =	vld.idx.msk [tilespmem:v14+s20+$0x0], $0xffff  }
0x4ab: {  	v51 =	vor.u32 v21, v51;
	v11 =	vadd.s32 $0x3800, v8;
	[tilespmem:s2+$0xE700] =	vst v52;
	v7 =	vld.idx.msk [tilespmem:v26+s20+$0x0], $0xffff  }
0x4ac: {  	s3 =	sor.u32 s11, s26;
	[tilespmem:s2+$0x15700] =	vst v5;
	v5 =	vld.idx.msk [tilespmem:v6+s20+$0x0], $0xffff;
	v6 =	vor.u32 v3, v11  }
0x4ad: {  	s10 =	sadd.s32 $0x3B80, s29;
	[tilespmem:s3+$0xE700] =	vst v15;
	v11 =	vor.u32 v59, v11;
	v14 =	vld.idx.msk [tilespmem:v60+s20+$0x0], $0xffff  }
0x4ae: {  	s21 =	sor.u32 s8, s10;
	[tilespmem:s3+$0x15700] =	vst v0;
	v15 =	vld.idx.msk [tilespmem:v27+s20+$0x0], $0xffff  }
0x4af: {  	v0 =	vld.idx.msk [tilespmem:v62+s20+$0x0], $0xffff;
	[tilespmem:s21+$0xE700] =	vst v1  }
0x4b0: {  	v1 =	vld.idx.msk [tilespmem:v51+s20+$0x0], $0xffff;
	[tilespmem:s21+$0x15700] =	vst v2  }
0x4b1: {  	s5 =	sor.u32 s12, s26;
	v2 =	vld.idx.msk [tilespmem:v6+s20+$0x0], $0xffff  }
0x4b2: {  	[tilespmem:s5+$0x15700] =	vst v5;
	v5 =	vld.idx.msk [tilespmem:v11+s20+$0x0], $0xffff  }
0x4b3: {  	v6 =	vld [tilespmem:$0x1FDE0]  }
0x4b4: {  	s0 =	sor.u32 s28, s10;
	[tilespmem:s5+$0xE700] =	vst v7;
	v11 =	vld [tilespmem:$0x1FDF0]  }
0x4b5: {  	[tilespmem:s0+$0x15700] =	vst v15;
	v15 =	vld [tilespmem:$0x1FE00]  }
0x4b6: {  	s18 =	sor.u32 s11, s10;
	[tilespmem:s0+$0xE700] =	vst v14  }
0x4b7: {  	v7 =	vadd.s32 $0x3880, v8;
	[tilespmem:s18+$0xE700] =	vst v0  }
0x4b8: {  	s22 =	sadd.s32 $0x5400, s29;
	v14 =	vor.u32 v3, v7;
	v0 =	vor.u32 v59, v7;
	v7 =	vld.idx.msk [tilespmem:v61+s20+$0x0], $0xffff;
	[tilespmem:s18+$0x15700] =	vst v1  }
0x4b9: {  	s5 =	sor.u32 s8, s22;
	v1 =	vld.idx.msk [tilespmem:v63+s20+$0x0], $0xffff  }
0x4ba: {  	[tilespmem:s5+$0xE700] =	vst v2;
	v2 =	vld.idx.msk [tilespmem:v50+s20+$0x0], $0xffff  }
0x4bb: {  	v6 =	vld.idx.msk [tilespmem:v6+s20+$0x0], $0xffff  }
0x4bc: {  	v11 =	vld.idx.msk [tilespmem:v11+s20+$0x0], $0xffff  }
0x4bd: {  	s0 =	sor.u32 s28, s22;
	[tilespmem:s5+$0x15700] =	vst v5;
	v15 =	vld.idx.msk [tilespmem:v15+s20+$0x0], $0xffff  }
0x4be: {  	s23 =	sor.u32 s11, s22;
	v5 =	vld.idx.msk [tilespmem:v14+s20+$0x0], $0xffff;
	[tilespmem:s0+$0x15700] =	vst v7  }
0x4bf: {  	s19 =	sor.u32 s12, s10;
	v7 =	vld [tilespmem:$0x1FE20];
	[tilespmem:s23+$0x15700] =	vst v2  }
0x4c0: {  	v2 =	vld [tilespmem:$0x1FE30];
	[tilespmem:s19+$0xE700] =	vst v6  }
0x4c1: {  	v0 =	vld.idx.msk [tilespmem:v0+s20+$0x0], $0xffff;
	[tilespmem:s19+$0x15700] =	vst v11  }
0x4c2: {  	s7 =	sadd.s32 $0x5480, s29;
	[tilespmem:s0+$0xE700] =	vst v15;
	v6 =	vld [tilespmem:$0x1FE10];
	v11 =	vadd.s32 $0x3900, v8  }
0x4c3: {  	[tilespmem:s23+$0xE700] =	vst v1;
	s19 =	sor.u32 s8, s7;
	v14 =	vor.u32 v3, v11;
	v1 =	vor.u32 v59, v11;
	v11 =	vld.idx.msk [tilespmem:v48+s20+$0x0], $0xffff  }
0x4c4: {  	[tilespmem:s19+$0xE700] =	vst v5;
	v5 =	vld [tilespmem:$0x1FE40];
	_ =	sdelay $0x1  }
0x4c5: {  	v15 =	vld.idx.msk [tilespmem:v42+s20+$0x0], $0xffff  }
0x4c6: {  	v7 =	vld.idx.msk [tilespmem:v7+s20+$0x0], $0xffff  }
0x4c7: {  	s0 =	sor.u32 s28, s7;
	v2 =	vld.idx.msk [tilespmem:v2+s20+$0x0], $0xffff  }
0x4c8: {  	[tilespmem:s0+$0x15700] =	vst v11;
	v11 =	vld [tilespmem:$0x1FE50]  }
0x4c9: {  	[tilespmem:s19+$0x15700] =	vst v0;
	v6 =	vld.idx.msk [tilespmem:v6+s20+$0x0], $0xffff  }
0x4ca: {  	v0 =	vld.idx.msk [tilespmem:v14+s20+$0x0], $0xffff  }
0x4cb: {  	s26 =	sor.u32 s12, s22;
	[tilespmem:s0+$0xE700] =	vst v15;
	v5 =	vld.idx.msk [tilespmem:v5+s20+$0x0], $0xffff  }
0x4cc: {  	s10 =	sor.u32 s11, s7;
	v15 =	vld.idx.msk [tilespmem:v41+s20+$0x0], $0xffff;
	[tilespmem:s26+$0x15700] =	vst v7  }
0x4cd: {  	v1 =	vld.idx.msk [tilespmem:v1+s20+$0x0], $0xffff;
	v7 =	vadd.s32 $0x3980, v8;
	[tilespmem:s10+$0xE700] =	vst v2  }
0x4ce: {  	v14 =	vor.u32 v3, v7;
	v2 =	vor.u32 v59, v7;
	v7 =	vld.idx.msk [tilespmem:v44+s20+$0x0], $0xffff;
	[tilespmem:s26+$0xE700] =	vst v6  }
0x4cf: {  	s21 =	sadd.s32 $0x5500, s29;
	v6 =	vld.idx.msk [tilespmem:v49+s20+$0x0], $0xffff  }
0x4d0: {  	s0 =	sor.u32 s28, s21;
	v11 =	vld.idx.msk [tilespmem:v11+s20+$0x0], $0xffff;
	[tilespmem:s10+$0x15700] =	vst v5  }
0x4d1: {  	[tilespmem:s0+$0xE700] =	vst v15;
	s26 =	sor.u32 s8, s21;
	v5 =	vld.idx.msk [tilespmem:v33+s20+$0x0], $0xffff  }
0x4d2: {  	[tilespmem:s26+$0xE700] =	vst v0;
	v33 =	vld [tilespmem:$0x1FE60]  }
0x4d3: {  	s18 =	sor.u32 s12, s7;
	[tilespmem:s26+$0x15700] =	vst v1;
	v0 =	vld.idx.msk [tilespmem:v47+s20+$0x0], $0xffff  }
0x4d4: {  	v1 =	vld.idx.msk [tilespmem:v14+s20+$0x0], $0xffff;
	[tilespmem:s18+$0xE700] =	vst v6  }
0x4d5: {  	v2 =	vld.idx.msk [tilespmem:v2+s20+$0x0], $0xffff;
	[tilespmem:s18+$0x15700] =	vst v11  }
0x4d6: {  	s22 =	sor.u32 s11, s21;
	[tilespmem:s0+$0x15700] =	vst v7;
	v11 =	vadd.s32 $0x3A00, v8;
	v6 =	vld.idx.msk [tilespmem:v46+s20+$0x0], $0xffff  }
0x4d7: {  	s4 =	sadd.s32 $0x5580, s29;
	v7 =	vld.idx.msk [tilespmem:v43+s20+$0x0], $0xffff;
	v14 =	vor.u32 v3, v11;
	[tilespmem:s22+$0xE700] =	vst v5  }
0x4d8: {  	s10 =	sor.u32 s8, s4;
	v5 =	vor.u32 v59, v11;
	v11 =	vld.idx.msk [tilespmem:v31+s20+$0x0], $0xffff;
	[tilespmem:s22+$0x15700] =	vst v0  }
0x4d9: {  	[tilespmem:s10+$0xE700] =	vst v1;
	v0 =	vld.idx.msk [tilespmem:v40+s20+$0x0], $0xffff  }
0x4da: {  	s23 =	sor.u32 s12, s21;
	v15 =	vld.idx.msk [tilespmem:v45+s20+$0x0], $0xffff;
	[tilespmem:s10+$0x15700] =	vst v2  }
0x4db: {  	v1 =	vld.idx.msk [tilespmem:v39+s20+$0x0], $0xffff;
	[tilespmem:s23+$0xE700] =	vst v6  }
0x4dc: {  	s0 =	sor.u32 s28, s4;
	v2 =	vld.idx.msk [tilespmem:v14+s20+$0x0], $0xffff;
	[tilespmem:s23+$0x15700] =	vst v7  }
0x4dd: {  	s5 =	sor.u32 s11, s4;
	v5 =	vld.idx.msk [tilespmem:v5+s20+$0x0], $0xffff;
	v7 =	vadd.s32 $0x3A80, v8;
	[tilespmem:s0+$0x15700] =	vst v11  }
0x4de: {  	v11 =	vld.idx.msk [tilespmem:v53+s20+$0x0], $0xffff;
	[tilespmem:s5+$0xE700] =	vst v0;
	v0 =	vor.u32 v59, v7  }
0x4df: {  	s18 =	sadd.s32 $0x5600, s29;
	v6 =	vld.idx.msk [tilespmem:v38+s20+$0x0], $0xffff  }
0x4e0: {  	s22 =	sor.u32 s8, s18;
	[tilespmem:s0+$0xE700] =	vst v15;
	v38 =	vld [tilespmem:$0x1FE70]  }
0x4e1: {  	v14 =	vor.u32 v3, v7;
	v15 =	vld.idx.msk [tilespmem:v36+s20+$0x0], $0xffff;
	[tilespmem:s22+$0xE700] =	vst v2  }
0x4e2: {  	s7 =	sor.u32 s12, s4;
	v36 =	vld [tilespmem:$0x1FE80];
	[tilespmem:s22+$0x15700] =	vst v5  }
0x4e3: {  	[tilespmem:s7+$0x15700] =	vst v11;
	v11 =	vld.idx.msk [tilespmem:v0+s20+$0x0], $0xffff  }
0x4e4: {  	v35 =	vor.u32 v21, v35;
	v0 =	vld [tilespmem:$0x1FEB0]  }
0x4e5: {  	v7 =	vld.idx.msk [tilespmem:v54+s20+$0x0], $0xffff  }
0x4e6: {  	[tilespmem:s5+$0x15700] =	vst v1;
	v5 =	vld.idx.msk [tilespmem:v14+s20+$0x0], $0xffff  }
0x4e7: {  	v1 =	vld.idx.msk [tilespmem:v34+s20+$0x0], $0xffff  }
0x4e8: {  	v34 =	vld [tilespmem:$0x1FE90]  }
0x4e9: {  	s0 =	sor.u32 s28, s18;
	s23 =	sadd.s32 $0x5680, s29;
	v2 =	vld.idx.msk [tilespmem:v35+s20+$0x0], $0xffff;
	[tilespmem:s7+$0xE700] =	vst v6  }
0x4ea: {  	s26 =	sor.u32 s8, s23;
	[tilespmem:s0+$0x15700] =	vst v7;
	v7 =	vld.idx.msk [tilespmem:v32+s20+$0x0], $0xffff  }
0x4eb: {  	[tilespmem:s26+$0xE700] =	vst v5;
	v5 =	vld [tilespmem:$0x1FEE0]  }
0x4ec: {  	v55 =	vor.u32 v21, v55;
	v14 =	vld.idx.msk [tilespmem:v0+s20+$0x0], $0xffff;
	v0 =	vadd.s32 $0x3B00, v8  }
0x4ed: {  	v9 =	vor.u32 v21, v18;
	[tilespmem:s0+$0xE700] =	vst v15;
	v15 =	vor.u32 v3, v0;
	v18 =	vor.u32 v59, v0;
	v0 =	vld [tilespmem:$0x1FED0]  }
0x4ee: {  	s19 =	sor.u32 s11, s18;
	v35 =	vld [tilespmem:$0x1FEA0]  }
0x4ef: {  	v32 =	vld [tilespmem:$0x1FEC0];
	[tilespmem:s19+$0xE700] =	vst v1  }
0x4f0: {  	v17 =	vld.idx.msk [tilespmem:v56+s20+$0x0], $0xffff;
	[tilespmem:s19+$0x15700] =	vst v2  }
0x4f1: {  	p0 =	slt.u32 s13, $0x340;
	s21 =	sor.u32 s12, s18;
	v6 =	vld.idx.msk [tilespmem:v55+s20+$0x0], $0xffff;
	[tilespmem:s26+$0x15700] =	vst v11  }
.Ltmp7:
0x4f2: {  	[tilespmem:s21+$0x15700] =	vst v7;
	v2 =	vld.idx.msk [tilespmem:v15+s20+$0x0], $0xffff;
	(pc) =	sbr.rel @p0 .LBB2_8-.Ltmp7, $4  }
0x4f3: {  	[tilespmem:s21+$0xE700] =	vst v14;
	v7 =	vld.idx.msk [tilespmem:v18+s20+$0x0], $0xffff  }
0x4f4: {  	v15 =	vld.idx.msk [tilespmem:v5+s20+$0x0], $0xffff  }
0x4f5: {  	s2 =	sor.u32 s28, s23;
	v1 =	vld.idx.msk [tilespmem:v0+s20+$0x0], $0xffff  }
0x4f6: {  	s16 =	sadd.s32 $0x200, s16;
	s1 =	sor.u32 s11, s23;
	s0 =	sor.u32 s12, s23;
	v5 =	vadd.s32 $0x3B80, v8;
	v0 =	vld.idx.msk [tilespmem:v30+s20+$0x0], $0xffff;
	[tilespmem:s2+$0xE700] =	vst v17  }
0x4f7: {  	[tilespmem:s1+$0x15700] =	vst v6  }
0x4f8: {  	[tilespmem:s15+$0x15700] =	vst v35  }
0x4f9: {  	[tilespmem:s17+$0xE700] =	vst v32  }
0x4fa: {  	[tilespmem:s17+$0x15700] =	vst v34  }
0x4fb: {  	s5 =	sadd.s32 $0x5700, s29;
	[tilespmem:s14+$0xE700] =	vst v33  }
0x4fc: {  	v61 =	vld.idx.msk [tilespmem:v36+s20+$0x0], $0xffff;
	[tilespmem:s9+$0xE700] =	vst v38;
	s7 =	sor.u32 s8, s5  }
0x4fd: {  	v49 =	vld.idx.msk [tilespmem:v4+s20+$0x0], $0xffff;
	v50 =	vor.u32 v59, v5;
	[tilespmem:s7+$0xE700] =	vst v2  }
0x4fe: {  	[tilespmem:s2+$0x15700] =	vst v1  }
0x4ff: {  	[tilespmem:s7+$0x15700] =	vst v7;
	v51 =	vld.idx.msk [tilespmem:v37+s20+$0x0], $0xffff  }
0x500: {  	[tilespmem:s1+$0xE700] =	vst v0;
	v52 =	vld.idx.msk [tilespmem:v57+s20+$0x0], $0xffff  }
0x501: {  	v3 =	vor.u32 v3, v5;
	[tilespmem:s0+$0xE700] =	vst v15;
	v53 =	vld.idx.msk [tilespmem:v24+s20+$0x0], $0xffff  }
0x502: {  	v4 =	vld.idx.msk [tilespmem:v50+s20+$0x0], $0xffff;
	[tilespmem:s0+$0x15700] =	vst v49  }
0x503: {  	s10 =	sor.u32 s28, s5;
	v54 =	vld.idx.msk [tilespmem:v58+s20+$0x0], $0xffff;
	[tilespmem:s9+$0x15700] =	vst v61  }
0x504: {  	v56 =	vld.idx.msk [tilespmem:v28+s20+$0x0], $0xffff;
	[tilespmem:s10+$0xE700] =	vst v51  }
0x505: {  	s16 =	sadd.s32 $0x5780, s29;
	s13 =	sor.u32 s11, s5;
	v57 =	vld.idx.msk [tilespmem:v25+s20+$0x0], $0xffff;
	[tilespmem:s10+$0x15700] =	vst v52  }
0x506: {  	s3 =	sor.u32 s8, s16;
	v55 =	vld.idx.msk [tilespmem:v3+s20+$0x0], $0xffff;
	[tilespmem:s13+$0xE700] =	vst v53  }
0x507: {  	[tilespmem:s3+$0x15700] =	vst v4;
	v58 =	vld.idx.msk [tilespmem:v19+s20+$0x0], $0xffff  }
0x508: {  	s17 =	sor.u32 s12, s5;
	v59 =	vld.idx.msk [tilespmem:v16+s20+$0x0], $0xffff;
	[tilespmem:s13+$0x15700] =	vst v54  }
0x509: {  	v0 =	vld.idx.msk [tilespmem:v13+s20+$0x0], $0xffff;
	[tilespmem:s17+$0xE700] =	vst v56  }
0x50a: {  	v60 =	vld.idx.msk [tilespmem:v9+s20+$0x0], $0xffff;
	[tilespmem:s17+$0x15700] =	vst v57  }
0x50b: {  	s18 =	sor.u32 s28, s16;
	[tilespmem:s3+$0xE700] =	vst v55;
	v62 =	vld.idx.msk [tilespmem:v10+s20+$0x0], $0xffff  }
0x50c: {  	v63 =	vld.idx.msk [tilespmem:v12+s20+$0x0], $0xffff;
	[tilespmem:s18+$0xE700] =	vst v58  }
0x50d: {  	s19 =	sor.u32 s11, s16;
	[tilespmem:s18+$0x15700] =	vst v59  }
0x50e: {  	[tilespmem:s19+$0xE700] =	vst v0  }
0x50f: {  	s22 =	smul.u32 $0x380, s25;
	s21 =	sor.u32 s12, s16;
	[tilespmem:s19+$0x15700] =	vst v60  }
.Ltmp8:
0x510: {  	s25 =	simm.s32 $0x1C00;
	s26 =	simm.s32 $0x3FFC00;
	[tilespmem:s21+$0xE700] =	vst v62;
	(pc) =	sbr.rel .LBB2_10-.Ltmp8, $4  }
0x511: {  	s4 =	simm.s32 $0x11F00;
	s28 =	rddreg [dreg:$0x3];
	s23 =	sadd.s32 s31, s22;
	[tilespmem:s21+$0x15700] =	vst v63  }
0x512: {  	[hbm4b:s23+s25] =	stream.strided.scatter [tilespmem:s4], [sflag:$0x4], $0x3800, s26, s25, $0x38;
	[tilespmem:$0x1C700] =	vst v63  }
0x513: {  	s29 =	simm.s32 $0x18F00;
	s0 =	sadd.s32 s28, s22;
	s5 =	rddreg [dreg:$0x6]  }
0x514: {  	[hbm4b:s0+s25] =	stream.strided.scatter [tilespmem:s29], [sflag:$0x4], $0x3800, s26, s25, $0x38;
	[tilespmem:$0x1C700] =	vst v63  }
.LBB2_12:
0x515: {  	_ =	sfence.sel $0x180000  }
0x516: {  	[bflag:$0x0] =	sbarrier.arrive $0xFFFF  }
0x517: {  	_ =	strace $0x90000047  }
0x518: {  	s0 =	stileid.u32;
	[bflag:$0x2] =	sbarrier.arrive $0xFFFF  }
0x519: {  	p0 =	sne.s32 s0, $0x0;
	s0 =	rddreg [dreg:$0x4]  }
0x51a: {  	s0 =	sadd.s32 @!p0 $0x100000, s0  }
0x51b: {  	[sflag:s0] =	ssyncadd.tile.s32 @!p0 $0x1;
	_ =	shalt  }
.Lfunc_end2:
_tile_overlayer_lowered:
.L_overlay_start_2:
0x51c: {  	(tag) =	ssettag $0x2  }
0x51d: {  	s0 =	rddreg [dreg:$0x0];
	s2 =	stileid.u32  }
0x51e: {  	s1 =	rddreg [dreg:$0x1];
	p0 =	sne.s32 s2, $0x0  }
0x51f: {  	s3 =	rddreg [dreg:$0x2];
	[bflag:$0x3] =	sbarrier.arrive $0xFFFF;
	s2 =	simm.s32 @!p0 $0x1C05  }
0x520: {  	[timem:s3], [sflag:s2] =	dma.local @!p0 [hbm:s0], s1  }
0x521: {  	s0 =	simm.s32 @!p0 $0x5  }
0x522: {  	_ =	swait.ge @!p0 [sflag:s0], s1  }
0x523: {  	s1 =	ssub.s32 @!p0 $0x0, s1;
	[sflag:s0] =	ssyncset.done @!p0 $0x0  }
0x524: {  	[sflag:s0] =	ssyncadd.s32 @!p0 s1  }
0x525: {  	[bflag:$0x3] =	sbarrier.arrive $0xFFFF  }
0x526: {  	_ =	shalt  }

</sc_bundles>
